<compile_context>
chip_gen: v7x
topology: tpu7x:2x2x1
jax: 0.10.2.dev20260603
libtpu: 0.0.44.dev20260713+nightly
codegen_flags: <defaults>
</compile_context>

<pallas_src>
import functools

import jax
import jax.numpy as jnp
from jax import lax
from jax.experimental import pallas as pl
from jax.experimental.pallas import tpu as pltpu
from jax.experimental.pallas import tpu_sc as plsc

N = 10000
E = 160000
D = 256
ED = 16
L = 3

_BE = 2048
_BN = 512

_NSUB = 16
_CK = 128
_CHN = 80
_EPW = _CHN * _CK
_EPAD = _NSUB * _EPW
_RPT = 632
_NSP = _NSUB * _RPT
_RCOPIES = ((0, 128), (128, 128), (256, 128), (384, 128), (512, 120))



def _seg_body(hr, e3, src3, dst3, out, idx0, idx1, dc0, dc1, a_v, b0, b1,
              agg_sh, gsem, esem):
    c = lax.axis_index("c")
    s = lax.axis_index("s")
    idx = (idx0, idx1)
    dc = (dc0, dc1)
    b = (b0, b1)
    zero16 = jnp.zeros((16,), jnp.float32)

    def zrow(r, carry):
        for jj in range(8):
            a_v[r, pl.ds(jj * 16, 16)] = zero16
            b1[r, pl.ds(jj * 16, 16)] = zero16
        return carry

    lax.fori_loop(0, _CK, zrow, 0)
    for k in range(_CK // 16):
        dc1[pl.ds(k * 16, 16)] = jnp.full((16,), N, jnp.int32)

    base = s * _RPT
    for off, sz in _RCOPIES:
        pltpu.sync_copy(a_v.at[pl.ds(0, sz)], agg_sh.at[pl.ds(base + off, sz)])
    plsc.subcore_barrier()

    eb0 = s * _EPW

    def outer(jj, carry):
        for u in (0, 1):
            j = jj * 2 + u
            pltpu.sync_copy(src3.at[pl.ds(eb0 + j * _CK, _CK)], idx[u])
            pltpu.sync_copy(dst3.at[pl.ds(eb0 + j * _CK, _CK)], dc[u])
            for k in range(_CK // 16):
                v = idx[u][pl.ds(k * 16, 16)]
                idx[u][pl.ds(k * 16, 16)] = v * 2 + c
            g = pltpu.async_copy(hr.at[idx[u]], a_v, gsem)
            e = pltpu.async_copy(e3.at[c, pl.ds(eb0 + j * _CK, _CK)], b[u],
                                 esem)
            pltpu.sync_copy(b[1 - u], agg_sh.at[dc[1 - u]], add=True)
            g.wait()
            e.wait()

            def crow(r, inner):
                for jj2 in range(8):
                    av = a_v[r, pl.ds(jj2 * 16, 16)]
                    bv = b[u][r, pl.ds(jj2 * 16, 16)]
                    b[u][r, pl.ds(jj2 * 16, 16)] = jnp.maximum(av + bv, 0.0)
                return inner

            lax.fori_loop(0, _CK, crow, 0)
        return carry

    lax.fori_loop(0, _CHN // 2, outer, 0)
    pltpu.sync_copy(b1, agg_sh.at[dc1], add=True)
    plsc.subcore_barrier()

    for off, sz in _RCOPIES:
        pltpu.sync_copy(agg_sh.at[pl.ds(base + off, sz)],
                        out.at[c, pl.ds(base + off, sz)])


_seg_call = functools.partial(
    pl.kernel,
    _seg_body,
    out_type=jax.ShapeDtypeStruct((2, _NSP, 128), jnp.float32),
    mesh=plsc.VectorSubcoreMesh(core_axis_name="c", subcore_axis_name="s"),
    scratch_types=[
        pltpu.VMEM((_CK,), jnp.int32),
        pltpu.VMEM((_CK,), jnp.int32),
        pltpu.VMEM((_CK,), jnp.int32),
        pltpu.VMEM((_CK,), jnp.int32),
        pltpu.VMEM((_CK, 128), jnp.float32),
        pltpu.VMEM((_CK, 128), jnp.float32),
        pltpu.VMEM((_CK, 128), jnp.float32),
        pltpu.VMEM_SHARED((_NSP, 128), jnp.float32),
        pltpu.SemaphoreType.DMA,
        pltpu.SemaphoreType.DMA,
    ],
)()


def _segment(h, e3, src3, dst3):
    hr = h.reshape(2 * N, 128)
    return _seg_call(hr, e3, src3, dst3)



def _node_update_body(h_ref, agg_ref, w_ref, b_ref, g_ref, bt_ref, o_ref):
    agg = jnp.concatenate([agg_ref[0], agg_ref[1]], axis=-1)
    t = h_ref[...] + agg
    t = jnp.dot(t, w_ref[...], preferred_element_type=jnp.float32) + b_ref[...]
    mu = jnp.mean(t, axis=-1, keepdims=True)
    var = jnp.mean((t - mu) ** 2, axis=-1, keepdims=True)
    t = (t - mu) * jax.lax.rsqrt(var + 1e-5) * g_ref[...] + bt_ref[...]
    o_ref[...] = jnp.maximum(t, 0.0)


def _node_update(h, agg, w1, b1, g, bt):
    grid = (pl.cdiv(N, _BN),)
    return pl.pallas_call(
        _node_update_body,
        grid=grid,
        in_specs=[
            pl.BlockSpec((_BN, D), lambda i: (i, 0)),
            pl.BlockSpec((2, _BN, 128), lambda i: (0, i, 0)),
            pl.BlockSpec((D, D), lambda i: (0, 0)),
            pl.BlockSpec((1, D), lambda i: (0, 0)),
            pl.BlockSpec((1, D), lambda i: (0, 0)),
            pl.BlockSpec((1, D), lambda i: (0, 0)),
        ],
        out_specs=pl.BlockSpec((_BN, D), lambda i: (i, 0)),
        out_shape=jax.ShapeDtypeStruct((N, D), jnp.float32),
    )(h, agg, w1, b1.reshape(1, D), g.reshape(1, D), bt.reshape(1, D))



def _head_body(h_ref, w1_ref, b1_ref, w2_ref, b2_ref, o_ref):
    t = jnp.dot(h_ref[...], w1_ref[...], preferred_element_type=jnp.float32)
    t = jnp.maximum(t + b1_ref[...], 0.0)
    o_ref[...] = jnp.dot(t, w2_ref[...], preferred_element_type=jnp.float32) + b2_ref[...]


def _head(h, wh1, bh1, wh2, bh2):
    grid = (pl.cdiv(N, _BN),)
    return pl.pallas_call(
        _head_body,
        grid=grid,
        in_specs=[
            pl.BlockSpec((_BN, D), lambda i: (i, 0)),
            pl.BlockSpec((D, D), lambda i: (0, 0)),
            pl.BlockSpec((1, D), lambda i: (0, 0)),
            pl.BlockSpec((D, 1), lambda i: (0, 0)),
            pl.BlockSpec((1, 1), lambda i: (0, 0)),
        ],
        out_specs=pl.BlockSpec((_BN, 1), lambda i: (i, 0)),
        out_shape=jax.ShapeDtypeStruct((N, 1), jnp.float32),
    )(h, wh1, bh1.reshape(1, D), wh2, bh2.reshape(1, 1))



def _layernorm(t, g, bt):
    mu = jnp.mean(t, axis=-1, keepdims=True)
    var = jnp.mean((t - mu) ** 2, axis=-1, keepdims=True)
    return (t - mu) * jax.lax.rsqrt(var + 1e-5) * g + bt


def kernel(x, edge_index, edge_attr, params):
    src = edge_index[0].astype(jnp.int32)
    dst = edge_index[1].astype(jnp.int32)
    src3 = jnp.pad(src, (0, _EPAD - E))
    dst3 = jnp.pad(dst, (0, _EPAD - E), constant_values=N)

    ea_p = jnp.pad(edge_attr, ((0, _EPAD - E), (0, 0)))
    w_split = jnp.stack([params[f"We{i}"].reshape(ED, 2, 128).transpose(1, 0, 2)
                         for i in range(L)])
    b_split = jnp.stack([params[f"be{i}"].reshape(2, 1, 128) for i in range(L)])
    e_list = [jnp.einsum("ek,ckd->ced", ea_p, w_split[i],
                         preferred_element_type=jnp.float32) + b_split[i]
              for i in range(L)]

    h = x
    for i in range(L - 1):
        agg3 = _segment(h, e_list[i], src3, dst3)
        agg = jnp.concatenate([agg3[0, :N], agg3[1, :N]], axis=-1)
        t = (h + agg) @ params[f"W1{i}"] + params[f"b1{i}"]
        h = jnp.maximum(_layernorm(t, params[f"g{i}"], params[f"bt{i}"]), 0.0)

    i = L - 1
    agg3 = _segment(h, e_list[i], src3, dst3)
    h = _node_update(h, agg3, params[f"W1{i}"], params[f"b1{i}"],
                     params[f"g{i}"], params[f"bt{i}"])
    return _head(h, params["Wh1"], params["bh1"], params["Wh2"], params["bh2"])

# --- scband reference (transcript-rebuilt; emitter-appended) ---
"""Pipeline reference for scband-selector-11871289606599 (READ-ONLY COPY).

The authoritative reference and input builder live on the scoring server;
editing this copy changes nothing except your own understanding.
"""

import jax, jax.numpy as jnp
import numpy as np

N = 10000
E = 160000
D = 256
ED = 16
L = 3


def _layernorm(h, g, b):
    mu = jnp.mean(h, axis=-1, keepdims=True)
    var = jnp.var(h, axis=-1, keepdims=True)
    return (h - mu) / jnp.sqrt(var + 1e-5) * g + b


def setup_inputs(seed: int = 0) -> dict:
    key = jax.random.key(seed)
    ks = jax.random.split(key, 40)
    x = jax.random.normal(ks[0], (N, D), dtype=jnp.float32)
    edge_index = jax.random.randint(ks[1], (2, E), 0, N, dtype=jnp.int64)
    edge_attr = jax.random.normal(ks[2], (E, ED), dtype=jnp.float32)
    params = {}
    k = 3
    for i in range(L):
        params[f"We{i}"] = jax.random.normal(ks[k], (ED, D), dtype=jnp.float32) / np.sqrt(ED); k += 1
        params[f"be{i}"] = jnp.zeros((D,), dtype=jnp.float32)
        params[f"W1{i}"] = jax.random.normal(ks[k], (D, D), dtype=jnp.float32) / np.sqrt(D); k += 1
        params[f"b1{i}"] = jnp.zeros((D,), dtype=jnp.float32)
        params[f"g{i}"] = jnp.ones((D,), dtype=jnp.float32)
        params[f"bt{i}"] = jnp.zeros((D,), dtype=jnp.float32)
    params["Wh1"] = jax.random.normal(ks[k], (D, D), dtype=jnp.float32) / np.sqrt(D); k += 1
    params["bh1"] = jnp.zeros((D,), dtype=jnp.float32)
    params["Wh2"] = jax.random.normal(ks[k], (D, 1), dtype=jnp.float32) / np.sqrt(D); k += 1
    params["bh2"] = jnp.zeros((1,), dtype=jnp.float32)
    return {"x": x, "edge_index": edge_index, "edge_attr": edge_attr, "params": params}


def reference(x, edge_index, edge_attr, params):
    # Selector.forward: num_layers GNBlock convs (GINE-style edge-conditioned
    # message passing with LayerNorm + ReLU) followed by an MLP head -> [N, 1].
    src = edge_index[0]
    dst = edge_index[1]
    h = x
    for i in range(L):
        e = edge_attr @ params[f"We{i}"] + params[f"be{i}"]          # edge feature projection
        m = jax.nn.relu(h[src] + e)                                   # gather src node feats + edge feats
        agg = jax.ops.segment_sum(m, dst, num_segments=N)             # scatter-add to dst nodes
        h2 = (h + agg) @ params[f"W1{i}"] + params[f"b1{i}"]
        h2 = _layernorm(h2, params[f"g{i}"], params[f"bt{i}"])
        h = jax.nn.relu(h2)
    # MLPBlock head: hidden -> hidden -> 1
    out = jax.nn.relu(h @ params["Wh1"] + params["bh1"]) @ params["Wh2"] + params["bh2"]
    return out

if __name__ == "__main__":
    import jax
    _d = setup_inputs()
    print(jax.jit(kernel)(*tuple(_d.values())))

</pallas_src>

<mosaic_0001>
#map = affine_map<(d0, d1) -> (0, 0)>
#map1 = affine_map<(d0, d1) -> (0, 0, 0)>
#map2 = affine_map<(d0, d1) -> (0)>
module attributes {stable_mosaic.version = 14 : i64} {
  func.func @_seg_body(%arg0: i32, %arg1: i32, %arg2: memref<20000x128xf32, #tpu.memory_space<hbm>>, %arg3: memref<2x163840x128xf32, #tpu.memory_space<hbm>>, %arg4: memref<163840xi32, #tpu.memory_space<hbm>>, %arg5: memref<163840xi32, #tpu.memory_space<hbm>>, %arg6: memref<2x10112x128xf32, #tpu.memory_space<hbm>>, %arg7: memref<128xi32, #tpu.memory_space<vmem>>, %arg8: memref<128xi32, #tpu.memory_space<vmem>>, %arg9: memref<128xi32, #tpu.memory_space<vmem>>, %arg10: memref<128xi32, #tpu.memory_space<vmem>>, %arg11: memref<128x128xf32, #tpu.memory_space<vmem>>, %arg12: memref<128x128xf32, #tpu.memory_space<vmem>>, %arg13: memref<128x128xf32, #tpu.memory_space<vmem>>, %arg14: memref<10112x128xf32, #tpu.memory_space<vmem_shared>>, %arg15: memref<!tpu.dma_semaphore, #tpu.memory_space<semaphore_mem>>, %arg16: memref<!tpu.dma_semaphore, #tpu.memory_space<semaphore_mem>>) attributes {dimension_semantics = [#tpu.dimension_semantics<core_parallel>, #tpu.dimension_semantics<subcore_parallel>], iteration_bounds = array<i64: 2, 16>, scalar_prefetch = 0 : i64, scratch_operands = 10 : i64, tpu.core_type = #tpu.core_type<sc_vector_subcore>, window_params = [{transform_indices = #map}, {transform_indices = #map1}, {transform_indices = #map2}, {transform_indices = #map2}, {transform_indices = #map1}]} {
    %broadcast_in_dim3A = arith.constant 0.000000e+00 : f32
    %broadcast_in_dim3A_0 = vector.broadcast %broadcast_in_dim3A : f32 to vector<16xf32>
    %scan3A = arith.constant 0 : i32
    %scan3A_1 = arith.constant 0 : i32
    %scan3A_2 = arith.constant 128 : i32
    %scan3A_3 = arith.addi %scan3A_1, %scan3A_2 : i32
    %scan3A_4 = arith.constant 1 : i32
    scf.for %scan3A_92 = %scan3A_1 to %scan3A_3 step %scan3A_4  : i32 {
      %swap3A_93 = arith.index_cast %scan3A_92 : i32 to index
      %swap3A_94 = arith.constant 0 : index
      %swap3A_95 = tpu.vector_load %arg11[%swap3A_93, %swap3A_94] {strides = array<i32>} : memref<128x128xf32, #tpu.memory_space<vmem>>, vector<1x16xf32>,
      %swap3A_96 = vector.shape_cast %swap3A_95 : vector<1x16xf32> to vector<16xf32>
      %swap3A_97 = vector.shape_cast %broadcast_in_dim3A_0 : vector<16xf32> to vector<1x16xf32>
      tpu.vector_store %arg11[%swap3A_93, %swap3A_94], %swap3A_97 {strides = array<i32>} : memref<128x128xf32, #tpu.memory_space<vmem>>, vector<1x16xf32>,
      %swap3A_98 = arith.index_cast %scan3A_92 : i32 to index
      %swap3A_99 = arith.constant 0 : index
      %swap3A_100 = tpu.vector_load %arg13[%swap3A_98, %swap3A_99] {strides = array<i32>} : memref<128x128xf32, #tpu.memory_space<vmem>>, vector<1x16xf32>,
      %swap3A_101 = vector.shape_cast %swap3A_100 : vector<1x16xf32> to vector<16xf32>
      %swap3A_102 = vector.shape_cast %broadcast_in_dim3A_0 : vector<16xf32> to vector<1x16xf32>
      tpu.vector_store %arg13[%swap3A_98, %swap3A_99], %swap3A_102 {strides = array<i32>} : memref<128x128xf32, #tpu.memory_space<vmem>>, vector<1x16xf32>,
      %swap3A_103 = arith.index_cast %scan3A_92 : i32 to index
      %swap3A_104 = arith.constant 16 : index
      %swap3A_105 = tpu.vector_load %arg11[%swap3A_103, %swap3A_104] {strides = array<i32>} : memref<128x128xf32, #tpu.memory_space<vmem>>, vector<1x16xf32>,
      %swap3A_106 = vector.shape_cast %swap3A_105 : vector<1x16xf32> to vector<16xf32>
      %swap3A_107 = vector.shape_cast %broadcast_in_dim3A_0 : vector<16xf32> to vector<1x16xf32>
      tpu.vector_store %arg11[%swap3A_103, %swap3A_104], %swap3A_107 {strides = array<i32>} : memref<128x128xf32, #tpu.memory_space<vmem>>, vector<1x16xf32>,
      %swap3A_108 = arith.index_cast %scan3A_92 : i32 to index
      %swap3A_109 = arith.constant 16 : index
      %swap3A_110 = tpu.vector_load %arg13[%swap3A_108, %swap3A_109] {strides = array<i32>} : memref<128x128xf32, #tpu.memory_space<vmem>>, vector<1x16xf32>,
      %swap3A_111 = vector.shape_cast %swap3A_110 : vector<1x16xf32> to vector<16xf32>
      %swap3A_112 = vector.shape_cast %broadcast_in_dim3A_0 : vector<16xf32> to vector<1x16xf32>
      tpu.vector_store %arg13[%swap3A_108, %swap3A_109], %swap3A_112 {strides = array<i32>} : memref<128x128xf32, #tpu.memory_space<vmem>>, vector<1x16xf32>,
      %swap3A_113 = arith.index_cast %scan3A_92 : i32 to index
      %swap3A_114 = arith.constant 32 : index
      %swap3A_115 = tpu.vector_load %arg11[%swap3A_113, %swap3A_114] {strides = array<i32>} : memref<128x128xf32, #tpu.memory_space<vmem>>, vector<1x16xf32>,
      %swap3A_116 = vector.shape_cast %swap3A_115 : vector<1x16xf32> to vector<16xf32>
      %swap3A_117 = vector.shape_cast %broadcast_in_dim3A_0 : vector<16xf32> to vector<1x16xf32>
      tpu.vector_store %arg11[%swap3A_113, %swap3A_114], %swap3A_117 {strides = array<i32>} : memref<128x128xf32, #tpu.memory_space<vmem>>, vector<1x16xf32>,
      %swap3A_118 = arith.index_cast %scan3A_92 : i32 to index
      %swap3A_119 = arith.constant 32 : index
      %swap3A_120 = tpu.vector_load %arg13[%swap3A_118, %swap3A_119] {strides = array<i32>} : memref<128x128xf32, #tpu.memory_space<vmem>>, vector<1x16xf32>,
      %swap3A_121 = vector.shape_cast %swap3A_120 : vector<1x16xf32> to vector<16xf32>
      %swap3A_122 = vector.shape_cast %broadcast_in_dim3A_0 : vector<16xf32> to vector<1x16xf32>
      tpu.vector_store %arg13[%swap3A_118, %swap3A_119], %swap3A_122 {strides = array<i32>} : memref<128x128xf32, #tpu.memory_space<vmem>>, vector<1x16xf32>,
      %swap3A_123 = arith.index_cast %scan3A_92 : i32 to index
      %swap3A_124 = arith.constant 48 : index
      %swap3A_125 = tpu.vector_load %arg11[%swap3A_123, %swap3A_124] {strides = array<i32>} : memref<128x128xf32, #tpu.memory_space<vmem>>, vector<1x16xf32>,
      %swap3A_126 = vector.shape_cast %swap3A_125 : vector<1x16xf32> to vector<16xf32>
      %swap3A_127 = vector.shape_cast %broadcast_in_dim3A_0 : vector<16xf32> to vector<1x16xf32>
      tpu.vector_store %arg11[%swap3A_123, %swap3A_124], %swap3A_127 {strides = array<i32>} : memref<128x128xf32, #tpu.memory_space<vmem>>, vector<1x16xf32>,
      %swap3A_128 = arith.index_cast %scan3A_92 : i32 to index
      %swap3A_129 = arith.constant 48 : index
      %swap3A_130 = tpu.vector_load %arg13[%swap3A_128, %swap3A_129] {strides = array<i32>} : memref<128x128xf32, #tpu.memory_space<vmem>>, vector<1x16xf32>,
      %swap3A_131 = vector.shape_cast %swap3A_130 : vector<1x16xf32> to vector<16xf32>
      %swap3A_132 = vector.shape_cast %broadcast_in_dim3A_0 : vector<16xf32> to vector<1x16xf32>
      tpu.vector_store %arg13[%swap3A_128, %swap3A_129], %swap3A_132 {strides = array<i32>} : memref<128x128xf32, #tpu.memory_space<vmem>>, vector<1x16xf32>,
      %swap3A_133 = arith.index_cast %scan3A_92 : i32 to index
      %swap3A_134 = arith.constant 64 : index
      %swap3A_135 = tpu.vector_load %arg11[%swap3A_133, %swap3A_134] {strides = array<i32>} : memref<128x128xf32, #tpu.memory_space<vmem>>, vector<1x16xf32>,
      %swap3A_136 = vector.shape_cast %swap3A_135 : vector<1x16xf32> to vector<16xf32>
      %swap3A_137 = vector.shape_cast %broadcast_in_dim3A_0 : vector<16xf32> to vector<1x16xf32>
      tpu.vector_store %arg11[%swap3A_133, %swap3A_134], %swap3A_137 {strides = array<i32>} : memref<128x128xf32, #tpu.memory_space<vmem>>, vector<1x16xf32>,
      %swap3A_138 = arith.index_cast %scan3A_92 : i32 to index
      %swap3A_139 = arith.constant 64 : index
      %swap3A_140 = tpu.vector_load %arg13[%swap3A_138, %swap3A_139] {strides = array<i32>} : memref<128x128xf32, #tpu.memory_space<vmem>>, vector<1x16xf32>,
      %swap3A_141 = vector.shape_cast %swap3A_140 : vector<1x16xf32> to vector<16xf32>
      %swap3A_142 = vector.shape_cast %broadcast_in_dim3A_0 : vector<16xf32> to vector<1x16xf32>
      tpu.vector_store %arg13[%swap3A_138, %swap3A_139], %swap3A_142 {strides = array<i32>} : memref<128x128xf32, #tpu.memory_space<vmem>>, vector<1x16xf32>,
      %swap3A_143 = arith.index_cast %scan3A_92 : i32 to index
      %swap3A_144 = arith.constant 80 : index
      %swap3A_145 = tpu.vector_load %arg11[%swap3A_143, %swap3A_144] {strides = array<i32>} : memref<128x128xf32, #tpu.memory_space<vmem>>, vector<1x16xf32>,
      %swap3A_146 = vector.shape_cast %swap3A_145 : vector<1x16xf32> to vector<16xf32>
      %swap3A_147 = vector.shape_cast %broadcast_in_dim3A_0 : vector<16xf32> to vector<1x16xf32>
      tpu.vector_store %arg11[%swap3A_143, %swap3A_144], %swap3A_147 {strides = array<i32>} : memref<128x128xf32, #tpu.memory_space<vmem>>, vector<1x16xf32>,
      %swap3A_148 = arith.index_cast %scan3A_92 : i32 to index
      %swap3A_149 = arith.constant 80 : index
      %swap3A_150 = tpu.vector_load %arg13[%swap3A_148, %swap3A_149] {strides = array<i32>} : memref<128x128xf32, #tpu.memory_space<vmem>>, vector<1x16xf32>,
      %swap3A_151 = vector.shape_cast %swap3A_150 : vector<1x16xf32> to vector<16xf32>
      %swap3A_152 = vector.shape_cast %broadcast_in_dim3A_0 : vector<16xf32> to vector<1x16xf32>
      tpu.vector_store %arg13[%swap3A_148, %swap3A_149], %swap3A_152 {strides = array<i32>} : memref<128x128xf32, #tpu.memory_space<vmem>>, vector<1x16xf32>,
      %swap3A_153 = arith.index_cast %scan3A_92 : i32 to index
      %swap3A_154 = arith.constant 96 : index
      %swap3A_155 = tpu.vector_load %arg11[%swap3A_153, %swap3A_154] {strides = array<i32>} : memref<128x128xf32, #tpu.memory_space<vmem>>, vector<1x16xf32>,
      %swap3A_156 = vector.shape_cast %swap3A_155 : vector<1x16xf32> to vector<16xf32>
      %swap3A_157 = vector.shape_cast %broadcast_in_dim3A_0 : vector<16xf32> to vector<1x16xf32>
      tpu.vector_store %arg11[%swap3A_153, %swap3A_154], %swap3A_157 {strides = array<i32>} : memref<128x128xf32, #tpu.memory_space<vmem>>, vector<1x16xf32>,
      %swap3A_158 = arith.index_cast %scan3A_92 : i32 to index
      %swap3A_159 = arith.constant 96 : index
      %swap3A_160 = tpu.vector_load %arg13[%swap3A_158, %swap3A_159] {strides = array<i32>} : memref<128x128xf32, #tpu.memory_space<vmem>>, vector<1x16xf32>,
      %swap3A_161 = vector.shape_cast %swap3A_160 : vector<1x16xf32> to vector<16xf32>
      %swap3A_162 = vector.shape_cast %broadcast_in_dim3A_0 : vector<16xf32> to vector<1x16xf32>
      tpu.vector_store %arg13[%swap3A_158, %swap3A_159], %swap3A_162 {strides = array<i32>} : memref<128x128xf32, #tpu.memory_space<vmem>>, vector<1x16xf32>,
      %swap3A_163 = arith.index_cast %scan3A_92 : i32 to index
      %swap3A_164 = arith.constant 112 : index
      %swap3A_165 = tpu.vector_load %arg11[%swap3A_163, %swap3A_164] {strides = array<i32>} : memref<128x128xf32, #tpu.memory_space<vmem>>, vector<1x16xf32>,
      %swap3A_166 = vector.shape_cast %swap3A_165 : vector<1x16xf32> to vector<16xf32>
      %swap3A_167 = vector.shape_cast %broadcast_in_dim3A_0 : vector<16xf32> to vector<1x16xf32>
      tpu.vector_store %arg11[%swap3A_163, %swap3A_164], %swap3A_167 {strides = array<i32>} : memref<128x128xf32, #tpu.memory_space<vmem>>, vector<1x16xf32>,
      %swap3A_168 = arith.index_cast %scan3A_92 : i32 to index
      %swap3A_169 = arith.constant 112 : index
      %swap3A_170 = tpu.vector_load %arg13[%swap3A_168, %swap3A_169] {strides = array<i32>} : memref<128x128xf32, #tpu.memory_space<vmem>>, vector<1x16xf32>,
      %swap3A_171 = vector.shape_cast %swap3A_170 : vector<1x16xf32> to vector<16xf32>
      %swap3A_172 = vector.shape_cast %broadcast_in_dim3A_0 : vector<16xf32> to vector<1x16xf32>
      tpu.vector_store %arg13[%swap3A_168, %swap3A_169], %swap3A_172 {strides = array<i32>} : memref<128x128xf32, #tpu.memory_space<vmem>>, vector<1x16xf32>,
    }
    %scan3A_5 = arith.constant 128 : i32
    %broadcast_in_dim3A_6 = arith.constant 10000 : i32
    %broadcast_in_dim3A_7 = vector.broadcast %broadcast_in_dim3A_6 : i32 to vector<16xi32>
    %swap3A = arith.constant 0 : index
    %swap3A_8 = tpu.vector_load %arg10[%swap3A] {strides = array<i32>} : memref<128xi32, #tpu.memory_space<vmem>>, vector<16xi32>,
    %swap3A_9 = vector.shape_cast %swap3A_8 : vector<16xi32> to vector<16xi32>
    %swap3A_10 = vector.shape_cast %broadcast_in_dim3A_7 : vector<16xi32> to vector<16xi32>
    tpu.vector_store %arg10[%swap3A], %swap3A_10 {strides = array<i32>} : memref<128xi32, #tpu.memory_space<vmem>>, vector<16xi32>,
    %broadcast_in_dim3A_11 = arith.constant 10000 : i32
    %broadcast_in_dim3A_12 = vector.broadcast %broadcast_in_dim3A_11 : i32 to vector<16xi32>
    %swap3A_13 = arith.constant 16 : index
    %swap3A_14 = tpu.vector_load %arg10[%swap3A_13] {strides = array<i32>} : memref<128xi32, #tpu.memory_space<vmem>>, vector<16xi32>,
    %swap3A_15 = vector.shape_cast %swap3A_14 : vector<16xi32> to vector<16xi32>
    %swap3A_16 = vector.shape_cast %broadcast_in_dim3A_12 : vector<16xi32> to vector<16xi32>
    tpu.vector_store %arg10[%swap3A_13], %swap3A_16 {strides = array<i32>} : memref<128xi32, #tpu.memory_space<vmem>>, vector<16xi32>,
    %broadcast_in_dim3A_17 = arith.constant 10000 : i32
    %broadcast_in_dim3A_18 = vector.broadcast %broadcast_in_dim3A_17 : i32 to vector<16xi32>
    %swap3A_19 = arith.constant 32 : index
    %swap3A_20 = tpu.vector_load %arg10[%swap3A_19] {strides = array<i32>} : memref<128xi32, #tpu.memory_space<vmem>>, vector<16xi32>,
    %swap3A_21 = vector.shape_cast %swap3A_20 : vector<16xi32> to vector<16xi32>
    %swap3A_22 = vector.shape_cast %broadcast_in_dim3A_18 : vector<16xi32> to vector<16xi32>
    tpu.vector_store %arg10[%swap3A_19], %swap3A_22 {strides = array<i32>} : memref<128xi32, #tpu.memory_space<vmem>>, vector<16xi32>,
    %broadcast_in_dim3A_23 = arith.constant 10000 : i32
    %broadcast_in_dim3A_24 = vector.broadcast %broadcast_in_dim3A_23 : i32 to vector<16xi32>
    %swap3A_25 = arith.constant 48 : index
    %swap3A_26 = tpu.vector_load %arg10[%swap3A_25] {strides = array<i32>} : memref<128xi32, #tpu.memory_space<vmem>>, vector<16xi32>,
    %swap3A_27 = vector.shape_cast %swap3A_26 : vector<16xi32> to vector<16xi32>
    %swap3A_28 = vector.shape_cast %broadcast_in_dim3A_24 : vector<16xi32> to vector<16xi32>
    tpu.vector_store %arg10[%swap3A_25], %swap3A_28 {strides = array<i32>} : memref<128xi32, #tpu.memory_space<vmem>>, vector<16xi32>,
    %broadcast_in_dim3A_29 = arith.constant 10000 : i32
    %broadcast_in_dim3A_30 = vector.broadcast %broadcast_in_dim3A_29 : i32 to vector<16xi32>
    %swap3A_31 = arith.constant 64 : index
    %swap3A_32 = tpu.vector_load %arg10[%swap3A_31] {strides = array<i32>} : memref<128xi32, #tpu.memory_space<vmem>>, vector<16xi32>,
    %swap3A_33 = vector.shape_cast %swap3A_32 : vector<16xi32> to vector<16xi32>
    %swap3A_34 = vector.shape_cast %broadcast_in_dim3A_30 : vector<16xi32> to vector<16xi32>
    tpu.vector_store %arg10[%swap3A_31], %swap3A_34 {strides = array<i32>} : memref<128xi32, #tpu.memory_space<vmem>>, vector<16xi32>,
    %broadcast_in_dim3A_35 = arith.constant 10000 : i32
    %broadcast_in_dim3A_36 = vector.broadcast %broadcast_in_dim3A_35 : i32 to vector<16xi32>
    %swap3A_37 = arith.constant 80 : index
    %swap3A_38 = tpu.vector_load %arg10[%swap3A_37] {strides = array<i32>} : memref<128xi32, #tpu.memory_space<vmem>>, vector<16xi32>,
    %swap3A_39 = vector.shape_cast %swap3A_38 : vector<16xi32> to vector<16xi32>
    %swap3A_40 = vector.shape_cast %broadcast_in_dim3A_36 : vector<16xi32> to vector<16xi32>
    tpu.vector_store %arg10[%swap3A_37], %swap3A_40 {strides = array<i32>} : memref<128xi32, #tpu.memory_space<vmem>>, vector<16xi32>,
    %broadcast_in_dim3A_41 = arith.constant 10000 : i32
    %broadcast_in_dim3A_42 = vector.broadcast %broadcast_in_dim3A_41 : i32 to vector<16xi32>
    %swap3A_43 = arith.constant 96 : index
    %swap3A_44 = tpu.vector_load %arg10[%swap3A_43] {strides = array<i32>} : memref<128xi32, #tpu.memory_space<vmem>>, vector<16xi32>,
    %swap3A_45 = vector.shape_cast %swap3A_44 : vector<16xi32> to vector<16xi32>
    %swap3A_46 = vector.shape_cast %broadcast_in_dim3A_42 : vector<16xi32> to vector<16xi32>
    tpu.vector_store %arg10[%swap3A_43], %swap3A_46 {strides = array<i32>} : memref<128xi32, #tpu.memory_space<vmem>>, vector<16xi32>,
    %broadcast_in_dim3A_47 = arith.constant 10000 : i32
    %broadcast_in_dim3A_48 = vector.broadcast %broadcast_in_dim3A_47 : i32 to vector<16xi32>
    %swap3A_49 = arith.constant 112 : index
    %swap3A_50 = tpu.vector_load %arg10[%swap3A_49] {strides = array<i32>} : memref<128xi32, #tpu.memory_space<vmem>>, vector<16xi32>,
    %swap3A_51 = vector.shape_cast %swap3A_50 : vector<16xi32> to vector<16xi32>
    %swap3A_52 = vector.shape_cast %broadcast_in_dim3A_48 : vector<16xi32> to vector<16xi32>
    tpu.vector_store %arg10[%swap3A_49], %swap3A_52 {strides = array<i32>} : memref<128xi32, #tpu.memory_space<vmem>>, vector<16xi32>,
    %mul3A = arith.constant 632 : i32
    %mul3A_53 = arith.muli %arg1, %mul3A : i32
    %add3A = arith.constant 0 : i32
    %add3A_54 = arith.addi %mul3A_53, %add3A : i32
    "tpu.region"() ({
      %run_scoped3A = tpu.sem_alloc : memref<!tpu.dma_semaphore, #tpu.memory_space<semaphore_mem>>
      %dma_start3A = arith.constant 0 : i32
      %dma_start3A_92 = arith.constant 0 : i32
      %dma_start3A_93 = tpu.memref_slice %arg11[%dma_start3A, %dma_start3A_92] : memref<128x128xf32, #tpu.memory_space<vmem>> -> memref<128x128xf32, #tpu.memory_space<vmem>>
      %dma_start3A_94 = arith.constant 0 : i32
      %dma_start3A_95 = tpu.memref_slice %arg14[%add3A_54, %dma_start3A_94] : memref<10112x128xf32, #tpu.memory_space<vmem_shared>> -> memref<128x128xf32, #tpu.memory_space<vmem_shared>>
      %dma_start3A_96 = arith.constant 0 : i32
      %dma_start3A_97 = tpu.memref_slice %arg14[%add3A_54, %dma_start3A_96] : memref<10112x128xf32, #tpu.memory_space<vmem_shared>> -> memref<128x128xf32, #tpu.memory_space<vmem_shared>>
      %dma_start3A_98 = arith.constant 0 : i32
      %dma_start3A_99 = arith.constant 0 : i32
      %dma_start3A_100 = tpu.memref_slice %arg11[%dma_start3A_98, %dma_start3A_99] : memref<128x128xf32, #tpu.memory_space<vmem>> -> memref<128x128xf32, #tpu.memory_space<vmem>>
      tpu.enqueue_dma source(%dma_start3A_100 : memref<128x128xf32, #tpu.memory_space<vmem>>) target(%dma_start3A_97 : memref<128x128xf32, #tpu.memory_space<vmem_shared>>) target_semaphore(%run_scoped3A : memref<!tpu.dma_semaphore, #tpu.memory_space<semaphore_mem>>)
      %dma_wait3A = arith.constant 0 : i32
      %dma_wait3A_101 = arith.constant 0 : i32
      %dma_wait3A_102 = tpu.memref_slice %arg11[%dma_wait3A, %dma_wait3A_101] : memref<128x128xf32, #tpu.memory_space<vmem>> -> memref<128x128xf32, #tpu.memory_space<vmem>>
      %dma_wait3A_103 = arith.constant 0 : i32
      %dma_wait3A_104 = tpu.memref_slice %arg14[%add3A_54, %dma_wait3A_103] : memref<10112x128xf32, #tpu.memory_space<vmem_shared>> -> memref<128x128xf32, #tpu.memory_space<vmem_shared>>
      %dma_wait3A_105 = arith.constant 0 : i32
      %dma_wait3A_106 = tpu.memref_slice %arg14[%add3A_54, %dma_wait3A_105] : memref<10112x128xf32, #tpu.memory_space<vmem_shared>> -> memref<128x128xf32, #tpu.memory_space<vmem_shared>>
      %dma_wait3A_107 = arith.constant 0 : i32
      %dma_wait3A_108 = arith.constant 0 : i32
      %dma_wait3A_109 = tpu.memref_slice %arg11[%dma_wait3A_107, %dma_wait3A_108] : memref<128x128xf32, #tpu.memory_space<vmem>> -> memref<128x128xf32, #tpu.memory_space<vmem>>
      tpu.wait_dma2 semaphore(%run_scoped3A : memref<!tpu.dma_semaphore, #tpu.memory_space<semaphore_mem>>) src(%dma_wait3A_109 : memref<128x128xf32, #tpu.memory_space<vmem>>) dst(%dma_wait3A_106 : memref<128x128xf32, #tpu.memory_space<vmem_shared>>)
      tpu.yield
    }) : () -> ()
    %add3A_55 = arith.constant 128 : i32
    %add3A_56 = arith.addi %mul3A_53, %add3A_55 : i32
    "tpu.region"() ({
      %run_scoped3A = tpu.sem_alloc : memref<!tpu.dma_semaphore, #tpu.memory_space<semaphore_mem>>
      %dma_start3A = arith.constant 0 : i32
      %dma_start3A_92 = arith.constant 0 : i32
      %dma_start3A_93 = tpu.memref_slice %arg11[%dma_start3A, %dma_start3A_92] : memref<128x128xf32, #tpu.memory_space<vmem>> -> memref<128x128xf32, #tpu.memory_space<vmem>>
      %dma_start3A_94 = arith.constant 0 : i32
      %dma_start3A_95 = tpu.memref_slice %arg14[%add3A_56, %dma_start3A_94] : memref<10112x128xf32, #tpu.memory_space<vmem_shared>> -> memref<128x128xf32, #tpu.memory_space<vmem_shared>>
      %dma_start3A_96 = arith.constant 0 : i32
      %dma_start3A_97 = tpu.memref_slice %arg14[%add3A_56, %dma_start3A_96] : memref<10112x128xf32, #tpu.memory_space<vmem_shared>> -> memref<128x128xf32, #tpu.memory_space<vmem_shared>>
      %dma_start3A_98 = arith.constant 0 : i32
      %dma_start3A_99 = arith.constant 0 : i32
      %dma_start3A_100 = tpu.memref_slice %arg11[%dma_start3A_98, %dma_start3A_99] : memref<128x128xf32, #tpu.memory_space<vmem>> -> memref<128x128xf32, #tpu.memory_space<vmem>>
      tpu.enqueue_dma source(%dma_start3A_100 : memref<128x128xf32, #tpu.memory_space<vmem>>) target(%dma_start3A_97 : memref<128x128xf32, #tpu.memory_space<vmem_shared>>) target_semaphore(%run_scoped3A : memref<!tpu.dma_semaphore, #tpu.memory_space<semaphore_mem>>)
      %dma_wait3A = arith.constant 0 : i32
      %dma_wait3A_101 = arith.constant 0 : i32
      %dma_wait3A_102 = tpu.memref_slice %arg11[%dma_wait3A, %dma_wait3A_101] : memref<128x128xf32, #tpu.memory_space<vmem>> -> memref<128x128xf32, #tpu.memory_space<vmem>>
      %dma_wait3A_103 = arith.constant 0 : i32
      %dma_wait3A_104 = tpu.memref_slice %arg14[%add3A_56, %dma_wait3A_103] : memref<10112x128xf32, #tpu.memory_space<vmem_shared>> -> memref<128x128xf32, #tpu.memory_space<vmem_shared>>
      %dma_wait3A_105 = arith.constant 0 : i32
      %dma_wait3A_106 = tpu.memref_slice %arg14[%add3A_56, %dma_wait3A_105] : memref<10112x128xf32, #tpu.memory_space<vmem_shared>> -> memref<128x128xf32, #tpu.memory_space<vmem_shared>>
      %dma_wait3A_107 = arith.constant 0 : i32
      %dma_wait3A_108 = arith.constant 0 : i32
      %dma_wait3A_109 = tpu.memref_slice %arg11[%dma_wait3A_107, %dma_wait3A_108] : memref<128x128xf32, #tpu.memory_space<vmem>> -> memref<128x128xf32, #tpu.memory_space<vmem>>
      tpu.wait_dma2 semaphore(%run_scoped3A : memref<!tpu.dma_semaphore, #tpu.memory_space<semaphore_mem>>) src(%dma_wait3A_109 : memref<128x128xf32, #tpu.memory_space<vmem>>) dst(%dma_wait3A_106 : memref<128x128xf32, #tpu.memory_space<vmem_shared>>)
      tpu.yield
    }) : () -> ()
    %add3A_57 = arith.constant 256 : i32
    %add3A_58 = arith.addi %mul3A_53, %add3A_57 : i32
    "tpu.region"() ({
      %run_scoped3A = tpu.sem_alloc : memref<!tpu.dma_semaphore, #tpu.memory_space<semaphore_mem>>
      %dma_start3A = arith.constant 0 : i32
      %dma_start3A_92 = arith.constant 0 : i32
      %dma_start3A_93 = tpu.memref_slice %arg11[%dma_start3A, %dma_start3A_92] : memref<128x128xf32, #tpu.memory_space<vmem>> -> memref<128x128xf32, #tpu.memory_space<vmem>>
      %dma_start3A_94 = arith.constant 0 : i32
      %dma_start3A_95 = tpu.memref_slice %arg14[%add3A_58, %dma_start3A_94] : memref<10112x128xf32, #tpu.memory_space<vmem_shared>> -> memref<128x128xf32, #tpu.memory_space<vmem_shared>>
      %dma_start3A_96 = arith.constant 0 : i32
      %dma_start3A_97 = tpu.memref_slice %arg14[%add3A_58, %dma_start3A_96] : memref<10112x128xf32, #tpu.memory_space<vmem_shared>> -> memref<128x128xf32, #tpu.memory_space<vmem_shared>>
      %dma_start3A_98 = arith.constant 0 : i32
      %dma_start3A_99 = arith.constant 0 : i32
      %dma_start3A_100 = tpu.memref_slice %arg11[%dma_start3A_98, %dma_start3A_99] : memref<128x128xf32, #tpu.memory_space<vmem>> -> memref<128x128xf32, #tpu.memory_space<vmem>>
      tpu.enqueue_dma source(%dma_start3A_100 : memref<128x128xf32, #tpu.memory_space<vmem>>) target(%dma_start3A_97 : memref<128x128xf32, #tpu.memory_space<vmem_shared>>) target_semaphore(%run_scoped3A : memref<!tpu.dma_semaphore, #tpu.memory_space<semaphore_mem>>)
      %dma_wait3A = arith.constant 0 : i32
      %dma_wait3A_101 = arith.constant 0 : i32
      %dma_wait3A_102 = tpu.memref_slice %arg11[%dma_wait3A, %dma_wait3A_101] : memref<128x128xf32, #tpu.memory_space<vmem>> -> memref<128x128xf32, #tpu.memory_space<vmem>>
      %dma_wait3A_103 = arith.constant 0 : i32
      %dma_wait3A_104 = tpu.memref_slice %arg14[%add3A_58, %dma_wait3A_103] : memref<10112x128xf32, #tpu.memory_space<vmem_shared>> -> memref<128x128xf32, #tpu.memory_space<vmem_shared>>
      %dma_wait3A_105 = arith.constant 0 : i32
      %dma_wait3A_106 = tpu.memref_slice %arg14[%add3A_58, %dma_wait3A_105] : memref<10112x128xf32, #tpu.memory_space<vmem_shared>> -> memref<128x128xf32, #tpu.memory_space<vmem_shared>>
      %dma_wait3A_107 = arith.constant 0 : i32
      %dma_wait3A_108 = arith.constant 0 : i32
      %dma_wait3A_109 = tpu.memref_slice %arg11[%dma_wait3A_107, %dma_wait3A_108] : memref<128x128xf32, #tpu.memory_space<vmem>> -> memref<128x128xf32, #tpu.memory_space<vmem>>
      tpu.wait_dma2 semaphore(%run_scoped3A : memref<!tpu.dma_semaphore, #tpu.memory_space<semaphore_mem>>) src(%dma_wait3A_109 : memref<128x128xf32, #tpu.memory_space<vmem>>) dst(%dma_wait3A_106 : memref<128x128xf32, #tpu.memory_space<vmem_shared>>)
      tpu.yield
    }) : () -> ()
    %add3A_59 = arith.constant 384 : i32
    %add3A_60 = arith.addi %mul3A_53, %add3A_59 : i32
    "tpu.region"() ({
      %run_scoped3A = tpu.sem_alloc : memref<!tpu.dma_semaphore, #tpu.memory_space<semaphore_mem>>
      %dma_start3A = arith.constant 0 : i32
      %dma_start3A_92 = arith.constant 0 : i32
      %dma_start3A_93 = tpu.memref_slice %arg11[%dma_start3A, %dma_start3A_92] : memref<128x128xf32, #tpu.memory_space<vmem>> -> memref<128x128xf32, #tpu.memory_space<vmem>>
      %dma_start3A_94 = arith.constant 0 : i32
      %dma_start3A_95 = tpu.memref_slice %arg14[%add3A_60, %dma_start3A_94] : memref<10112x128xf32, #tpu.memory_space<vmem_shared>> -> memref<128x128xf32, #tpu.memory_space<vmem_shared>>
      %dma_start3A_96 = arith.constant 0 : i32
      %dma_start3A_97 = tpu.memref_slice %arg14[%add3A_60, %dma_start3A_96] : memref<10112x128xf32, #tpu.memory_space<vmem_shared>> -> memref<128x128xf32, #tpu.memory_space<vmem_shared>>
      %dma_start3A_98 = arith.constant 0 : i32
      %dma_start3A_99 = arith.constant 0 : i32
      %dma_start3A_100 = tpu.memref_slice %arg11[%dma_start3A_98, %dma_start3A_99] : memref<128x128xf32, #tpu.memory_space<vmem>> -> memref<128x128xf32, #tpu.memory_space<vmem>>
      tpu.enqueue_dma source(%dma_start3A_100 : memref<128x128xf32, #tpu.memory_space<vmem>>) target(%dma_start3A_97 : memref<128x128xf32, #tpu.memory_space<vmem_shared>>) target_semaphore(%run_scoped3A : memref<!tpu.dma_semaphore, #tpu.memory_space<semaphore_mem>>)
      %dma_wait3A = arith.constant 0 : i32
      %dma_wait3A_101 = arith.constant 0 : i32
      %dma_wait3A_102 = tpu.memref_slice %arg11[%dma_wait3A, %dma_wait3A_101] : memref<128x128xf32, #tpu.memory_space<vmem>> -> memref<128x128xf32, #tpu.memory_space<vmem>>
      %dma_wait3A_103 = arith.constant 0 : i32
      %dma_wait3A_104 = tpu.memref_slice %arg14[%add3A_60, %dma_wait3A_103] : memref<10112x128xf32, #tpu.memory_space<vmem_shared>> -> memref<128x128xf32, #tpu.memory_space<vmem_shared>>
      %dma_wait3A_105 = arith.constant 0 : i32
      %dma_wait3A_106 = tpu.memref_slice %arg14[%add3A_60, %dma_wait3A_105] : memref<10112x128xf32, #tpu.memory_space<vmem_shared>> -> memref<128x128xf32, #tpu.memory_space<vmem_shared>>
      %dma_wait3A_107 = arith.constant 0 : i32
      %dma_wait3A_108 = arith.constant 0 : i32
      %dma_wait3A_109 = tpu.memref_slice %arg11[%dma_wait3A_107, %dma_wait3A_108] : memref<128x128xf32, #tpu.memory_space<vmem>> -> memref<128x128xf32, #tpu.memory_space<vmem>>
      tpu.wait_dma2 semaphore(%run_scoped3A : memref<!tpu.dma_semaphore, #tpu.memory_space<semaphore_mem>>) src(%dma_wait3A_109 : memref<128x128xf32, #tpu.memory_space<vmem>>) dst(%dma_wait3A_106 : memref<128x128xf32, #tpu.memory_space<vmem_shared>>)
      tpu.yield
    }) : () -> ()
    %add3A_61 = arith.constant 512 : i32
    %add3A_62 = arith.addi %mul3A_53, %add3A_61 : i32
    "tpu.region"() ({
      %run_scoped3A = tpu.sem_alloc : memref<!tpu.dma_semaphore, #tpu.memory_space<semaphore_mem>>
      %dma_start3A = arith.constant 0 : i32
      %dma_start3A_92 = arith.constant 0 : i32
      %dma_start3A_93 = tpu.memref_slice %arg11[%dma_start3A, %dma_start3A_92] : memref<128x128xf32, #tpu.memory_space<vmem>> -> memref<120x128xf32, #tpu.memory_space<vmem>>
      %dma_start3A_94 = arith.constant 0 : i32
      %dma_start3A_95 = tpu.memref_slice %arg14[%add3A_62, %dma_start3A_94] : memref<10112x128xf32, #tpu.memory_space<vmem_shared>> -> memref<120x128xf32, #tpu.memory_space<vmem_shared>>
      %dma_start3A_96 = arith.constant 0 : i32
      %dma_start3A_97 = tpu.memref_slice %arg14[%add3A_62, %dma_start3A_96] : memref<10112x128xf32, #tpu.memory_space<vmem_shared>> -> memref<120x128xf32, #tpu.memory_space<vmem_shared>>
      %dma_start3A_98 = arith.constant 0 : i32
      %dma_start3A_99 = arith.constant 0 : i32
      %dma_start3A_100 = tpu.memref_slice %arg11[%dma_start3A_98, %dma_start3A_99] : memref<128x128xf32, #tpu.memory_space<vmem>> -> memref<120x128xf32, #tpu.memory_space<vmem>>
      tpu.enqueue_dma source(%dma_start3A_100 : memref<120x128xf32, #tpu.memory_space<vmem>>) target(%dma_start3A_97 : memref<120x128xf32, #tpu.memory_space<vmem_shared>>) target_semaphore(%run_scoped3A : memref<!tpu.dma_semaphore, #tpu.memory_space<semaphore_mem>>)
      %dma_wait3A = arith.constant 0 : i32
      %dma_wait3A_101 = arith.constant 0 : i32
      %dma_wait3A_102 = tpu.memref_slice %arg11[%dma_wait3A, %dma_wait3A_101] : memref<128x128xf32, #tpu.memory_space<vmem>> -> memref<120x128xf32, #tpu.memory_space<vmem>>
      %dma_wait3A_103 = arith.constant 0 : i32
      %dma_wait3A_104 = tpu.memref_slice %arg14[%add3A_62, %dma_wait3A_103] : memref<10112x128xf32, #tpu.memory_space<vmem_shared>> -> memref<120x128xf32, #tpu.memory_space<vmem_shared>>
      %dma_wait3A_105 = arith.constant 0 : i32
      %dma_wait3A_106 = tpu.memref_slice %arg14[%add3A_62, %dma_wait3A_105] : memref<10112x128xf32, #tpu.memory_space<vmem_shared>> -> memref<120x128xf32, #tpu.memory_space<vmem_shared>>
      %dma_wait3A_107 = arith.constant 0 : i32
      %dma_wait3A_108 = arith.constant 0 : i32
      %dma_wait3A_109 = tpu.memref_slice %arg11[%dma_wait3A_107, %dma_wait3A_108] : memref<128x128xf32, #tpu.memory_space<vmem>> -> memref<120x128xf32, #tpu.memory_space<vmem>>
      tpu.wait_dma2 semaphore(%run_scoped3A : memref<!tpu.dma_semaphore, #tpu.memory_space<semaphore_mem>>) src(%dma_wait3A_109 : memref<120x128xf32, #tpu.memory_space<vmem>>) dst(%dma_wait3A_106 : memref<120x128xf32, #tpu.memory_space<vmem_shared>>)
      tpu.yield
    }) : () -> ()
    %barrier3A = arith.constant 0 : index
    tpu.barrier barrier_id(%barrier3A)
    %mul3A_63 = arith.constant 10240 : i32
    %mul3A_64 = arith.muli %arg1, %mul3A_63 : i32
    %scan3A_65 = arith.constant 0 : i32
    %scan3A_66 = arith.constant 0 : i32
    %scan3A_67 = arith.constant 40 : i32
    %scan3A_68 = arith.addi %scan3A_66, %scan3A_67 : i32
    %scan3A_69 = arith.constant 1 : i32
    scf.for %scan3A_92 = %scan3A_66 to %scan3A_68 step %scan3A_69  : i32 {
      %mul3A_93 = arith.constant 2 : i32
      %mul3A_94 = arith.muli %scan3A_92, %mul3A_93 : i32
      %add3A_95 = arith.constant 0 : i32
      %add3A_96 = arith.addi %mul3A_94, %add3A_95 : i32
      %mul3A_97 = arith.constant 128 : i32
      %mul3A_98 = arith.muli %add3A_96, %mul3A_97 : i32
      %add3A_99 = arith.addi %mul3A_64, %mul3A_98 : i32
      "tpu.region"() ({
        %run_scoped3A = tpu.sem_alloc : memref<!tpu.dma_semaphore, #tpu.memory_space<semaphore_mem>>
        %dma_start3A_356 = tpu.memref_slice %arg4[%add3A_99] : memref<163840xi32, #tpu.memory_space<hbm>> -> memref<128xi32, #tpu.memory_space<hbm>>
        %dma_start3A_357 = tpu.memref_slice %arg4[%add3A_99] : memref<163840xi32, #tpu.memory_space<hbm>> -> memref<128xi32, #tpu.memory_space<hbm>>
        tpu.enqueue_dma source(%dma_start3A_357 : memref<128xi32, #tpu.memory_space<hbm>>) target(%arg7 : memref<128xi32, #tpu.memory_space<vmem>>) target_semaphore(%run_scoped3A : memref<!tpu.dma_semaphore, #tpu.memory_space<semaphore_mem>>)
        %dma_wait3A_358 = tpu.memref_slice %arg4[%add3A_99] : memref<163840xi32, #tpu.memory_space<hbm>> -> memref<128xi32, #tpu.memory_space<hbm>>
        %dma_wait3A_359 = tpu.memref_slice %arg4[%add3A_99] : memref<163840xi32, #tpu.memory_space<hbm>> -> memref<128xi32, #tpu.memory_space<hbm>>
        tpu.wait_dma2 semaphore(%run_scoped3A : memref<!tpu.dma_semaphore, #tpu.memory_space<semaphore_mem>>) src(%dma_wait3A_359 : memref<128xi32, #tpu.memory_space<hbm>>) dst(%arg7 : memref<128xi32, #tpu.memory_space<vmem>>)
        tpu.yield
      }) : () -> ()
      %mul3A_100 = arith.constant 128 : i32
      %mul3A_101 = arith.muli %add3A_96, %mul3A_100 : i32
      %add3A_102 = arith.addi %mul3A_64, %mul3A_101 : i32
      "tpu.region"() ({
        %run_scoped3A = tpu.sem_alloc : memref<!tpu.dma_semaphore, #tpu.memory_space<semaphore_mem>>
        %dma_start3A_356 = tpu.memref_slice %arg5[%add3A_102] : memref<163840xi32, #tpu.memory_space<hbm>> -> memref<128xi32, #tpu.memory_space<hbm>>
        %dma_start3A_357 = tpu.memref_slice %arg5[%add3A_102] : memref<163840xi32, #tpu.memory_space<hbm>> -> memref<128xi32, #tpu.memory_space<hbm>>
        tpu.enqueue_dma source(%dma_start3A_357 : memref<128xi32, #tpu.memory_space<hbm>>) target(%arg9 : memref<128xi32, #tpu.memory_space<vmem>>) target_semaphore(%run_scoped3A : memref<!tpu.dma_semaphore, #tpu.memory_space<semaphore_mem>>)
        %dma_wait3A_358 = tpu.memref_slice %arg5[%add3A_102] : memref<163840xi32, #tpu.memory_space<hbm>> -> memref<128xi32, #tpu.memory_space<hbm>>
        %dma_wait3A_359 = tpu.memref_slice %arg5[%add3A_102] : memref<163840xi32, #tpu.memory_space<hbm>> -> memref<128xi32, #tpu.memory_space<hbm>>
        tpu.wait_dma2 semaphore(%run_scoped3A : memref<!tpu.dma_semaphore, #tpu.memory_space<semaphore_mem>>) src(%dma_wait3A_359 : memref<128xi32, #tpu.memory_space<hbm>>) dst(%arg9 : memref<128xi32, #tpu.memory_space<vmem>>)
        tpu.yield
      }) : () -> ()
      %get3A = arith.constant 0 : index
      %get3A_103 = tpu.vector_load %arg7[%get3A] {strides = array<i32>} : memref<128xi32, #tpu.memory_space<vmem>>, vector<16xi32>,
      %get3A_104 = vector.shape_cast %get3A_103 : vector<16xi32> to vector<16xi32>
      %mul3A_105 = arith.constant 2 : i32
      %mul3A_106 = vector.broadcast %mul3A_105 : i32 to vector<16xi32>
      %mul3A_107 = arith.muli %get3A_104, %mul3A_106 : vector<16xi32>
      %add3A_108 = vector.broadcast %arg0 : i32 to vector<16xi32>
      %add3A_109 = arith.addi %mul3A_107, %add3A_108 : vector<16xi32>
      %swap3A_110 = arith.constant 0 : index
      %swap3A_111 = tpu.vector_load %arg7[%swap3A_110] {strides = array<i32>} : memref<128xi32, #tpu.memory_space<vmem>>, vector<16xi32>,
      %swap3A_112 = vector.shape_cast %swap3A_111 : vector<16xi32> to vector<16xi32>
      %swap3A_113 = vector.shape_cast %add3A_109 : vector<16xi32> to vector<16xi32>
      tpu.vector_store %arg7[%swap3A_110], %swap3A_113 {strides = array<i32>} : memref<128xi32, #tpu.memory_space<vmem>>, vector<16xi32>,
      %get3A_114 = arith.constant 16 : index
      %get3A_115 = tpu.vector_load %arg7[%get3A_114] {strides = array<i32>} : memref<128xi32, #tpu.memory_space<vmem>>, vector<16xi32>,
      %get3A_116 = vector.shape_cast %get3A_115 : vector<16xi32> to vector<16xi32>
      %mul3A_117 = arith.constant 2 : i32
      %mul3A_118 = vector.broadcast %mul3A_117 : i32 to vector<16xi32>
      %mul3A_119 = arith.muli %get3A_116, %mul3A_118 : vector<16xi32>
      %add3A_120 = vector.broadcast %arg0 : i32 to vector<16xi32>
      %add3A_121 = arith.addi %mul3A_119, %add3A_120 : vector<16xi32>
      %swap3A_122 = arith.constant 16 : index
      %swap3A_123 = tpu.vector_load %arg7[%swap3A_122] {strides = array<i32>} : memref<128xi32, #tpu.memory_space<vmem>>, vector<16xi32>,
      %swap3A_124 = vector.shape_cast %swap3A_123 : vector<16xi32> to vector<16xi32>
      %swap3A_125 = vector.shape_cast %add3A_121 : vector<16xi32> to vector<16xi32>
      tpu.vector_store %arg7[%swap3A_122], %swap3A_125 {strides = array<i32>} : memref<128xi32, #tpu.memory_space<vmem>>, vector<16xi32>,
      %get3A_126 = arith.constant 32 : index
      %get3A_127 = tpu.vector_load %arg7[%get3A_126] {strides = array<i32>} : memref<128xi32, #tpu.memory_space<vmem>>, vector<16xi32>,
      %get3A_128 = vector.shape_cast %get3A_127 : vector<16xi32> to vector<16xi32>
      %mul3A_129 = arith.constant 2 : i32
      %mul3A_130 = vector.broadcast %mul3A_129 : i32 to vector<16xi32>
      %mul3A_131 = arith.muli %get3A_128, %mul3A_130 : vector<16xi32>
      %add3A_132 = vector.broadcast %arg0 : i32 to vector<16xi32>
      %add3A_133 = arith.addi %mul3A_131, %add3A_132 : vector<16xi32>
      %swap3A_134 = arith.constant 32 : index
      %swap3A_135 = tpu.vector_load %arg7[%swap3A_134] {strides = array<i32>} : memref<128xi32, #tpu.memory_space<vmem>>, vector<16xi32>,
      %swap3A_136 = vector.shape_cast %swap3A_135 : vector<16xi32> to vector<16xi32>
      %swap3A_137 = vector.shape_cast %add3A_133 : vector<16xi32> to vector<16xi32>
      tpu.vector_store %arg7[%swap3A_134], %swap3A_137 {strides = array<i32>} : memref<128xi32, #tpu.memory_space<vmem>>, vector<16xi32>,
      %get3A_138 = arith.constant 48 : index
      %get3A_139 = tpu.vector_load %arg7[%get3A_138] {strides = array<i32>} : memref<128xi32, #tpu.memory_space<vmem>>, vector<16xi32>,
      %get3A_140 = vector.shape_cast %get3A_139 : vector<16xi32> to vector<16xi32>
      %mul3A_141 = arith.constant 2 : i32
      %mul3A_142 = vector.broadcast %mul3A_141 : i32 to vector<16xi32>
      %mul3A_143 = arith.muli %get3A_140, %mul3A_142 : vector<16xi32>
      %add3A_144 = vector.broadcast %arg0 : i32 to vector<16xi32>
      %add3A_145 = arith.addi %mul3A_143, %add3A_144 : vector<16xi32>
      %swap3A_146 = arith.constant 48 : index
      %swap3A_147 = tpu.vector_load %arg7[%swap3A_146] {strides = array<i32>} : memref<128xi32, #tpu.memory_space<vmem>>, vector<16xi32>,
      %swap3A_148 = vector.shape_cast %swap3A_147 : vector<16xi32> to vector<16xi32>
      %swap3A_149 = vector.shape_cast %add3A_145 : vector<16xi32> to vector<16xi32>
      tpu.vector_store %arg7[%swap3A_146], %swap3A_149 {strides = array<i32>} : memref<128xi32, #tpu.memory_space<vmem>>, vector<16xi32>,
      %get3A_150 = arith.constant 64 : index
      %get3A_151 = tpu.vector_load %arg7[%get3A_150] {strides = array<i32>} : memref<128xi32, #tpu.memory_space<vmem>>, vector<16xi32>,
      %get3A_152 = vector.shape_cast %get3A_151 : vector<16xi32> to vector<16xi32>
      %mul3A_153 = arith.constant 2 : i32
      %mul3A_154 = vector.broadcast %mul3A_153 : i32 to vector<16xi32>
      %mul3A_155 = arith.muli %get3A_152, %mul3A_154 : vector<16xi32>
      %add3A_156 = vector.broadcast %arg0 : i32 to vector<16xi32>
      %add3A_157 = arith.addi %mul3A_155, %add3A_156 : vector<16xi32>
      %swap3A_158 = arith.constant 64 : index
      %swap3A_159 = tpu.vector_load %arg7[%swap3A_158] {strides = array<i32>} : memref<128xi32, #tpu.memory_space<vmem>>, vector<16xi32>,
      %swap3A_160 = vector.shape_cast %swap3A_159 : vector<16xi32> to vector<16xi32>
      %swap3A_161 = vector.shape_cast %add3A_157 : vector<16xi32> to vector<16xi32>
      tpu.vector_store %arg7[%swap3A_158], %swap3A_161 {strides = array<i32>} : memref<128xi32, #tpu.memory_space<vmem>>, vector<16xi32>,
      %get3A_162 = arith.constant 80 : index
      %get3A_163 = tpu.vector_load %arg7[%get3A_162] {strides = array<i32>} : memref<128xi32, #tpu.memory_space<vmem>>, vector<16xi32>,
      %get3A_164 = vector.shape_cast %get3A_163 : vector<16xi32> to vector<16xi32>
      %mul3A_165 = arith.constant 2 : i32
      %mul3A_166 = vector.broadcast %mul3A_165 : i32 to vector<16xi32>
      %mul3A_167 = arith.muli %get3A_164, %mul3A_166 : vector<16xi32>
      %add3A_168 = vector.broadcast %arg0 : i32 to vector<16xi32>
      %add3A_169 = arith.addi %mul3A_167, %add3A_168 : vector<16xi32>
      %swap3A_170 = arith.constant 80 : index
      %swap3A_171 = tpu.vector_load %arg7[%swap3A_170] {strides = array<i32>} : memref<128xi32, #tpu.memory_space<vmem>>, vector<16xi32>,
      %swap3A_172 = vector.shape_cast %swap3A_171 : vector<16xi32> to vector<16xi32>
      %swap3A_173 = vector.shape_cast %add3A_169 : vector<16xi32> to vector<16xi32>
      tpu.vector_store %arg7[%swap3A_170], %swap3A_173 {strides = array<i32>} : memref<128xi32, #tpu.memory_space<vmem>>, vector<16xi32>,
      %get3A_174 = arith.constant 96 : index
      %get3A_175 = tpu.vector_load %arg7[%get3A_174] {strides = array<i32>} : memref<128xi32, #tpu.memory_space<vmem>>, vector<16xi32>,
      %get3A_176 = vector.shape_cast %get3A_175 : vector<16xi32> to vector<16xi32>
      %mul3A_177 = arith.constant 2 : i32
      %mul3A_178 = vector.broadcast %mul3A_177 : i32 to vector<16xi32>
      %mul3A_179 = arith.muli %get3A_176, %mul3A_178 : vector<16xi32>
      %add3A_180 = vector.broadcast %arg0 : i32 to vector<16xi32>
      %add3A_181 = arith.addi %mul3A_179, %add3A_180 : vector<16xi32>
      %swap3A_182 = arith.constant 96 : index
      %swap3A_183 = tpu.vector_load %arg7[%swap3A_182] {strides = array<i32>} : memref<128xi32, #tpu.memory_space<vmem>>, vector<16xi32>,
      %swap3A_184 = vector.shape_cast %swap3A_183 : vector<16xi32> to vector<16xi32>
      %swap3A_185 = vector.shape_cast %add3A_181 : vector<16xi32> to vector<16xi32>
      tpu.vector_store %arg7[%swap3A_182], %swap3A_185 {strides = array<i32>} : memref<128xi32, #tpu.memory_space<vmem>>, vector<16xi32>,
      %get3A_186 = arith.constant 112 : index
      %get3A_187 = tpu.vector_load %arg7[%get3A_186] {strides = array<i32>} : memref<128xi32, #tpu.memory_space<vmem>>, vector<16xi32>,
      %get3A_188 = vector.shape_cast %get3A_187 : vector<16xi32> to vector<16xi32>
      %mul3A_189 = arith.constant 2 : i32
      %mul3A_190 = vector.broadcast %mul3A_189 : i32 to vector<16xi32>
      %mul3A_191 = arith.muli %get3A_188, %mul3A_190 : vector<16xi32>
      %add3A_192 = vector.broadcast %arg0 : i32 to vector<16xi32>
      %add3A_193 = arith.addi %mul3A_191, %add3A_192 : vector<16xi32>
      %swap3A_194 = arith.constant 112 : index
      %swap3A_195 = tpu.vector_load %arg7[%swap3A_194] {strides = array<i32>} : memref<128xi32, #tpu.memory_space<vmem>>, vector<16xi32>,
      %swap3A_196 = vector.shape_cast %swap3A_195 : vector<16xi32> to vector<16xi32>
      %swap3A_197 = vector.shape_cast %add3A_193 : vector<16xi32> to vector<16xi32>
      tpu.vector_store %arg7[%swap3A_194], %swap3A_197 {strides = array<i32>} : memref<128xi32, #tpu.memory_space<vmem>>, vector<16xi32>,
      %dma_start3A = arith.constant 0 : i32
      %dma_start3A_198 = arith.constant 0 : i32
      %dma_start3A_199 = tpu.memref_slice %arg2[%dma_start3A, %dma_start3A_198] : memref<20000x128xf32, #tpu.memory_space<hbm>> -> memref<20000x128xf32, #tpu.memory_space<hbm>>
      tpu.enqueue_indirect_dma source(%dma_start3A_199 : memref<20000x128xf32, #tpu.memory_space<hbm>>) target(%arg11 : memref<128x128xf32, #tpu.memory_space<vmem>>) offsets(%arg7 : memref<128xi32, #tpu.memory_space<vmem>>) semaphore(%arg15 : memref<!tpu.dma_semaphore, #tpu.memory_space<semaphore_mem>>)
      %mul3A_200 = arith.constant 128 : i32
      %mul3A_201 = arith.muli %add3A_96, %mul3A_200 : i32
      %add3A_202 = arith.addi %mul3A_64, %mul3A_201 : i32
      %dma_start3A_203 = arith.constant 0 : i32
      %dma_start3A_204 = tpu.memref_slice %arg3[%arg0, %add3A_202, %dma_start3A_203] : memref<2x163840x128xf32, #tpu.memory_space<hbm>> -> memref<1x128x128xf32, #tpu.memory_space<hbm>>
      %dma_start3A_205 = tpu.memref_squeeze %dma_start3A_204 : memref<1x128x128xf32, #tpu.memory_space<hbm>> -> memref<128x128xf32, #tpu.memory_space<hbm>>
      %dma_start3A_206 = arith.constant 0 : i32
      %dma_start3A_207 = tpu.memref_slice %arg3[%arg0, %add3A_202, %dma_start3A_206] : memref<2x163840x128xf32, #tpu.memory_space<hbm>> -> memref<1x128x128xf32, #tpu.memory_space<hbm>>
      %dma_start3A_208 = tpu.memref_squeeze %dma_start3A_207 : memref<1x128x128xf32, #tpu.memory_space<hbm>> -> memref<128x128xf32, #tpu.memory_space<hbm>>
      tpu.enqueue_dma source(%dma_start3A_208 : memref<128x128xf32, #tpu.memory_space<hbm>>) target(%arg12 : memref<128x128xf32, #tpu.memory_space<vmem>>) target_semaphore(%arg16 : memref<!tpu.dma_semaphore, #tpu.memory_space<semaphore_mem>>)
      "tpu.region"() ({
        %run_scoped3A = tpu.sem_alloc : memref<!tpu.dma_semaphore, #tpu.memory_space<semaphore_mem>>
        %dma_start3A_356 = arith.constant 0 : i32
        %dma_start3A_357 = arith.constant 0 : i32
        %dma_start3A_358 = tpu.memref_slice %arg14[%dma_start3A_356, %dma_start3A_357] : memref<10112x128xf32, #tpu.memory_space<vmem_shared>> -> memref<10112x128xf32, #tpu.memory_space<vmem_shared>>
        tpu.enqueue_indirect_dma source(%arg13 : memref<128x128xf32, #tpu.memory_space<vmem>>) target(%dma_start3A_358 : memref<10112x128xf32, #tpu.memory_space<vmem_shared>>) offsets(%arg10 : memref<128xi32, #tpu.memory_space<vmem>>) semaphore(%run_scoped3A : memref<!tpu.dma_semaphore, #tpu.memory_space<semaphore_mem>>) {add = true}
        %dma_wait3A_359 = arith.constant 0 : i32
        %dma_wait3A_360 = arith.constant 0 : i32
        %dma_wait3A_361 = tpu.memref_slice %arg14[%dma_wait3A_359, %dma_wait3A_360] : memref<10112x128xf32, #tpu.memory_space<vmem_shared>> -> memref<10112x128xf32, #tpu.memory_space<vmem_shared>>
        tpu.wait_indirect_dma semaphore(%run_scoped3A : memref<!tpu.dma_semaphore, #tpu.memory_space<semaphore_mem>>) src(%arg13 : memref<128x128xf32, #tpu.memory_space<vmem>>) dst(%dma_wait3A_361 : memref<10112x128xf32, #tpu.memory_space<vmem_shared>>)
        tpu.yield
      }) : () -> ()
      %dma_wait3A = arith.constant 0 : i32
      %dma_wait3A_209 = arith.constant 0 : i32
      %dma_wait3A_210 = tpu.memref_slice %arg2[%dma_wait3A, %dma_wait3A_209] : memref<20000x128xf32, #tpu.memory_space<hbm>> -> memref<20000x128xf32, #tpu.memory_space<hbm>>
      tpu.wait_indirect_dma semaphore(%arg15 : memref<!tpu.dma_semaphore, #tpu.memory_space<semaphore_mem>>) src(%dma_wait3A_210 : memref<20000x128xf32, #tpu.memory_space<hbm>>) dst(%arg11 : memref<128x128xf32, #tpu.memory_space<vmem>>)
      %dma_wait3A_211 = arith.constant 0 : i32
      %dma_wait3A_212 = tpu.memref_slice %arg3[%arg0, %add3A_202, %dma_wait3A_211] : memref<2x163840x128xf32, #tpu.memory_space<hbm>> -> memref<1x128x128xf32, #tpu.memory_space<hbm>>
      %dma_wait3A_213 = tpu.memref_squeeze %dma_wait3A_212 : memref<1x128x128xf32, #tpu.memory_space<hbm>> -> memref<128x128xf32, #tpu.memory_space<hbm>>
      %dma_wait3A_214 = arith.constant 0 : i32
      %dma_wait3A_215 = tpu.memref_slice %arg3[%arg0, %add3A_202, %dma_wait3A_214] : memref<2x163840x128xf32, #tpu.memory_space<hbm>> -> memref<1x128x128xf32, #tpu.memory_space<hbm>>
      %dma_wait3A_216 = tpu.memref_squeeze %dma_wait3A_215 : memref<1x128x128xf32, #tpu.memory_space<hbm>> -> memref<128x128xf32, #tpu.memory_space<hbm>>
      tpu.wait_dma2 semaphore(%arg16 : memref<!tpu.dma_semaphore, #tpu.memory_space<semaphore_mem>>) src(%dma_wait3A_216 : memref<128x128xf32, #tpu.memory_space<hbm>>) dst(%arg12 : memref<128x128xf32, #tpu.memory_space<vmem>>)
      %scan3A_217 = arith.constant 0 : i32
      %scan3A_218 = arith.constant 0 : i32
      %scan3A_219 = arith.constant 128 : i32
      %scan3A_220 = arith.addi %scan3A_218, %scan3A_219 : i32
      %scan3A_221 = arith.constant 1 : i32
      scf.for %scan3A_356 = %scan3A_218 to %scan3A_220 step %scan3A_221  : i32 {
        %get3A_357 = arith.index_cast %scan3A_356 : i32 to index
        %get3A_358 = arith.constant 0 : index
        %get3A_359 = tpu.vector_load %arg11[%get3A_357, %get3A_358] {strides = array<i32>} : memref<128x128xf32, #tpu.memory_space<vmem>>, vector<1x16xf32>,
        %get3A_360 = vector.shape_cast %get3A_359 : vector<1x16xf32> to vector<16xf32>
        %get3A_361 = arith.index_cast %scan3A_356 : i32 to index
        %get3A_362 = arith.constant 0 : index
        %get3A_363 = tpu.vector_load %arg12[%get3A_361, %get3A_362] {strides = array<i32>} : memref<128x128xf32, #tpu.memory_space<vmem>>, vector<1x16xf32>,
        %get3A_364 = vector.shape_cast %get3A_363 : vector<1x16xf32> to vector<16xf32>
        %add3A_365 = arith.addf %get3A_360, %get3A_364 : vector<16xf32>
        %max3A = arith.constant 0.000000e+00 : f32
        %max3A_366 = vector.broadcast %max3A : f32 to vector<16xf32>
        %max3A_367 = arith.maximumf %add3A_365, %max3A_366 : vector<16xf32>
        %swap3A_368 = arith.index_cast %scan3A_356 : i32 to index
        %swap3A_369 = arith.constant 0 : index
        %swap3A_370 = tpu.vector_load %arg12[%swap3A_368, %swap3A_369] {strides = array<i32>} : memref<128x128xf32, #tpu.memory_space<vmem>>, vector<1x16xf32>,
        %swap3A_371 = vector.shape_cast %swap3A_370 : vector<1x16xf32> to vector<16xf32>
        %swap3A_372 = vector.shape_cast %max3A_367 : vector<16xf32> to vector<1x16xf32>
        tpu.vector_store %arg12[%swap3A_368, %swap3A_369], %swap3A_372 {strides = array<i32>} : memref<128x128xf32, #tpu.memory_space<vmem>>, vector<1x16xf32>,
        %get3A_373 = arith.index_cast %scan3A_356 : i32 to index
        %get3A_374 = arith.constant 16 : index
        %get3A_375 = tpu.vector_load %arg11[%get3A_373, %get3A_374] {strides = array<i32>} : memref<128x128xf32, #tpu.memory_space<vmem>>, vector<1x16xf32>,
        %get3A_376 = vector.shape_cast %get3A_375 : vector<1x16xf32> to vector<16xf32>
        %get3A_377 = arith.index_cast %scan3A_356 : i32 to index
        %get3A_378 = arith.constant 16 : index
        %get3A_379 = tpu.vector_load %arg12[%get3A_377, %get3A_378] {strides = array<i32>} : memref<128x128xf32, #tpu.memory_space<vmem>>, vector<1x16xf32>,
        %get3A_380 = vector.shape_cast %get3A_379 : vector<1x16xf32> to vector<16xf32>
        %add3A_381 = arith.addf %get3A_376, %get3A_380 : vector<16xf32>
        %max3A_382 = arith.constant 0.000000e+00 : f32
        %max3A_383 = vector.broadcast %max3A_382 : f32 to vector<16xf32>
        %max3A_384 = arith.maximumf %add3A_381, %max3A_383 : vector<16xf32>
        %swap3A_385 = arith.index_cast %scan3A_356 : i32 to index
        %swap3A_386 = arith.constant 16 : index
        %swap3A_387 = tpu.vector_load %arg12[%swap3A_385, %swap3A_386] {strides = array<i32>} : memref<128x128xf32, #tpu.memory_space<vmem>>, vector<1x16xf32>,
        %swap3A_388 = vector.shape_cast %swap3A_387 : vector<1x16xf32> to vector<16xf32>
        %swap3A_389 = vector.shape_cast %max3A_384 : vector<16xf32> to vector<1x16xf32>
        tpu.vector_store %arg12[%swap3A_385, %swap3A_386], %swap3A_389 {strides = array<i32>} : memref<128x128xf32, #tpu.memory_space<vmem>>, vector<1x16xf32>,
        %get3A_390 = arith.index_cast %scan3A_356 : i32 to index
        %get3A_391 = arith.constant 32 : index
        %get3A_392 = tpu.vector_load %arg11[%get3A_390, %get3A_391] {strides = array<i32>} : memref<128x128xf32, #tpu.memory_space<vmem>>, vector<1x16xf32>,
        %get3A_393 = vector.shape_cast %get3A_392 : vector<1x16xf32> to vector<16xf32>
        %get3A_394 = arith.index_cast %scan3A_356 : i32 to index
        %get3A_395 = arith.constant 32 : index
        %get3A_396 = tpu.vector_load %arg12[%get3A_394, %get3A_395] {strides = array<i32>} : memref<128x128xf32, #tpu.memory_space<vmem>>, vector<1x16xf32>,
        %get3A_397 = vector.shape_cast %get3A_396 : vector<1x16xf32> to vector<16xf32>
        %add3A_398 = arith.addf %get3A_393, %get3A_397 : vector<16xf32>
        %max3A_399 = arith.constant 0.000000e+00 : f32
        %max3A_400 = vector.broadcast %max3A_399 : f32 to vector<16xf32>
        %max3A_401 = arith.maximumf %add3A_398, %max3A_400 : vector<16xf32>
        %swap3A_402 = arith.index_cast %scan3A_356 : i32 to index
        %swap3A_403 = arith.constant 32 : index
        %swap3A_404 = tpu.vector_load %arg12[%swap3A_402, %swap3A_403] {strides = array<i32>} : memref<128x128xf32, #tpu.memory_space<vmem>>, vector<1x16xf32>,
        %swap3A_405 = vector.shape_cast %swap3A_404 : vector<1x16xf32> to vector<16xf32>
        %swap3A_406 = vector.shape_cast %max3A_401 : vector<16xf32> to vector<1x16xf32>
        tpu.vector_store %arg12[%swap3A_402, %swap3A_403], %swap3A_406 {strides = array<i32>} : memref<128x128xf32, #tpu.memory_space<vmem>>, vector<1x16xf32>,
        %get3A_407 = arith.index_cast %scan3A_356 : i32 to index
        %get3A_408 = arith.constant 48 : index
        %get3A_409 = tpu.vector_load %arg11[%get3A_407, %get3A_408] {strides = array<i32>} : memref<128x128xf32, #tpu.memory_space<vmem>>, vector<1x16xf32>,
        %get3A_410 = vector.shape_cast %get3A_409 : vector<1x16xf32> to vector<16xf32>
        %get3A_411 = arith.index_cast %scan3A_356 : i32 to index
        %get3A_412 = arith.constant 48 : index
        %get3A_413 = tpu.vector_load %arg12[%get3A_411, %get3A_412] {strides = array<i32>} : memref<128x128xf32, #tpu.memory_space<vmem>>, vector<1x16xf32>,
        %get3A_414 = vector.shape_cast %get3A_413 : vector<1x16xf32> to vector<16xf32>
        %add3A_415 = arith.addf %get3A_410, %get3A_414 : vector<16xf32>
        %max3A_416 = arith.constant 0.000000e+00 : f32
        %max3A_417 = vector.broadcast %max3A_416 : f32 to vector<16xf32>
        %max3A_418 = arith.maximumf %add3A_415, %max3A_417 : vector<16xf32>
        %swap3A_419 = arith.index_cast %scan3A_356 : i32 to index
        %swap3A_420 = arith.constant 48 : index
        %swap3A_421 = tpu.vector_load %arg12[%swap3A_419, %swap3A_420] {strides = array<i32>} : memref<128x128xf32, #tpu.memory_space<vmem>>, vector<1x16xf32>,
        %swap3A_422 = vector.shape_cast %swap3A_421 : vector<1x16xf32> to vector<16xf32>
        %swap3A_423 = vector.shape_cast %max3A_418 : vector<16xf32> to vector<1x16xf32>
        tpu.vector_store %arg12[%swap3A_419, %swap3A_420], %swap3A_423 {strides = array<i32>} : memref<128x128xf32, #tpu.memory_space<vmem>>, vector<1x16xf32>,
        %get3A_424 = arith.index_cast %scan3A_356 : i32 to index
        %get3A_425 = arith.constant 64 : index
        %get3A_426 = tpu.vector_load %arg11[%get3A_424, %get3A_425] {strides = array<i32>} : memref<128x128xf32, #tpu.memory_space<vmem>>, vector<1x16xf32>,
        %get3A_427 = vector.shape_cast %get3A_426 : vector<1x16xf32> to vector<16xf32>
        %get3A_428 = arith.index_cast %scan3A_356 : i32 to index
        %get3A_429 = arith.constant 64 : index
        %get3A_430 = tpu.vector_load %arg12[%get3A_428, %get3A_429] {strides = array<i32>} : memref<128x128xf32, #tpu.memory_space<vmem>>, vector<1x16xf32>,
        %get3A_431 = vector.shape_cast %get3A_430 : vector<1x16xf32> to vector<16xf32>
        %add3A_432 = arith.addf %get3A_427, %get3A_431 : vector<16xf32>
        %max3A_433 = arith.constant 0.000000e+00 : f32
        %max3A_434 = vector.broadcast %max3A_433 : f32 to vector<16xf32>
        %max3A_435 = arith.maximumf %add3A_432, %max3A_434 : vector<16xf32>
        %swap3A_436 = arith.index_cast %scan3A_356 : i32 to index
        %swap3A_437 = arith.constant 64 : index
        %swap3A_438 = tpu.vector_load %arg12[%swap3A_436, %swap3A_437] {strides = array<i32>} : memref<128x128xf32, #tpu.memory_space<vmem>>, vector<1x16xf32>,
        %swap3A_439 = vector.shape_cast %swap3A_438 : vector<1x16xf32> to vector<16xf32>
        %swap3A_440 = vector.shape_cast %max3A_435 : vector<16xf32> to vector<1x16xf32>
        tpu.vector_store %arg12[%swap3A_436, %swap3A_437], %swap3A_440 {strides = array<i32>} : memref<128x128xf32, #tpu.memory_space<vmem>>, vector<1x16xf32>,
        %get3A_441 = arith.index_cast %scan3A_356 : i32 to index
        %get3A_442 = arith.constant 80 : index
        %get3A_443 = tpu.vector_load %arg11[%get3A_441, %get3A_442] {strides = array<i32>} : memref<128x128xf32, #tpu.memory_space<vmem>>, vector<1x16xf32>,
        %get3A_444 = vector.shape_cast %get3A_443 : vector<1x16xf32> to vector<16xf32>
        %get3A_445 = arith.index_cast %scan3A_356 : i32 to index
        %get3A_446 = arith.constant 80 : index
        %get3A_447 = tpu.vector_load %arg12[%get3A_445, %get3A_446] {strides = array<i32>} : memref<128x128xf32, #tpu.memory_space<vmem>>, vector<1x16xf32>,
        %get3A_448 = vector.shape_cast %get3A_447 : vector<1x16xf32> to vector<16xf32>
        %add3A_449 = arith.addf %get3A_444, %get3A_448 : vector<16xf32>
        %max3A_450 = arith.constant 0.000000e+00 : f32
        %max3A_451 = vector.broadcast %max3A_450 : f32 to vector<16xf32>
        %max3A_452 = arith.maximumf %add3A_449, %max3A_451 : vector<16xf32>
        %swap3A_453 = arith.index_cast %scan3A_356 : i32 to index
        %swap3A_454 = arith.constant 80 : index
        %swap3A_455 = tpu.vector_load %arg12[%swap3A_453, %swap3A_454] {strides = array<i32>} : memref<128x128xf32, #tpu.memory_space<vmem>>, vector<1x16xf32>,
        %swap3A_456 = vector.shape_cast %swap3A_455 : vector<1x16xf32> to vector<16xf32>
        %swap3A_457 = vector.shape_cast %max3A_452 : vector<16xf32> to vector<1x16xf32>
        tpu.vector_store %arg12[%swap3A_453, %swap3A_454], %swap3A_457 {strides = array<i32>} : memref<128x128xf32, #tpu.memory_space<vmem>>, vector<1x16xf32>,
        %get3A_458 = arith.index_cast %scan3A_356 : i32 to index
        %get3A_459 = arith.constant 96 : index
        %get3A_460 = tpu.vector_load %arg11[%get3A_458, %get3A_459] {strides = array<i32>} : memref<128x128xf32, #tpu.memory_space<vmem>>, vector<1x16xf32>,
        %get3A_461 = vector.shape_cast %get3A_460 : vector<1x16xf32> to vector<16xf32>
        %get3A_462 = arith.index_cast %scan3A_356 : i32 to index
        %get3A_463 = arith.constant 96 : index
        %get3A_464 = tpu.vector_load %arg12[%get3A_462, %get3A_463] {strides = array<i32>} : memref<128x128xf32, #tpu.memory_space<vmem>>, vector<1x16xf32>,
        %get3A_465 = vector.shape_cast %get3A_464 : vector<1x16xf32> to vector<16xf32>
        %add3A_466 = arith.addf %get3A_461, %get3A_465 : vector<16xf32>
        %max3A_467 = arith.constant 0.000000e+00 : f32
        %max3A_468 = vector.broadcast %max3A_467 : f32 to vector<16xf32>
        %max3A_469 = arith.maximumf %add3A_466, %max3A_468 : vector<16xf32>
        %swap3A_470 = arith.index_cast %scan3A_356 : i32 to index
        %swap3A_471 = arith.constant 96 : index
        %swap3A_472 = tpu.vector_load %arg12[%swap3A_470, %swap3A_471] {strides = array<i32>} : memref<128x128xf32, #tpu.memory_space<vmem>>, vector<1x16xf32>,
        %swap3A_473 = vector.shape_cast %swap3A_472 : vector<1x16xf32> to vector<16xf32>
        %swap3A_474 = vector.shape_cast %max3A_469 : vector<16xf32> to vector<1x16xf32>
        tpu.vector_store %arg12[%swap3A_470, %swap3A_471], %swap3A_474 {strides = array<i32>} : memref<128x128xf32, #tpu.memory_space<vmem>>, vector<1x16xf32>,
        %get3A_475 = arith.index_cast %scan3A_356 : i32 to index
        %get3A_476 = arith.constant 112 : index
        %get3A_477 = tpu.vector_load %arg11[%get3A_475, %get3A_476] {strides = array<i32>} : memref<128x128xf32, #tpu.memory_space<vmem>>, vector<1x16xf32>,
        %get3A_478 = vector.shape_cast %get3A_477 : vector<1x16xf32> to vector<16xf32>
        %get3A_479 = arith.index_cast %scan3A_356 : i32 to index
        %get3A_480 = arith.constant 112 : index
        %get3A_481 = tpu.vector_load %arg12[%get3A_479, %get3A_480] {strides = array<i32>} : memref<128x128xf32, #tpu.memory_space<vmem>>, vector<1x16xf32>,
        %get3A_482 = vector.shape_cast %get3A_481 : vector<1x16xf32> to vector<16xf32>
        %add3A_483 = arith.addf %get3A_478, %get3A_482 : vector<16xf32>
        %max3A_484 = arith.constant 0.000000e+00 : f32
        %max3A_485 = vector.broadcast %max3A_484 : f32 to vector<16xf32>
        %max3A_486 = arith.maximumf %add3A_483, %max3A_485 : vector<16xf32>
        %swap3A_487 = arith.index_cast %scan3A_356 : i32 to index
        %swap3A_488 = arith.constant 112 : index
        %swap3A_489 = tpu.vector_load %arg12[%swap3A_487, %swap3A_488] {strides = array<i32>} : memref<128x128xf32, #tpu.memory_space<vmem>>, vector<1x16xf32>,
        %swap3A_490 = vector.shape_cast %swap3A_489 : vector<1x16xf32> to vector<16xf32>
        %swap3A_491 = vector.shape_cast %max3A_486 : vector<16xf32> to vector<1x16xf32>
        tpu.vector_store %arg12[%swap3A_487, %swap3A_488], %swap3A_491 {strides = array<i32>} : memref<128x128xf32, #tpu.memory_space<vmem>>, vector<1x16xf32>,
      }
      %scan3A_222 = arith.constant 128 : i32
      %mul3A_223 = arith.constant 2 : i32
      %mul3A_224 = arith.muli %scan3A_92, %mul3A_223 : i32
      %add3A_225 = arith.constant 1 : i32
      %add3A_226 = arith.addi %mul3A_224, %add3A_225 : i32
      %mul3A_227 = arith.constant 128 : i32
      %mul3A_228 = arith.muli %add3A_226, %mul3A_227 : i32
      %add3A_229 = arith.addi %mul3A_64, %mul3A_228 : i32
      "tpu.region"() ({
        %run_scoped3A = tpu.sem_alloc : memref<!tpu.dma_semaphore, #tpu.memory_space<semaphore_mem>>
        %dma_start3A_356 = tpu.memref_slice %arg4[%add3A_229] : memref<163840xi32, #tpu.memory_space<hbm>> -> memref<128xi32, #tpu.memory_space<hbm>>
        %dma_start3A_357 = tpu.memref_slice %arg4[%add3A_229] : memref<163840xi32, #tpu.memory_space<hbm>> -> memref<128xi32, #tpu.memory_space<hbm>>
        tpu.enqueue_dma source(%dma_start3A_357 : memref<128xi32, #tpu.memory_space<hbm>>) target(%arg8 : memref<128xi32, #tpu.memory_space<vmem>>) target_semaphore(%run_scoped3A : memref<!tpu.dma_semaphore, #tpu.memory_space<semaphore_mem>>)
        %dma_wait3A_358 = tpu.memref_slice %arg4[%add3A_229] : memref<163840xi32, #tpu.memory_space<hbm>> -> memref<128xi32, #tpu.memory_space<hbm>>
        %dma_wait3A_359 = tpu.memref_slice %arg4[%add3A_229] : memref<163840xi32, #tpu.memory_space<hbm>> -> memref<128xi32, #tpu.memory_space<hbm>>
        tpu.wait_dma2 semaphore(%run_scoped3A : memref<!tpu.dma_semaphore, #tpu.memory_space<semaphore_mem>>) src(%dma_wait3A_359 : memref<128xi32, #tpu.memory_space<hbm>>) dst(%arg8 : memref<128xi32, #tpu.memory_space<vmem>>)
        tpu.yield
      }) : () -> ()
      %mul3A_230 = arith.constant 128 : i32
      %mul3A_231 = arith.muli %add3A_226, %mul3A_230 : i32
      %add3A_232 = arith.addi %mul3A_64, %mul3A_231 : i32
      "tpu.region"() ({
        %run_scoped3A = tpu.sem_alloc : memref<!tpu.dma_semaphore, #tpu.memory_space<semaphore_mem>>
        %dma_start3A_356 = tpu.memref_slice %arg5[%add3A_232] : memref<163840xi32, #tpu.memory_space<hbm>> -> memref<128xi32, #tpu.memory_space<hbm>>
        %dma_start3A_357 = tpu.memref_slice %arg5[%add3A_232] : memref<163840xi32, #tpu.memory_space<hbm>> -> memref<128xi32, #tpu.memory_space<hbm>>
        tpu.enqueue_dma source(%dma_start3A_357 : memref<128xi32, #tpu.memory_space<hbm>>) target(%arg10 : memref<128xi32, #tpu.memory_space<vmem>>) target_semaphore(%run_scoped3A : memref<!tpu.dma_semaphore, #tpu.memory_space<semaphore_mem>>)
        %dma_wait3A_358 = tpu.memref_slice %arg5[%add3A_232] : memref<163840xi32, #tpu.memory_space<hbm>> -> memref<128xi32, #tpu.memory_space<hbm>>
        %dma_wait3A_359 = tpu.memref_slice %arg5[%add3A_232] : memref<163840xi32, #tpu.memory_space<hbm>> -> memref<128xi32, #tpu.memory_space<hbm>>
        tpu.wait_dma2 semaphore(%run_scoped3A : memref<!tpu.dma_semaphore, #tpu.memory_space<semaphore_mem>>) src(%dma_wait3A_359 : memref<128xi32, #tpu.memory_space<hbm>>) dst(%arg10 : memref<128xi32, #tpu.memory_space<vmem>>)
        tpu.yield
      }) : () -> ()
      %get3A_233 = arith.constant 0 : index
      %get3A_234 = tpu.vector_load %arg8[%get3A_233] {strides = array<i32>} : memref<128xi32, #tpu.memory_space<vmem>>, vector<16xi32>,
      %get3A_235 = vector.shape_cast %get3A_234 : vector<16xi32> to vector<16xi32>
      %mul3A_236 = arith.constant 2 : i32
      %mul3A_237 = vector.broadcast %mul3A_236 : i32 to vector<16xi32>
      %mul3A_238 = arith.muli %get3A_235, %mul3A_237 : vector<16xi32>
      %add3A_239 = vector.broadcast %arg0 : i32 to vector<16xi32>
      %add3A_240 = arith.addi %mul3A_238, %add3A_239 : vector<16xi32>
      %swap3A_241 = arith.constant 0 : index
      %swap3A_242 = tpu.vector_load %arg8[%swap3A_241] {strides = array<i32>} : memref<128xi32, #tpu.memory_space<vmem>>, vector<16xi32>,
      %swap3A_243 = vector.shape_cast %swap3A_242 : vector<16xi32> to vector<16xi32>
      %swap3A_244 = vector.shape_cast %add3A_240 : vector<16xi32> to vector<16xi32>
      tpu.vector_store %arg8[%swap3A_241], %swap3A_244 {strides = array<i32>} : memref<128xi32, #tpu.memory_space<vmem>>, vector<16xi32>,
      %get3A_245 = arith.constant 16 : index
      %get3A_246 = tpu.vector_load %arg8[%get3A_245] {strides = array<i32>} : memref<128xi32, #tpu.memory_space<vmem>>, vector<16xi32>,
      %get3A_247 = vector.shape_cast %get3A_246 : vector<16xi32> to vector<16xi32>
      %mul3A_248 = arith.constant 2 : i32
      %mul3A_249 = vector.broadcast %mul3A_248 : i32 to vector<16xi32>
      %mul3A_250 = arith.muli %get3A_247, %mul3A_249 : vector<16xi32>
      %add3A_251 = vector.broadcast %arg0 : i32 to vector<16xi32>
      %add3A_252 = arith.addi %mul3A_250, %add3A_251 : vector<16xi32>
      %swap3A_253 = arith.constant 16 : index
      %swap3A_254 = tpu.vector_load %arg8[%swap3A_253] {strides = array<i32>} : memref<128xi32, #tpu.memory_space<vmem>>, vector<16xi32>,
      %swap3A_255 = vector.shape_cast %swap3A_254 : vector<16xi32> to vector<16xi32>
      %swap3A_256 = vector.shape_cast %add3A_252 : vector<16xi32> to vector<16xi32>
      tpu.vector_store %arg8[%swap3A_253], %swap3A_256 {strides = array<i32>} : memref<128xi32, #tpu.memory_space<vmem>>, vector<16xi32>,
      %get3A_257 = arith.constant 32 : index
      %get3A_258 = tpu.vector_load %arg8[%get3A_257] {strides = array<i32>} : memref<128xi32, #tpu.memory_space<vmem>>, vector<16xi32>,
      %get3A_259 = vector.shape_cast %get3A_258 : vector<16xi32> to vector<16xi32>
      %mul3A_260 = arith.constant 2 : i32
      %mul3A_261 = vector.broadcast %mul3A_260 : i32 to vector<16xi32>
      %mul3A_262 = arith.muli %get3A_259, %mul3A_261 : vector<16xi32>
      %add3A_263 = vector.broadcast %arg0 : i32 to vector<16xi32>
      %add3A_264 = arith.addi %mul3A_262, %add3A_263 : vector<16xi32>
      %swap3A_265 = arith.constant 32 : index
      %swap3A_266 = tpu.vector_load %arg8[%swap3A_265] {strides = array<i32>} : memref<128xi32, #tpu.memory_space<vmem>>, vector<16xi32>,
      %swap3A_267 = vector.shape_cast %swap3A_266 : vector<16xi32> to vector<16xi32>
      %swap3A_268 = vector.shape_cast %add3A_264 : vector<16xi32> to vector<16xi32>
      tpu.vector_store %arg8[%swap3A_265], %swap3A_268 {strides = array<i32>} : memref<128xi32, #tpu.memory_space<vmem>>, vector<16xi32>,
      %get3A_269 = arith.constant 48 : index
      %get3A_270 = tpu.vector_load %arg8[%get3A_269] {strides = array<i32>} : memref<128xi32, #tpu.memory_space<vmem>>, vector<16xi32>,
      %get3A_271 = vector.shape_cast %get3A_270 : vector<16xi32> to vector<16xi32>
      %mul3A_272 = arith.constant 2 : i32
      %mul3A_273 = vector.broadcast %mul3A_272 : i32 to vector<16xi32>
      %mul3A_274 = arith.muli %get3A_271, %mul3A_273 : vector<16xi32>
      %add3A_275 = vector.broadcast %arg0 : i32 to vector<16xi32>
      %add3A_276 = arith.addi %mul3A_274, %add3A_275 : vector<16xi32>
      %swap3A_277 = arith.constant 48 : index
      %swap3A_278 = tpu.vector_load %arg8[%swap3A_277] {strides = array<i32>} : memref<128xi32, #tpu.memory_space<vmem>>, vector<16xi32>,
      %swap3A_279 = vector.shape_cast %swap3A_278 : vector<16xi32> to vector<16xi32>
      %swap3A_280 = vector.shape_cast %add3A_276 : vector<16xi32> to vector<16xi32>
      tpu.vector_store %arg8[%swap3A_277], %swap3A_280 {strides = array<i32>} : memref<128xi32, #tpu.memory_space<vmem>>, vector<16xi32>,
      %get3A_281 = arith.constant 64 : index
      %get3A_282 = tpu.vector_load %arg8[%get3A_281] {strides = array<i32>} : memref<128xi32, #tpu.memory_space<vmem>>, vector<16xi32>,
      %get3A_283 = vector.shape_cast %get3A_282 : vector<16xi32> to vector<16xi32>
      %mul3A_284 = arith.constant 2 : i32
      %mul3A_285 = vector.broadcast %mul3A_284 : i32 to vector<16xi32>
      %mul3A_286 = arith.muli %get3A_283, %mul3A_285 : vector<16xi32>
      %add3A_287 = vector.broadcast %arg0 : i32 to vector<16xi32>
      %add3A_288 = arith.addi %mul3A_286, %add3A_287 : vector<16xi32>
      %swap3A_289 = arith.constant 64 : index
      %swap3A_290 = tpu.vector_load %arg8[%swap3A_289] {strides = array<i32>} : memref<128xi32, #tpu.memory_space<vmem>>, vector<16xi32>,
      %swap3A_291 = vector.shape_cast %swap3A_290 : vector<16xi32> to vector<16xi32>
      %swap3A_292 = vector.shape_cast %add3A_288 : vector<16xi32> to vector<16xi32>
      tpu.vector_store %arg8[%swap3A_289], %swap3A_292 {strides = array<i32>} : memref<128xi32, #tpu.memory_space<vmem>>, vector<16xi32>,
      %get3A_293 = arith.constant 80 : index
      %get3A_294 = tpu.vector_load %arg8[%get3A_293] {strides = array<i32>} : memref<128xi32, #tpu.memory_space<vmem>>, vector<16xi32>,
      %get3A_295 = vector.shape_cast %get3A_294 : vector<16xi32> to vector<16xi32>
      %mul3A_296 = arith.constant 2 : i32
      %mul3A_297 = vector.broadcast %mul3A_296 : i32 to vector<16xi32>
      %mul3A_298 = arith.muli %get3A_295, %mul3A_297 : vector<16xi32>
      %add3A_299 = vector.broadcast %arg0 : i32 to vector<16xi32>
      %add3A_300 = arith.addi %mul3A_298, %add3A_299 : vector<16xi32>
      %swap3A_301 = arith.constant 80 : index
      %swap3A_302 = tpu.vector_load %arg8[%swap3A_301] {strides = array<i32>} : memref<128xi32, #tpu.memory_space<vmem>>, vector<16xi32>,
      %swap3A_303 = vector.shape_cast %swap3A_302 : vector<16xi32> to vector<16xi32>
      %swap3A_304 = vector.shape_cast %add3A_300 : vector<16xi32> to vector<16xi32>
      tpu.vector_store %arg8[%swap3A_301], %swap3A_304 {strides = array<i32>} : memref<128xi32, #tpu.memory_space<vmem>>, vector<16xi32>,
      %get3A_305 = arith.constant 96 : index
      %get3A_306 = tpu.vector_load %arg8[%get3A_305] {strides = array<i32>} : memref<128xi32, #tpu.memory_space<vmem>>, vector<16xi32>,
      %get3A_307 = vector.shape_cast %get3A_306 : vector<16xi32> to vector<16xi32>
      %mul3A_308 = arith.constant 2 : i32
      %mul3A_309 = vector.broadcast %mul3A_308 : i32 to vector<16xi32>
      %mul3A_310 = arith.muli %get3A_307, %mul3A_309 : vector<16xi32>
      %add3A_311 = vector.broadcast %arg0 : i32 to vector<16xi32>
      %add3A_312 = arith.addi %mul3A_310, %add3A_311 : vector<16xi32>
      %swap3A_313 = arith.constant 96 : index
      %swap3A_314 = tpu.vector_load %arg8[%swap3A_313] {strides = array<i32>} : memref<128xi32, #tpu.memory_space<vmem>>, vector<16xi32>,
      %swap3A_315 = vector.shape_cast %swap3A_314 : vector<16xi32> to vector<16xi32>
      %swap3A_316 = vector.shape_cast %add3A_312 : vector<16xi32> to vector<16xi32>
      tpu.vector_store %arg8[%swap3A_313], %swap3A_316 {strides = array<i32>} : memref<128xi32, #tpu.memory_space<vmem>>, vector<16xi32>,
      %get3A_317 = arith.constant 112 : index
      %get3A_318 = tpu.vector_load %arg8[%get3A_317] {strides = array<i32>} : memref<128xi32, #tpu.memory_space<vmem>>, vector<16xi32>,
      %get3A_319 = vector.shape_cast %get3A_318 : vector<16xi32> to vector<16xi32>
      %mul3A_320 = arith.constant 2 : i32
      %mul3A_321 = vector.broadcast %mul3A_320 : i32 to vector<16xi32>
      %mul3A_322 = arith.muli %get3A_319, %mul3A_321 : vector<16xi32>
      %add3A_323 = vector.broadcast %arg0 : i32 to vector<16xi32>
      %add3A_324 = arith.addi %mul3A_322, %add3A_323 : vector<16xi32>
      %swap3A_325 = arith.constant 112 : index
      %swap3A_326 = tpu.vector_load %arg8[%swap3A_325] {strides = array<i32>} : memref<128xi32, #tpu.memory_space<vmem>>, vector<16xi32>,
      %swap3A_327 = vector.shape_cast %swap3A_326 : vector<16xi32> to vector<16xi32>
      %swap3A_328 = vector.shape_cast %add3A_324 : vector<16xi32> to vector<16xi32>
      tpu.vector_store %arg8[%swap3A_325], %swap3A_328 {strides = array<i32>} : memref<128xi32, #tpu.memory_space<vmem>>, vector<16xi32>,
      %dma_start3A_329 = arith.constant 0 : i32
      %dma_start3A_330 = arith.constant 0 : i32
      %dma_start3A_331 = tpu.memref_slice %arg2[%dma_start3A_329, %dma_start3A_330] : memref<20000x128xf32, #tpu.memory_space<hbm>> -> memref<20000x128xf32, #tpu.memory_space<hbm>>
      tpu.enqueue_indirect_dma source(%dma_start3A_331 : memref<20000x128xf32, #tpu.memory_space<hbm>>) target(%arg11 : memref<128x128xf32, #tpu.memory_space<vmem>>) offsets(%arg8 : memref<128xi32, #tpu.memory_space<vmem>>) semaphore(%arg15 : memref<!tpu.dma_semaphore, #tpu.memory_space<semaphore_mem>>)
      %mul3A_332 = arith.constant 128 : i32
      %mul3A_333 = arith.muli %add3A_226, %mul3A_332 : i32
      %add3A_334 = arith.addi %mul3A_64, %mul3A_333 : i32
      %dma_start3A_335 = arith.constant 0 : i32
      %dma_start3A_336 = tpu.memref_slice %arg3[%arg0, %add3A_334, %dma_start3A_335] : memref<2x163840x128xf32, #tpu.memory_space<hbm>> -> memref<1x128x128xf32, #tpu.memory_space<hbm>>
      %dma_start3A_337 = tpu.memref_squeeze %dma_start3A_336 : memref<1x128x128xf32, #tpu.memory_space<hbm>> -> memref<128x128xf32, #tpu.memory_space<hbm>>
      %dma_start3A_338 = arith.constant 0 : i32
      %dma_start3A_339 = tpu.memref_slice %arg3[%arg0, %add3A_334, %dma_start3A_338] : memref<2x163840x128xf32, #tpu.memory_space<hbm>> -> memref<1x128x128xf32, #tpu.memory_space<hbm>>
      %dma_start3A_340 = tpu.memref_squeeze %dma_start3A_339 : memref<1x128x128xf32, #tpu.memory_space<hbm>> -> memref<128x128xf32, #tpu.memory_space<hbm>>
      tpu.enqueue_dma source(%dma_start3A_340 : memref<128x128xf32, #tpu.memory_space<hbm>>) target(%arg13 : memref<128x128xf32, #tpu.memory_space<vmem>>) target_semaphore(%arg16 : memref<!tpu.dma_semaphore, #tpu.memory_space<semaphore_mem>>)
      "tpu.region"() ({
        %run_scoped3A = tpu.sem_alloc : memref<!tpu.dma_semaphore, #tpu.memory_space<semaphore_mem>>
        %dma_start3A_356 = arith.constant 0 : i32
        %dma_start3A_357 = arith.constant 0 : i32
        %dma_start3A_358 = tpu.memref_slice %arg14[%dma_start3A_356, %dma_start3A_357] : memref<10112x128xf32, #tpu.memory_space<vmem_shared>> -> memref<10112x128xf32, #tpu.memory_space<vmem_shared>>
        tpu.enqueue_indirect_dma source(%arg12 : memref<128x128xf32, #tpu.memory_space<vmem>>) target(%dma_start3A_358 : memref<10112x128xf32, #tpu.memory_space<vmem_shared>>) offsets(%arg9 : memref<128xi32, #tpu.memory_space<vmem>>) semaphore(%run_scoped3A : memref<!tpu.dma_semaphore, #tpu.memory_space<semaphore_mem>>) {add = true}
        %dma_wait3A_359 = arith.constant 0 : i32
        %dma_wait3A_360 = arith.constant 0 : i32
        %dma_wait3A_361 = tpu.memref_slice %arg14[%dma_wait3A_359, %dma_wait3A_360] : memref<10112x128xf32, #tpu.memory_space<vmem_shared>> -> memref<10112x128xf32, #tpu.memory_space<vmem_shared>>
        tpu.wait_indirect_dma semaphore(%run_scoped3A : memref<!tpu.dma_semaphore, #tpu.memory_space<semaphore_mem>>) src(%arg12 : memref<128x128xf32, #tpu.memory_space<vmem>>) dst(%dma_wait3A_361 : memref<10112x128xf32, #tpu.memory_space<vmem_shared>>)
        tpu.yield
      }) : () -> ()
      %dma_wait3A_341 = arith.constant 0 : i32
      %dma_wait3A_342 = arith.constant 0 : i32
      %dma_wait3A_343 = tpu.memref_slice %arg2[%dma_wait3A_341, %dma_wait3A_342] : memref<20000x128xf32, #tpu.memory_space<hbm>> -> memref<20000x128xf32, #tpu.memory_space<hbm>>
      tpu.wait_indirect_dma semaphore(%arg15 : memref<!tpu.dma_semaphore, #tpu.memory_space<semaphore_mem>>) src(%dma_wait3A_343 : memref<20000x128xf32, #tpu.memory_space<hbm>>) dst(%arg11 : memref<128x128xf32, #tpu.memory_space<vmem>>)
      %dma_wait3A_344 = arith.constant 0 : i32
      %dma_wait3A_345 = tpu.memref_slice %arg3[%arg0, %add3A_334, %dma_wait3A_344] : memref<2x163840x128xf32, #tpu.memory_space<hbm>> -> memref<1x128x128xf32, #tpu.memory_space<hbm>>
      %dma_wait3A_346 = tpu.memref_squeeze %dma_wait3A_345 : memref<1x128x128xf32, #tpu.memory_space<hbm>> -> memref<128x128xf32, #tpu.memory_space<hbm>>
      %dma_wait3A_347 = arith.constant 0 : i32
      %dma_wait3A_348 = tpu.memref_slice %arg3[%arg0, %add3A_334, %dma_wait3A_347] : memref<2x163840x128xf32, #tpu.memory_space<hbm>> -> memref<1x128x128xf32, #tpu.memory_space<hbm>>
      %dma_wait3A_349 = tpu.memref_squeeze %dma_wait3A_348 : memref<1x128x128xf32, #tpu.memory_space<hbm>> -> memref<128x128xf32, #tpu.memory_space<hbm>>
      tpu.wait_dma2 semaphore(%arg16 : memref<!tpu.dma_semaphore, #tpu.memory_space<semaphore_mem>>) src(%dma_wait3A_349 : memref<128x128xf32, #tpu.memory_space<hbm>>) dst(%arg13 : memref<128x128xf32, #tpu.memory_space<vmem>>)
      %scan3A_350 = arith.constant 0 : i32
      %scan3A_351 = arith.constant 0 : i32
      %scan3A_352 = arith.constant 128 : i32
      %scan3A_353 = arith.addi %scan3A_351, %scan3A_352 : i32
      %scan3A_354 = arith.constant 1 : i32
      scf.for %scan3A_356 = %scan3A_351 to %scan3A_353 step %scan3A_354  : i32 {
        %get3A_357 = arith.index_cast %scan3A_356 : i32 to index
        %get3A_358 = arith.constant 0 : index
        %get3A_359 = tpu.vector_load %arg11[%get3A_357, %get3A_358] {strides = array<i32>} : memref<128x128xf32, #tpu.memory_space<vmem>>, vector<1x16xf32>,
        %get3A_360 = vector.shape_cast %get3A_359 : vector<1x16xf32> to vector<16xf32>
        %get3A_361 = arith.index_cast %scan3A_356 : i32 to index
        %get3A_362 = arith.constant 0 : index
        %get3A_363 = tpu.vector_load %arg13[%get3A_361, %get3A_362] {strides = array<i32>} : memref<128x128xf32, #tpu.memory_space<vmem>>, vector<1x16xf32>,
        %get3A_364 = vector.shape_cast %get3A_363 : vector<1x16xf32> to vector<16xf32>
        %add3A_365 = arith.addf %get3A_360, %get3A_364 : vector<16xf32>
        %max3A = arith.constant 0.000000e+00 : f32
        %max3A_366 = vector.broadcast %max3A : f32 to vector<16xf32>
        %max3A_367 = arith.maximumf %add3A_365, %max3A_366 : vector<16xf32>
        %swap3A_368 = arith.index_cast %scan3A_356 : i32 to index
        %swap3A_369 = arith.constant 0 : index
        %swap3A_370 = tpu.vector_load %arg13[%swap3A_368, %swap3A_369] {strides = array<i32>} : memref<128x128xf32, #tpu.memory_space<vmem>>, vector<1x16xf32>,
        %swap3A_371 = vector.shape_cast %swap3A_370 : vector<1x16xf32> to vector<16xf32>
        %swap3A_372 = vector.shape_cast %max3A_367 : vector<16xf32> to vector<1x16xf32>
        tpu.vector_store %arg13[%swap3A_368, %swap3A_369], %swap3A_372 {strides = array<i32>} : memref<128x128xf32, #tpu.memory_space<vmem>>, vector<1x16xf32>,
        %get3A_373 = arith.index_cast %scan3A_356 : i32 to index
        %get3A_374 = arith.constant 16 : index
        %get3A_375 = tpu.vector_load %arg11[%get3A_373, %get3A_374] {strides = array<i32>} : memref<128x128xf32, #tpu.memory_space<vmem>>, vector<1x16xf32>,
        %get3A_376 = vector.shape_cast %get3A_375 : vector<1x16xf32> to vector<16xf32>
        %get3A_377 = arith.index_cast %scan3A_356 : i32 to index
        %get3A_378 = arith.constant 16 : index
        %get3A_379 = tpu.vector_load %arg13[%get3A_377, %get3A_378] {strides = array<i32>} : memref<128x128xf32, #tpu.memory_space<vmem>>, vector<1x16xf32>,
        %get3A_380 = vector.shape_cast %get3A_379 : vector<1x16xf32> to vector<16xf32>
        %add3A_381 = arith.addf %get3A_376, %get3A_380 : vector<16xf32>
        %max3A_382 = arith.constant 0.000000e+00 : f32
        %max3A_383 = vector.broadcast %max3A_382 : f32 to vector<16xf32>
        %max3A_384 = arith.maximumf %add3A_381, %max3A_383 : vector<16xf32>
        %swap3A_385 = arith.index_cast %scan3A_356 : i32 to index
        %swap3A_386 = arith.constant 16 : index
        %swap3A_387 = tpu.vector_load %arg13[%swap3A_385, %swap3A_386] {strides = array<i32>} : memref<128x128xf32, #tpu.memory_space<vmem>>, vector<1x16xf32>,
        %swap3A_388 = vector.shape_cast %swap3A_387 : vector<1x16xf32> to vector<16xf32>
        %swap3A_389 = vector.shape_cast %max3A_384 : vector<16xf32> to vector<1x16xf32>
        tpu.vector_store %arg13[%swap3A_385, %swap3A_386], %swap3A_389 {strides = array<i32>} : memref<128x128xf32, #tpu.memory_space<vmem>>, vector<1x16xf32>,
        %get3A_390 = arith.index_cast %scan3A_356 : i32 to index
        %get3A_391 = arith.constant 32 : index
        %get3A_392 = tpu.vector_load %arg11[%get3A_390, %get3A_391] {strides = array<i32>} : memref<128x128xf32, #tpu.memory_space<vmem>>, vector<1x16xf32>,
        %get3A_393 = vector.shape_cast %get3A_392 : vector<1x16xf32> to vector<16xf32>
        %get3A_394 = arith.index_cast %scan3A_356 : i32 to index
        %get3A_395 = arith.constant 32 : index
        %get3A_396 = tpu.vector_load %arg13[%get3A_394, %get3A_395] {strides = array<i32>} : memref<128x128xf32, #tpu.memory_space<vmem>>, vector<1x16xf32>,
        %get3A_397 = vector.shape_cast %get3A_396 : vector<1x16xf32> to vector<16xf32>
        %add3A_398 = arith.addf %get3A_393, %get3A_397 : vector<16xf32>
        %max3A_399 = arith.constant 0.000000e+00 : f32
        %max3A_400 = vector.broadcast %max3A_399 : f32 to vector<16xf32>
        %max3A_401 = arith.maximumf %add3A_398, %max3A_400 : vector<16xf32>
        %swap3A_402 = arith.index_cast %scan3A_356 : i32 to index
        %swap3A_403 = arith.constant 32 : index
        %swap3A_404 = tpu.vector_load %arg13[%swap3A_402, %swap3A_403] {strides = array<i32>} : memref<128x128xf32, #tpu.memory_space<vmem>>, vector<1x16xf32>,
        %swap3A_405 = vector.shape_cast %swap3A_404 : vector<1x16xf32> to vector<16xf32>
        %swap3A_406 = vector.shape_cast %max3A_401 : vector<16xf32> to vector<1x16xf32>
        tpu.vector_store %arg13[%swap3A_402, %swap3A_403], %swap3A_406 {strides = array<i32>} : memref<128x128xf32, #tpu.memory_space<vmem>>, vector<1x16xf32>,
        %get3A_407 = arith.index_cast %scan3A_356 : i32 to index
        %get3A_408 = arith.constant 48 : index
        %get3A_409 = tpu.vector_load %arg11[%get3A_407, %get3A_408] {strides = array<i32>} : memref<128x128xf32, #tpu.memory_space<vmem>>, vector<1x16xf32>,
        %get3A_410 = vector.shape_cast %get3A_409 : vector<1x16xf32> to vector<16xf32>
        %get3A_411 = arith.index_cast %scan3A_356 : i32 to index
        %get3A_412 = arith.constant 48 : index
        %get3A_413 = tpu.vector_load %arg13[%get3A_411, %get3A_412] {strides = array<i32>} : memref<128x128xf32, #tpu.memory_space<vmem>>, vector<1x16xf32>,
        %get3A_414 = vector.shape_cast %get3A_413 : vector<1x16xf32> to vector<16xf32>
        %add3A_415 = arith.addf %get3A_410, %get3A_414 : vector<16xf32>
        %max3A_416 = arith.constant 0.000000e+00 : f32
        %max3A_417 = vector.broadcast %max3A_416 : f32 to vector<16xf32>
        %max3A_418 = arith.maximumf %add3A_415, %max3A_417 : vector<16xf32>
        %swap3A_419 = arith.index_cast %scan3A_356 : i32 to index
        %swap3A_420 = arith.constant 48 : index
        %swap3A_421 = tpu.vector_load %arg13[%swap3A_419, %swap3A_420] {strides = array<i32>} : memref<128x128xf32, #tpu.memory_space<vmem>>, vector<1x16xf32>,
        %swap3A_422 = vector.shape_cast %swap3A_421 : vector<1x16xf32> to vector<16xf32>
        %swap3A_423 = vector.shape_cast %max3A_418 : vector<16xf32> to vector<1x16xf32>
        tpu.vector_store %arg13[%swap3A_419, %swap3A_420], %swap3A_423 {strides = array<i32>} : memref<128x128xf32, #tpu.memory_space<vmem>>, vector<1x16xf32>,
        %get3A_424 = arith.index_cast %scan3A_356 : i32 to index
        %get3A_425 = arith.constant 64 : index
        %get3A_426 = tpu.vector_load %arg11[%get3A_424, %get3A_425] {strides = array<i32>} : memref<128x128xf32, #tpu.memory_space<vmem>>, vector<1x16xf32>,
        %get3A_427 = vector.shape_cast %get3A_426 : vector<1x16xf32> to vector<16xf32>
        %get3A_428 = arith.index_cast %scan3A_356 : i32 to index
        %get3A_429 = arith.constant 64 : index
        %get3A_430 = tpu.vector_load %arg13[%get3A_428, %get3A_429] {strides = array<i32>} : memref<128x128xf32, #tpu.memory_space<vmem>>, vector<1x16xf32>,
        %get3A_431 = vector.shape_cast %get3A_430 : vector<1x16xf32> to vector<16xf32>
        %add3A_432 = arith.addf %get3A_427, %get3A_431 : vector<16xf32>
        %max3A_433 = arith.constant 0.000000e+00 : f32
        %max3A_434 = vector.broadcast %max3A_433 : f32 to vector<16xf32>
        %max3A_435 = arith.maximumf %add3A_432, %max3A_434 : vector<16xf32>
        %swap3A_436 = arith.index_cast %scan3A_356 : i32 to index
        %swap3A_437 = arith.constant 64 : index
        %swap3A_438 = tpu.vector_load %arg13[%swap3A_436, %swap3A_437] {strides = array<i32>} : memref<128x128xf32, #tpu.memory_space<vmem>>, vector<1x16xf32>,
        %swap3A_439 = vector.shape_cast %swap3A_438 : vector<1x16xf32> to vector<16xf32>
        %swap3A_440 = vector.shape_cast %max3A_435 : vector<16xf32> to vector<1x16xf32>
        tpu.vector_store %arg13[%swap3A_436, %swap3A_437], %swap3A_440 {strides = array<i32>} : memref<128x128xf32, #tpu.memory_space<vmem>>, vector<1x16xf32>,
        %get3A_441 = arith.index_cast %scan3A_356 : i32 to index
        %get3A_442 = arith.constant 80 : index
        %get3A_443 = tpu.vector_load %arg11[%get3A_441, %get3A_442] {strides = array<i32>} : memref<128x128xf32, #tpu.memory_space<vmem>>, vector<1x16xf32>,
        %get3A_444 = vector.shape_cast %get3A_443 : vector<1x16xf32> to vector<16xf32>
        %get3A_445 = arith.index_cast %scan3A_356 : i32 to index
        %get3A_446 = arith.constant 80 : index
        %get3A_447 = tpu.vector_load %arg13[%get3A_445, %get3A_446] {strides = array<i32>} : memref<128x128xf32, #tpu.memory_space<vmem>>, vector<1x16xf32>,
        %get3A_448 = vector.shape_cast %get3A_447 : vector<1x16xf32> to vector<16xf32>
        %add3A_449 = arith.addf %get3A_444, %get3A_448 : vector<16xf32>
        %max3A_450 = arith.constant 0.000000e+00 : f32
        %max3A_451 = vector.broadcast %max3A_450 : f32 to vector<16xf32>
        %max3A_452 = arith.maximumf %add3A_449, %max3A_451 : vector<16xf32>
        %swap3A_453 = arith.index_cast %scan3A_356 : i32 to index
        %swap3A_454 = arith.constant 80 : index
        %swap3A_455 = tpu.vector_load %arg13[%swap3A_453, %swap3A_454] {strides = array<i32>} : memref<128x128xf32, #tpu.memory_space<vmem>>, vector<1x16xf32>,
        %swap3A_456 = vector.shape_cast %swap3A_455 : vector<1x16xf32> to vector<16xf32>
        %swap3A_457 = vector.shape_cast %max3A_452 : vector<16xf32> to vector<1x16xf32>
        tpu.vector_store %arg13[%swap3A_453, %swap3A_454], %swap3A_457 {strides = array<i32>} : memref<128x128xf32, #tpu.memory_space<vmem>>, vector<1x16xf32>,
        %get3A_458 = arith.index_cast %scan3A_356 : i32 to index
        %get3A_459 = arith.constant 96 : index
        %get3A_460 = tpu.vector_load %arg11[%get3A_458, %get3A_459] {strides = array<i32>} : memref<128x128xf32, #tpu.memory_space<vmem>>, vector<1x16xf32>,
        %get3A_461 = vector.shape_cast %get3A_460 : vector<1x16xf32> to vector<16xf32>
        %get3A_462 = arith.index_cast %scan3A_356 : i32 to index
        %get3A_463 = arith.constant 96 : index
        %get3A_464 = tpu.vector_load %arg13[%get3A_462, %get3A_463] {strides = array<i32>} : memref<128x128xf32, #tpu.memory_space<vmem>>, vector<1x16xf32>,
        %get3A_465 = vector.shape_cast %get3A_464 : vector<1x16xf32> to vector<16xf32>
        %add3A_466 = arith.addf %get3A_461, %get3A_465 : vector<16xf32>
        %max3A_467 = arith.constant 0.000000e+00 : f32
        %max3A_468 = vector.broadcast %max3A_467 : f32 to vector<16xf32>
        %max3A_469 = arith.maximumf %add3A_466, %max3A_468 : vector<16xf32>
        %swap3A_470 = arith.index_cast %scan3A_356 : i32 to index
        %swap3A_471 = arith.constant 96 : index
        %swap3A_472 = tpu.vector_load %arg13[%swap3A_470, %swap3A_471] {strides = array<i32>} : memref<128x128xf32, #tpu.memory_space<vmem>>, vector<1x16xf32>,
        %swap3A_473 = vector.shape_cast %swap3A_472 : vector<1x16xf32> to vector<16xf32>
        %swap3A_474 = vector.shape_cast %max3A_469 : vector<16xf32> to vector<1x16xf32>
        tpu.vector_store %arg13[%swap3A_470, %swap3A_471], %swap3A_474 {strides = array<i32>} : memref<128x128xf32, #tpu.memory_space<vmem>>, vector<1x16xf32>,
        %get3A_475 = arith.index_cast %scan3A_356 : i32 to index
        %get3A_476 = arith.constant 112 : index
        %get3A_477 = tpu.vector_load %arg11[%get3A_475, %get3A_476] {strides = array<i32>} : memref<128x128xf32, #tpu.memory_space<vmem>>, vector<1x16xf32>,
        %get3A_478 = vector.shape_cast %get3A_477 : vector<1x16xf32> to vector<16xf32>
        %get3A_479 = arith.index_cast %scan3A_356 : i32 to index
        %get3A_480 = arith.constant 112 : index
        %get3A_481 = tpu.vector_load %arg13[%get3A_479, %get3A_480] {strides = array<i32>} : memref<128x128xf32, #tpu.memory_space<vmem>>, vector<1x16xf32>,
        %get3A_482 = vector.shape_cast %get3A_481 : vector<1x16xf32> to vector<16xf32>
        %add3A_483 = arith.addf %get3A_478, %get3A_482 : vector<16xf32>
        %max3A_484 = arith.constant 0.000000e+00 : f32
        %max3A_485 = vector.broadcast %max3A_484 : f32 to vector<16xf32>
        %max3A_486 = arith.maximumf %add3A_483, %max3A_485 : vector<16xf32>
        %swap3A_487 = arith.index_cast %scan3A_356 : i32 to index
        %swap3A_488 = arith.constant 112 : index
        %swap3A_489 = tpu.vector_load %arg13[%swap3A_487, %swap3A_488] {strides = array<i32>} : memref<128x128xf32, #tpu.memory_space<vmem>>, vector<1x16xf32>,
        %swap3A_490 = vector.shape_cast %swap3A_489 : vector<1x16xf32> to vector<16xf32>
        %swap3A_491 = vector.shape_cast %max3A_486 : vector<16xf32> to vector<1x16xf32>
        tpu.vector_store %arg13[%swap3A_487, %swap3A_488], %swap3A_491 {strides = array<i32>} : memref<128x128xf32, #tpu.memory_space<vmem>>, vector<1x16xf32>,
      }
      %scan3A_355 = arith.constant 128 : i32
    }
    %scan3A_70 = arith.constant 40 : i32
    "tpu.region"() ({
      %run_scoped3A = tpu.sem_alloc : memref<!tpu.dma_semaphore, #tpu.memory_space<semaphore_mem>>
      %dma_start3A = arith.constant 0 : i32
      %dma_start3A_92 = arith.constant 0 : i32
      %dma_start3A_93 = tpu.memref_slice %arg14[%dma_start3A, %dma_start3A_92] : memref<10112x128xf32, #tpu.memory_space<vmem_shared>> -> memref<10112x128xf32, #tpu.memory_space<vmem_shared>>
      tpu.enqueue_indirect_dma source(%arg13 : memref<128x128xf32, #tpu.memory_space<vmem>>) target(%dma_start3A_93 : memref<10112x128xf32, #tpu.memory_space<vmem_shared>>) offsets(%arg10 : memref<128xi32, #tpu.memory_space<vmem>>) semaphore(%run_scoped3A : memref<!tpu.dma_semaphore, #tpu.memory_space<semaphore_mem>>) {add = true}
      %dma_wait3A = arith.constant 0 : i32
      %dma_wait3A_94 = arith.constant 0 : i32
      %dma_wait3A_95 = tpu.memref_slice %arg14[%dma_wait3A, %dma_wait3A_94] : memref<10112x128xf32, #tpu.memory_space<vmem_shared>> -> memref<10112x128xf32, #tpu.memory_space<vmem_shared>>
      tpu.wait_indirect_dma semaphore(%run_scoped3A : memref<!tpu.dma_semaphore, #tpu.memory_space<semaphore_mem>>) src(%arg13 : memref<128x128xf32, #tpu.memory_space<vmem>>) dst(%dma_wait3A_95 : memref<10112x128xf32, #tpu.memory_space<vmem_shared>>)
      tpu.yield
    }) : () -> ()
    %barrier3A_71 = arith.constant 0 : index
    tpu.barrier barrier_id(%barrier3A_71)
    %add3A_72 = arith.constant 0 : i32
    %add3A_73 = arith.addi %mul3A_53, %add3A_72 : i32
    %add3A_74 = arith.constant 0 : i32
    %add3A_75 = arith.addi %mul3A_53, %add3A_74 : i32
    "tpu.region"() ({
      %run_scoped3A = tpu.sem_alloc : memref<!tpu.dma_semaphore, #tpu.memory_space<semaphore_mem>>
      %dma_start3A = arith.constant 0 : i32
      %dma_start3A_92 = tpu.memref_slice %arg6[%arg0, %add3A_75, %dma_start3A] : memref<2x10112x128xf32, #tpu.memory_space<hbm>> -> memref<1x128x128xf32, #tpu.memory_space<hbm>>
      %dma_start3A_93 = tpu.memref_squeeze %dma_start3A_92 : memref<1x128x128xf32, #tpu.memory_space<hbm>> -> memref<128x128xf32, #tpu.memory_space<hbm>>
      %dma_start3A_94 = arith.constant 0 : i32
      %dma_start3A_95 = tpu.memref_slice %arg14[%add3A_73, %dma_start3A_94] : memref<10112x128xf32, #tpu.memory_space<vmem_shared>> -> memref<128x128xf32, #tpu.memory_space<vmem_shared>>
      tpu.enqueue_dma source(%dma_start3A_95 : memref<128x128xf32, #tpu.memory_space<vmem_shared>>) target(%dma_start3A_93 : memref<128x128xf32, #tpu.memory_space<hbm>>) target_semaphore(%run_scoped3A : memref<!tpu.dma_semaphore, #tpu.memory_space<semaphore_mem>>)
      %dma_wait3A = arith.constant 0 : i32
      %dma_wait3A_96 = tpu.memref_slice %arg6[%arg0, %add3A_75, %dma_wait3A] : memref<2x10112x128xf32, #tpu.memory_space<hbm>> -> memref<1x128x128xf32, #tpu.memory_space<hbm>>
      %dma_wait3A_97 = tpu.memref_squeeze %dma_wait3A_96 : memref<1x128x128xf32, #tpu.memory_space<hbm>> -> memref<128x128xf32, #tpu.memory_space<hbm>>
      %dma_wait3A_98 = arith.constant 0 : i32
      %dma_wait3A_99 = tpu.memref_slice %arg14[%add3A_73, %dma_wait3A_98] : memref<10112x128xf32, #tpu.memory_space<vmem_shared>> -> memref<128x128xf32, #tpu.memory_space<vmem_shared>>
      tpu.wait_dma2 semaphore(%run_scoped3A : memref<!tpu.dma_semaphore, #tpu.memory_space<semaphore_mem>>) src(%dma_wait3A_99 : memref<128x128xf32, #tpu.memory_space<vmem_shared>>) dst(%dma_wait3A_97 : memref<128x128xf32, #tpu.memory_space<hbm>>)
      tpu.yield
    }) : () -> ()
    %add3A_76 = arith.constant 128 : i32
    %add3A_77 = arith.addi %mul3A_53, %add3A_76 : i32
    %add3A_78 = arith.constant 128 : i32
    %add3A_79 = arith.addi %mul3A_53, %add3A_78 : i32
    "tpu.region"() ({
      %run_scoped3A = tpu.sem_alloc : memref<!tpu.dma_semaphore, #tpu.memory_space<semaphore_mem>>
      %dma_start3A = arith.constant 0 : i32
      %dma_start3A_92 = tpu.memref_slice %arg6[%arg0, %add3A_79, %dma_start3A] : memref<2x10112x128xf32, #tpu.memory_space<hbm>> -> memref<1x128x128xf32, #tpu.memory_space<hbm>>
      %dma_start3A_93 = tpu.memref_squeeze %dma_start3A_92 : memref<1x128x128xf32, #tpu.memory_space<hbm>> -> memref<128x128xf32, #tpu.memory_space<hbm>>
      %dma_start3A_94 = arith.constant 0 : i32
      %dma_start3A_95 = tpu.memref_slice %arg14[%add3A_77, %dma_start3A_94] : memref<10112x128xf32, #tpu.memory_space<vmem_shared>> -> memref<128x128xf32, #tpu.memory_space<vmem_shared>>
      tpu.enqueue_dma source(%dma_start3A_95 : memref<128x128xf32, #tpu.memory_space<vmem_shared>>) target(%dma_start3A_93 : memref<128x128xf32, #tpu.memory_space<hbm>>) target_semaphore(%run_scoped3A : memref<!tpu.dma_semaphore, #tpu.memory_space<semaphore_mem>>)
      %dma_wait3A = arith.constant 0 : i32
      %dma_wait3A_96 = tpu.memref_slice %arg6[%arg0, %add3A_79, %dma_wait3A] : memref<2x10112x128xf32, #tpu.memory_space<hbm>> -> memref<1x128x128xf32, #tpu.memory_space<hbm>>
      %dma_wait3A_97 = tpu.memref_squeeze %dma_wait3A_96 : memref<1x128x128xf32, #tpu.memory_space<hbm>> -> memref<128x128xf32, #tpu.memory_space<hbm>>
      %dma_wait3A_98 = arith.constant 0 : i32
      %dma_wait3A_99 = tpu.memref_slice %arg14[%add3A_77, %dma_wait3A_98] : memref<10112x128xf32, #tpu.memory_space<vmem_shared>> -> memref<128x128xf32, #tpu.memory_space<vmem_shared>>
      tpu.wait_dma2 semaphore(%run_scoped3A : memref<!tpu.dma_semaphore, #tpu.memory_space<semaphore_mem>>) src(%dma_wait3A_99 : memref<128x128xf32, #tpu.memory_space<vmem_shared>>) dst(%dma_wait3A_97 : memref<128x128xf32, #tpu.memory_space<hbm>>)
      tpu.yield
    }) : () -> ()
    %add3A_80 = arith.constant 256 : i32
    %add3A_81 = arith.addi %mul3A_53, %add3A_80 : i32
    %add3A_82 = arith.constant 256 : i32
    %add3A_83 = arith.addi %mul3A_53, %add3A_82 : i32
    "tpu.region"() ({
      %run_scoped3A = tpu.sem_alloc : memref<!tpu.dma_semaphore, #tpu.memory_space<semaphore_mem>>
      %dma_start3A = arith.constant 0 : i32
      %dma_start3A_92 = tpu.memref_slice %arg6[%arg0, %add3A_83, %dma_start3A] : memref<2x10112x128xf32, #tpu.memory_space<hbm>> -> memref<1x128x128xf32, #tpu.memory_space<hbm>>
      %dma_start3A_93 = tpu.memref_squeeze %dma_start3A_92 : memref<1x128x128xf32, #tpu.memory_space<hbm>> -> memref<128x128xf32, #tpu.memory_space<hbm>>
      %dma_start3A_94 = arith.constant 0 : i32
      %dma_start3A_95 = tpu.memref_slice %arg14[%add3A_81, %dma_start3A_94] : memref<10112x128xf32, #tpu.memory_space<vmem_shared>> -> memref<128x128xf32, #tpu.memory_space<vmem_shared>>
      tpu.enqueue_dma source(%dma_start3A_95 : memref<128x128xf32, #tpu.memory_space<vmem_shared>>) target(%dma_start3A_93 : memref<128x128xf32, #tpu.memory_space<hbm>>) target_semaphore(%run_scoped3A : memref<!tpu.dma_semaphore, #tpu.memory_space<semaphore_mem>>)
      %dma_wait3A = arith.constant 0 : i32
      %dma_wait3A_96 = tpu.memref_slice %arg6[%arg0, %add3A_83, %dma_wait3A] : memref<2x10112x128xf32, #tpu.memory_space<hbm>> -> memref<1x128x128xf32, #tpu.memory_space<hbm>>
      %dma_wait3A_97 = tpu.memref_squeeze %dma_wait3A_96 : memref<1x128x128xf32, #tpu.memory_space<hbm>> -> memref<128x128xf32, #tpu.memory_space<hbm>>
      %dma_wait3A_98 = arith.constant 0 : i32
      %dma_wait3A_99 = tpu.memref_slice %arg14[%add3A_81, %dma_wait3A_98] : memref<10112x128xf32, #tpu.memory_space<vmem_shared>> -> memref<128x128xf32, #tpu.memory_space<vmem_shared>>
      tpu.wait_dma2 semaphore(%run_scoped3A : memref<!tpu.dma_semaphore, #tpu.memory_space<semaphore_mem>>) src(%dma_wait3A_99 : memref<128x128xf32, #tpu.memory_space<vmem_shared>>) dst(%dma_wait3A_97 : memref<128x128xf32, #tpu.memory_space<hbm>>)
      tpu.yield
    }) : () -> ()
    %add3A_84 = arith.constant 384 : i32
    %add3A_85 = arith.addi %mul3A_53, %add3A_84 : i32
    %add3A_86 = arith.constant 384 : i32
    %add3A_87 = arith.addi %mul3A_53, %add3A_86 : i32
    "tpu.region"() ({
      %run_scoped3A = tpu.sem_alloc : memref<!tpu.dma_semaphore, #tpu.memory_space<semaphore_mem>>
      %dma_start3A = arith.constant 0 : i32
      %dma_start3A_92 = tpu.memref_slice %arg6[%arg0, %add3A_87, %dma_start3A] : memref<2x10112x128xf32, #tpu.memory_space<hbm>> -> memref<1x128x128xf32, #tpu.memory_space<hbm>>
      %dma_start3A_93 = tpu.memref_squeeze %dma_start3A_92 : memref<1x128x128xf32, #tpu.memory_space<hbm>> -> memref<128x128xf32, #tpu.memory_space<hbm>>
      %dma_start3A_94 = arith.constant 0 : i32
      %dma_start3A_95 = tpu.memref_slice %arg14[%add3A_85, %dma_start3A_94] : memref<10112x128xf32, #tpu.memory_space<vmem_shared>> -> memref<128x128xf32, #tpu.memory_space<vmem_shared>>
      tpu.enqueue_dma source(%dma_start3A_95 : memref<128x128xf32, #tpu.memory_space<vmem_shared>>) target(%dma_start3A_93 : memref<128x128xf32, #tpu.memory_space<hbm>>) target_semaphore(%run_scoped3A : memref<!tpu.dma_semaphore, #tpu.memory_space<semaphore_mem>>)
      %dma_wait3A = arith.constant 0 : i32
      %dma_wait3A_96 = tpu.memref_slice %arg6[%arg0, %add3A_87, %dma_wait3A] : memref<2x10112x128xf32, #tpu.memory_space<hbm>> -> memref<1x128x128xf32, #tpu.memory_space<hbm>>
      %dma_wait3A_97 = tpu.memref_squeeze %dma_wait3A_96 : memref<1x128x128xf32, #tpu.memory_space<hbm>> -> memref<128x128xf32, #tpu.memory_space<hbm>>
      %dma_wait3A_98 = arith.constant 0 : i32
      %dma_wait3A_99 = tpu.memref_slice %arg14[%add3A_85, %dma_wait3A_98] : memref<10112x128xf32, #tpu.memory_space<vmem_shared>> -> memref<128x128xf32, #tpu.memory_space<vmem_shared>>
      tpu.wait_dma2 semaphore(%run_scoped3A : memref<!tpu.dma_semaphore, #tpu.memory_space<semaphore_mem>>) src(%dma_wait3A_99 : memref<128x128xf32, #tpu.memory_space<vmem_shared>>) dst(%dma_wait3A_97 : memref<128x128xf32, #tpu.memory_space<hbm>>)
      tpu.yield
    }) : () -> ()
    %add3A_88 = arith.constant 512 : i32
    %add3A_89 = arith.addi %mul3A_53, %add3A_88 : i32
    %add3A_90 = arith.constant 512 : i32
    %add3A_91 = arith.addi %mul3A_53, %add3A_90 : i32
    "tpu.region"() ({
      %run_scoped3A = tpu.sem_alloc : memref<!tpu.dma_semaphore, #tpu.memory_space<semaphore_mem>>
      %dma_start3A = arith.constant 0 : i32
      %dma_start3A_92 = tpu.memref_slice %arg6[%arg0, %add3A_91, %dma_start3A] : memref<2x10112x128xf32, #tpu.memory_space<hbm>> -> memref<1x120x128xf32, #tpu.memory_space<hbm>>
      %dma_start3A_93 = tpu.memref_squeeze %dma_start3A_92 : memref<1x120x128xf32, #tpu.memory_space<hbm>> -> memref<120x128xf32, #tpu.memory_space<hbm>>
      %dma_start3A_94 = arith.constant 0 : i32
      %dma_start3A_95 = tpu.memref_slice %arg14[%add3A_89, %dma_start3A_94] : memref<10112x128xf32, #tpu.memory_space<vmem_shared>> -> memref<120x128xf32, #tpu.memory_space<vmem_shared>>
      tpu.enqueue_dma source(%dma_start3A_95 : memref<120x128xf32, #tpu.memory_space<vmem_shared>>) target(%dma_start3A_93 : memref<120x128xf32, #tpu.memory_space<hbm>>) target_semaphore(%run_scoped3A : memref<!tpu.dma_semaphore, #tpu.memory_space<semaphore_mem>>)
      %dma_wait3A = arith.constant 0 : i32
      %dma_wait3A_96 = tpu.memref_slice %arg6[%arg0, %add3A_91, %dma_wait3A] : memref<2x10112x128xf32, #tpu.memory_space<hbm>> -> memref<1x120x128xf32, #tpu.memory_space<hbm>>
      %dma_wait3A_97 = tpu.memref_squeeze %dma_wait3A_96 : memref<1x120x128xf32, #tpu.memory_space<hbm>> -> memref<120x128xf32, #tpu.memory_space<hbm>>
      %dma_wait3A_98 = arith.constant 0 : i32
      %dma_wait3A_99 = tpu.memref_slice %arg14[%add3A_89, %dma_wait3A_98] : memref<10112x128xf32, #tpu.memory_space<vmem_shared>> -> memref<120x128xf32, #tpu.memory_space<vmem_shared>>
      tpu.wait_dma2 semaphore(%run_scoped3A : memref<!tpu.dma_semaphore, #tpu.memory_space<semaphore_mem>>) src(%dma_wait3A_99 : memref<120x128xf32, #tpu.memory_space<vmem_shared>>) dst(%dma_wait3A_97 : memref<120x128xf32, #tpu.memory_space<hbm>>)
      tpu.yield
    }) : () -> ()
    return
  }
}

#map = affine_map<(d0, d1) -> (0, 0)>
#map1 = affine_map<(d0, d1) -> (0, 0, 0)>
#map2 = affine_map<(d0, d1) -> (0)>
module attributes {stable_mosaic.version = 14 : i64} {
  func.func @_seg_body(%arg0: i32, %arg1: i32, %arg2: memref<20000x128xf32, #tpu.memory_space<hbm>>, %arg3: memref<2x163840x128xf32, #tpu.memory_space<hbm>>, %arg4: memref<163840xi32, #tpu.memory_space<hbm>>, %arg5: memref<163840xi32, #tpu.memory_space<hbm>>, %arg6: memref<2x10112x128xf32, #tpu.memory_space<hbm>>, %arg7: memref<128xi32, #tpu.memory_space<vmem>>, %arg8: memref<128xi32, #tpu.memory_space<vmem>>, %arg9: memref<128xi32, #tpu.memory_space<vmem>>, %arg10: memref<128xi32, #tpu.memory_space<vmem>>, %arg11: memref<128x128xf32, #tpu.memory_space<vmem>>, %arg12: memref<128x128xf32, #tpu.memory_space<vmem>>, %arg13: memref<128x128xf32, #tpu.memory_space<vmem>>, %arg14: memref<10112x128xf32, #tpu.memory_space<vmem_shared>>, %arg15: memref<!tpu.dma_semaphore, #tpu.memory_space<semaphore_mem>>, %arg16: memref<!tpu.dma_semaphore, #tpu.memory_space<semaphore_mem>>) attributes {dimension_semantics = [#tpu.dimension_semantics<core_parallel>, #tpu.dimension_semantics<subcore_parallel>], iteration_bounds = array<i64: 2, 16>, scalar_prefetch = 0 : i64, scratch_operands = 10 : i64, tpu.core_type = #tpu.core_type<sc_vector_subcore>, window_params = [{transform_indices = #map}, {transform_indices = #map1}, {transform_indices = #map2}, {transform_indices = #map2}, {transform_indices = #map1}]} {
    %broadcast_in_dim3A = arith.constant 0.000000e+00 : f32
    %broadcast_in_dim3A_0 = vector.broadcast %broadcast_in_dim3A : f32 to vector<16xf32>
    %scan3A = arith.constant 0 : i32
    %scan3A_1 = arith.constant 0 : i32
    %scan3A_2 = arith.constant 128 : i32
    %scan3A_3 = arith.addi %scan3A_1, %scan3A_2 : i32
    %scan3A_4 = arith.constant 1 : i32
    scf.for %scan3A_92 = %scan3A_1 to %scan3A_3 step %scan3A_4  : i32 {
      %swap3A_93 = arith.index_cast %scan3A_92 : i32 to index
      %swap3A_94 = arith.constant 0 : index
      %swap3A_95 = tpu.vector_load %arg11[%swap3A_93, %swap3A_94] {strides = array<i32>} : memref<128x128xf32, #tpu.memory_space<vmem>>, vector<1x16xf32>,
      %swap3A_96 = vector.shape_cast %swap3A_95 : vector<1x16xf32> to vector<16xf32>
      %swap3A_97 = vector.shape_cast %broadcast_in_dim3A_0 : vector<16xf32> to vector<1x16xf32>
      tpu.vector_store %arg11[%swap3A_93, %swap3A_94], %swap3A_97 {strides = array<i32>} : memref<128x128xf32, #tpu.memory_space<vmem>>, vector<1x16xf32>,
      %swap3A_98 = arith.index_cast %scan3A_92 : i32 to index
      %swap3A_99 = arith.constant 0 : index
      %swap3A_100 = tpu.vector_load %arg13[%swap3A_98, %swap3A_99] {strides = array<i32>} : memref<128x128xf32, #tpu.memory_space<vmem>>, vector<1x16xf32>,
      %swap3A_101 = vector.shape_cast %swap3A_100 : vector<1x16xf32> to vector<16xf32>
      %swap3A_102 = vector.shape_cast %broadcast_in_dim3A_0 : vector<16xf32> to vector<1x16xf32>
      tpu.vector_store %arg13[%swap3A_98, %swap3A_99], %swap3A_102 {strides = array<i32>} : memref<128x128xf32, #tpu.memory_space<vmem>>, vector<1x16xf32>,
      %swap3A_103 = arith.index_cast %scan3A_92 : i32 to index
      %swap3A_104 = arith.constant 16 : index
      %swap3A_105 = tpu.vector_load %arg11[%swap3A_103, %swap3A_104] {strides = array<i32>} : memref<128x128xf32, #tpu.memory_space<vmem>>, vector<1x16xf32>,
      %swap3A_106 = vector.shape_cast %swap3A_105 : vector<1x16xf32> to vector<16xf32>
      %swap3A_107 = vector.shape_cast %broadcast_in_dim3A_0 : vector<16xf32> to vector<1x16xf32>
      tpu.vector_store %arg11[%swap3A_103, %swap3A_104], %swap3A_107 {strides = array<i32>} : memref<128x128xf32, #tpu.memory_space<vmem>>, vector<1x16xf32>,
      %swap3A_108 = arith.index_cast %scan3A_92 : i32 to index
      %swap3A_109 = arith.constant 16 : index
      %swap3A_110 = tpu.vector_load %arg13[%swap3A_108, %swap3A_109] {strides = array<i32>} : memref<128x128xf32, #tpu.memory_space<vmem>>, vector<1x16xf32>,
      %swap3A_111 = vector.shape_cast %swap3A_110 : vector<1x16xf32> to vector<16xf32>
      %swap3A_112 = vector.shape_cast %broadcast_in_dim3A_0 : vector<16xf32> to vector<1x16xf32>
      tpu.vector_store %arg13[%swap3A_108, %swap3A_109], %swap3A_112 {strides = array<i32>} : memref<128x128xf32, #tpu.memory_space<vmem>>, vector<1x16xf32>,
      %swap3A_113 = arith.index_cast %scan3A_92 : i32 to index
      %swap3A_114 = arith.constant 32 : index
      %swap3A_115 = tpu.vector_load %arg11[%swap3A_113, %swap3A_114] {strides = array<i32>} : memref<128x128xf32, #tpu.memory_space<vmem>>, vector<1x16xf32>,
      %swap3A_116 = vector.shape_cast %swap3A_115 : vector<1x16xf32> to vector<16xf32>
      %swap3A_117 = vector.shape_cast %broadcast_in_dim3A_0 : vector<16xf32> to vector<1x16xf32>
      tpu.vector_store %arg11[%swap3A_113, %swap3A_114], %swap3A_117 {strides = array<i32>} : memref<128x128xf32, #tpu.memory_space<vmem>>, vector<1x16xf32>,
      %swap3A_118 = arith.index_cast %scan3A_92 : i32 to index
      %swap3A_119 = arith.constant 32 : index
      %swap3A_120 = tpu.vector_load %arg13[%swap3A_118, %swap3A_119] {strides = array<i32>} : memref<128x128xf32, #tpu.memory_space<vmem>>, vector<1x16xf32>,
      %swap3A_121 = vector.shape_cast %swap3A_120 : vector<1x16xf32> to vector<16xf32>
      %swap3A_122 = vector.shape_cast %broadcast_in_dim3A_0 : vector<16xf32> to vector<1x16xf32>
      tpu.vector_store %arg13[%swap3A_118, %swap3A_119], %swap3A_122 {strides = array<i32>} : memref<128x128xf32, #tpu.memory_space<vmem>>, vector<1x16xf32>,
      %swap3A_123 = arith.index_cast %scan3A_92 : i32 to index
      %swap3A_124 = arith.constant 48 : index
      %swap3A_125 = tpu.vector_load %arg11[%swap3A_123, %swap3A_124] {strides = array<i32>} : memref<128x128xf32, #tpu.memory_space<vmem>>, vector<1x16xf32>,
      %swap3A_126 = vector.shape_cast %swap3A_125 : vector<1x16xf32> to vector<16xf32>
      %swap3A_127 = vector.shape_cast %broadcast_in_dim3A_0 : vector<16xf32> to vector<1x16xf32>
      tpu.vector_store %arg11[%swap3A_123, %swap3A_124], %swap3A_127 {strides = array<i32>} : memref<128x128xf32, #tpu.memory_space<vmem>>, vector<1x16xf32>,
      %swap3A_128 = arith.index_cast %scan3A_92 : i32 to index
      %swap3A_129 = arith.constant 48 : index
      %swap3A_130 = tpu.vector_load %arg13[%swap3A_128, %swap3A_129] {strides = array<i32>} : memref<128x128xf32, #tpu.memory_space<vmem>>, vector<1x16xf32>,
      %swap3A_131 = vector.shape_cast %swap3A_130 : vector<1x16xf32> to vector<16xf32>
      %swap3A_132 = vector.shape_cast %broadcast_in_dim3A_0 : vector<16xf32> to vector<1x16xf32>
      tpu.vector_store %arg13[%swap3A_128, %swap3A_129], %swap3A_132 {strides = array<i32>} : memref<128x128xf32, #tpu.memory_space<vmem>>, vector<1x16xf32>,
      %swap3A_133 = arith.index_cast %scan3A_92 : i32 to index
      %swap3A_134 = arith.constant 64 : index
      %swap3A_135 = tpu.vector_load %arg11[%swap3A_133, %swap3A_134] {strides = array<i32>} : memref<128x128xf32, #tpu.memory_space<vmem>>, vector<1x16xf32>,
      %swap3A_136 = vector.shape_cast %swap3A_135 : vector<1x16xf32> to vector<16xf32>
      %swap3A_137 = vector.shape_cast %broadcast_in_dim3A_0 : vector<16xf32> to vector<1x16xf32>
      tpu.vector_store %arg11[%swap3A_133, %swap3A_134], %swap3A_137 {strides = array<i32>} : memref<128x128xf32, #tpu.memory_space<vmem>>, vector<1x16xf32>,
      %swap3A_138 = arith.index_cast %scan3A_92 : i32 to index
      %swap3A_139 = arith.constant 64 : index
      %swap3A_140 = tpu.vector_load %arg13[%swap3A_138, %swap3A_139] {strides = array<i32>} : memref<128x128xf32, #tpu.memory_space<vmem>>, vector<1x16xf32>,
      %swap3A_141 = vector.shape_cast %swap3A_140 : vector<1x16xf32> to vector<16xf32>
      %swap3A_142 = vector.shape_cast %broadcast_in_dim3A_0 : vector<16xf32> to vector<1x16xf32>
      tpu.vector_store %arg13[%swap3A_138, %swap3A_139], %swap3A_142 {strides = array<i32>} : memref<128x128xf32, #tpu.memory_space<vmem>>, vector<1x16xf32>,
      %swap3A_143 = arith.index_cast %scan3A_92 : i32 to index
      %swap3A_144 = arith.constant 80 : index
      %swap3A_145 = tpu.vector_load %arg11[%swap3A_143, %swap3A_144] {strides = array<i32>} : memref<128x128xf32, #tpu.memory_space<vmem>>, vector<1x16xf32>,
      %swap3A_146 = vector.shape_cast %swap3A_145 : vector<1x16xf32> to vector<16xf32>
      %swap3A_147 = vector.shape_cast %broadcast_in_dim3A_0 : vector<16xf32> to vector<1x16xf32>
      tpu.vector_store %arg11[%swap3A_143, %swap3A_144], %swap3A_147 {strides = array<i32>} : memref<128x128xf32, #tpu.memory_space<vmem>>, vector<1x16xf32>,
      %swap3A_148 = arith.index_cast %scan3A_92 : i32 to index
      %swap3A_149 = arith.constant 80 : index
      %swap3A_150 = tpu.vector_load %arg13[%swap3A_148, %swap3A_149] {strides = array<i32>} : memref<128x128xf32, #tpu.memory_space<vmem>>, vector<1x16xf32>,
      %swap3A_151 = vector.shape_cast %swap3A_150 : vector<1x16xf32> to vector<16xf32>
      %swap3A_152 = vector.shape_cast %broadcast_in_dim3A_0 : vector<16xf32> to vector<1x16xf32>
      tpu.vector_store %arg13[%swap3A_148, %swap3A_149], %swap3A_152 {strides = array<i32>} : memref<128x128xf32, #tpu.memory_space<vmem>>, vector<1x16xf32>,
      %swap3A_153 = arith.index_cast %scan3A_92 : i32 to index
      %swap3A_154 = arith.constant 96 : index
      %swap3A_155 = tpu.vector_load %arg11[%swap3A_153, %swap3A_154] {strides = array<i32>} : memref<128x128xf32, #tpu.memory_space<vmem>>, vector<1x16xf32>,
      %swap3A_156 = vector.shape_cast %swap3A_155 : vector<1x16xf32> to vector<16xf32>
      %swap3A_157 = vector.shape_cast %broadcast_in_dim3A_0 : vector<16xf32> to vector<1x16xf32>
      tpu.vector_store %arg11[%swap3A_153, %swap3A_154], %swap3A_157 {strides = array<i32>} : memref<128x128xf32, #tpu.memory_space<vmem>>, vector<1x16xf32>,
      %swap3A_158 = arith.index_cast %scan3A_92 : i32 to index
      %swap3A_159 = arith.constant 96 : index
      %swap3A_160 = tpu.vector_load %arg13[%swap3A_158, %swap3A_159] {strides = array<i32>} : memref<128x128xf32, #tpu.memory_space<vmem>>, vector<1x16xf32>,
      %swap3A_161 = vector.shape_cast %swap3A_160 : vector<1x16xf32> to vector<16xf32>
      %swap3A_162 = vector.shape_cast %broadcast_in_dim3A_0 : vector<16xf32> to vector<1x16xf32>
      tpu.vector_store %arg13[%swap3A_158, %swap3A_159], %swap3A_162 {strides = array<i32>} : memref<128x128xf32, #tpu.memory_space<vmem>>, vector<1x16xf32>,
      %swap3A_163 = arith.index_cast %scan3A_92 : i32 to index
      %swap3A_164 = arith.constant 112 : index
      %swap3A_165 = tpu.vector_load %arg11[%swap3A_163, %swap3A_164] {strides = array<i32>} : memref<128x128xf32, #tpu.memory_space<vmem>>, vector<1x16xf32>,
      %swap3A_166 = vector.shape_cast %swap3A_165 : vector<1x16xf32> to vector<16xf32>
      %swap3A_167 = vector.shape_cast %broadcast_in_dim3A_0 : vector<16xf32> to vector<1x16xf32>
      tpu.vector_store %arg11[%swap3A_163, %swap3A_164], %swap3A_167 {strides = array<i32>} : memref<128x128xf32, #tpu.memory_space<vmem>>, vector<1x16xf32>,
      %swap3A_168 = arith.index_cast %scan3A_92 : i32 to index
      %swap3A_169 = arith.constant 112 : index
      %swap3A_170 = tpu.vector_load %arg13[%swap3A_168, %swap3A_169] {strides = array<i32>} : memref<128x128xf32, #tpu.memory_space<vmem>>, vector<1x16xf32>,
      %swap3A_171 = vector.shape_cast %swap3A_170 : vector<1x16xf32> to vector<16xf32>
      %swap3A_172 = vector.shape_cast %broadcast_in_dim3A_0 : vector<16xf32> to vector<1x16xf32>
      tpu.vector_store %arg13[%swap3A_168, %swap3A_169], %swap3A_172 {strides = array<i32>} : memref<128x128xf32, #tpu.memory_space<vmem>>, vector<1x16xf32>,
    }
    %scan3A_5 = arith.constant 128 : i32
    %broadcast_in_dim3A_6 = arith.constant 10000 : i32
    %broadcast_in_dim3A_7 = vector.broadcast %broadcast_in_dim3A_6 : i32 to vector<16xi32>
    %swap3A = arith.constant 0 : index
    %swap3A_8 = tpu.vector_load %arg10[%swap3A] {strides = array<i32>} : memref<128xi32, #tpu.memory_space<vmem>>, vector<16xi32>,
    %swap3A_9 = vector.shape_cast %swap3A_8 : vector<16xi32> to vector<16xi32>
    %swap3A_10 = vector.shape_cast %broadcast_in_dim3A_7 : vector<16xi32> to vector<16xi32>
    tpu.vector_store %arg10[%swap3A], %swap3A_10 {strides = array<i32>} : memref<128xi32, #tpu.memory_space<vmem>>, vector<16xi32>,
    %broadcast_in_dim3A_11 = arith.constant 10000 : i32
    %broadcast_in_dim3A_12 = vector.broadcast %broadcast_in_dim3A_11 : i32 to vector<16xi32>
    %swap3A_13 = arith.constant 16 : index
    %swap3A_14 = tpu.vector_load %arg10[%swap3A_13] {strides = array<i32>} : memref<128xi32, #tpu.memory_space<vmem>>, vector<16xi32>,
    %swap3A_15 = vector.shape_cast %swap3A_14 : vector<16xi32> to vector<16xi32>
    %swap3A_16 = vector.shape_cast %broadcast_in_dim3A_12 : vector<16xi32> to vector<16xi32>
    tpu.vector_store %arg10[%swap3A_13], %swap3A_16 {strides = array<i32>} : memref<128xi32, #tpu.memory_space<vmem>>, vector<16xi32>,
    %broadcast_in_dim3A_17 = arith.constant 10000 : i32
    %broadcast_in_dim3A_18 = vector.broadcast %broadcast_in_dim3A_17 : i32 to vector<16xi32>
    %swap3A_19 = arith.constant 32 : index
    %swap3A_20 = tpu.vector_load %arg10[%swap3A_19] {strides = array<i32>} : memref<128xi32, #tpu.memory_space<vmem>>, vector<16xi32>,
    %swap3A_21 = vector.shape_cast %swap3A_20 : vector<16xi32> to vector<16xi32>
    %swap3A_22 = vector.shape_cast %broadcast_in_dim3A_18 : vector<16xi32> to vector<16xi32>
    tpu.vector_store %arg10[%swap3A_19], %swap3A_22 {strides = array<i32>} : memref<128xi32, #tpu.memory_space<vmem>>, vector<16xi32>,
    %broadcast_in_dim3A_23 = arith.constant 10000 : i32
    %broadcast_in_dim3A_24 = vector.broadcast %broadcast_in_dim3A_23 : i32 to vector<16xi32>
    %swap3A_25 = arith.constant 48 : index
    %swap3A_26 = tpu.vector_load %arg10[%swap3A_25] {strides = array<i32>} : memref<128xi32, #tpu.memory_space<vmem>>, vector<16xi32>,
    %swap3A_27 = vector.shape_cast %swap3A_26 : vector<16xi32> to vector<16xi32>
    %swap3A_28 = vector.shape_cast %broadcast_in_dim3A_24 : vector<16xi32> to vector<16xi32>
    tpu.vector_store %arg10[%swap3A_25], %swap3A_28 {strides = array<i32>} : memref<128xi32, #tpu.memory_space<vmem>>, vector<16xi32>,
    %broadcast_in_dim3A_29 = arith.constant 10000 : i32
    %broadcast_in_dim3A_30 = vector.broadcast %broadcast_in_dim3A_29 : i32 to vector<16xi32>
    %swap3A_31 = arith.constant 64 : index
    %swap3A_32 = tpu.vector_load %arg10[%swap3A_31] {strides = array<i32>} : memref<128xi32, #tpu.memory_space<vmem>>, vector<16xi32>,
    %swap3A_33 = vector.shape_cast %swap3A_32 : vector<16xi32> to vector<16xi32>
    %swap3A_34 = vector.shape_cast %broadcast_in_dim3A_30 : vector<16xi32> to vector<16xi32>
    tpu.vector_store %arg10[%swap3A_31], %swap3A_34 {strides = array<i32>} : memref<128xi32, #tpu.memory_space<vmem>>, vector<16xi32>,
    %broadcast_in_dim3A_35 = arith.constant 10000 : i32
    %broadcast_in_dim3A_36 = vector.broadcast %broadcast_in_dim3A_35 : i32 to vector<16xi32>
    %swap3A_37 = arith.constant 80 : index
    %swap3A_38 = tpu.vector_load %arg10[%swap3A_37] {strides = array<i32>} : memref<128xi32, #tpu.memory_space<vmem>>, vector<16xi32>,
    %swap3A_39 = vector.shape_cast %swap3A_38 : vector<16xi32> to vector<16xi32>
    %swap3A_40 = vector.shape_cast %broadcast_in_dim3A_36 : vector<16xi32> to vector<16xi32>
    tpu.vector_store %arg10[%swap3A_37], %swap3A_40 {strides = array<i32>} : memref<128xi32, #tpu.memory_space<vmem>>, vector<16xi32>,
    %broadcast_in_dim3A_41 = arith.constant 10000 : i32
    %broadcast_in_dim3A_42 = vector.broadcast %broadcast_in_dim3A_41 : i32 to vector<16xi32>
    %swap3A_43 = arith.constant 96 : index
    %swap3A_44 = tpu.vector_load %arg10[%swap3A_43] {strides = array<i32>} : memref<128xi32, #tpu.memory_space<vmem>>, vector<16xi32>,
    %swap3A_45 = vector.shape_cast %swap3A_44 : vector<16xi32> to vector<16xi32>
    %swap3A_46 = vector.shape_cast %broadcast_in_dim3A_42 : vector<16xi32> to vector<16xi32>
    tpu.vector_store %arg10[%swap3A_43], %swap3A_46 {strides = array<i32>} : memref<128xi32, #tpu.memory_space<vmem>>, vector<16xi32>,
    %broadcast_in_dim3A_47 = arith.constant 10000 : i32
    %broadcast_in_dim3A_48 = vector.broadcast %broadcast_in_dim3A_47 : i32 to vector<16xi32>
    %swap3A_49 = arith.constant 112 : index
    %swap3A_50 = tpu.vector_load %arg10[%swap3A_49] {strides = array<i32>} : memref<128xi32, #tpu.memory_space<vmem>>, vector<16xi32>,
    %swap3A_51 = vector.shape_cast %swap3A_50 : vector<16xi32> to vector<16xi32>
    %swap3A_52 = vector.shape_cast %broadcast_in_dim3A_48 : vector<16xi32> to vector<16xi32>
    tpu.vector_store %arg10[%swap3A_49], %swap3A_52 {strides = array<i32>} : memref<128xi32, #tpu.memory_space<vmem>>, vector<16xi32>,
    %mul3A = arith.constant 632 : i32
    %mul3A_53 = arith.muli %arg1, %mul3A : i32
    %add3A = arith.constant 0 : i32
    %add3A_54 = arith.addi %mul3A_53, %add3A : i32
    "tpu.region"() ({
      %run_scoped3A = tpu.sem_alloc : memref<!tpu.dma_semaphore, #tpu.memory_space<semaphore_mem>>
      %dma_start3A = arith.constant 0 : i32
      %dma_start3A_92 = arith.constant 0 : i32
      %dma_start3A_93 = tpu.memref_slice %arg11[%dma_start3A, %dma_start3A_92] : memref<128x128xf32, #tpu.memory_space<vmem>> -> memref<128x128xf32, #tpu.memory_space<vmem>>
      %dma_start3A_94 = arith.constant 0 : i32
      %dma_start3A_95 = tpu.memref_slice %arg14[%add3A_54, %dma_start3A_94] : memref<10112x128xf32, #tpu.memory_space<vmem_shared>> -> memref<128x128xf32, #tpu.memory_space<vmem_shared>>
      %dma_start3A_96 = arith.constant 0 : i32
      %dma_start3A_97 = tpu.memref_slice %arg14[%add3A_54, %dma_start3A_96] : memref<10112x128xf32, #tpu.memory_space<vmem_shared>> -> memref<128x128xf32, #tpu.memory_space<vmem_shared>>
      %dma_start3A_98 = arith.constant 0 : i32
      %dma_start3A_99 = arith.constant 0 : i32
      %dma_start3A_100 = tpu.memref_slice %arg11[%dma_start3A_98, %dma_start3A_99] : memref<128x128xf32, #tpu.memory_space<vmem>> -> memref<128x128xf32, #tpu.memory_space<vmem>>
      tpu.enqueue_dma source(%dma_start3A_100 : memref<128x128xf32, #tpu.memory_space<vmem>>) target(%dma_start3A_97 : memref<128x128xf32, #tpu.memory_space<vmem_shared>>) target_semaphore(%run_scoped3A : memref<!tpu.dma_semaphore, #tpu.memory_space<semaphore_mem>>)
      %dma_wait3A = arith.constant 0 : i32
      %dma_wait3A_101 = arith.constant 0 : i32
      %dma_wait3A_102 = tpu.memref_slice %arg11[%dma_wait3A, %dma_wait3A_101] : memref<128x128xf32, #tpu.memory_space<vmem>> -> memref<128x128xf32, #tpu.memory_space<vmem>>
      %dma_wait3A_103 = arith.constant 0 : i32
      %dma_wait3A_104 = tpu.memref_slice %arg14[%add3A_54, %dma_wait3A_103] : memref<10112x128xf32, #tpu.memory_space<vmem_shared>> -> memref<128x128xf32, #tpu.memory_space<vmem_shared>>
      %dma_wait3A_105 = arith.constant 0 : i32
      %dma_wait3A_106 = tpu.memref_slice %arg14[%add3A_54, %dma_wait3A_105] : memref<10112x128xf32, #tpu.memory_space<vmem_shared>> -> memref<128x128xf32, #tpu.memory_space<vmem_shared>>
      %dma_wait3A_107 = arith.constant 0 : i32
      %dma_wait3A_108 = arith.constant 0 : i32
      %dma_wait3A_109 = tpu.memref_slice %arg11[%dma_wait3A_107, %dma_wait3A_108] : memref<128x128xf32, #tpu.memory_space<vmem>> -> memref<128x128xf32, #tpu.memory_space<vmem>>
      tpu.wait_dma2 semaphore(%run_scoped3A : memref<!tpu.dma_semaphore, #tpu.memory_space<semaphore_mem>>) src(%dma_wait3A_109 : memref<128x128xf32, #tpu.memory_space<vmem>>) dst(%dma_wait3A_106 : memref<128x128xf32, #tpu.memory_space<vmem_shared>>)
      tpu.yield
    }) : () -> ()
    %add3A_55 = arith.constant 128 : i32
    %add3A_56 = arith.addi %mul3A_53, %add3A_55 : i32
    "tpu.region"() ({
      %run_scoped3A = tpu.sem_alloc : memref<!tpu.dma_semaphore, #tpu.memory_space<semaphore_mem>>
      %dma_start3A = arith.constant 0 : i32
      %dma_start3A_92 = arith.constant 0 : i32
      %dma_start3A_93 = tpu.memref_slice %arg11[%dma_start3A, %dma_start3A_92] : memref<128x128xf32, #tpu.memory_space<vmem>> -> memref<128x128xf32, #tpu.memory_space<vmem>>
      %dma_start3A_94 = arith.constant 0 : i32
      %dma_start3A_95 = tpu.memref_slice %arg14[%add3A_56, %dma_start3A_94] : memref<10112x128xf32, #tpu.memory_space<vmem_shared>> -> memref<128x128xf32, #tpu.memory_space<vmem_shared>>
      %dma_start3A_96 = arith.constant 0 : i32
      %dma_start3A_97 = tpu.memref_slice %arg14[%add3A_56, %dma_start3A_96] : memref<10112x128xf32, #tpu.memory_space<vmem_shared>> -> memref<128x128xf32, #tpu.memory_space<vmem_shared>>
      %dma_start3A_98 = arith.constant 0 : i32
      %dma_start3A_99 = arith.constant 0 : i32
      %dma_start3A_100 = tpu.memref_slice %arg11[%dma_start3A_98, %dma_start3A_99] : memref<128x128xf32, #tpu.memory_space<vmem>> -> memref<128x128xf32, #tpu.memory_space<vmem>>
      tpu.enqueue_dma source(%dma_start3A_100 : memref<128x128xf32, #tpu.memory_space<vmem>>) target(%dma_start3A_97 : memref<128x128xf32, #tpu.memory_space<vmem_shared>>) target_semaphore(%run_scoped3A : memref<!tpu.dma_semaphore, #tpu.memory_space<semaphore_mem>>)
      %dma_wait3A = arith.constant 0 : i32
      %dma_wait3A_101 = arith.constant 0 : i32
      %dma_wait3A_102 = tpu.memref_slice %arg11[%dma_wait3A, %dma_wait3A_101] : memref<128x128xf32, #tpu.memory_space<vmem>> -> memref<128x128xf32, #tpu.memory_space<vmem>>
      %dma_wait3A_103 = arith.constant 0 : i32
      %dma_wait3A_104 = tpu.memref_slice %arg14[%add3A_56, %dma_wait3A_103] : memref<10112x128xf32, #tpu.memory_space<vmem_shared>> -> memref<128x128xf32, #tpu.memory_space<vmem_shared>>
      %dma_wait3A_105 = arith.constant 0 : i32
      %dma_wait3A_106 = tpu.memref_slice %arg14[%add3A_56, %dma_wait3A_105] : memref<10112x128xf32, #tpu.memory_space<vmem_shared>> -> memref<128x128xf32, #tpu.memory_space<vmem_shared>>
      %dma_wait3A_107 = arith.constant 0 : i32
      %dma_wait3A_108 = arith.constant 0 : i32
      %dma_wait3A_109 = tpu.memref_slice %arg11[%dma_wait3A_107, %dma_wait3A_108] : memref<128x128xf32, #tpu.memory_space<vmem>> -> memref<128x128xf32, #tpu.memory_space<vmem>>
      tpu.wait_dma2 semaphore(%run_scoped3A : memref<!tpu.dma_semaphore, #tpu.memory_space<semaphore_mem>>) src(%dma_wait3A_109 : memref<128x128xf32, #tpu.memory_space<vmem>>) dst(%dma_wait3A_106 : memref<128x128xf32, #tpu.memory_space<vmem_shared>>)
      tpu.yield
    }) : () -> ()
    %add3A_57 = arith.constant 256 : i32
    %add3A_58 = arith.addi %mul3A_53, %add3A_57 : i32
    "tpu.region"() ({
      %run_scoped3A = tpu.sem_alloc : memref<!tpu.dma_semaphore, #tpu.memory_space<semaphore_mem>>
      %dma_start3A = arith.constant 0 : i32
      %dma_start3A_92 = arith.constant 0 : i32
      %dma_start3A_93 = tpu.memref_slice %arg11[%dma_start3A, %dma_start3A_92] : memref<128x128xf32, #tpu.memory_space<vmem>> -> memref<128x128xf32, #tpu.memory_space<vmem>>
      %dma_start3A_94 = arith.constant 0 : i32
      %dma_start3A_95 = tpu.memref_slice %arg14[%add3A_58, %dma_start3A_94] : memref<10112x128xf32, #tpu.memory_space<vmem_shared>> -> memref<128x128xf32, #tpu.memory_space<vmem_shared>>
      %dma_start3A_96 = arith.constant 0 : i32
      %dma_start3A_97 = tpu.memref_slice %arg14[%add3A_58, %dma_start3A_96] : memref<10112x128xf32, #tpu.memory_space<vmem_shared>> -> memref<128x128xf32, #tpu.memory_space<vmem_shared>>
      %dma_start3A_98 = arith.constant 0 : i32
      %dma_start3A_99 = arith.constant 0 : i32
      %dma_start3A_100 = tpu.memref_slice %arg11[%dma_start3A_98, %dma_start3A_99] : memref<128x128xf32, #tpu.memory_space<vmem>> -> memref<128x128xf32, #tpu.memory_space<vmem>>
      tpu.enqueue_dma source(%dma_start3A_100 : memref<128x128xf32, #tpu.memory_space<vmem>>) target(%dma_start3A_97 : memref<128x128xf32, #tpu.memory_space<vmem_shared>>) target_semaphore(%run_scoped3A : memref<!tpu.dma_semaphore, #tpu.memory_space<semaphore_mem>>)
      %dma_wait3A = arith.constant 0 : i32
      %dma_wait3A_101 = arith.constant 0 : i32
      %dma_wait3A_102 = tpu.memref_slice %arg11[%dma_wait3A, %dma_wait3A_101] : memref<128x128xf32, #tpu.memory_space<vmem>> -> memref<128x128xf32, #tpu.memory_space<vmem>>
      %dma_wait3A_103 = arith.constant 0 : i32
      %dma_wait3A_104 = tpu.memref_slice %arg14[%add3A_58, %dma_wait3A_103] : memref<10112x128xf32, #tpu.memory_space<vmem_shared>> -> memref<128x128xf32, #tpu.memory_space<vmem_shared>>
      %dma_wait3A_105 = arith.constant 0 : i32
      %dma_wait3A_106 = tpu.memref_slice %arg14[%add3A_58, %dma_wait3A_105] : memref<10112x128xf32, #tpu.memory_space<vmem_shared>> -> memref<128x128xf32, #tpu.memory_space<vmem_shared>>
      %dma_wait3A_107 = arith.constant 0 : i32
      %dma_wait3A_108 = arith.constant 0 : i32
      %dma_wait3A_109 = tpu.memref_slice %arg11[%dma_wait3A_107, %dma_wait3A_108] : memref<128x128xf32, #tpu.memory_space<vmem>> -> memref<128x128xf32, #tpu.memory_space<vmem>>
      tpu.wait_dma2 semaphore(%run_scoped3A : memref<!tpu.dma_semaphore, #tpu.memory_space<semaphore_mem>>) src(%dma_wait3A_109 : memref<128x128xf32, #tpu.memory_space<vmem>>) dst(%dma_wait3A_106 : memref<128x128xf32, #tpu.memory_space<vmem_shared>>)
      tpu.yield
    }) : () -> ()
    %add3A_59 = arith.constant 384 : i32
    %add3A_60 = arith.addi %mul3A_53, %add3A_59 : i32
    "tpu.region"() ({
      %run_scoped3A = tpu.sem_alloc : memref<!tpu.dma_semaphore, #tpu.memory_space<semaphore_mem>>
      %dma_start3A = arith.constant 0 : i32
      %dma_start3A_92 = arith.constant 0 : i32
      %dma_start3A_93 = tpu.memref_slice %arg11[%dma_start3A, %dma_start3A_92] : memref<128x128xf32, #tpu.memory_space<vmem>> -> memref<128x128xf32, #tpu.memory_space<vmem>>
      %dma_start3A_94 = arith.constant 0 : i32
      %dma_start3A_95 = tpu.memref_slice %arg14[%add3A_60, %dma_start3A_94] : memref<10112x128xf32, #tpu.memory_space<vmem_shared>> -> memref<128x128xf32, #tpu.memory_space<vmem_shared>>
      %dma_start3A_96 = arith.constant 0 : i32
      %dma_start3A_97 = tpu.memref_slice %arg14[%add3A_60, %dma_start3A_96] : memref<10112x128xf32, #tpu.memory_space<vmem_shared>> -> memref<128x128xf32, #tpu.memory_space<vmem_shared>>
      %dma_start3A_98 = arith.constant 0 : i32
      %dma_start3A_99 = arith.constant 0 : i32
      %dma_start3A_100 = tpu.memref_slice %arg11[%dma_start3A_98, %dma_start3A_99] : memref<128x128xf32, #tpu.memory_space<vmem>> -> memref<128x128xf32, #tpu.memory_space<vmem>>
      tpu.enqueue_dma source(%dma_start3A_100 : memref<128x128xf32, #tpu.memory_space<vmem>>) target(%dma_start3A_97 : memref<128x128xf32, #tpu.memory_space<vmem_shared>>) target_semaphore(%run_scoped3A : memref<!tpu.dma_semaphore, #tpu.memory_space<semaphore_mem>>)
      %dma_wait3A = arith.constant 0 : i32
      %dma_wait3A_101 = arith.constant 0 : i32
      %dma_wait3A_102 = tpu.memref_slice %arg11[%dma_wait3A, %dma_wait3A_101] : memref<128x128xf32, #tpu.memory_space<vmem>> -> memref<128x128xf32, #tpu.memory_space<vmem>>
      %dma_wait3A_103 = arith.constant 0 : i32
      %dma_wait3A_104 = tpu.memref_slice %arg14[%add3A_60, %dma_wait3A_103] : memref<10112x128xf32, #tpu.memory_space<vmem_shared>> -> memref<128x128xf32, #tpu.memory_space<vmem_shared>>
      %dma_wait3A_105 = arith.constant 0 : i32
      %dma_wait3A_106 = tpu.memref_slice %arg14[%add3A_60, %dma_wait3A_105] : memref<10112x128xf32, #tpu.memory_space<vmem_shared>> -> memref<128x128xf32, #tpu.memory_space<vmem_shared>>
      %dma_wait3A_107 = arith.constant 0 : i32
      %dma_wait3A_108 = arith.constant 0 : i32
      %dma_wait3A_109 = tpu.memref_slice %arg11[%dma_wait3A_107, %dma_wait3A_108] : memref<128x128xf32, #tpu.memory_space<vmem>> -> memref<128x128xf32, #tpu.memory_space<vmem>>
      tpu.wait_dma2 semaphore(%run_scoped3A : memref<!tpu.dma_semaphore, #tpu.memory_space<semaphore_mem>>) src(%dma_wait3A_109 : memref<128x128xf32, #tpu.memory_space<vmem>>) dst(%dma_wait3A_106 : memref<128x128xf32, #tpu.memory_space<vmem_shared>>)
      tpu.yield
    }) : () -> ()
    %add3A_61 = arith.constant 512 : i32
    %add3A_62 = arith.addi %mul3A_53, %add3A_61 : i32
    "tpu.region"() ({
      %run_scoped3A = tpu.sem_alloc : memref<!tpu.dma_semaphore, #tpu.memory_space<semaphore_mem>>
      %dma_start3A = arith.constant 0 : i32
      %dma_start3A_92 = arith.constant 0 : i32
      %dma_start3A_93 = tpu.memref_slice %arg11[%dma_start3A, %dma_start3A_92] : memref<128x128xf32, #tpu.memory_space<vmem>> -> memref<120x128xf32, #tpu.memory_space<vmem>>
      %dma_start3A_94 = arith.constant 0 : i32
      %dma_start3A_95 = tpu.memref_slice %arg14[%add3A_62, %dma_start3A_94] : memref<10112x128xf32, #tpu.memory_space<vmem_shared>> -> memref<120x128xf32, #tpu.memory_space<vmem_shared>>
      %dma_start3A_96 = arith.constant 0 : i32
      %dma_start3A_97 = tpu.memref_slice %arg14[%add3A_62, %dma_start3A_96] : memref<10112x128xf32, #tpu.memory_space<vmem_shared>> -> memref<120x128xf32, #tpu.memory_space<vmem_shared>>
      %dma_start3A_98 = arith.constant 0 : i32
      %dma_start3A_99 = arith.constant 0 : i32
      %dma_start3A_100 = tpu.memref_slice %arg11[%dma_start3A_98, %dma_start3A_99] : memref<128x128xf32, #tpu.memory_space<vmem>> -> memref<120x128xf32, #tpu.memory_space<vmem>>
      tpu.enqueue_dma source(%dma_start3A_100 : memref<120x128xf32, #tpu.memory_space<vmem>>) target(%dma_start3A_97 : memref<120x128xf32, #tpu.memory_space<vmem_shared>>) target_semaphore(%run_scoped3A : memref<!tpu.dma_semaphore, #tpu.memory_space<semaphore_mem>>)
      %dma_wait3A = arith.constant 0 : i32
      %dma_wait3A_101 = arith.constant 0 : i32
      %dma_wait3A_102 = tpu.memref_slice %arg11[%dma_wait3A, %dma_wait3A_101] : memref<128x128xf32, #tpu.memory_space<vmem>> -> memref<120x128xf32, #tpu.memory_space<vmem>>
      %dma_wait3A_103 = arith.constant 0 : i32
      %dma_wait3A_104 = tpu.memref_slice %arg14[%add3A_62, %dma_wait3A_103] : memref<10112x128xf32, #tpu.memory_space<vmem_shared>> -> memref<120x128xf32, #tpu.memory_space<vmem_shared>>
      %dma_wait3A_105 = arith.constant 0 : i32
      %dma_wait3A_106 = tpu.memref_slice %arg14[%add3A_62, %dma_wait3A_105] : memref<10112x128xf32, #tpu.memory_space<vmem_shared>> -> memref<120x128xf32, #tpu.memory_space<vmem_shared>>
      %dma_wait3A_107 = arith.constant 0 : i32
      %dma_wait3A_108 = arith.constant 0 : i32
      %dma_wait3A_109 = tpu.memref_slice %arg11[%dma_wait3A_107, %dma_wait3A_108] : memref<128x128xf32, #tpu.memory_space<vmem>> -> memref<120x128xf32, #tpu.memory_space<vmem>>
      tpu.wait_dma2 semaphore(%run_scoped3A : memref<!tpu.dma_semaphore, #tpu.memory_space<semaphore_mem>>) src(%dma_wait3A_109 : memref<120x128xf32, #tpu.memory_space<vmem>>) dst(%dma_wait3A_106 : memref<120x128xf32, #tpu.memory_space<vmem_shared>>)
      tpu.yield
    }) : () -> ()
    %barrier3A = arith.constant 0 : index
    tpu.barrier barrier_id(%barrier3A)
    %mul3A_63 = arith.constant 10240 : i32
    %mul3A_64 = arith.muli %arg1, %mul3A_63 : i32
    %scan3A_65 = arith.constant 0 : i32
    %scan3A_66 = arith.constant 0 : i32
    %scan3A_67 = arith.constant 40 : i32
    %scan3A_68 = arith.addi %scan3A_66, %scan3A_67 : i32
    %scan3A_69 = arith.constant 1 : i32
    scf.for %scan3A_92 = %scan3A_66 to %scan3A_68 step %scan3A_69  : i32 {
      %mul3A_93 = arith.constant 2 : i32
      %mul3A_94 = arith.muli %scan3A_92, %mul3A_93 : i32
      %add3A_95 = arith.constant 0 : i32
      %add3A_96 = arith.addi %mul3A_94, %add3A_95 : i32
      %mul3A_97 = arith.constant 128 : i32
      %mul3A_98 = arith.muli %add3A_96, %mul3A_97 : i32
      %add3A_99 = arith.addi %mul3A_64, %mul3A_98 : i32
      "tpu.region"() ({
        %run_scoped3A = tpu.sem_alloc : memref<!tpu.dma_semaphore, #tpu.memory_space<semaphore_mem>>
        %dma_start3A_356 = tpu.memref_slice %arg4[%add3A_99] : memref<163840xi32, #tpu.memory_space<hbm>> -> memref<128xi32, #tpu.memory_space<hbm>>
        %dma_start3A_357 = tpu.memref_slice %arg4[%add3A_99] : memref<163840xi32, #tpu.memory_space<hbm>> -> memref<128xi32, #tpu.memory_space<hbm>>
        tpu.enqueue_dma source(%dma_start3A_357 : memref<128xi32, #tpu.memory_space<hbm>>) target(%arg7 : memref<128xi32, #tpu.memory_space<vmem>>) target_semaphore(%run_scoped3A : memref<!tpu.dma_semaphore, #tpu.memory_space<semaphore_mem>>)
        %dma_wait3A_358 = tpu.memref_slice %arg4[%add3A_99] : memref<163840xi32, #tpu.memory_space<hbm>> -> memref<128xi32, #tpu.memory_space<hbm>>
        %dma_wait3A_359 = tpu.memref_slice %arg4[%add3A_99] : memref<163840xi32, #tpu.memory_space<hbm>> -> memref<128xi32, #tpu.memory_space<hbm>>
        tpu.wait_dma2 semaphore(%run_scoped3A : memref<!tpu.dma_semaphore, #tpu.memory_space<semaphore_mem>>) src(%dma_wait3A_359 : memref<128xi32, #tpu.memory_space<hbm>>) dst(%arg7 : memref<128xi32, #tpu.memory_space<vmem>>)
        tpu.yield
      }) : () -> ()
      %mul3A_100 = arith.constant 128 : i32
      %mul3A_101 = arith.muli %add3A_96, %mul3A_100 : i32
      %add3A_102 = arith.addi %mul3A_64, %mul3A_101 : i32
      "tpu.region"() ({
        %run_scoped3A = tpu.sem_alloc : memref<!tpu.dma_semaphore, #tpu.memory_space<semaphore_mem>>
        %dma_start3A_356 = tpu.memref_slice %arg5[%add3A_102] : memref<163840xi32, #tpu.memory_space<hbm>> -> memref<128xi32, #tpu.memory_space<hbm>>
        %dma_start3A_357 = tpu.memref_slice %arg5[%add3A_102] : memref<163840xi32, #tpu.memory_space<hbm>> -> memref<128xi32, #tpu.memory_space<hbm>>
        tpu.enqueue_dma source(%dma_start3A_357 : memref<128xi32, #tpu.memory_space<hbm>>) target(%arg9 : memref<128xi32, #tpu.memory_space<vmem>>) target_semaphore(%run_scoped3A : memref<!tpu.dma_semaphore, #tpu.memory_space<semaphore_mem>>)
        %dma_wait3A_358 = tpu.memref_slice %arg5[%add3A_102] : memref<163840xi32, #tpu.memory_space<hbm>> -> memref<128xi32, #tpu.memory_space<hbm>>
        %dma_wait3A_359 = tpu.memref_slice %arg5[%add3A_102] : memref<163840xi32, #tpu.memory_space<hbm>> -> memref<128xi32, #tpu.memory_space<hbm>>
        tpu.wait_dma2 semaphore(%run_scoped3A : memref<!tpu.dma_semaphore, #tpu.memory_space<semaphore_mem>>) src(%dma_wait3A_359 : memref<128xi32, #tpu.memory_space<hbm>>) dst(%arg9 : memref<128xi32, #tpu.memory_space<vmem>>)
        tpu.yield
      }) : () -> ()
      %get3A = arith.constant 0 : index
      %get3A_103 = tpu.vector_load %arg7[%get3A] {strides = array<i32>} : memref<128xi32, #tpu.memory_space<vmem>>, vector<16xi32>,
      %get3A_104 = vector.shape_cast %get3A_103 : vector<16xi32> to vector<16xi32>
      %mul3A_105 = arith.constant 2 : i32
      %mul3A_106 = vector.broadcast %mul3A_105 : i32 to vector<16xi32>
      %mul3A_107 = arith.muli %get3A_104, %mul3A_106 : vector<16xi32>
      %add3A_108 = vector.broadcast %arg0 : i32 to vector<16xi32>
      %add3A_109 = arith.addi %mul3A_107, %add3A_108 : vector<16xi32>
      %swap3A_110 = arith.constant 0 : index
      %swap3A_111 = tpu.vector_load %arg7[%swap3A_110] {strides = array<i32>} : memref<128xi32, #tpu.memory_space<vmem>>, vector<16xi32>,
      %swap3A_112 = vector.shape_cast %swap3A_111 : vector<16xi32> to vector<16xi32>
      %swap3A_113 = vector.shape_cast %add3A_109 : vector<16xi32> to vector<16xi32>
      tpu.vector_store %arg7[%swap3A_110], %swap3A_113 {strides = array<i32>} : memref<128xi32, #tpu.memory_space<vmem>>, vector<16xi32>,
      %get3A_114 = arith.constant 16 : index
      %get3A_115 = tpu.vector_load %arg7[%get3A_114] {strides = array<i32>} : memref<128xi32, #tpu.memory_space<vmem>>, vector<16xi32>,
      %get3A_116 = vector.shape_cast %get3A_115 : vector<16xi32> to vector<16xi32>
      %mul3A_117 = arith.constant 2 : i32
      %mul3A_118 = vector.broadcast %mul3A_117 : i32 to vector<16xi32>
      %mul3A_119 = arith.muli %get3A_116, %mul3A_118 : vector<16xi32>
      %add3A_120 = vector.broadcast %arg0 : i32 to vector<16xi32>
      %add3A_121 = arith.addi %mul3A_119, %add3A_120 : vector<16xi32>
      %swap3A_122 = arith.constant 16 : index
      %swap3A_123 = tpu.vector_load %arg7[%swap3A_122] {strides = array<i32>} : memref<128xi32, #tpu.memory_space<vmem>>, vector<16xi32>,
      %swap3A_124 = vector.shape_cast %swap3A_123 : vector<16xi32> to vector<16xi32>
      %swap3A_125 = vector.shape_cast %add3A_121 : vector<16xi32> to vector<16xi32>
      tpu.vector_store %arg7[%swap3A_122], %swap3A_125 {strides = array<i32>} : memref<128xi32, #tpu.memory_space<vmem>>, vector<16xi32>,
      %get3A_126 = arith.constant 32 : index
      %get3A_127 = tpu.vector_load %arg7[%get3A_126] {strides = array<i32>} : memref<128xi32, #tpu.memory_space<vmem>>, vector<16xi32>,
      %get3A_128 = vector.shape_cast %get3A_127 : vector<16xi32> to vector<16xi32>
      %mul3A_129 = arith.constant 2 : i32
      %mul3A_130 = vector.broadcast %mul3A_129 : i32 to vector<16xi32>
      %mul3A_131 = arith.muli %get3A_128, %mul3A_130 : vector<16xi32>
      %add3A_132 = vector.broadcast %arg0 : i32 to vector<16xi32>
      %add3A_133 = arith.addi %mul3A_131, %add3A_132 : vector<16xi32>
      %swap3A_134 = arith.constant 32 : index
      %swap3A_135 = tpu.vector_load %arg7[%swap3A_134] {strides = array<i32>} : memref<128xi32, #tpu.memory_space<vmem>>, vector<16xi32>,
      %swap3A_136 = vector.shape_cast %swap3A_135 : vector<16xi32> to vector<16xi32>
      %swap3A_137 = vector.shape_cast %add3A_133 : vector<16xi32> to vector<16xi32>
      tpu.vector_store %arg7[%swap3A_134], %swap3A_137 {strides = array<i32>} : memref<128xi32, #tpu.memory_space<vmem>>, vector<16xi32>,
      %get3A_138 = arith.constant 48 : index
      %get3A_139 = tpu.vector_load %arg7[%get3A_138] {strides = array<i32>} : memref<128xi32, #tpu.memory_space<vmem>>, vector<16xi32>,
      %get3A_140 = vector.shape_cast %get3A_139 : vector<16xi32> to vector<16xi32>
      %mul3A_141 = arith.constant 2 : i32
      %mul3A_142 = vector.broadcast %mul3A_141 : i32 to vector<16xi32>
      %mul3A_143 = arith.muli %get3A_140, %mul3A_142 : vector<16xi32>
      %add3A_144 = vector.broadcast %arg0 : i32 to vector<16xi32>
      %add3A_145 = arith.addi %mul3A_143, %add3A_144 : vector<16xi32>
      %swap3A_146 = arith.constant 48 : index
      %swap3A_147 = tpu.vector_load %arg7[%swap3A_146] {strides = array<i32>} : memref<128xi32, #tpu.memory_space<vmem>>, vector<16xi32>,
      %swap3A_148 = vector.shape_cast %swap3A_147 : vector<16xi32> to vector<16xi32>
      %swap3A_149 = vector.shape_cast %add3A_145 : vector<16xi32> to vector<16xi32>
      tpu.vector_store %arg7[%swap3A_146], %swap3A_149 {strides = array<i32>} : memref<128xi32, #tpu.memory_space<vmem>>, vector<16xi32>,
      %get3A_150 = arith.constant 64 : index
      %get3A_151 = tpu.vector_load %arg7[%get3A_150] {strides = array<i32>} : memref<128xi32, #tpu.memory_space<vmem>>, vector<16xi32>,
      %get3A_152 = vector.shape_cast %get3A_151 : vector<16xi32> to vector<16xi32>
      %mul3A_153 = arith.constant 2 : i32
      %mul3A_154 = vector.broadcast %mul3A_153 : i32 to vector<16xi32>
      %mul3A_155 = arith.muli %get3A_152, %mul3A_154 : vector<16xi32>
      %add3A_156 = vector.broadcast %arg0 : i32 to vector<16xi32>
      %add3A_157 = arith.addi %mul3A_155, %add3A_156 : vector<16xi32>
      %swap3A_158 = arith.constant 64 : index
      %swap3A_159 = tpu.vector_load %arg7[%swap3A_158] {strides = array<i32>} : memref<128xi32, #tpu.memory_space<vmem>>, vector<16xi32>,
      %swap3A_160 = vector.shape_cast %swap3A_159 : vector<16xi32> to vector<16xi32>
      %swap3A_161 = vector.shape_cast %add3A_157 : vector<16xi32> to vector<16xi32>
      tpu.vector_store %arg7[%swap3A_158], %swap3A_161 {strides = array<i32>} : memref<128xi32, #tpu.memory_space<vmem>>, vector<16xi32>,
      %get3A_162 = arith.constant 80 : index
      %get3A_163 = tpu.vector_load %arg7[%get3A_162] {strides = array<i32>} : memref<128xi32, #tpu.memory_space<vmem>>, vector<16xi32>,
      %get3A_164 = vector.shape_cast %get3A_163 : vector<16xi32> to vector<16xi32>
      %mul3A_165 = arith.constant 2 : i32
      %mul3A_166 = vector.broadcast %mul3A_165 : i32 to vector<16xi32>
      %mul3A_167 = arith.muli %get3A_164, %mul3A_166 : vector<16xi32>
      %add3A_168 = vector.broadcast %arg0 : i32 to vector<16xi32>
      %add3A_169 = arith.addi %mul3A_167, %add3A_168 : vector<16xi32>
      %swap3A_170 = arith.constant 80 : index
      %swap3A_171 = tpu.vector_load %arg7[%swap3A_170] {strides = array<i32>} : memref<128xi32, #tpu.memory_space<vmem>>, vector<16xi32>,
      %swap3A_172 = vector.shape_cast %swap3A_171 : vector<16xi32> to vector<16xi32>
      %swap3A_173 = vector.shape_cast %add3A_169 : vector<16xi32> to vector<16xi32>
      tpu.vector_store %arg7[%swap3A_170], %swap3A_173 {strides = array<i32>} : memref<128xi32, #tpu.memory_space<vmem>>, vector<16xi32>,
      %get3A_174 = arith.constant 96 : index
      %get3A_175 = tpu.vector_load %arg7[%get3A_174] {strides = array<i32>} : memref<128xi32, #tpu.memory_space<vmem>>, vector<16xi32>,
      %get3A_176 = vector.shape_cast %get3A_175 : vector<16xi32> to vector<16xi32>
      %mul3A_177 = arith.constant 2 : i32
      %mul3A_178 = vector.broadcast %mul3A_177 : i32 to vector<16xi32>
      %mul3A_179 = arith.muli %get3A_176, %mul3A_178 : vector<16xi32>
      %add3A_180 = vector.broadcast %arg0 : i32 to vector<16xi32>
      %add3A_181 = arith.addi %mul3A_179, %add3A_180 : vector<16xi32>
      %swap3A_182 = arith.constant 96 : index
      %swap3A_183 = tpu.vector_load %arg7[%swap3A_182] {strides = array<i32>} : memref<128xi32, #tpu.memory_space<vmem>>, vector<16xi32>,
      %swap3A_184 = vector.shape_cast %swap3A_183 : vector<16xi32> to vector<16xi32>
      %swap3A_185 = vector.shape_cast %add3A_181 : vector<16xi32> to vector<16xi32>
      tpu.vector_store %arg7[%swap3A_182], %swap3A_185 {strides = array<i32>} : memref<128xi32, #tpu.memory_space<vmem>>, vector<16xi32>,
      %get3A_186 = arith.constant 112 : index
      %get3A_187 = tpu.vector_load %arg7[%get3A_186] {strides = array<i32>} : memref<128xi32, #tpu.memory_space<vmem>>, vector<16xi32>,
      %get3A_188 = vector.shape_cast %get3A_187 : vector<16xi32> to vector<16xi32>
      %mul3A_189 = arith.constant 2 : i32
      %mul3A_190 = vector.broadcast %mul3A_189 : i32 to vector<16xi32>
      %mul3A_191 = arith.muli %get3A_188, %mul3A_190 : vector<16xi32>
      %add3A_192 = vector.broadcast %arg0 : i32 to vector<16xi32>
      %add3A_193 = arith.addi %mul3A_191, %add3A_192 : vector<16xi32>
      %swap3A_194 = arith.constant 112 : index
      %swap3A_195 = tpu.vector_load %arg7[%swap3A_194] {strides = array<i32>} : memref<128xi32, #tpu.memory_space<vmem>>, vector<16xi32>,
      %swap3A_196 = vector.shape_cast %swap3A_195 : vector<16xi32> to vector<16xi32>
      %swap3A_197 = vector.shape_cast %add3A_193 : vector<16xi32> to vector<16xi32>
      tpu.vector_store %arg7[%swap3A_194], %swap3A_197 {strides = array<i32>} : memref<128xi32, #tpu.memory_space<vmem>>, vector<16xi32>,
      %dma_start3A = arith.constant 0 : i32
      %dma_start3A_198 = arith.constant 0 : i32
      %dma_start3A_199 = tpu.memref_slice %arg2[%dma_start3A, %dma_start3A_198] : memref<20000x128xf32, #tpu.memory_space<hbm>> -> memref<20000x128xf32, #tpu.memory_space<hbm>>
      tpu.enqueue_indirect_dma source(%dma_start3A_199 : memref<20000x128xf32, #tpu.memory_space<hbm>>) target(%arg11 : memref<128x128xf32, #tpu.memory_space<vmem>>) offsets(%arg7 : memref<128xi32, #tpu.memory_space<vmem>>) semaphore(%arg15 : memref<!tpu.dma_semaphore, #tpu.memory_space<semaphore_mem>>)
      %mul3A_200 = arith.constant 128 : i32
      %mul3A_201 = arith.muli %add3A_96, %mul3A_200 : i32
      %add3A_202 = arith.addi %mul3A_64, %mul3A_201 : i32
      %dma_start3A_203 = arith.constant 0 : i32
      %dma_start3A_204 = tpu.memref_slice %arg3[%arg0, %add3A_202, %dma_start3A_203] : memref<2x163840x128xf32, #tpu.memory_space<hbm>> -> memref<1x128x128xf32, #tpu.memory_space<hbm>>
      %dma_start3A_205 = tpu.memref_squeeze %dma_start3A_204 : memref<1x128x128xf32, #tpu.memory_space<hbm>> -> memref<128x128xf32, #tpu.memory_space<hbm>>
      %dma_start3A_206 = arith.constant 0 : i32
      %dma_start3A_207 = tpu.memref_slice %arg3[%arg0, %add3A_202, %dma_start3A_206] : memref<2x163840x128xf32, #tpu.memory_space<hbm>> -> memref<1x128x128xf32, #tpu.memory_space<hbm>>
      %dma_start3A_208 = tpu.memref_squeeze %dma_start3A_207 : memref<1x128x128xf32, #tpu.memory_space<hbm>> -> memref<128x128xf32, #tpu.memory_space<hbm>>
      tpu.enqueue_dma source(%dma_start3A_208 : memref<128x128xf32, #tpu.memory_space<hbm>>) target(%arg12 : memref<128x128xf32, #tpu.memory_space<vmem>>) target_semaphore(%arg16 : memref<!tpu.dma_semaphore, #tpu.memory_space<semaphore_mem>>)
      "tpu.region"() ({
        %run_scoped3A = tpu.sem_alloc : memref<!tpu.dma_semaphore, #tpu.memory_space<semaphore_mem>>
        %dma_start3A_356 = arith.constant 0 : i32
        %dma_start3A_357 = arith.constant 0 : i32
        %dma_start3A_358 = tpu.memref_slice %arg14[%dma_start3A_356, %dma_start3A_357] : memref<10112x128xf32, #tpu.memory_space<vmem_shared>> -> memref<10112x128xf32, #tpu.memory_space<vmem_shared>>
        tpu.enqueue_indirect_dma source(%arg13 : memref<128x128xf32, #tpu.memory_space<vmem>>) target(%dma_start3A_358 : memref<10112x128xf32, #tpu.memory_space<vmem_shared>>) offsets(%arg10 : memref<128xi32, #tpu.memory_space<vmem>>) semaphore(%run_scoped3A : memref<!tpu.dma_semaphore, #tpu.memory_space<semaphore_mem>>) {add = true}
        %dma_wait3A_359 = arith.constant 0 : i32
        %dma_wait3A_360 = arith.constant 0 : i32
        %dma_wait3A_361 = tpu.memref_slice %arg14[%dma_wait3A_359, %dma_wait3A_360] : memref<10112x128xf32, #tpu.memory_space<vmem_shared>> -> memref<10112x128xf32, #tpu.memory_space<vmem_shared>>
        tpu.wait_indirect_dma semaphore(%run_scoped3A : memref<!tpu.dma_semaphore, #tpu.memory_space<semaphore_mem>>) src(%arg13 : memref<128x128xf32, #tpu.memory_space<vmem>>) dst(%dma_wait3A_361 : memref<10112x128xf32, #tpu.memory_space<vmem_shared>>)
        tpu.yield
      }) : () -> ()
      %dma_wait3A = arith.constant 0 : i32
      %dma_wait3A_209 = arith.constant 0 : i32
      %dma_wait3A_210 = tpu.memref_slice %arg2[%dma_wait3A, %dma_wait3A_209] : memref<20000x128xf32, #tpu.memory_space<hbm>> -> memref<20000x128xf32, #tpu.memory_space<hbm>>
      tpu.wait_indirect_dma semaphore(%arg15 : memref<!tpu.dma_semaphore, #tpu.memory_space<semaphore_mem>>) src(%dma_wait3A_210 : memref<20000x128xf32, #tpu.memory_space<hbm>>) dst(%arg11 : memref<128x128xf32, #tpu.memory_space<vmem>>)
      %dma_wait3A_211 = arith.constant 0 : i32
      %dma_wait3A_212 = tpu.memref_slice %arg3[%arg0, %add3A_202, %dma_wait3A_211] : memref<2x163840x128xf32, #tpu.memory_space<hbm>> -> memref<1x128x128xf32, #tpu.memory_space<hbm>>
      %dma_wait3A_213 = tpu.memref_squeeze %dma_wait3A_212 : memref<1x128x128xf32, #tpu.memory_space<hbm>> -> memref<128x128xf32, #tpu.memory_space<hbm>>
      %dma_wait3A_214 = arith.constant 0 : i32
      %dma_wait3A_215 = tpu.memref_slice %arg3[%arg0, %add3A_202, %dma_wait3A_214] : memref<2x163840x128xf32, #tpu.memory_space<hbm>> -> memref<1x128x128xf32, #tpu.memory_space<hbm>>
      %dma_wait3A_216 = tpu.memref_squeeze %dma_wait3A_215 : memref<1x128x128xf32, #tpu.memory_space<hbm>> -> memref<128x128xf32, #tpu.memory_space<hbm>>
      tpu.wait_dma2 semaphore(%arg16 : memref<!tpu.dma_semaphore, #tpu.memory_space<semaphore_mem>>) src(%dma_wait3A_216 : memref<128x128xf32, #tpu.memory_space<hbm>>) dst(%arg12 : memref<128x128xf32, #tpu.memory_space<vmem>>)
      %scan3A_217 = arith.constant 0 : i32
      %scan3A_218 = arith.constant 0 : i32
      %scan3A_219 = arith.constant 128 : i32
      %scan3A_220 = arith.addi %scan3A_218, %scan3A_219 : i32
      %scan3A_221 = arith.constant 1 : i32
      scf.for %scan3A_356 = %scan3A_218 to %scan3A_220 step %scan3A_221  : i32 {
        %get3A_357 = arith.index_cast %scan3A_356 : i32 to index
        %get3A_358 = arith.constant 0 : index
        %get3A_359 = tpu.vector_load %arg11[%get3A_357, %get3A_358] {strides = array<i32>} : memref<128x128xf32, #tpu.memory_space<vmem>>, vector<1x16xf32>,
        %get3A_360 = vector.shape_cast %get3A_359 : vector<1x16xf32> to vector<16xf32>
        %get3A_361 = arith.index_cast %scan3A_356 : i32 to index
        %get3A_362 = arith.constant 0 : index
        %get3A_363 = tpu.vector_load %arg12[%get3A_361, %get3A_362] {strides = array<i32>} : memref<128x128xf32, #tpu.memory_space<vmem>>, vector<1x16xf32>,
        %get3A_364 = vector.shape_cast %get3A_363 : vector<1x16xf32> to vector<16xf32>
        %add3A_365 = arith.addf %get3A_360, %get3A_364 : vector<16xf32>
        %max3A = arith.constant 0.000000e+00 : f32
        %max3A_366 = vector.broadcast %max3A : f32 to vector<16xf32>
        %max3A_367 = arith.maximumf %add3A_365, %max3A_366 : vector<16xf32>
        %swap3A_368 = arith.index_cast %scan3A_356 : i32 to index
        %swap3A_369 = arith.constant 0 : index
        %swap3A_370 = tpu.vector_load %arg12[%swap3A_368, %swap3A_369] {strides = array<i32>} : memref<128x128xf32, #tpu.memory_space<vmem>>, vector<1x16xf32>,
        %swap3A_371 = vector.shape_cast %swap3A_370 : vector<1x16xf32> to vector<16xf32>
        %swap3A_372 = vector.shape_cast %max3A_367 : vector<16xf32> to vector<1x16xf32>
        tpu.vector_store %arg12[%swap3A_368, %swap3A_369], %swap3A_372 {strides = array<i32>} : memref<128x128xf32, #tpu.memory_space<vmem>>, vector<1x16xf32>,
        %get3A_373 = arith.index_cast %scan3A_356 : i32 to index
        %get3A_374 = arith.constant 16 : index
        %get3A_375 = tpu.vector_load %arg11[%get3A_373, %get3A_374] {strides = array<i32>} : memref<128x128xf32, #tpu.memory_space<vmem>>, vector<1x16xf32>,
        %get3A_376 = vector.shape_cast %get3A_375 : vector<1x16xf32> to vector<16xf32>
        %get3A_377 = arith.index_cast %scan3A_356 : i32 to index
        %get3A_378 = arith.constant 16 : index
        %get3A_379 = tpu.vector_load %arg12[%get3A_377, %get3A_378] {strides = array<i32>} : memref<128x128xf32, #tpu.memory_space<vmem>>, vector<1x16xf32>,
        %get3A_380 = vector.shape_cast %get3A_379 : vector<1x16xf32> to vector<16xf32>
        %add3A_381 = arith.addf %get3A_376, %get3A_380 : vector<16xf32>
        %max3A_382 = arith.constant 0.000000e+00 : f32
        %max3A_383 = vector.broadcast %max3A_382 : f32 to vector<16xf32>
        %max3A_384 = arith.maximumf %add3A_381, %max3A_383 : vector<16xf32>
        %swap3A_385 = arith.index_cast %scan3A_356 : i32 to index
        %swap3A_386 = arith.constant 16 : index
        %swap3A_387 = tpu.vector_load %arg12[%swap3A_385, %swap3A_386] {strides = array<i32>} : memref<128x128xf32, #tpu.memory_space<vmem>>, vector<1x16xf32>,
        %swap3A_388 = vector.shape_cast %swap3A_387 : vector<1x16xf32> to vector<16xf32>
        %swap3A_389 = vector.shape_cast %max3A_384 : vector<16xf32> to vector<1x16xf32>
        tpu.vector_store %arg12[%swap3A_385, %swap3A_386], %swap3A_389 {strides = array<i32>} : memref<128x128xf32, #tpu.memory_space<vmem>>, vector<1x16xf32>,
        %get3A_390 = arith.index_cast %scan3A_356 : i32 to index
        %get3A_391 = arith.constant 32 : index
        %get3A_392 = tpu.vector_load %arg11[%get3A_390, %get3A_391] {strides = array<i32>} : memref<128x128xf32, #tpu.memory_space<vmem>>, vector<1x16xf32>,
        %get3A_393 = vector.shape_cast %get3A_392 : vector<1x16xf32> to vector<16xf32>
        %get3A_394 = arith.index_cast %scan3A_356 : i32 to index
        %get3A_395 = arith.constant 32 : index
        %get3A_396 = tpu.vector_load %arg12[%get3A_394, %get3A_395] {strides = array<i32>} : memref<128x128xf32, #tpu.memory_space<vmem>>, vector<1x16xf32>,
        %get3A_397 = vector.shape_cast %get3A_396 : vector<1x16xf32> to vector<16xf32>
        %add3A_398 = arith.addf %get3A_393, %get3A_397 : vector<16xf32>
        %max3A_399 = arith.constant 0.000000e+00 : f32
        %max3A_400 = vector.broadcast %max3A_399 : f32 to vector<16xf32>
        %max3A_401 = arith.maximumf %add3A_398, %max3A_400 : vector<16xf32>
        %swap3A_402 = arith.index_cast %scan3A_356 : i32 to index
        %swap3A_403 = arith.constant 32 : index
        %swap3A_404 = tpu.vector_load %arg12[%swap3A_402, %swap3A_403] {strides = array<i32>} : memref<128x128xf32, #tpu.memory_space<vmem>>, vector<1x16xf32>,
        %swap3A_405 = vector.shape_cast %swap3A_404 : vector<1x16xf32> to vector<16xf32>
        %swap3A_406 = vector.shape_cast %max3A_401 : vector<16xf32> to vector<1x16xf32>
        tpu.vector_store %arg12[%swap3A_402, %swap3A_403], %swap3A_406 {strides = array<i32>} : memref<128x128xf32, #tpu.memory_space<vmem>>, vector<1x16xf32>,
        %get3A_407 = arith.index_cast %scan3A_356 : i32 to index
        %get3A_408 = arith.constant 48 : index
        %get3A_409 = tpu.vector_load %arg11[%get3A_407, %get3A_408] {strides = array<i32>} : memref<128x128xf32, #tpu.memory_space<vmem>>, vector<1x16xf32>,
        %get3A_410 = vector.shape_cast %get3A_409 : vector<1x16xf32> to vector<16xf32>
        %get3A_411 = arith.index_cast %scan3A_356 : i32 to index
        %get3A_412 = arith.constant 48 : index
        %get3A_413 = tpu.vector_load %arg12[%get3A_411, %get3A_412] {strides = array<i32>} : memref<128x128xf32, #tpu.memory_space<vmem>>, vector<1x16xf32>,
        %get3A_414 = vector.shape_cast %get3A_413 : vector<1x16xf32> to vector<16xf32>
        %add3A_415 = arith.addf %get3A_410, %get3A_414 : vector<16xf32>
        %max3A_416 = arith.constant 0.000000e+00 : f32
        %max3A_417 = vector.broadcast %max3A_416 : f32 to vector<16xf32>
        %max3A_418 = arith.maximumf %add3A_415, %max3A_417 : vector<16xf32>
        %swap3A_419 = arith.index_cast %scan3A_356 : i32 to index
        %swap3A_420 = arith.constant 48 : index
        %swap3A_421 = tpu.vector_load %arg12[%swap3A_419, %swap3A_420] {strides = array<i32>} : memref<128x128xf32, #tpu.memory_space<vmem>>, vector<1x16xf32>,
        %swap3A_422 = vector.shape_cast %swap3A_421 : vector<1x16xf32> to vector<16xf32>
        %swap3A_423 = vector.shape_cast %max3A_418 : vector<16xf32> to vector<1x16xf32>
        tpu.vector_store %arg12[%swap3A_419, %swap3A_420], %swap3A_423 {strides = array<i32>} : memref<128x128xf32, #tpu.memory_space<vmem>>, vector<1x16xf32>,
        %get3A_424 = arith.index_cast %scan3A_356 : i32 to index
        %get3A_425 = arith.constant 64 : index
        %get3A_426 = tpu.vector_load %arg11[%get3A_424, %get3A_425] {strides = array<i32>} : memref<128x128xf32, #tpu.memory_space<vmem>>, vector<1x16xf32>,
        %get3A_427 = vector.shape_cast %get3A_426 : vector<1x16xf32> to vector<16xf32>
        %get3A_428 = arith.index_cast %scan3A_356 : i32 to index
        %get3A_429 = arith.constant 64 : index
        %get3A_430 = tpu.vector_load %arg12[%get3A_428, %get3A_429] {strides = array<i32>} : memref<128x128xf32, #tpu.memory_space<vmem>>, vector<1x16xf32>,
        %get3A_431 = vector.shape_cast %get3A_430 : vector<1x16xf32> to vector<16xf32>
        %add3A_432 = arith.addf %get3A_427, %get3A_431 : vector<16xf32>
        %max3A_433 = arith.constant 0.000000e+00 : f32
        %max3A_434 = vector.broadcast %max3A_433 : f32 to vector<16xf32>
        %max3A_435 = arith.maximumf %add3A_432, %max3A_434 : vector<16xf32>
        %swap3A_436 = arith.index_cast %scan3A_356 : i32 to index
        %swap3A_437 = arith.constant 64 : index
        %swap3A_438 = tpu.vector_load %arg12[%swap3A_436, %swap3A_437] {strides = array<i32>} : memref<128x128xf32, #tpu.memory_space<vmem>>, vector<1x16xf32>,
        %swap3A_439 = vector.shape_cast %swap3A_438 : vector<1x16xf32> to vector<16xf32>
        %swap3A_440 = vector.shape_cast %max3A_435 : vector<16xf32> to vector<1x16xf32>
        tpu.vector_store %arg12[%swap3A_436, %swap3A_437], %swap3A_440 {strides = array<i32>} : memref<128x128xf32, #tpu.memory_space<vmem>>, vector<1x16xf32>,
        %get3A_441 = arith.index_cast %scan3A_356 : i32 to index
        %get3A_442 = arith.constant 80 : index
        %get3A_443 = tpu.vector_load %arg11[%get3A_441, %get3A_442] {strides = array<i32>} : memref<128x128xf32, #tpu.memory_space<vmem>>, vector<1x16xf32>,
        %get3A_444 = vector.shape_cast %get3A_443 : vector<1x16xf32> to vector<16xf32>
        %get3A_445 = arith.index_cast %scan3A_356 : i32 to index
        %get3A_446 = arith.constant 80 : index
        %get3A_447 = tpu.vector_load %arg12[%get3A_445, %get3A_446] {strides = array<i32>} : memref<128x128xf32, #tpu.memory_space<vmem>>, vector<1x16xf32>,
        %get3A_448 = vector.shape_cast %get3A_447 : vector<1x16xf32> to vector<16xf32>
        %add3A_449 = arith.addf %get3A_444, %get3A_448 : vector<16xf32>
        %max3A_450 = arith.constant 0.000000e+00 : f32
        %max3A_451 = vector.broadcast %max3A_450 : f32 to vector<16xf32>
        %max3A_452 = arith.maximumf %add3A_449, %max3A_451 : vector<16xf32>
        %swap3A_453 = arith.index_cast %scan3A_356 : i32 to index
        %swap3A_454 = arith.constant 80 : index
        %swap3A_455 = tpu.vector_load %arg12[%swap3A_453, %swap3A_454] {strides = array<i32>} : memref<128x128xf32, #tpu.memory_space<vmem>>, vector<1x16xf32>,
        %swap3A_456 = vector.shape_cast %swap3A_455 : vector<1x16xf32> to vector<16xf32>
        %swap3A_457 = vector.shape_cast %max3A_452 : vector<16xf32> to vector<1x16xf32>
        tpu.vector_store %arg12[%swap3A_453, %swap3A_454], %swap3A_457 {strides = array<i32>} : memref<128x128xf32, #tpu.memory_space<vmem>>, vector<1x16xf32>,
        %get3A_458 = arith.index_cast %scan3A_356 : i32 to index
        %get3A_459 = arith.constant 96 : index
        %get3A_460 = tpu.vector_load %arg11[%get3A_458, %get3A_459] {strides = array<i32>} : memref<128x128xf32, #tpu.memory_space<vmem>>, vector<1x16xf32>,
        %get3A_461 = vector.shape_cast %get3A_460 : vector<1x16xf32> to vector<16xf32>
        %get3A_462 = arith.index_cast %scan3A_356 : i32 to index
        %get3A_463 = arith.constant 96 : index
        %get3A_464 = tpu.vector_load %arg12[%get3A_462, %get3A_463] {strides = array<i32>} : memref<128x128xf32, #tpu.memory_space<vmem>>, vector<1x16xf32>,
        %get3A_465 = vector.shape_cast %get3A_464 : vector<1x16xf32> to vector<16xf32>
        %add3A_466 = arith.addf %get3A_461, %get3A_465 : vector<16xf32>
        %max3A_467 = arith.constant 0.000000e+00 : f32
        %max3A_468 = vector.broadcast %max3A_467 : f32 to vector<16xf32>
        %max3A_469 = arith.maximumf %add3A_466, %max3A_468 : vector<16xf32>
        %swap3A_470 = arith.index_cast %scan3A_356 : i32 to index
        %swap3A_471 = arith.constant 96 : index
        %swap3A_472 = tpu.vector_load %arg12[%swap3A_470, %swap3A_471] {strides = array<i32>} : memref<128x128xf32, #tpu.memory_space<vmem>>, vector<1x16xf32>,
        %swap3A_473 = vector.shape_cast %swap3A_472 : vector<1x16xf32> to vector<16xf32>
        %swap3A_474 = vector.shape_cast %max3A_469 : vector<16xf32> to vector<1x16xf32>
        tpu.vector_store %arg12[%swap3A_470, %swap3A_471], %swap3A_474 {strides = array<i32>} : memref<128x128xf32, #tpu.memory_space<vmem>>, vector<1x16xf32>,
        %get3A_475 = arith.index_cast %scan3A_356 : i32 to index
        %get3A_476 = arith.constant 112 : index
        %get3A_477 = tpu.vector_load %arg11[%get3A_475, %get3A_476] {strides = array<i32>} : memref<128x128xf32, #tpu.memory_space<vmem>>, vector<1x16xf32>,
        %get3A_478 = vector.shape_cast %get3A_477 : vector<1x16xf32> to vector<16xf32>
        %get3A_479 = arith.index_cast %scan3A_356 : i32 to index
        %get3A_480 = arith.constant 112 : index
        %get3A_481 = tpu.vector_load %arg12[%get3A_479, %get3A_480] {strides = array<i32>} : memref<128x128xf32, #tpu.memory_space<vmem>>, vector<1x16xf32>,
        %get3A_482 = vector.shape_cast %get3A_481 : vector<1x16xf32> to vector<16xf32>
        %add3A_483 = arith.addf %get3A_478, %get3A_482 : vector<16xf32>
        %max3A_484 = arith.constant 0.000000e+00 : f32
        %max3A_485 = vector.broadcast %max3A_484 : f32 to vector<16xf32>
        %max3A_486 = arith.maximumf %add3A_483, %max3A_485 : vector<16xf32>
        %swap3A_487 = arith.index_cast %scan3A_356 : i32 to index
        %swap3A_488 = arith.constant 112 : index
        %swap3A_489 = tpu.vector_load %arg12[%swap3A_487, %swap3A_488] {strides = array<i32>} : memref<128x128xf32, #tpu.memory_space<vmem>>, vector<1x16xf32>,
        %swap3A_490 = vector.shape_cast %swap3A_489 : vector<1x16xf32> to vector<16xf32>
        %swap3A_491 = vector.shape_cast %max3A_486 : vector<16xf32> to vector<1x16xf32>
        tpu.vector_store %arg12[%swap3A_487, %swap3A_488], %swap3A_491 {strides = array<i32>} : memref<128x128xf32, #tpu.memory_space<vmem>>, vector<1x16xf32>,
      }
      %scan3A_222 = arith.constant 128 : i32
      %mul3A_223 = arith.constant 2 : i32
      %mul3A_224 = arith.muli %scan3A_92, %mul3A_223 : i32
      %add3A_225 = arith.constant 1 : i32
      %add3A_226 = arith.addi %mul3A_224, %add3A_225 : i32
      %mul3A_227 = arith.constant 128 : i32
      %mul3A_228 = arith.muli %add3A_226, %mul3A_227 : i32
      %add3A_229 = arith.addi %mul3A_64, %mul3A_228 : i32
      "tpu.region"() ({
        %run_scoped3A = tpu.sem_alloc : memref<!tpu.dma_semaphore, #tpu.memory_space<semaphore_mem>>
        %dma_start3A_356 = tpu.memref_slice %arg4[%add3A_229] : memref<163840xi32, #tpu.memory_space<hbm>> -> memref<128xi32, #tpu.memory_space<hbm>>
        %dma_start3A_357 = tpu.memref_slice %arg4[%add3A_229] : memref<163840xi32, #tpu.memory_space<hbm>> -> memref<128xi32, #tpu.memory_space<hbm>>
        tpu.enqueue_dma source(%dma_start3A_357 : memref<128xi32, #tpu.memory_space<hbm>>) target(%arg8 : memref<128xi32, #tpu.memory_space<vmem>>) target_semaphore(%run_scoped3A : memref<!tpu.dma_semaphore, #tpu.memory_space<semaphore_mem>>)
        %dma_wait3A_358 = tpu.memref_slice %arg4[%add3A_229] : memref<163840xi32, #tpu.memory_space<hbm>> -> memref<128xi32, #tpu.memory_space<hbm>>
        %dma_wait3A_359 = tpu.memref_slice %arg4[%add3A_229] : memref<163840xi32, #tpu.memory_space<hbm>> -> memref<128xi32, #tpu.memory_space<hbm>>
        tpu.wait_dma2 semaphore(%run_scoped3A : memref<!tpu.dma_semaphore, #tpu.memory_space<semaphore_mem>>) src(%dma_wait3A_359 : memref<128xi32, #tpu.memory_space<hbm>>) dst(%arg8 : memref<128xi32, #tpu.memory_space<vmem>>)
        tpu.yield
      }) : () -> ()
      %mul3A_230 = arith.constant 128 : i32
      %mul3A_231 = arith.muli %add3A_226, %mul3A_230 : i32
      %add3A_232 = arith.addi %mul3A_64, %mul3A_231 : i32
      "tpu.region"() ({
        %run_scoped3A = tpu.sem_alloc : memref<!tpu.dma_semaphore, #tpu.memory_space<semaphore_mem>>
        %dma_start3A_356 = tpu.memref_slice %arg5[%add3A_232] : memref<163840xi32, #tpu.memory_space<hbm>> -> memref<128xi32, #tpu.memory_space<hbm>>
        %dma_start3A_357 = tpu.memref_slice %arg5[%add3A_232] : memref<163840xi32, #tpu.memory_space<hbm>> -> memref<128xi32, #tpu.memory_space<hbm>>
        tpu.enqueue_dma source(%dma_start3A_357 : memref<128xi32, #tpu.memory_space<hbm>>) target(%arg10 : memref<128xi32, #tpu.memory_space<vmem>>) target_semaphore(%run_scoped3A : memref<!tpu.dma_semaphore, #tpu.memory_space<semaphore_mem>>)
        %dma_wait3A_358 = tpu.memref_slice %arg5[%add3A_232] : memref<163840xi32, #tpu.memory_space<hbm>> -> memref<128xi32, #tpu.memory_space<hbm>>
        %dma_wait3A_359 = tpu.memref_slice %arg5[%add3A_232] : memref<163840xi32, #tpu.memory_space<hbm>> -> memref<128xi32, #tpu.memory_space<hbm>>
        tpu.wait_dma2 semaphore(%run_scoped3A : memref<!tpu.dma_semaphore, #tpu.memory_space<semaphore_mem>>) src(%dma_wait3A_359 : memref<128xi32, #tpu.memory_space<hbm>>) dst(%arg10 : memref<128xi32, #tpu.memory_space<vmem>>)
        tpu.yield
      }) : () -> ()
      %get3A_233 = arith.constant 0 : index
      %get3A_234 = tpu.vector_load %arg8[%get3A_233] {strides = array<i32>} : memref<128xi32, #tpu.memory_space<vmem>>, vector<16xi32>,
      %get3A_235 = vector.shape_cast %get3A_234 : vector<16xi32> to vector<16xi32>
      %mul3A_236 = arith.constant 2 : i32
      %mul3A_237 = vector.broadcast %mul3A_236 : i32 to vector<16xi32>
      %mul3A_238 = arith.muli %get3A_235, %mul3A_237 : vector<16xi32>
      %add3A_239 = vector.broadcast %arg0 : i32 to vector<16xi32>
      %add3A_240 = arith.addi %mul3A_238, %add3A_239 : vector<16xi32>
      %swap3A_241 = arith.constant 0 : index
      %swap3A_242 = tpu.vector_load %arg8[%swap3A_241] {strides = array<i32>} : memref<128xi32, #tpu.memory_space<vmem>>, vector<16xi32>,
      %swap3A_243 = vector.shape_cast %swap3A_242 : vector<16xi32> to vector<16xi32>
      %swap3A_244 = vector.shape_cast %add3A_240 : vector<16xi32> to vector<16xi32>
      tpu.vector_store %arg8[%swap3A_241], %swap3A_244 {strides = array<i32>} : memref<128xi32, #tpu.memory_space<vmem>>, vector<16xi32>,
      %get3A_245 = arith.constant 16 : index
      %get3A_246 = tpu.vector_load %arg8[%get3A_245] {strides = array<i32>} : memref<128xi32, #tpu.memory_space<vmem>>, vector<16xi32>,
      %get3A_247 = vector.shape_cast %get3A_246 : vector<16xi32> to vector<16xi32>
      %mul3A_248 = arith.constant 2 : i32
      %mul3A_249 = vector.broadcast %mul3A_248 : i32 to vector<16xi32>
      %mul3A_250 = arith.muli %get3A_247, %mul3A_249 : vector<16xi32>
      %add3A_251 = vector.broadcast %arg0 : i32 to vector<16xi32>
      %add3A_252 = arith.addi %mul3A_250, %add3A_251 : vector<16xi32>
      %swap3A_253 = arith.constant 16 : index
      %swap3A_254 = tpu.vector_load %arg8[%swap3A_253] {strides = array<i32>} : memref<128xi32, #tpu.memory_space<vmem>>, vector<16xi32>,
      %swap3A_255 = vector.shape_cast %swap3A_254 : vector<16xi32> to vector<16xi32>
      %swap3A_256 = vector.shape_cast %add3A_252 : vector<16xi32> to vector<16xi32>
      tpu.vector_store %arg8[%swap3A_253], %swap3A_256 {strides = array<i32>} : memref<128xi32, #tpu.memory_space<vmem>>, vector<16xi32>,
      %get3A_257 = arith.constant 32 : index
      %get3A_258 = tpu.vector_load %arg8[%get3A_257] {strides = array<i32>} : memref<128xi32, #tpu.memory_space<vmem>>, vector<16xi32>,
      %get3A_259 = vector.shape_cast %get3A_258 : vector<16xi32> to vector<16xi32>
      %mul3A_260 = arith.constant 2 : i32
      %mul3A_261 = vector.broadcast %mul3A_260 : i32 to vector<16xi32>
      %mul3A_262 = arith.muli %get3A_259, %mul3A_261 : vector<16xi32>
      %add3A_263 = vector.broadcast %arg0 : i32 to vector<16xi32>
      %add3A_264 = arith.addi %mul3A_262, %add3A_263 : vector<16xi32>
      %swap3A_265 = arith.constant 32 : index
      %swap3A_266 = tpu.vector_load %arg8[%swap3A_265] {strides = array<i32>} : memref<128xi32, #tpu.memory_space<vmem>>, vector<16xi32>,
      %swap3A_267 = vector.shape_cast %swap3A_266 : vector<16xi32> to vector<16xi32>
      %swap3A_268 = vector.shape_cast %add3A_264 : vector<16xi32> to vector<16xi32>
      tpu.vector_store %arg8[%swap3A_265], %swap3A_268 {strides = array<i32>} : memref<128xi32, #tpu.memory_space<vmem>>, vector<16xi32>,
      %get3A_269 = arith.constant 48 : index
      %get3A_270 = tpu.vector_load %arg8[%get3A_269] {strides = array<i32>} : memref<128xi32, #tpu.memory_space<vmem>>, vector<16xi32>,
      %get3A_271 = vector.shape_cast %get3A_270 : vector<16xi32> to vector<16xi32>
      %mul3A_272 = arith.constant 2 : i32
      %mul3A_273 = vector.broadcast %mul3A_272 : i32 to vector<16xi32>
      %mul3A_274 = arith.muli %get3A_271, %mul3A_273 : vector<16xi32>
      %add3A_275 = vector.broadcast %arg0 : i32 to vector<16xi32>
      %add3A_276 = arith.addi %mul3A_274, %add3A_275 : vector<16xi32>
      %swap3A_277 = arith.constant 48 : index
      %swap3A_278 = tpu.vector_load %arg8[%swap3A_277] {strides = array<i32>} : memref<128xi32, #tpu.memory_space<vmem>>, vector<16xi32>,
      %swap3A_279 = vector.shape_cast %swap3A_278 : vector<16xi32> to vector<16xi32>
      %swap3A_280 = vector.shape_cast %add3A_276 : vector<16xi32> to vector<16xi32>
      tpu.vector_store %arg8[%swap3A_277], %swap3A_280 {strides = array<i32>} : memref<128xi32, #tpu.memory_space<vmem>>, vector<16xi32>,
      %get3A_281 = arith.constant 64 : index
      %get3A_282 = tpu.vector_load %arg8[%get3A_281] {strides = array<i32>} : memref<128xi32, #tpu.memory_space<vmem>>, vector<16xi32>,
      %get3A_283 = vector.shape_cast %get3A_282 : vector<16xi32> to vector<16xi32>
      %mul3A_284 = arith.constant 2 : i32
      %mul3A_285 = vector.broadcast %mul3A_284 : i32 to vector<16xi32>
      %mul3A_286 = arith.muli %get3A_283, %mul3A_285 : vector<16xi32>
      %add3A_287 = vector.broadcast %arg0 : i32 to vector<16xi32>
      %add3A_288 = arith.addi %mul3A_286, %add3A_287 : vector<16xi32>
      %swap3A_289 = arith.constant 64 : index
      %swap3A_290 = tpu.vector_load %arg8[%swap3A_289] {strides = array<i32>} : memref<128xi32, #tpu.memory_space<vmem>>, vector<16xi32>,
      %swap3A_291 = vector.shape_cast %swap3A_290 : vector<16xi32> to vector<16xi32>
      %swap3A_292 = vector.shape_cast %add3A_288 : vector<16xi32> to vector<16xi32>
      tpu.vector_store %arg8[%swap3A_289], %swap3A_292 {strides = array<i32>} : memref<128xi32, #tpu.memory_space<vmem>>, vector<16xi32>,
      %get3A_293 = arith.constant 80 : index
      %get3A_294 = tpu.vector_load %arg8[%get3A_293] {strides = array<i32>} : memref<128xi32, #tpu.memory_space<vmem>>, vector<16xi32>,
      %get3A_295 = vector.shape_cast %get3A_294 : vector<16xi32> to vector<16xi32>
      %mul3A_296 = arith.constant 2 : i32
      %mul3A_297 = vector.broadcast %mul3A_296 : i32 to vector<16xi32>
      %mul3A_298 = arith.muli %get3A_295, %mul3A_297 : vector<16xi32>
      %add3A_299 = vector.broadcast %arg0 : i32 to vector<16xi32>
      %add3A_300 = arith.addi %mul3A_298, %add3A_299 : vector<16xi32>
      %swap3A_301 = arith.constant 80 : index
      %swap3A_302 = tpu.vector_load %arg8[%swap3A_301] {strides = array<i32>} : memref<128xi32, #tpu.memory_space<vmem>>, vector<16xi32>,
      %swap3A_303 = vector.shape_cast %swap3A_302 : vector<16xi32> to vector<16xi32>
      %swap3A_304 = vector.shape_cast %add3A_300 : vector<16xi32> to vector<16xi32>
      tpu.vector_store %arg8[%swap3A_301], %swap3A_304 {strides = array<i32>} : memref<128xi32, #tpu.memory_space<vmem>>, vector<16xi32>,
      %get3A_305 = arith.constant 96 : index
      %get3A_306 = tpu.vector_load %arg8[%get3A_305] {strides = array<i32>} : memref<128xi32, #tpu.memory_space<vmem>>, vector<16xi32>,
      %get3A_307 = vector.shape_cast %get3A_306 : vector<16xi32> to vector<16xi32>
      %mul3A_308 = arith.constant 2 : i32
      %mul3A_309 = vector.broadcast %mul3A_308 : i32 to vector<16xi32>
      %mul3A_310 = arith.muli %get3A_307, %mul3A_309 : vector<16xi32>
      %add3A_311 = vector.broadcast %arg0 : i32 to vector<16xi32>
      %add3A_312 = arith.addi %mul3A_310, %add3A_311 : vector<16xi32>
      %swap3A_313 = arith.constant 96 : index
      %swap3A_314 = tpu.vector_load %arg8[%swap3A_313] {strides = array<i32>} : memref<128xi32, #tpu.memory_space<vmem>>, vector<16xi32>,
      %swap3A_315 = vector.shape_cast %swap3A_314 : vector<16xi32> to vector<16xi32>
      %swap3A_316 = vector.shape_cast %add3A_312 : vector<16xi32> to vector<16xi32>
      tpu.vector_store %arg8[%swap3A_313], %swap3A_316 {strides = array<i32>} : memref<128xi32, #tpu.memory_space<vmem>>, vector<16xi32>,
      %get3A_317 = arith.constant 112 : index
      %get3A_318 = tpu.vector_load %arg8[%get3A_317] {strides = array<i32>} : memref<128xi32, #tpu.memory_space<vmem>>, vector<16xi32>,
      %get3A_319 = vector.shape_cast %get3A_318 : vector<16xi32> to vector<16xi32>
      %mul3A_320 = arith.constant 2 : i32
      %mul3A_321 = vector.broadcast %mul3A_320 : i32 to vector<16xi32>
      %mul3A_322 = arith.muli %get3A_319, %mul3A_321 : vector<16xi32>
      %add3A_323 = vector.broadcast %arg0 : i32 to vector<16xi32>
      %add3A_324 = arith.addi %mul3A_322, %add3A_323 : vector<16xi32>
      %swap3A_325 = arith.constant 112 : index
      %swap3A_326 = tpu.vector_load %arg8[%swap3A_325] {strides = array<i32>} : memref<128xi32, #tpu.memory_space<vmem>>, vector<16xi32>,
      %swap3A_327 = vector.shape_cast %swap3A_326 : vector<16xi32> to vector<16xi32>
      %swap3A_328 = vector.shape_cast %add3A_324 : vector<16xi32> to vector<16xi32>
      tpu.vector_store %arg8[%swap3A_325], %swap3A_328 {strides = array<i32>} : memref<128xi32, #tpu.memory_space<vmem>>, vector<16xi32>,
      %dma_start3A_329 = arith.constant 0 : i32
      %dma_start3A_330 = arith.constant 0 : i32
      %dma_start3A_331 = tpu.memref_slice %arg2[%dma_start3A_329, %dma_start3A_330] : memref<20000x128xf32, #tpu.memory_space<hbm>> -> memref<20000x128xf32, #tpu.memory_space<hbm>>
      tpu.enqueue_indirect_dma source(%dma_start3A_331 : memref<20000x128xf32, #tpu.memory_space<hbm>>) target(%arg11 : memref<128x128xf32, #tpu.memory_space<vmem>>) offsets(%arg8 : memref<128xi32, #tpu.memory_space<vmem>>) semaphore(%arg15 : memref<!tpu.dma_semaphore, #tpu.memory_space<semaphore_mem>>)
      %mul3A_332 = arith.constant 128 : i32
      %mul3A_333 = arith.muli %add3A_226, %mul3A_332 : i32
      %add3A_334 = arith.addi %mul3A_64, %mul3A_333 : i32
      %dma_start3A_335 = arith.constant 0 : i32
      %dma_start3A_336 = tpu.memref_slice %arg3[%arg0, %add3A_334, %dma_start3A_335] : memref<2x163840x128xf32, #tpu.memory_space<hbm>> -> memref<1x128x128xf32, #tpu.memory_space<hbm>>
      %dma_start3A_337 = tpu.memref_squeeze %dma_start3A_336 : memref<1x128x128xf32, #tpu.memory_space<hbm>> -> memref<128x128xf32, #tpu.memory_space<hbm>>
      %dma_start3A_338 = arith.constant 0 : i32
      %dma_start3A_339 = tpu.memref_slice %arg3[%arg0, %add3A_334, %dma_start3A_338] : memref<2x163840x128xf32, #tpu.memory_space<hbm>> -> memref<1x128x128xf32, #tpu.memory_space<hbm>>
      %dma_start3A_340 = tpu.memref_squeeze %dma_start3A_339 : memref<1x128x128xf32, #tpu.memory_space<hbm>> -> memref<128x128xf32, #tpu.memory_space<hbm>>
      tpu.enqueue_dma source(%dma_start3A_340 : memref<128x128xf32, #tpu.memory_space<hbm>>) target(%arg13 : memref<128x128xf32, #tpu.memory_space<vmem>>) target_semaphore(%arg16 : memref<!tpu.dma_semaphore, #tpu.memory_space<semaphore_mem>>)
      "tpu.region"() ({
        %run_scoped3A = tpu.sem_alloc : memref<!tpu.dma_semaphore, #tpu.memory_space<semaphore_mem>>
        %dma_start3A_356 = arith.constant 0 : i32
        %dma_start3A_357 = arith.constant 0 : i32
        %dma_start3A_358 = tpu.memref_slice %arg14[%dma_start3A_356, %dma_start3A_357] : memref<10112x128xf32, #tpu.memory_space<vmem_shared>> -> memref<10112x128xf32, #tpu.memory_space<vmem_shared>>
        tpu.enqueue_indirect_dma source(%arg12 : memref<128x128xf32, #tpu.memory_space<vmem>>) target(%dma_start3A_358 : memref<10112x128xf32, #tpu.memory_space<vmem_shared>>) offsets(%arg9 : memref<128xi32, #tpu.memory_space<vmem>>) semaphore(%run_scoped3A : memref<!tpu.dma_semaphore, #tpu.memory_space<semaphore_mem>>) {add = true}
        %dma_wait3A_359 = arith.constant 0 : i32
        %dma_wait3A_360 = arith.constant 0 : i32
        %dma_wait3A_361 = tpu.memref_slice %arg14[%dma_wait3A_359, %dma_wait3A_360] : memref<10112x128xf32, #tpu.memory_space<vmem_shared>> -> memref<10112x128xf32, #tpu.memory_space<vmem_shared>>
        tpu.wait_indirect_dma semaphore(%run_scoped3A : memref<!tpu.dma_semaphore, #tpu.memory_space<semaphore_mem>>) src(%arg12 : memref<128x128xf32, #tpu.memory_space<vmem>>) dst(%dma_wait3A_361 : memref<10112x128xf32, #tpu.memory_space<vmem_shared>>)
        tpu.yield
      }) : () -> ()
      %dma_wait3A_341 = arith.constant 0 : i32
      %dma_wait3A_342 = arith.constant 0 : i32
      %dma_wait3A_343 = tpu.memref_slice %arg2[%dma_wait3A_341, %dma_wait3A_342] : memref<20000x128xf32, #tpu.memory_space<hbm>> -> memref<20000x128xf32, #tpu.memory_space<hbm>>
      tpu.wait_indirect_dma semaphore(%arg15 : memref<!tpu.dma_semaphore, #tpu.memory_space<semaphore_mem>>) src(%dma_wait3A_343 : memref<20000x128xf32, #tpu.memory_space<hbm>>) dst(%arg11 : memref<128x128xf32, #tpu.memory_space<vmem>>)
      %dma_wait3A_344 = arith.constant 0 : i32
      %dma_wait3A_345 = tpu.memref_slice %arg3[%arg0, %add3A_334, %dma_wait3A_344] : memref<2x163840x128xf32, #tpu.memory_space<hbm>> -> memref<1x128x128xf32, #tpu.memory_space<hbm>>
      %dma_wait3A_346 = tpu.memref_squeeze %dma_wait3A_345 : memref<1x128x128xf32, #tpu.memory_space<hbm>> -> memref<128x128xf32, #tpu.memory_space<hbm>>
      %dma_wait3A_347 = arith.constant 0 : i32
      %dma_wait3A_348 = tpu.memref_slice %arg3[%arg0, %add3A_334, %dma_wait3A_347] : memref<2x163840x128xf32, #tpu.memory_space<hbm>> -> memref<1x128x128xf32, #tpu.memory_space<hbm>>
      %dma_wait3A_349 = tpu.memref_squeeze %dma_wait3A_348 : memref<1x128x128xf32, #tpu.memory_space<hbm>> -> memref<128x128xf32, #tpu.memory_space<hbm>>
      tpu.wait_dma2 semaphore(%arg16 : memref<!tpu.dma_semaphore, #tpu.memory_space<semaphore_mem>>) src(%dma_wait3A_349 : memref<128x128xf32, #tpu.memory_space<hbm>>) dst(%arg13 : memref<128x128xf32, #tpu.memory_space<vmem>>)
      %scan3A_350 = arith.constant 0 : i32
      %scan3A_351 = arith.constant 0 : i32
      %scan3A_352 = arith.constant 128 : i32
      %scan3A_353 = arith.addi %scan3A_351, %scan3A_352 : i32
      %scan3A_354 = arith.constant 1 : i32
      scf.for %scan3A_356 = %scan3A_351 to %scan3A_353 step %scan3A_354  : i32 {
        %get3A_357 = arith.index_cast %scan3A_356 : i32 to index
        %get3A_358 = arith.constant 0 : index
        %get3A_359 = tpu.vector_load %arg11[%get3A_357, %get3A_358] {strides = array<i32>} : memref<128x128xf32, #tpu.memory_space<vmem>>, vector<1x16xf32>,
        %get3A_360 = vector.shape_cast %get3A_359 : vector<1x16xf32> to vector<16xf32>
        %get3A_361 = arith.index_cast %scan3A_356 : i32 to index
        %get3A_362 = arith.constant 0 : index
        %get3A_363 = tpu.vector_load %arg13[%get3A_361, %get3A_362] {strides = array<i32>} : memref<128x128xf32, #tpu.memory_space<vmem>>, vector<1x16xf32>,
        %get3A_364 = vector.shape_cast %get3A_363 : vector<1x16xf32> to vector<16xf32>
        %add3A_365 = arith.addf %get3A_360, %get3A_364 : vector<16xf32>
        %max3A = arith.constant 0.000000e+00 : f32
        %max3A_366 = vector.broadcast %max3A : f32 to vector<16xf32>
        %max3A_367 = arith.maximumf %add3A_365, %max3A_366 : vector<16xf32>
        %swap3A_368 = arith.index_cast %scan3A_356 : i32 to index
        %swap3A_369 = arith.constant 0 : index
        %swap3A_370 = tpu.vector_load %arg13[%swap3A_368, %swap3A_369] {strides = array<i32>} : memref<128x128xf32, #tpu.memory_space<vmem>>, vector<1x16xf32>,
        %swap3A_371 = vector.shape_cast %swap3A_370 : vector<1x16xf32> to vector<16xf32>
        %swap3A_372 = vector.shape_cast %max3A_367 : vector<16xf32> to vector<1x16xf32>
        tpu.vector_store %arg13[%swap3A_368, %swap3A_369], %swap3A_372 {strides = array<i32>} : memref<128x128xf32, #tpu.memory_space<vmem>>, vector<1x16xf32>,
        %get3A_373 = arith.index_cast %scan3A_356 : i32 to index
        %get3A_374 = arith.constant 16 : index
        %get3A_375 = tpu.vector_load %arg11[%get3A_373, %get3A_374] {strides = array<i32>} : memref<128x128xf32, #tpu.memory_space<vmem>>, vector<1x16xf32>,
        %get3A_376 = vector.shape_cast %get3A_375 : vector<1x16xf32> to vector<16xf32>
        %get3A_377 = arith.index_cast %scan3A_356 : i32 to index
        %get3A_378 = arith.constant 16 : index
        %get3A_379 = tpu.vector_load %arg13[%get3A_377, %get3A_378] {strides = array<i32>} : memref<128x128xf32, #tpu.memory_space<vmem>>, vector<1x16xf32>,
        %get3A_380 = vector.shape_cast %get3A_379 : vector<1x16xf32> to vector<16xf32>
        %add3A_381 = arith.addf %get3A_376, %get3A_380 : vector<16xf32>
        %max3A_382 = arith.constant 0.000000e+00 : f32
        %max3A_383 = vector.broadcast %max3A_382 : f32 to vector<16xf32>
        %max3A_384 = arith.maximumf %add3A_381, %max3A_383 : vector<16xf32>
        %swap3A_385 = arith.index_cast %scan3A_356 : i32 to index
        %swap3A_386 = arith.constant 16 : index
        %swap3A_387 = tpu.vector_load %arg13[%swap3A_385, %swap3A_386] {strides = array<i32>} : memref<128x128xf32, #tpu.memory_space<vmem>>, vector<1x16xf32>,
        %swap3A_388 = vector.shape_cast %swap3A_387 : vector<1x16xf32> to vector<16xf32>
        %swap3A_389 = vector.shape_cast %max3A_384 : vector<16xf32> to vector<1x16xf32>
        tpu.vector_store %arg13[%swap3A_385, %swap3A_386], %swap3A_389 {strides = array<i32>} : memref<128x128xf32, #tpu.memory_space<vmem>>, vector<1x16xf32>,
        %get3A_390 = arith.index_cast %scan3A_356 : i32 to index
        %get3A_391 = arith.constant 32 : index
        %get3A_392 = tpu.vector_load %arg11[%get3A_390, %get3A_391] {strides = array<i32>} : memref<128x128xf32, #tpu.memory_space<vmem>>, vector<1x16xf32>,
        %get3A_393 = vector.shape_cast %get3A_392 : vector<1x16xf32> to vector<16xf32>
        %get3A_394 = arith.index_cast %scan3A_356 : i32 to index
        %get3A_395 = arith.constant 32 : index
        %get3A_396 = tpu.vector_load %arg13[%get3A_394, %get3A_395] {strides = array<i32>} : memref<128x128xf32, #tpu.memory_space<vmem>>, vector<1x16xf32>,
        %get3A_397 = vector.shape_cast %get3A_396 : vector<1x16xf32> to vector<16xf32>
        %add3A_398 = arith.addf %get3A_393, %get3A_397 : vector<16xf32>
        %max3A_399 = arith.constant 0.000000e+00 : f32
        %max3A_400 = vector.broadcast %max3A_399 : f32 to vector<16xf32>
        %max3A_401 = arith.maximumf %add3A_398, %max3A_400 : vector<16xf32>
        %swap3A_402 = arith.index_cast %scan3A_356 : i32 to index
        %swap3A_403 = arith.constant 32 : index
        %swap3A_404 = tpu.vector_load %arg13[%swap3A_402, %swap3A_403] {strides = array<i32>} : memref<128x128xf32, #tpu.memory_space<vmem>>, vector<1x16xf32>,
        %swap3A_405 = vector.shape_cast %swap3A_404 : vector<1x16xf32> to vector<16xf32>
        %swap3A_406 = vector.shape_cast %max3A_401 : vector<16xf32> to vector<1x16xf32>
        tpu.vector_store %arg13[%swap3A_402, %swap3A_403], %swap3A_406 {strides = array<i32>} : memref<128x128xf32, #tpu.memory_space<vmem>>, vector<1x16xf32>,
        %get3A_407 = arith.index_cast %scan3A_356 : i32 to index
        %get3A_408 = arith.constant 48 : index
        %get3A_409 = tpu.vector_load %arg11[%get3A_407, %get3A_408] {strides = array<i32>} : memref<128x128xf32, #tpu.memory_space<vmem>>, vector<1x16xf32>,
        %get3A_410 = vector.shape_cast %get3A_409 : vector<1x16xf32> to vector<16xf32>
        %get3A_411 = arith.index_cast %scan3A_356 : i32 to index
        %get3A_412 = arith.constant 48 : index
        %get3A_413 = tpu.vector_load %arg13[%get3A_411, %get3A_412] {strides = array<i32>} : memref<128x128xf32, #tpu.memory_space<vmem>>, vector<1x16xf32>,
        %get3A_414 = vector.shape_cast %get3A_413 : vector<1x16xf32> to vector<16xf32>
        %add3A_415 = arith.addf %get3A_410, %get3A_414 : vector<16xf32>
        %max3A_416 = arith.constant 0.000000e+00 : f32
        %max3A_417 = vector.broadcast %max3A_416 : f32 to vector<16xf32>
        %max3A_418 = arith.maximumf %add3A_415, %max3A_417 : vector<16xf32>
        %swap3A_419 = arith.index_cast %scan3A_356 : i32 to index
        %swap3A_420 = arith.constant 48 : index
        %swap3A_421 = tpu.vector_load %arg13[%swap3A_419, %swap3A_420] {strides = array<i32>} : memref<128x128xf32, #tpu.memory_space<vmem>>, vector<1x16xf32>,
        %swap3A_422 = vector.shape_cast %swap3A_421 : vector<1x16xf32> to vector<16xf32>
        %swap3A_423 = vector.shape_cast %max3A_418 : vector<16xf32> to vector<1x16xf32>
        tpu.vector_store %arg13[%swap3A_419, %swap3A_420], %swap3A_423 {strides = array<i32>} : memref<128x128xf32, #tpu.memory_space<vmem>>, vector<1x16xf32>,
        %get3A_424 = arith.index_cast %scan3A_356 : i32 to index
        %get3A_425 = arith.constant 64 : index
        %get3A_426 = tpu.vector_load %arg11[%get3A_424, %get3A_425] {strides = array<i32>} : memref<128x128xf32, #tpu.memory_space<vmem>>, vector<1x16xf32>,
        %get3A_427 = vector.shape_cast %get3A_426 : vector<1x16xf32> to vector<16xf32>
        %get3A_428 = arith.index_cast %scan3A_356 : i32 to index
        %get3A_429 = arith.constant 64 : index
        %get3A_430 = tpu.vector_load %arg13[%get3A_428, %get3A_429] {strides = array<i32>} : memref<128x128xf32, #tpu.memory_space<vmem>>, vector<1x16xf32>,
        %get3A_431 = vector.shape_cast %get3A_430 : vector<1x16xf32> to vector<16xf32>
        %add3A_432 = arith.addf %get3A_427, %get3A_431 : vector<16xf32>
        %max3A_433 = arith.constant 0.000000e+00 : f32
        %max3A_434 = vector.broadcast %max3A_433 : f32 to vector<16xf32>
        %max3A_435 = arith.maximumf %add3A_432, %max3A_434 : vector<16xf32>
        %swap3A_436 = arith.index_cast %scan3A_356 : i32 to index
        %swap3A_437 = arith.constant 64 : index
        %swap3A_438 = tpu.vector_load %arg13[%swap3A_436, %swap3A_437] {strides = array<i32>} : memref<128x128xf32, #tpu.memory_space<vmem>>, vector<1x16xf32>,
        %swap3A_439 = vector.shape_cast %swap3A_438 : vector<1x16xf32> to vector<16xf32>
        %swap3A_440 = vector.shape_cast %max3A_435 : vector<16xf32> to vector<1x16xf32>
        tpu.vector_store %arg13[%swap3A_436, %swap3A_437], %swap3A_440 {strides = array<i32>} : memref<128x128xf32, #tpu.memory_space<vmem>>, vector<1x16xf32>,
        %get3A_441 = arith.index_cast %scan3A_356 : i32 to index
        %get3A_442 = arith.constant 80 : index
        %get3A_443 = tpu.vector_load %arg11[%get3A_441, %get3A_442] {strides = array<i32>} : memref<128x128xf32, #tpu.memory_space<vmem>>, vector<1x16xf32>,
        %get3A_444 = vector.shape_cast %get3A_443 : vector<1x16xf32> to vector<16xf32>
        %get3A_445 = arith.index_cast %scan3A_356 : i32 to index
        %get3A_446 = arith.constant 80 : index
        %get3A_447 = tpu.vector_load %arg13[%get3A_445, %get3A_446] {strides = array<i32>} : memref<128x128xf32, #tpu.memory_space<vmem>>, vector<1x16xf32>,
        %get3A_448 = vector.shape_cast %get3A_447 : vector<1x16xf32> to vector<16xf32>
        %add3A_449 = arith.addf %get3A_444, %get3A_448 : vector<16xf32>
        %max3A_450 = arith.constant 0.000000e+00 : f32
        %max3A_451 = vector.broadcast %max3A_450 : f32 to vector<16xf32>
        %max3A_452 = arith.maximumf %add3A_449, %max3A_451 : vector<16xf32>
        %swap3A_453 = arith.index_cast %scan3A_356 : i32 to index
        %swap3A_454 = arith.constant 80 : index
        %swap3A_455 = tpu.vector_load %arg13[%swap3A_453, %swap3A_454] {strides = array<i32>} : memref<128x128xf32, #tpu.memory_space<vmem>>, vector<1x16xf32>,
        %swap3A_456 = vector.shape_cast %swap3A_455 : vector<1x16xf32> to vector<16xf32>
        %swap3A_457 = vector.shape_cast %max3A_452 : vector<16xf32> to vector<1x16xf32>
        tpu.vector_store %arg13[%swap3A_453, %swap3A_454], %swap3A_457 {strides = array<i32>} : memref<128x128xf32, #tpu.memory_space<vmem>>, vector<1x16xf32>,
        %get3A_458 = arith.index_cast %scan3A_356 : i32 to index
        %get3A_459 = arith.constant 96 : index
        %get3A_460 = tpu.vector_load %arg11[%get3A_458, %get3A_459] {strides = array<i32>} : memref<128x128xf32, #tpu.memory_space<vmem>>, vector<1x16xf32>,
        %get3A_461 = vector.shape_cast %get3A_460 : vector<1x16xf32> to vector<16xf32>
        %get3A_462 = arith.index_cast %scan3A_356 : i32 to index
        %get3A_463 = arith.constant 96 : index
        %get3A_464 = tpu.vector_load %arg13[%get3A_462, %get3A_463] {strides = array<i32>} : memref<128x128xf32, #tpu.memory_space<vmem>>, vector<1x16xf32>,
        %get3A_465 = vector.shape_cast %get3A_464 : vector<1x16xf32> to vector<16xf32>
        %add3A_466 = arith.addf %get3A_461, %get3A_465 : vector<16xf32>
        %max3A_467 = arith.constant 0.000000e+00 : f32
        %max3A_468 = vector.broadcast %max3A_467 : f32 to vector<16xf32>
        %max3A_469 = arith.maximumf %add3A_466, %max3A_468 : vector<16xf32>
        %swap3A_470 = arith.index_cast %scan3A_356 : i32 to index
        %swap3A_471 = arith.constant 96 : index
        %swap3A_472 = tpu.vector_load %arg13[%swap3A_470, %swap3A_471] {strides = array<i32>} : memref<128x128xf32, #tpu.memory_space<vmem>>, vector<1x16xf32>,
        %swap3A_473 = vector.shape_cast %swap3A_472 : vector<1x16xf32> to vector<16xf32>
        %swap3A_474 = vector.shape_cast %max3A_469 : vector<16xf32> to vector<1x16xf32>
        tpu.vector_store %arg13[%swap3A_470, %swap3A_471], %swap3A_474 {strides = array<i32>} : memref<128x128xf32, #tpu.memory_space<vmem>>, vector<1x16xf32>,
        %get3A_475 = arith.index_cast %scan3A_356 : i32 to index
        %get3A_476 = arith.constant 112 : index
        %get3A_477 = tpu.vector_load %arg11[%get3A_475, %get3A_476] {strides = array<i32>} : memref<128x128xf32, #tpu.memory_space<vmem>>, vector<1x16xf32>,
        %get3A_478 = vector.shape_cast %get3A_477 : vector<1x16xf32> to vector<16xf32>
        %get3A_479 = arith.index_cast %scan3A_356 : i32 to index
        %get3A_480 = arith.constant 112 : index
        %get3A_481 = tpu.vector_load %arg13[%get3A_479, %get3A_480] {strides = array<i32>} : memref<128x128xf32, #tpu.memory_space<vmem>>, vector<1x16xf32>,
        %get3A_482 = vector.shape_cast %get3A_481 : vector<1x16xf32> to vector<16xf32>
        %add3A_483 = arith.addf %get3A_478, %get3A_482 : vector<16xf32>
        %max3A_484 = arith.constant 0.000000e+00 : f32
        %max3A_485 = vector.broadcast %max3A_484 : f32 to vector<16xf32>
        %max3A_486 = arith.maximumf %add3A_483, %max3A_485 : vector<16xf32>
        %swap3A_487 = arith.index_cast %scan3A_356 : i32 to index
        %swap3A_488 = arith.constant 112 : index
        %swap3A_489 = tpu.vector_load %arg13[%swap3A_487, %swap3A_488] {strides = array<i32>} : memref<128x128xf32, #tpu.memory_space<vmem>>, vector<1x16xf32>,
        %swap3A_490 = vector.shape_cast %swap3A_489 : vector<1x16xf32> to vector<16xf32>
        %swap3A_491 = vector.shape_cast %max3A_486 : vector<16xf32> to vector<1x16xf32>
        tpu.vector_store %arg13[%swap3A_487, %swap3A_488], %swap3A_491 {strides = array<i32>} : memref<128x128xf32, #tpu.memory_space<vmem>>, vector<1x16xf32>,
      }
      %scan3A_355 = arith.constant 128 : i32
    }
    %scan3A_70 = arith.constant 40 : i32
    "tpu.region"() ({
      %run_scoped3A = tpu.sem_alloc : memref<!tpu.dma_semaphore, #tpu.memory_space<semaphore_mem>>
      %dma_start3A = arith.constant 0 : i32
      %dma_start3A_92 = arith.constant 0 : i32
      %dma_start3A_93 = tpu.memref_slice %arg14[%dma_start3A, %dma_start3A_92] : memref<10112x128xf32, #tpu.memory_space<vmem_shared>> -> memref<10112x128xf32, #tpu.memory_space<vmem_shared>>
      tpu.enqueue_indirect_dma source(%arg13 : memref<128x128xf32, #tpu.memory_space<vmem>>) target(%dma_start3A_93 : memref<10112x128xf32, #tpu.memory_space<vmem_shared>>) offsets(%arg10 : memref<128xi32, #tpu.memory_space<vmem>>) semaphore(%run_scoped3A : memref<!tpu.dma_semaphore, #tpu.memory_space<semaphore_mem>>) {add = true}
      %dma_wait3A = arith.constant 0 : i32
      %dma_wait3A_94 = arith.constant 0 : i32
      %dma_wait3A_95 = tpu.memref_slice %arg14[%dma_wait3A, %dma_wait3A_94] : memref<10112x128xf32, #tpu.memory_space<vmem_shared>> -> memref<10112x128xf32, #tpu.memory_space<vmem_shared>>
      tpu.wait_indirect_dma semaphore(%run_scoped3A : memref<!tpu.dma_semaphore, #tpu.memory_space<semaphore_mem>>) src(%arg13 : memref<128x128xf32, #tpu.memory_space<vmem>>) dst(%dma_wait3A_95 : memref<10112x128xf32, #tpu.memory_space<vmem_shared>>)
      tpu.yield
    }) : () -> ()
    %barrier3A_71 = arith.constant 0 : index
    tpu.barrier barrier_id(%barrier3A_71)
    %add3A_72 = arith.constant 0 : i32
    %add3A_73 = arith.addi %mul3A_53, %add3A_72 : i32
    %add3A_74 = arith.constant 0 : i32
    %add3A_75 = arith.addi %mul3A_53, %add3A_74 : i32
    "tpu.region"() ({
      %run_scoped3A = tpu.sem_alloc : memref<!tpu.dma_semaphore, #tpu.memory_space<semaphore_mem>>
      %dma_start3A = arith.constant 0 : i32
      %dma_start3A_92 = tpu.memref_slice %arg6[%arg0, %add3A_75, %dma_start3A] : memref<2x10112x128xf32, #tpu.memory_space<hbm>> -> memref<1x128x128xf32, #tpu.memory_space<hbm>>
      %dma_start3A_93 = tpu.memref_squeeze %dma_start3A_92 : memref<1x128x128xf32, #tpu.memory_space<hbm>> -> memref<128x128xf32, #tpu.memory_space<hbm>>
      %dma_start3A_94 = arith.constant 0 : i32
      %dma_start3A_95 = tpu.memref_slice %arg14[%add3A_73, %dma_start3A_94] : memref<10112x128xf32, #tpu.memory_space<vmem_shared>> -> memref<128x128xf32, #tpu.memory_space<vmem_shared>>
      tpu.enqueue_dma source(%dma_start3A_95 : memref<128x128xf32, #tpu.memory_space<vmem_shared>>) target(%dma_start3A_93 : memref<128x128xf32, #tpu.memory_space<hbm>>) target_semaphore(%run_scoped3A : memref<!tpu.dma_semaphore, #tpu.memory_space<semaphore_mem>>)
      %dma_wait3A = arith.constant 0 : i32
      %dma_wait3A_96 = tpu.memref_slice %arg6[%arg0, %add3A_75, %dma_wait3A] : memref<2x10112x128xf32, #tpu.memory_space<hbm>> -> memref<1x128x128xf32, #tpu.memory_space<hbm>>
      %dma_wait3A_97 = tpu.memref_squeeze %dma_wait3A_96 : memref<1x128x128xf32, #tpu.memory_space<hbm>> -> memref<128x128xf32, #tpu.memory_space<hbm>>
      %dma_wait3A_98 = arith.constant 0 : i32
      %dma_wait3A_99 = tpu.memref_slice %arg14[%add3A_73, %dma_wait3A_98] : memref<10112x128xf32, #tpu.memory_space<vmem_shared>> -> memref<128x128xf32, #tpu.memory_space<vmem_shared>>
      tpu.wait_dma2 semaphore(%run_scoped3A : memref<!tpu.dma_semaphore, #tpu.memory_space<semaphore_mem>>) src(%dma_wait3A_99 : memref<128x128xf32, #tpu.memory_space<vmem_shared>>) dst(%dma_wait3A_97 : memref<128x128xf32, #tpu.memory_space<hbm>>)
      tpu.yield
    }) : () -> ()
    %add3A_76 = arith.constant 128 : i32
    %add3A_77 = arith.addi %mul3A_53, %add3A_76 : i32
    %add3A_78 = arith.constant 128 : i32
    %add3A_79 = arith.addi %mul3A_53, %add3A_78 : i32
    "tpu.region"() ({
      %run_scoped3A = tpu.sem_alloc : memref<!tpu.dma_semaphore, #tpu.memory_space<semaphore_mem>>
      %dma_start3A = arith.constant 0 : i32
      %dma_start3A_92 = tpu.memref_slice %arg6[%arg0, %add3A_79, %dma_start3A] : memref<2x10112x128xf32, #tpu.memory_space<hbm>> -> memref<1x128x128xf32, #tpu.memory_space<hbm>>
      %dma_start3A_93 = tpu.memref_squeeze %dma_start3A_92 : memref<1x128x128xf32, #tpu.memory_space<hbm>> -> memref<128x128xf32, #tpu.memory_space<hbm>>
      %dma_start3A_94 = arith.constant 0 : i32
      %dma_start3A_95 = tpu.memref_slice %arg14[%add3A_77, %dma_start3A_94] : memref<10112x128xf32, #tpu.memory_space<vmem_shared>> -> memref<128x128xf32, #tpu.memory_space<vmem_shared>>
      tpu.enqueue_dma source(%dma_start3A_95 : memref<128x128xf32, #tpu.memory_space<vmem_shared>>) target(%dma_start3A_93 : memref<128x128xf32, #tpu.memory_space<hbm>>) target_semaphore(%run_scoped3A : memref<!tpu.dma_semaphore, #tpu.memory_space<semaphore_mem>>)
      %dma_wait3A = arith.constant 0 : i32
      %dma_wait3A_96 = tpu.memref_slice %arg6[%arg0, %add3A_79, %dma_wait3A] : memref<2x10112x128xf32, #tpu.memory_space<hbm>> -> memref<1x128x128xf32, #tpu.memory_space<hbm>>
      %dma_wait3A_97 = tpu.memref_squeeze %dma_wait3A_96 : memref<1x128x128xf32, #tpu.memory_space<hbm>> -> memref<128x128xf32, #tpu.memory_space<hbm>>
      %dma_wait3A_98 = arith.constant 0 : i32
      %dma_wait3A_99 = tpu.memref_slice %arg14[%add3A_77, %dma_wait3A_98] : memref<10112x128xf32, #tpu.memory_space<vmem_shared>> -> memref<128x128xf32, #tpu.memory_space<vmem_shared>>
      tpu.wait_dma2 semaphore(%run_scoped3A : memref<!tpu.dma_semaphore, #tpu.memory_space<semaphore_mem>>) src(%dma_wait3A_99 : memref<128x128xf32, #tpu.memory_space<vmem_shared>>) dst(%dma_wait3A_97 : memref<128x128xf32, #tpu.memory_space<hbm>>)
      tpu.yield
    }) : () -> ()
    %add3A_80 = arith.constant 256 : i32
    %add3A_81 = arith.addi %mul3A_53, %add3A_80 : i32
    %add3A_82 = arith.constant 256 : i32
    %add3A_83 = arith.addi %mul3A_53, %add3A_82 : i32
    "tpu.region"() ({
      %run_scoped3A = tpu.sem_alloc : memref<!tpu.dma_semaphore, #tpu.memory_space<semaphore_mem>>
      %dma_start3A = arith.constant 0 : i32
      %dma_start3A_92 = tpu.memref_slice %arg6[%arg0, %add3A_83, %dma_start3A] : memref<2x10112x128xf32, #tpu.memory_space<hbm>> -> memref<1x128x128xf32, #tpu.memory_space<hbm>>
      %dma_start3A_93 = tpu.memref_squeeze %dma_start3A_92 : memref<1x128x128xf32, #tpu.memory_space<hbm>> -> memref<128x128xf32, #tpu.memory_space<hbm>>
      %dma_start3A_94 = arith.constant 0 : i32
      %dma_start3A_95 = tpu.memref_slice %arg14[%add3A_81, %dma_start3A_94] : memref<10112x128xf32, #tpu.memory_space<vmem_shared>> -> memref<128x128xf32, #tpu.memory_space<vmem_shared>>
      tpu.enqueue_dma source(%dma_start3A_95 : memref<128x128xf32, #tpu.memory_space<vmem_shared>>) target(%dma_start3A_93 : memref<128x128xf32, #tpu.memory_space<hbm>>) target_semaphore(%run_scoped3A : memref<!tpu.dma_semaphore, #tpu.memory_space<semaphore_mem>>)
      %dma_wait3A = arith.constant 0 : i32
      %dma_wait3A_96 = tpu.memref_slice %arg6[%arg0, %add3A_83, %dma_wait3A] : memref<2x10112x128xf32, #tpu.memory_space<hbm>> -> memref<1x128x128xf32, #tpu.memory_space<hbm>>
      %dma_wait3A_97 = tpu.memref_squeeze %dma_wait3A_96 : memref<1x128x128xf32, #tpu.memory_space<hbm>> -> memref<128x128xf32, #tpu.memory_space<hbm>>
      %dma_wait3A_98 = arith.constant 0 : i32
      %dma_wait3A_99 = tpu.memref_slice %arg14[%add3A_81, %dma_wait3A_98] : memref<10112x128xf32, #tpu.memory_space<vmem_shared>> -> memref<128x128xf32, #tpu.memory_space<vmem_shared>>
      tpu.wait_dma2 semaphore(%run_scoped3A : memref<!tpu.dma_semaphore, #tpu.memory_space<semaphore_mem>>) src(%dma_wait3A_99 : memref<128x128xf32, #tpu.memory_space<vmem_shared>>) dst(%dma_wait3A_97 : memref<128x128xf32, #tpu.memory_space<hbm>>)
      tpu.yield
    }) : () -> ()
    %add3A_84 = arith.constant 384 : i32
    %add3A_85 = arith.addi %mul3A_53, %add3A_84 : i32
    %add3A_86 = arith.constant 384 : i32
    %add3A_87 = arith.addi %mul3A_53, %add3A_86 : i32
    "tpu.region"() ({
      %run_scoped3A = tpu.sem_alloc : memref<!tpu.dma_semaphore, #tpu.memory_space<semaphore_mem>>
      %dma_start3A = arith.constant 0 : i32
      %dma_start3A_92 = tpu.memref_slice %arg6[%arg0, %add3A_87, %dma_start3A] : memref<2x10112x128xf32, #tpu.memory_space<hbm>> -> memref<1x128x128xf32, #tpu.memory_space<hbm>>
      %dma_start3A_93 = tpu.memref_squeeze %dma_start3A_92 : memref<1x128x128xf32, #tpu.memory_space<hbm>> -> memref<128x128xf32, #tpu.memory_space<hbm>>
      %dma_start3A_94 = arith.constant 0 : i32
      %dma_start3A_95 = tpu.memref_slice %arg14[%add3A_85, %dma_start3A_94] : memref<10112x128xf32, #tpu.memory_space<vmem_shared>> -> memref<128x128xf32, #tpu.memory_space<vmem_shared>>
      tpu.enqueue_dma source(%dma_start3A_95 : memref<128x128xf32, #tpu.memory_space<vmem_shared>>) target(%dma_start3A_93 : memref<128x128xf32, #tpu.memory_space<hbm>>) target_semaphore(%run_scoped3A : memref<!tpu.dma_semaphore, #tpu.memory_space<semaphore_mem>>)
      %dma_wait3A = arith.constant 0 : i32
      %dma_wait3A_96 = tpu.memref_slice %arg6[%arg0, %add3A_87, %dma_wait3A] : memref<2x10112x128xf32, #tpu.memory_space<hbm>> -> memref<1x128x128xf32, #tpu.memory_space<hbm>>
      %dma_wait3A_97 = tpu.memref_squeeze %dma_wait3A_96 : memref<1x128x128xf32, #tpu.memory_space<hbm>> -> memref<128x128xf32, #tpu.memory_space<hbm>>
      %dma_wait3A_98 = arith.constant 0 : i32
      %dma_wait3A_99 = tpu.memref_slice %arg14[%add3A_85, %dma_wait3A_98] : memref<10112x128xf32, #tpu.memory_space<vmem_shared>> -> memref<128x128xf32, #tpu.memory_space<vmem_shared>>
      tpu.wait_dma2 semaphore(%run_scoped3A : memref<!tpu.dma_semaphore, #tpu.memory_space<semaphore_mem>>) src(%dma_wait3A_99 : memref<128x128xf32, #tpu.memory_space<vmem_shared>>) dst(%dma_wait3A_97 : memref<128x128xf32, #tpu.memory_space<hbm>>)
      tpu.yield
    }) : () -> ()
    %add3A_88 = arith.constant 512 : i32
    %add3A_89 = arith.addi %mul3A_53, %add3A_88 : i32
    %add3A_90 = arith.constant 512 : i32
    %add3A_91 = arith.addi %mul3A_53, %add3A_90 : i32
    "tpu.region"() ({
      %run_scoped3A = tpu.sem_alloc : memref<!tpu.dma_semaphore, #tpu.memory_space<semaphore_mem>>
      %dma_start3A = arith.constant 0 : i32
      %dma_start3A_92 = tpu.memref_slice %arg6[%arg0, %add3A_91, %dma_start3A] : memref<2x10112x128xf32, #tpu.memory_space<hbm>> -> memref<1x120x128xf32, #tpu.memory_space<hbm>>
      %dma_start3A_93 = tpu.memref_squeeze %dma_start3A_92 : memref<1x120x128xf32, #tpu.memory_space<hbm>> -> memref<120x128xf32, #tpu.memory_space<hbm>>
      %dma_start3A_94 = arith.constant 0 : i32
      %dma_start3A_95 = tpu.memref_slice %arg14[%add3A_89, %dma_start3A_94] : memref<10112x128xf32, #tpu.memory_space<vmem_shared>> -> memref<120x128xf32, #tpu.memory_space<vmem_shared>>
      tpu.enqueue_dma source(%dma_start3A_95 : memref<120x128xf32, #tpu.memory_space<vmem_shared>>) target(%dma_start3A_93 : memref<120x128xf32, #tpu.memory_space<hbm>>) target_semaphore(%run_scoped3A : memref<!tpu.dma_semaphore, #tpu.memory_space<semaphore_mem>>)
      %dma_wait3A = arith.constant 0 : i32
      %dma_wait3A_96 = tpu.memref_slice %arg6[%arg0, %add3A_91, %dma_wait3A] : memref<2x10112x128xf32, #tpu.memory_space<hbm>> -> memref<1x120x128xf32, #tpu.memory_space<hbm>>
      %dma_wait3A_97 = tpu.memref_squeeze %dma_wait3A_96 : memref<1x120x128xf32, #tpu.memory_space<hbm>> -> memref<120x128xf32, #tpu.memory_space<hbm>>
      %dma_wait3A_98 = arith.constant 0 : i32
      %dma_wait3A_99 = tpu.memref_slice %arg14[%add3A_89, %dma_wait3A_98] : memref<10112x128xf32, #tpu.memory_space<vmem_shared>> -> memref<120x128xf32, #tpu.memory_space<vmem_shared>>
      tpu.wait_dma2 semaphore(%run_scoped3A : memref<!tpu.dma_semaphore, #tpu.memory_space<semaphore_mem>>) src(%dma_wait3A_99 : memref<120x128xf32, #tpu.memory_space<vmem_shared>>) dst(%dma_wait3A_97 : memref<120x128xf32, #tpu.memory_space<hbm>>)
      tpu.yield
    }) : () -> ()
    return
  }
}

#map = affine_map<(d0, d1) -> (0, 0)>
#map1 = affine_map<(d0, d1) -> (0, 0, 0)>
#map2 = affine_map<(d0, d1) -> (0)>
module attributes {stable_mosaic.version = 14 : i64} {
  func.func @_seg_body(%arg0: i32, %arg1: i32, %arg2: memref<20000x128xf32, #tpu.memory_space<hbm>>, %arg3: memref<2x163840x128xf32, #tpu.memory_space<hbm>>, %arg4: memref<163840xi32, #tpu.memory_space<hbm>>, %arg5: memref<163840xi32, #tpu.memory_space<hbm>>, %arg6: memref<2x10112x128xf32, #tpu.memory_space<hbm>>, %arg7: memref<128xi32, #tpu.memory_space<vmem>>, %arg8: memref<128xi32, #tpu.memory_space<vmem>>, %arg9: memref<128xi32, #tpu.memory_space<vmem>>, %arg10: memref<128xi32, #tpu.memory_space<vmem>>, %arg11: memref<128x128xf32, #tpu.memory_space<vmem>>, %arg12: memref<128x128xf32, #tpu.memory_space<vmem>>, %arg13: memref<128x128xf32, #tpu.memory_space<vmem>>, %arg14: memref<10112x128xf32, #tpu.memory_space<vmem_shared>>, %arg15: memref<!tpu.dma_semaphore, #tpu.memory_space<semaphore_mem>>, %arg16: memref<!tpu.dma_semaphore, #tpu.memory_space<semaphore_mem>>) attributes {dimension_semantics = [#tpu.dimension_semantics<core_parallel>, #tpu.dimension_semantics<subcore_parallel>], iteration_bounds = array<i64: 2, 16>, scalar_prefetch = 0 : i64, scratch_operands = 10 : i64, tpu.core_type = #tpu.core_type<sc_vector_subcore>, window_params = [{transform_indices = #map}, {transform_indices = #map1}, {transform_indices = #map2}, {transform_indices = #map2}, {transform_indices = #map1}]} {
    %broadcast_in_dim3A = arith.constant 0.000000e+00 : f32
    %broadcast_in_dim3A_0 = vector.broadcast %broadcast_in_dim3A : f32 to vector<16xf32>
    %scan3A = arith.constant 0 : i32
    %scan3A_1 = arith.constant 0 : i32
    %scan3A_2 = arith.constant 128 : i32
    %scan3A_3 = arith.addi %scan3A_1, %scan3A_2 : i32
    %scan3A_4 = arith.constant 1 : i32
    scf.for %scan3A_92 = %scan3A_1 to %scan3A_3 step %scan3A_4  : i32 {
      %swap3A_93 = arith.index_cast %scan3A_92 : i32 to index
      %swap3A_94 = arith.constant 0 : index
      %swap3A_95 = tpu.vector_load %arg11[%swap3A_93, %swap3A_94] {strides = array<i32>} : memref<128x128xf32, #tpu.memory_space<vmem>>, vector<1x16xf32>,
      %swap3A_96 = vector.shape_cast %swap3A_95 : vector<1x16xf32> to vector<16xf32>
      %swap3A_97 = vector.shape_cast %broadcast_in_dim3A_0 : vector<16xf32> to vector<1x16xf32>
      tpu.vector_store %arg11[%swap3A_93, %swap3A_94], %swap3A_97 {strides = array<i32>} : memref<128x128xf32, #tpu.memory_space<vmem>>, vector<1x16xf32>,
      %swap3A_98 = arith.index_cast %scan3A_92 : i32 to index
      %swap3A_99 = arith.constant 0 : index
      %swap3A_100 = tpu.vector_load %arg13[%swap3A_98, %swap3A_99] {strides = array<i32>} : memref<128x128xf32, #tpu.memory_space<vmem>>, vector<1x16xf32>,
      %swap3A_101 = vector.shape_cast %swap3A_100 : vector<1x16xf32> to vector<16xf32>
      %swap3A_102 = vector.shape_cast %broadcast_in_dim3A_0 : vector<16xf32> to vector<1x16xf32>
      tpu.vector_store %arg13[%swap3A_98, %swap3A_99], %swap3A_102 {strides = array<i32>} : memref<128x128xf32, #tpu.memory_space<vmem>>, vector<1x16xf32>,
      %swap3A_103 = arith.index_cast %scan3A_92 : i32 to index
      %swap3A_104 = arith.constant 16 : index
      %swap3A_105 = tpu.vector_load %arg11[%swap3A_103, %swap3A_104] {strides = array<i32>} : memref<128x128xf32, #tpu.memory_space<vmem>>, vector<1x16xf32>,
      %swap3A_106 = vector.shape_cast %swap3A_105 : vector<1x16xf32> to vector<16xf32>
      %swap3A_107 = vector.shape_cast %broadcast_in_dim3A_0 : vector<16xf32> to vector<1x16xf32>
      tpu.vector_store %arg11[%swap3A_103, %swap3A_104], %swap3A_107 {strides = array<i32>} : memref<128x128xf32, #tpu.memory_space<vmem>>, vector<1x16xf32>,
      %swap3A_108 = arith.index_cast %scan3A_92 : i32 to index
      %swap3A_109 = arith.constant 16 : index
      %swap3A_110 = tpu.vector_load %arg13[%swap3A_108, %swap3A_109] {strides = array<i32>} : memref<128x128xf32, #tpu.memory_space<vmem>>, vector<1x16xf32>,
      %swap3A_111 = vector.shape_cast %swap3A_110 : vector<1x16xf32> to vector<16xf32>
      %swap3A_112 = vector.shape_cast %broadcast_in_dim3A_0 : vector<16xf32> to vector<1x16xf32>
      tpu.vector_store %arg13[%swap3A_108, %swap3A_109], %swap3A_112 {strides = array<i32>} : memref<128x128xf32, #tpu.memory_space<vmem>>, vector<1x16xf32>,
      %swap3A_113 = arith.index_cast %scan3A_92 : i32 to index
      %swap3A_114 = arith.constant 32 : index
      %swap3A_115 = tpu.vector_load %arg11[%swap3A_113, %swap3A_114] {strides = array<i32>} : memref<128x128xf32, #tpu.memory_space<vmem>>, vector<1x16xf32>,
      %swap3A_116 = vector.shape_cast %swap3A_115 : vector<1x16xf32> to vector<16xf32>
      %swap3A_117 = vector.shape_cast %broadcast_in_dim3A_0 : vector<16xf32> to vector<1x16xf32>
      tpu.vector_store %arg11[%swap3A_113, %swap3A_114], %swap3A_117 {strides = array<i32>} : memref<128x128xf32, #tpu.memory_space<vmem>>, vector<1x16xf32>,
      %swap3A_118 = arith.index_cast %scan3A_92 : i32 to index
      %swap3A_119 = arith.constant 32 : index
      %swap3A_120 = tpu.vector_load %arg13[%swap3A_118, %swap3A_119] {strides = array<i32>} : memref<128x128xf32, #tpu.memory_space<vmem>>, vector<1x16xf32>,
      %swap3A_121 = vector.shape_cast %swap3A_120 : vector<1x16xf32> to vector<16xf32>
      %swap3A_122 = vector.shape_cast %broadcast_in_dim3A_0 : vector<16xf32> to vector<1x16xf32>
      tpu.vector_store %arg13[%swap3A_118, %swap3A_119], %swap3A_122 {strides = array<i32>} : memref<128x128xf32, #tpu.memory_space<vmem>>, vector<1x16xf32>,
      %swap3A_123 = arith.index_cast %scan3A_92 : i32 to index
      %swap3A_124 = arith.constant 48 : index
      %swap3A_125 = tpu.vector_load %arg11[%swap3A_123, %swap3A_124] {strides = array<i32>} : memref<128x128xf32, #tpu.memory_space<vmem>>, vector<1x16xf32>,
      %swap3A_126 = vector.shape_cast %swap3A_125 : vector<1x16xf32> to vector<16xf32>
      %swap3A_127 = vector.shape_cast %broadcast_in_dim3A_0 : vector<16xf32> to vector<1x16xf32>
      tpu.vector_store %arg11[%swap3A_123, %swap3A_124], %swap3A_127 {strides = array<i32>} : memref<128x128xf32, #tpu.memory_space<vmem>>, vector<1x16xf32>,
      %swap3A_128 = arith.index_cast %scan3A_92 : i32 to index
      %swap3A_129 = arith.constant 48 : index
      %swap3A_130 = tpu.vector_load %arg13[%swap3A_128, %swap3A_129] {strides = array<i32>} : memref<128x128xf32, #tpu.memory_space<vmem>>, vector<1x16xf32>,
      %swap3A_131 = vector.shape_cast %swap3A_130 : vector<1x16xf32> to vector<16xf32>
      %swap3A_132 = vector.shape_cast %broadcast_in_dim3A_0 : vector<16xf32> to vector<1x16xf32>
      tpu.vector_store %arg13[%swap3A_128, %swap3A_129], %swap3A_132 {strides = array<i32>} : memref<128x128xf32, #tpu.memory_space<vmem>>, vector<1x16xf32>,
      %swap3A_133 = arith.index_cast %scan3A_92 : i32 to index
      %swap3A_134 = arith.constant 64 : index
      %swap3A_135 = tpu.vector_load %arg11[%swap3A_133, %swap3A_134] {strides = array<i32>} : memref<128x128xf32, #tpu.memory_space<vmem>>, vector<1x16xf32>,
      %swap3A_136 = vector.shape_cast %swap3A_135 : vector<1x16xf32> to vector<16xf32>
      %swap3A_137 = vector.shape_cast %broadcast_in_dim3A_0 : vector<16xf32> to vector<1x16xf32>
      tpu.vector_store %arg11[%swap3A_133, %swap3A_134], %swap3A_137 {strides = array<i32>} : memref<128x128xf32, #tpu.memory_space<vmem>>, vector<1x16xf32>,
      %swap3A_138 = arith.index_cast %scan3A_92 : i32 to index
      %swap3A_139 = arith.constant 64 : index
      %swap3A_140 = tpu.vector_load %arg13[%swap3A_138, %swap3A_139] {strides = array<i32>} : memref<128x128xf32, #tpu.memory_space<vmem>>, vector<1x16xf32>,
      %swap3A_141 = vector.shape_cast %swap3A_140 : vector<1x16xf32> to vector<16xf32>
      %swap3A_142 = vector.shape_cast %broadcast_in_dim3A_0 : vector<16xf32> to vector<1x16xf32>
      tpu.vector_store %arg13[%swap3A_138, %swap3A_139], %swap3A_142 {strides = array<i32>} : memref<128x128xf32, #tpu.memory_space<vmem>>, vector<1x16xf32>,
      %swap3A_143 = arith.index_cast %scan3A_92 : i32 to index
      %swap3A_144 = arith.constant 80 : index
      %swap3A_145 = tpu.vector_load %arg11[%swap3A_143, %swap3A_144] {strides = array<i32>} : memref<128x128xf32, #tpu.memory_space<vmem>>, vector<1x16xf32>,
      %swap3A_146 = vector.shape_cast %swap3A_145 : vector<1x16xf32> to vector<16xf32>
      %swap3A_147 = vector.shape_cast %broadcast_in_dim3A_0 : vector<16xf32> to vector<1x16xf32>
      tpu.vector_store %arg11[%swap3A_143, %swap3A_144], %swap3A_147 {strides = array<i32>} : memref<128x128xf32, #tpu.memory_space<vmem>>, vector<1x16xf32>,
      %swap3A_148 = arith.index_cast %scan3A_92 : i32 to index
      %swap3A_149 = arith.constant 80 : index
      %swap3A_150 = tpu.vector_load %arg13[%swap3A_148, %swap3A_149] {strides = array<i32>} : memref<128x128xf32, #tpu.memory_space<vmem>>, vector<1x16xf32>,
      %swap3A_151 = vector.shape_cast %swap3A_150 : vector<1x16xf32> to vector<16xf32>
      %swap3A_152 = vector.shape_cast %broadcast_in_dim3A_0 : vector<16xf32> to vector<1x16xf32>
      tpu.vector_store %arg13[%swap3A_148, %swap3A_149], %swap3A_152 {strides = array<i32>} : memref<128x128xf32, #tpu.memory_space<vmem>>, vector<1x16xf32>,
      %swap3A_153 = arith.index_cast %scan3A_92 : i32 to index
      %swap3A_154 = arith.constant 96 : index
      %swap3A_155 = tpu.vector_load %arg11[%swap3A_153, %swap3A_154] {strides = array<i32>} : memref<128x128xf32, #tpu.memory_space<vmem>>, vector<1x16xf32>,
      %swap3A_156 = vector.shape_cast %swap3A_155 : vector<1x16xf32> to vector<16xf32>
      %swap3A_157 = vector.shape_cast %broadcast_in_dim3A_0 : vector<16xf32> to vector<1x16xf32>
      tpu.vector_store %arg11[%swap3A_153, %swap3A_154], %swap3A_157 {strides = array<i32>} : memref<128x128xf32, #tpu.memory_space<vmem>>, vector<1x16xf32>,
      %swap3A_158 = arith.index_cast %scan3A_92 : i32 to index
      %swap3A_159 = arith.constant 96 : index
      %swap3A_160 = tpu.vector_load %arg13[%swap3A_158, %swap3A_159] {strides = array<i32>} : memref<128x128xf32, #tpu.memory_space<vmem>>, vector<1x16xf32>,
      %swap3A_161 = vector.shape_cast %swap3A_160 : vector<1x16xf32> to vector<16xf32>
      %swap3A_162 = vector.shape_cast %broadcast_in_dim3A_0 : vector<16xf32> to vector<1x16xf32>
      tpu.vector_store %arg13[%swap3A_158, %swap3A_159], %swap3A_162 {strides = array<i32>} : memref<128x128xf32, #tpu.memory_space<vmem>>, vector<1x16xf32>,
      %swap3A_163 = arith.index_cast %scan3A_92 : i32 to index
      %swap3A_164 = arith.constant 112 : index
      %swap3A_165 = tpu.vector_load %arg11[%swap3A_163, %swap3A_164] {strides = array<i32>} : memref<128x128xf32, #tpu.memory_space<vmem>>, vector<1x16xf32>,
      %swap3A_166 = vector.shape_cast %swap3A_165 : vector<1x16xf32> to vector<16xf32>
      %swap3A_167 = vector.shape_cast %broadcast_in_dim3A_0 : vector<16xf32> to vector<1x16xf32>
      tpu.vector_store %arg11[%swap3A_163, %swap3A_164], %swap3A_167 {strides = array<i32>} : memref<128x128xf32, #tpu.memory_space<vmem>>, vector<1x16xf32>,
      %swap3A_168 = arith.index_cast %scan3A_92 : i32 to index
      %swap3A_169 = arith.constant 112 : index
      %swap3A_170 = tpu.vector_load %arg13[%swap3A_168, %swap3A_169] {strides = array<i32>} : memref<128x128xf32, #tpu.memory_space<vmem>>, vector<1x16xf32>,
      %swap3A_171 = vector.shape_cast %swap3A_170 : vector<1x16xf32> to vector<16xf32>
      %swap3A_172 = vector.shape_cast %broadcast_in_dim3A_0 : vector<16xf32> to vector<1x16xf32>
      tpu.vector_store %arg13[%swap3A_168, %swap3A_169], %swap3A_172 {strides = array<i32>} : memref<128x128xf32, #tpu.memory_space<vmem>>, vector<1x16xf32>,
    }
    %scan3A_5 = arith.constant 128 : i32
    %broadcast_in_dim3A_6 = arith.constant 10000 : i32
    %broadcast_in_dim3A_7 = vector.broadcast %broadcast_in_dim3A_6 : i32 to vector<16xi32>
    %swap3A = arith.constant 0 : index
    %swap3A_8 = tpu.vector_load %arg10[%swap3A] {strides = array<i32>} : memref<128xi32, #tpu.memory_space<vmem>>, vector<16xi32>,
    %swap3A_9 = vector.shape_cast %swap3A_8 : vector<16xi32> to vector<16xi32>
    %swap3A_10 = vector.shape_cast %broadcast_in_dim3A_7 : vector<16xi32> to vector<16xi32>
    tpu.vector_store %arg10[%swap3A], %swap3A_10 {strides = array<i32>} : memref<128xi32, #tpu.memory_space<vmem>>, vector<16xi32>,
    %broadcast_in_dim3A_11 = arith.constant 10000 : i32
    %broadcast_in_dim3A_12 = vector.broadcast %broadcast_in_dim3A_11 : i32 to vector<16xi32>
    %swap3A_13 = arith.constant 16 : index
    %swap3A_14 = tpu.vector_load %arg10[%swap3A_13] {strides = array<i32>} : memref<128xi32, #tpu.memory_space<vmem>>, vector<16xi32>,
    %swap3A_15 = vector.shape_cast %swap3A_14 : vector<16xi32> to vector<16xi32>
    %swap3A_16 = vector.shape_cast %broadcast_in_dim3A_12 : vector<16xi32> to vector<16xi32>
    tpu.vector_store %arg10[%swap3A_13], %swap3A_16 {strides = array<i32>} : memref<128xi32, #tpu.memory_space<vmem>>, vector<16xi32>,
    %broadcast_in_dim3A_17 = arith.constant 10000 : i32
    %broadcast_in_dim3A_18 = vector.broadcast %broadcast_in_dim3A_17 : i32 to vector<16xi32>
    %swap3A_19 = arith.constant 32 : index
    %swap3A_20 = tpu.vector_load %arg10[%swap3A_19] {strides = array<i32>} : memref<128xi32, #tpu.memory_space<vmem>>, vector<16xi32>,
    %swap3A_21 = vector.shape_cast %swap3A_20 : vector<16xi32> to vector<16xi32>
    %swap3A_22 = vector.shape_cast %broadcast_in_dim3A_18 : vector<16xi32> to vector<16xi32>
    tpu.vector_store %arg10[%swap3A_19], %swap3A_22 {strides = array<i32>} : memref<128xi32, #tpu.memory_space<vmem>>, vector<16xi32>,
    %broadcast_in_dim3A_23 = arith.constant 10000 : i32
    %broadcast_in_dim3A_24 = vector.broadcast %broadcast_in_dim3A_23 : i32 to vector<16xi32>
    %swap3A_25 = arith.constant 48 : index
    %swap3A_26 = tpu.vector_load %arg10[%swap3A_25] {strides = array<i32>} : memref<128xi32, #tpu.memory_space<vmem>>, vector<16xi32>,
    %swap3A_27 = vector.shape_cast %swap3A_26 : vector<16xi32> to vector<16xi32>
    %swap3A_28 = vector.shape_cast %broadcast_in_dim3A_24 : vector<16xi32> to vector<16xi32>
    tpu.vector_store %arg10[%swap3A_25], %swap3A_28 {strides = array<i32>} : memref<128xi32, #tpu.memory_space<vmem>>, vector<16xi32>,
    %broadcast_in_dim3A_29 = arith.constant 10000 : i32
    %broadcast_in_dim3A_30 = vector.broadcast %broadcast_in_dim3A_29 : i32 to vector<16xi32>
    %swap3A_31 = arith.constant 64 : index
    %swap3A_32 = tpu.vector_load %arg10[%swap3A_31] {strides = array<i32>} : memref<128xi32, #tpu.memory_space<vmem>>, vector<16xi32>,
    %swap3A_33 = vector.shape_cast %swap3A_32 : vector<16xi32> to vector<16xi32>
    %swap3A_34 = vector.shape_cast %broadcast_in_dim3A_30 : vector<16xi32> to vector<16xi32>
    tpu.vector_store %arg10[%swap3A_31], %swap3A_34 {strides = array<i32>} : memref<128xi32, #tpu.memory_space<vmem>>, vector<16xi32>,
    %broadcast_in_dim3A_35 = arith.constant 10000 : i32
    %broadcast_in_dim3A_36 = vector.broadcast %broadcast_in_dim3A_35 : i32 to vector<16xi32>
    %swap3A_37 = arith.constant 80 : index
    %swap3A_38 = tpu.vector_load %arg10[%swap3A_37] {strides = array<i32>} : memref<128xi32, #tpu.memory_space<vmem>>, vector<16xi32>,
    %swap3A_39 = vector.shape_cast %swap3A_38 : vector<16xi32> to vector<16xi32>
    %swap3A_40 = vector.shape_cast %broadcast_in_dim3A_36 : vector<16xi32> to vector<16xi32>
    tpu.vector_store %arg10[%swap3A_37], %swap3A_40 {strides = array<i32>} : memref<128xi32, #tpu.memory_space<vmem>>, vector<16xi32>,
    %broadcast_in_dim3A_41 = arith.constant 10000 : i32
    %broadcast_in_dim3A_42 = vector.broadcast %broadcast_in_dim3A_41 : i32 to vector<16xi32>
    %swap3A_43 = arith.constant 96 : index
    %swap3A_44 = tpu.vector_load %arg10[%swap3A_43] {strides = array<i32>} : memref<128xi32, #tpu.memory_space<vmem>>, vector<16xi32>,
    %swap3A_45 = vector.shape_cast %swap3A_44 : vector<16xi32> to vector<16xi32>
    %swap3A_46 = vector.shape_cast %broadcast_in_dim3A_42 : vector<16xi32> to vector<16xi32>
    tpu.vector_store %arg10[%swap3A_43], %swap3A_46 {strides = array<i32>} : memref<128xi32, #tpu.memory_space<vmem>>, vector<16xi32>,
    %broadcast_in_dim3A_47 = arith.constant 10000 : i32
    %broadcast_in_dim3A_48 = vector.broadcast %broadcast_in_dim3A_47 : i32 to vector<16xi32>
    %swap3A_49 = arith.constant 112 : index
    %swap3A_50 = tpu.vector_load %arg10[%swap3A_49] {strides = array<i32>} : memref<128xi32, #tpu.memory_space<vmem>>, vector<16xi32>,
    %swap3A_51 = vector.shape_cast %swap3A_50 : vector<16xi32> to vector<16xi32>
    %swap3A_52 = vector.shape_cast %broadcast_in_dim3A_48 : vector<16xi32> to vector<16xi32>
    tpu.vector_store %arg10[%swap3A_49], %swap3A_52 {strides = array<i32>} : memref<128xi32, #tpu.memory_space<vmem>>, vector<16xi32>,
    %mul3A = arith.constant 632 : i32
    %mul3A_53 = arith.muli %arg1, %mul3A : i32
    %add3A = arith.constant 0 : i32
    %add3A_54 = arith.addi %mul3A_53, %add3A : i32
    "tpu.region"() ({
      %run_scoped3A = tpu.sem_alloc : memref<!tpu.dma_semaphore, #tpu.memory_space<semaphore_mem>>
      %dma_start3A = arith.constant 0 : i32
      %dma_start3A_92 = arith.constant 0 : i32
      %dma_start3A_93 = tpu.memref_slice %arg11[%dma_start3A, %dma_start3A_92] : memref<128x128xf32, #tpu.memory_space<vmem>> -> memref<128x128xf32, #tpu.memory_space<vmem>>
      %dma_start3A_94 = arith.constant 0 : i32
      %dma_start3A_95 = tpu.memref_slice %arg14[%add3A_54, %dma_start3A_94] : memref<10112x128xf32, #tpu.memory_space<vmem_shared>> -> memref<128x128xf32, #tpu.memory_space<vmem_shared>>
      %dma_start3A_96 = arith.constant 0 : i32
      %dma_start3A_97 = tpu.memref_slice %arg14[%add3A_54, %dma_start3A_96] : memref<10112x128xf32, #tpu.memory_space<vmem_shared>> -> memref<128x128xf32, #tpu.memory_space<vmem_shared>>
      %dma_start3A_98 = arith.constant 0 : i32
      %dma_start3A_99 = arith.constant 0 : i32
      %dma_start3A_100 = tpu.memref_slice %arg11[%dma_start3A_98, %dma_start3A_99] : memref<128x128xf32, #tpu.memory_space<vmem>> -> memref<128x128xf32, #tpu.memory_space<vmem>>
      tpu.enqueue_dma source(%dma_start3A_100 : memref<128x128xf32, #tpu.memory_space<vmem>>) target(%dma_start3A_97 : memref<128x128xf32, #tpu.memory_space<vmem_shared>>) target_semaphore(%run_scoped3A : memref<!tpu.dma_semaphore, #tpu.memory_space<semaphore_mem>>)
      %dma_wait3A = arith.constant 0 : i32
      %dma_wait3A_101 = arith.constant 0 : i32
      %dma_wait3A_102 = tpu.memref_slice %arg11[%dma_wait3A, %dma_wait3A_101] : memref<128x128xf32, #tpu.memory_space<vmem>> -> memref<128x128xf32, #tpu.memory_space<vmem>>
      %dma_wait3A_103 = arith.constant 0 : i32
      %dma_wait3A_104 = tpu.memref_slice %arg14[%add3A_54, %dma_wait3A_103] : memref<10112x128xf32, #tpu.memory_space<vmem_shared>> -> memref<128x128xf32, #tpu.memory_space<vmem_shared>>
      %dma_wait3A_105 = arith.constant 0 : i32
      %dma_wait3A_106 = tpu.memref_slice %arg14[%add3A_54, %dma_wait3A_105] : memref<10112x128xf32, #tpu.memory_space<vmem_shared>> -> memref<128x128xf32, #tpu.memory_space<vmem_shared>>
      %dma_wait3A_107 = arith.constant 0 : i32
      %dma_wait3A_108 = arith.constant 0 : i32
      %dma_wait3A_109 = tpu.memref_slice %arg11[%dma_wait3A_107, %dma_wait3A_108] : memref<128x128xf32, #tpu.memory_space<vmem>> -> memref<128x128xf32, #tpu.memory_space<vmem>>
      tpu.wait_dma2 semaphore(%run_scoped3A : memref<!tpu.dma_semaphore, #tpu.memory_space<semaphore_mem>>) src(%dma_wait3A_109 : memref<128x128xf32, #tpu.memory_space<vmem>>) dst(%dma_wait3A_106 : memref<128x128xf32, #tpu.memory_space<vmem_shared>>)
      tpu.yield
    }) : () -> ()
    %add3A_55 = arith.constant 128 : i32
    %add3A_56 = arith.addi %mul3A_53, %add3A_55 : i32
    "tpu.region"() ({
      %run_scoped3A = tpu.sem_alloc : memref<!tpu.dma_semaphore, #tpu.memory_space<semaphore_mem>>
      %dma_start3A = arith.constant 0 : i32
      %dma_start3A_92 = arith.constant 0 : i32
      %dma_start3A_93 = tpu.memref_slice %arg11[%dma_start3A, %dma_start3A_92] : memref<128x128xf32, #tpu.memory_space<vmem>> -> memref<128x128xf32, #tpu.memory_space<vmem>>
      %dma_start3A_94 = arith.constant 0 : i32
      %dma_start3A_95 = tpu.memref_slice %arg14[%add3A_56, %dma_start3A_94] : memref<10112x128xf32, #tpu.memory_space<vmem_shared>> -> memref<128x128xf32, #tpu.memory_space<vmem_shared>>
      %dma_start3A_96 = arith.constant 0 : i32
      %dma_start3A_97 = tpu.memref_slice %arg14[%add3A_56, %dma_start3A_96] : memref<10112x128xf32, #tpu.memory_space<vmem_shared>> -> memref<128x128xf32, #tpu.memory_space<vmem_shared>>
      %dma_start3A_98 = arith.constant 0 : i32
      %dma_start3A_99 = arith.constant 0 : i32
      %dma_start3A_100 = tpu.memref_slice %arg11[%dma_start3A_98, %dma_start3A_99] : memref<128x128xf32, #tpu.memory_space<vmem>> -> memref<128x128xf32, #tpu.memory_space<vmem>>
      tpu.enqueue_dma source(%dma_start3A_100 : memref<128x128xf32, #tpu.memory_space<vmem>>) target(%dma_start3A_97 : memref<128x128xf32, #tpu.memory_space<vmem_shared>>) target_semaphore(%run_scoped3A : memref<!tpu.dma_semaphore, #tpu.memory_space<semaphore_mem>>)
      %dma_wait3A = arith.constant 0 : i32
      %dma_wait3A_101 = arith.constant 0 : i32
      %dma_wait3A_102 = tpu.memref_slice %arg11[%dma_wait3A, %dma_wait3A_101] : memref<128x128xf32, #tpu.memory_space<vmem>> -> memref<128x128xf32, #tpu.memory_space<vmem>>
      %dma_wait3A_103 = arith.constant 0 : i32
      %dma_wait3A_104 = tpu.memref_slice %arg14[%add3A_56, %dma_wait3A_103] : memref<10112x128xf32, #tpu.memory_space<vmem_shared>> -> memref<128x128xf32, #tpu.memory_space<vmem_shared>>
      %dma_wait3A_105 = arith.constant 0 : i32
      %dma_wait3A_106 = tpu.memref_slice %arg14[%add3A_56, %dma_wait3A_105] : memref<10112x128xf32, #tpu.memory_space<vmem_shared>> -> memref<128x128xf32, #tpu.memory_space<vmem_shared>>
      %dma_wait3A_107 = arith.constant 0 : i32
      %dma_wait3A_108 = arith.constant 0 : i32
      %dma_wait3A_109 = tpu.memref_slice %arg11[%dma_wait3A_107, %dma_wait3A_108] : memref<128x128xf32, #tpu.memory_space<vmem>> -> memref<128x128xf32, #tpu.memory_space<vmem>>
      tpu.wait_dma2 semaphore(%run_scoped3A : memref<!tpu.dma_semaphore, #tpu.memory_space<semaphore_mem>>) src(%dma_wait3A_109 : memref<128x128xf32, #tpu.memory_space<vmem>>) dst(%dma_wait3A_106 : memref<128x128xf32, #tpu.memory_space<vmem_shared>>)
      tpu.yield
    }) : () -> ()
    %add3A_57 = arith.constant 256 : i32
    %add3A_58 = arith.addi %mul3A_53, %add3A_57 : i32
    "tpu.region"() ({
      %run_scoped3A = tpu.sem_alloc : memref<!tpu.dma_semaphore, #tpu.memory_space<semaphore_mem>>
      %dma_start3A = arith.constant 0 : i32
      %dma_start3A_92 = arith.constant 0 : i32
      %dma_start3A_93 = tpu.memref_slice %arg11[%dma_start3A, %dma_start3A_92] : memref<128x128xf32, #tpu.memory_space<vmem>> -> memref<128x128xf32, #tpu.memory_space<vmem>>
      %dma_start3A_94 = arith.constant 0 : i32
      %dma_start3A_95 = tpu.memref_slice %arg14[%add3A_58, %dma_start3A_94] : memref<10112x128xf32, #tpu.memory_space<vmem_shared>> -> memref<128x128xf32, #tpu.memory_space<vmem_shared>>
      %dma_start3A_96 = arith.constant 0 : i32
      %dma_start3A_97 = tpu.memref_slice %arg14[%add3A_58, %dma_start3A_96] : memref<10112x128xf32, #tpu.memory_space<vmem_shared>> -> memref<128x128xf32, #tpu.memory_space<vmem_shared>>
      %dma_start3A_98 = arith.constant 0 : i32
      %dma_start3A_99 = arith.constant 0 : i32
      %dma_start3A_100 = tpu.memref_slice %arg11[%dma_start3A_98, %dma_start3A_99] : memref<128x128xf32, #tpu.memory_space<vmem>> -> memref<128x128xf32, #tpu.memory_space<vmem>>
      tpu.enqueue_dma source(%dma_start3A_100 : memref<128x128xf32, #tpu.memory_space<vmem>>) target(%dma_start3A_97 : memref<128x128xf32, #tpu.memory_space<vmem_shared>>) target_semaphore(%run_scoped3A : memref<!tpu.dma_semaphore, #tpu.memory_space<semaphore_mem>>)
      %dma_wait3A = arith.constant 0 : i32
      %dma_wait3A_101 = arith.constant 0 : i32
      %dma_wait3A_102 = tpu.memref_slice %arg11[%dma_wait3A, %dma_wait3A_101] : memref<128x128xf32, #tpu.memory_space<vmem>> -> memref<128x128xf32, #tpu.memory_space<vmem>>
      %dma_wait3A_103 = arith.constant 0 : i32
      %dma_wait3A_104 = tpu.memref_slice %arg14[%add3A_58, %dma_wait3A_103] : memref<10112x128xf32, #tpu.memory_space<vmem_shared>> -> memref<128x128xf32, #tpu.memory_space<vmem_shared>>
      %dma_wait3A_105 = arith.constant 0 : i32
      %dma_wait3A_106 = tpu.memref_slice %arg14[%add3A_58, %dma_wait3A_105] : memref<10112x128xf32, #tpu.memory_space<vmem_shared>> -> memref<128x128xf32, #tpu.memory_space<vmem_shared>>
      %dma_wait3A_107 = arith.constant 0 : i32
      %dma_wait3A_108 = arith.constant 0 : i32
      %dma_wait3A_109 = tpu.memref_slice %arg11[%dma_wait3A_107, %dma_wait3A_108] : memref<128x128xf32, #tpu.memory_space<vmem>> -> memref<128x128xf32, #tpu.memory_space<vmem>>
      tpu.wait_dma2 semaphore(%run_scoped3A : memref<!tpu.dma_semaphore, #tpu.memory_space<semaphore_mem>>) src(%dma_wait3A_109 : memref<128x128xf32, #tpu.memory_space<vmem>>) dst(%dma_wait3A_106 : memref<128x128xf32, #tpu.memory_space<vmem_shared>>)
      tpu.yield
    }) : () -> ()
    %add3A_59 = arith.constant 384 : i32
    %add3A_60 = arith.addi %mul3A_53, %add3A_59 : i32
    "tpu.region"() ({
      %run_scoped3A = tpu.sem_alloc : memref<!tpu.dma_semaphore, #tpu.memory_space<semaphore_mem>>
      %dma_start3A = arith.constant 0 : i32
      %dma_start3A_92 = arith.constant 0 : i32
      %dma_start3A_93 = tpu.memref_slice %arg11[%dma_start3A, %dma_start3A_92] : memref<128x128xf32, #tpu.memory_space<vmem>> -> memref<128x128xf32, #tpu.memory_space<vmem>>
      %dma_start3A_94 = arith.constant 0 : i32
      %dma_start3A_95 = tpu.memref_slice %arg14[%add3A_60, %dma_start3A_94] : memref<10112x128xf32, #tpu.memory_space<vmem_shared>> -> memref<128x128xf32, #tpu.memory_space<vmem_shared>>
      %dma_start3A_96 = arith.constant 0 : i32
      %dma_start3A_97 = tpu.memref_slice %arg14[%add3A_60, %dma_start3A_96] : memref<10112x128xf32, #tpu.memory_space<vmem_shared>> -> memref<128x128xf32, #tpu.memory_space<vmem_shared>>
      %dma_start3A_98 = arith.constant 0 : i32
      %dma_start3A_99 = arith.constant 0 : i32
      %dma_start3A_100 = tpu.memref_slice %arg11[%dma_start3A_98, %dma_start3A_99] : memref<128x128xf32, #tpu.memory_space<vmem>> -> memref<128x128xf32, #tpu.memory_space<vmem>>
      tpu.enqueue_dma source(%dma_start3A_100 : memref<128x128xf32, #tpu.memory_space<vmem>>) target(%dma_start3A_97 : memref<128x128xf32, #tpu.memory_space<vmem_shared>>) target_semaphore(%run_scoped3A : memref<!tpu.dma_semaphore, #tpu.memory_space<semaphore_mem>>)
      %dma_wait3A = arith.constant 0 : i32
      %dma_wait3A_101 = arith.constant 0 : i32
      %dma_wait3A_102 = tpu.memref_slice %arg11[%dma_wait3A, %dma_wait3A_101] : memref<128x128xf32, #tpu.memory_space<vmem>> -> memref<128x128xf32, #tpu.memory_space<vmem>>
      %dma_wait3A_103 = arith.constant 0 : i32
      %dma_wait3A_104 = tpu.memref_slice %arg14[%add3A_60, %dma_wait3A_103] : memref<10112x128xf32, #tpu.memory_space<vmem_shared>> -> memref<128x128xf32, #tpu.memory_space<vmem_shared>>
      %dma_wait3A_105 = arith.constant 0 : i32
      %dma_wait3A_106 = tpu.memref_slice %arg14[%add3A_60, %dma_wait3A_105] : memref<10112x128xf32, #tpu.memory_space<vmem_shared>> -> memref<128x128xf32, #tpu.memory_space<vmem_shared>>
      %dma_wait3A_107 = arith.constant 0 : i32
      %dma_wait3A_108 = arith.constant 0 : i32
      %dma_wait3A_109 = tpu.memref_slice %arg11[%dma_wait3A_107, %dma_wait3A_108] : memref<128x128xf32, #tpu.memory_space<vmem>> -> memref<128x128xf32, #tpu.memory_space<vmem>>
      tpu.wait_dma2 semaphore(%run_scoped3A : memref<!tpu.dma_semaphore, #tpu.memory_space<semaphore_mem>>) src(%dma_wait3A_109 : memref<128x128xf32, #tpu.memory_space<vmem>>) dst(%dma_wait3A_106 : memref<128x128xf32, #tpu.memory_space<vmem_shared>>)
      tpu.yield
    }) : () -> ()
    %add3A_61 = arith.constant 512 : i32
    %add3A_62 = arith.addi %mul3A_53, %add3A_61 : i32
    "tpu.region"() ({
      %run_scoped3A = tpu.sem_alloc : memref<!tpu.dma_semaphore, #tpu.memory_space<semaphore_mem>>
      %dma_start3A = arith.constant 0 : i32
      %dma_start3A_92 = arith.constant 0 : i32
      %dma_start3A_93 = tpu.memref_slice %arg11[%dma_start3A, %dma_start3A_92] : memref<128x128xf32, #tpu.memory_space<vmem>> -> memref<120x128xf32, #tpu.memory_space<vmem>>
      %dma_start3A_94 = arith.constant 0 : i32
      %dma_start3A_95 = tpu.memref_slice %arg14[%add3A_62, %dma_start3A_94] : memref<10112x128xf32, #tpu.memory_space<vmem_shared>> -> memref<120x128xf32, #tpu.memory_space<vmem_shared>>
      %dma_start3A_96 = arith.constant 0 : i32
      %dma_start3A_97 = tpu.memref_slice %arg14[%add3A_62, %dma_start3A_96] : memref<10112x128xf32, #tpu.memory_space<vmem_shared>> -> memref<120x128xf32, #tpu.memory_space<vmem_shared>>
      %dma_start3A_98 = arith.constant 0 : i32
      %dma_start3A_99 = arith.constant 0 : i32
      %dma_start3A_100 = tpu.memref_slice %arg11[%dma_start3A_98, %dma_start3A_99] : memref<128x128xf32, #tpu.memory_space<vmem>> -> memref<120x128xf32, #tpu.memory_space<vmem>>
      tpu.enqueue_dma source(%dma_start3A_100 : memref<120x128xf32, #tpu.memory_space<vmem>>) target(%dma_start3A_97 : memref<120x128xf32, #tpu.memory_space<vmem_shared>>) target_semaphore(%run_scoped3A : memref<!tpu.dma_semaphore, #tpu.memory_space<semaphore_mem>>)
      %dma_wait3A = arith.constant 0 : i32
      %dma_wait3A_101 = arith.constant 0 : i32
      %dma_wait3A_102 = tpu.memref_slice %arg11[%dma_wait3A, %dma_wait3A_101] : memref<128x128xf32, #tpu.memory_space<vmem>> -> memref<120x128xf32, #tpu.memory_space<vmem>>
      %dma_wait3A_103 = arith.constant 0 : i32
      %dma_wait3A_104 = tpu.memref_slice %arg14[%add3A_62, %dma_wait3A_103] : memref<10112x128xf32, #tpu.memory_space<vmem_shared>> -> memref<120x128xf32, #tpu.memory_space<vmem_shared>>
      %dma_wait3A_105 = arith.constant 0 : i32
      %dma_wait3A_106 = tpu.memref_slice %arg14[%add3A_62, %dma_wait3A_105] : memref<10112x128xf32, #tpu.memory_space<vmem_shared>> -> memref<120x128xf32, #tpu.memory_space<vmem_shared>>
      %dma_wait3A_107 = arith.constant 0 : i32
      %dma_wait3A_108 = arith.constant 0 : i32
      %dma_wait3A_109 = tpu.memref_slice %arg11[%dma_wait3A_107, %dma_wait3A_108] : memref<128x128xf32, #tpu.memory_space<vmem>> -> memref<120x128xf32, #tpu.memory_space<vmem>>
      tpu.wait_dma2 semaphore(%run_scoped3A : memref<!tpu.dma_semaphore, #tpu.memory_space<semaphore_mem>>) src(%dma_wait3A_109 : memref<120x128xf32, #tpu.memory_space<vmem>>) dst(%dma_wait3A_106 : memref<120x128xf32, #tpu.memory_space<vmem_shared>>)
      tpu.yield
    }) : () -> ()
    %barrier3A = arith.constant 0 : index
    tpu.barrier barrier_id(%barrier3A)
    %mul3A_63 = arith.constant 10240 : i32
    %mul3A_64 = arith.muli %arg1, %mul3A_63 : i32
    %scan3A_65 = arith.constant 0 : i32
    %scan3A_66 = arith.constant 0 : i32
    %scan3A_67 = arith.constant 40 : i32
    %scan3A_68 = arith.addi %scan3A_66, %scan3A_67 : i32
    %scan3A_69 = arith.constant 1 : i32
    scf.for %scan3A_92 = %scan3A_66 to %scan3A_68 step %scan3A_69  : i32 {
      %mul3A_93 = arith.constant 2 : i32
      %mul3A_94 = arith.muli %scan3A_92, %mul3A_93 : i32
      %add3A_95 = arith.constant 0 : i32
      %add3A_96 = arith.addi %mul3A_94, %add3A_95 : i32
      %mul3A_97 = arith.constant 128 : i32
      %mul3A_98 = arith.muli %add3A_96, %mul3A_97 : i32
      %add3A_99 = arith.addi %mul3A_64, %mul3A_98 : i32
      "tpu.region"() ({
        %run_scoped3A = tpu.sem_alloc : memref<!tpu.dma_semaphore, #tpu.memory_space<semaphore_mem>>
        %dma_start3A_356 = tpu.memref_slice %arg4[%add3A_99] : memref<163840xi32, #tpu.memory_space<hbm>> -> memref<128xi32, #tpu.memory_space<hbm>>
        %dma_start3A_357 = tpu.memref_slice %arg4[%add3A_99] : memref<163840xi32, #tpu.memory_space<hbm>> -> memref<128xi32, #tpu.memory_space<hbm>>
        tpu.enqueue_dma source(%dma_start3A_357 : memref<128xi32, #tpu.memory_space<hbm>>) target(%arg7 : memref<128xi32, #tpu.memory_space<vmem>>) target_semaphore(%run_scoped3A : memref<!tpu.dma_semaphore, #tpu.memory_space<semaphore_mem>>)
        %dma_wait3A_358 = tpu.memref_slice %arg4[%add3A_99] : memref<163840xi32, #tpu.memory_space<hbm>> -> memref<128xi32, #tpu.memory_space<hbm>>
        %dma_wait3A_359 = tpu.memref_slice %arg4[%add3A_99] : memref<163840xi32, #tpu.memory_space<hbm>> -> memref<128xi32, #tpu.memory_space<hbm>>
        tpu.wait_dma2 semaphore(%run_scoped3A : memref<!tpu.dma_semaphore, #tpu.memory_space<semaphore_mem>>) src(%dma_wait3A_359 : memref<128xi32, #tpu.memory_space<hbm>>) dst(%arg7 : memref<128xi32, #tpu.memory_space<vmem>>)
        tpu.yield
      }) : () -> ()
      %mul3A_100 = arith.constant 128 : i32
      %mul3A_101 = arith.muli %add3A_96, %mul3A_100 : i32
      %add3A_102 = arith.addi %mul3A_64, %mul3A_101 : i32
      "tpu.region"() ({
        %run_scoped3A = tpu.sem_alloc : memref<!tpu.dma_semaphore, #tpu.memory_space<semaphore_mem>>
        %dma_start3A_356 = tpu.memref_slice %arg5[%add3A_102] : memref<163840xi32, #tpu.memory_space<hbm>> -> memref<128xi32, #tpu.memory_space<hbm>>
        %dma_start3A_357 = tpu.memref_slice %arg5[%add3A_102] : memref<163840xi32, #tpu.memory_space<hbm>> -> memref<128xi32, #tpu.memory_space<hbm>>
        tpu.enqueue_dma source(%dma_start3A_357 : memref<128xi32, #tpu.memory_space<hbm>>) target(%arg9 : memref<128xi32, #tpu.memory_space<vmem>>) target_semaphore(%run_scoped3A : memref<!tpu.dma_semaphore, #tpu.memory_space<semaphore_mem>>)
        %dma_wait3A_358 = tpu.memref_slice %arg5[%add3A_102] : memref<163840xi32, #tpu.memory_space<hbm>> -> memref<128xi32, #tpu.memory_space<hbm>>
        %dma_wait3A_359 = tpu.memref_slice %arg5[%add3A_102] : memref<163840xi32, #tpu.memory_space<hbm>> -> memref<128xi32, #tpu.memory_space<hbm>>
        tpu.wait_dma2 semaphore(%run_scoped3A : memref<!tpu.dma_semaphore, #tpu.memory_space<semaphore_mem>>) src(%dma_wait3A_359 : memref<128xi32, #tpu.memory_space<hbm>>) dst(%arg9 : memref<128xi32, #tpu.memory_space<vmem>>)
        tpu.yield
      }) : () -> ()
      %get3A = arith.constant 0 : index
      %get3A_103 = tpu.vector_load %arg7[%get3A] {strides = array<i32>} : memref<128xi32, #tpu.memory_space<vmem>>, vector<16xi32>,
      %get3A_104 = vector.shape_cast %get3A_103 : vector<16xi32> to vector<16xi32>
      %mul3A_105 = arith.constant 2 : i32
      %mul3A_106 = vector.broadcast %mul3A_105 : i32 to vector<16xi32>
      %mul3A_107 = arith.muli %get3A_104, %mul3A_106 : vector<16xi32>
      %add3A_108 = vector.broadcast %arg0 : i32 to vector<16xi32>
      %add3A_109 = arith.addi %mul3A_107, %add3A_108 : vector<16xi32>
      %swap3A_110 = arith.constant 0 : index
      %swap3A_111 = tpu.vector_load %arg7[%swap3A_110] {strides = array<i32>} : memref<128xi32, #tpu.memory_space<vmem>>, vector<16xi32>,
      %swap3A_112 = vector.shape_cast %swap3A_111 : vector<16xi32> to vector<16xi32>
      %swap3A_113 = vector.shape_cast %add3A_109 : vector<16xi32> to vector<16xi32>
      tpu.vector_store %arg7[%swap3A_110], %swap3A_113 {strides = array<i32>} : memref<128xi32, #tpu.memory_space<vmem>>, vector<16xi32>,
      %get3A_114 = arith.constant 16 : index
      %get3A_115 = tpu.vector_load %arg7[%get3A_114] {strides = array<i32>} : memref<128xi32, #tpu.memory_space<vmem>>, vector<16xi32>,
      %get3A_116 = vector.shape_cast %get3A_115 : vector<16xi32> to vector<16xi32>
      %mul3A_117 = arith.constant 2 : i32
      %mul3A_118 = vector.broadcast %mul3A_117 : i32 to vector<16xi32>
      %mul3A_119 = arith.muli %get3A_116, %mul3A_118 : vector<16xi32>
      %add3A_120 = vector.broadcast %arg0 : i32 to vector<16xi32>
      %add3A_121 = arith.addi %mul3A_119, %add3A_120 : vector<16xi32>
      %swap3A_122 = arith.constant 16 : index
      %swap3A_123 = tpu.vector_load %arg7[%swap3A_122] {strides = array<i32>} : memref<128xi32, #tpu.memory_space<vmem>>, vector<16xi32>,
      %swap3A_124 = vector.shape_cast %swap3A_123 : vector<16xi32> to vector<16xi32>
      %swap3A_125 = vector.shape_cast %add3A_121 : vector<16xi32> to vector<16xi32>
      tpu.vector_store %arg7[%swap3A_122], %swap3A_125 {strides = array<i32>} : memref<128xi32, #tpu.memory_space<vmem>>, vector<16xi32>,
      %get3A_126 = arith.constant 32 : index
      %get3A_127 = tpu.vector_load %arg7[%get3A_126] {strides = array<i32>} : memref<128xi32, #tpu.memory_space<vmem>>, vector<16xi32>,
      %get3A_128 = vector.shape_cast %get3A_127 : vector<16xi32> to vector<16xi32>
      %mul3A_129 = arith.constant 2 : i32
      %mul3A_130 = vector.broadcast %mul3A_129 : i32 to vector<16xi32>
      %mul3A_131 = arith.muli %get3A_128, %mul3A_130 : vector<16xi32>
      %add3A_132 = vector.broadcast %arg0 : i32 to vector<16xi32>
      %add3A_133 = arith.addi %mul3A_131, %add3A_132 : vector<16xi32>
      %swap3A_134 = arith.constant 32 : index
      %swap3A_135 = tpu.vector_load %arg7[%swap3A_134] {strides = array<i32>} : memref<128xi32, #tpu.memory_space<vmem>>, vector<16xi32>,
      %swap3A_136 = vector.shape_cast %swap3A_135 : vector<16xi32> to vector<16xi32>
      %swap3A_137 = vector.shape_cast %add3A_133 : vector<16xi32> to vector<16xi32>
      tpu.vector_store %arg7[%swap3A_134], %swap3A_137 {strides = array<i32>} : memref<128xi32, #tpu.memory_space<vmem>>, vector<16xi32>,
      %get3A_138 = arith.constant 48 : index
      %get3A_139 = tpu.vector_load %arg7[%get3A_138] {strides = array<i32>} : memref<128xi32, #tpu.memory_space<vmem>>, vector<16xi32>,
      %get3A_140 = vector.shape_cast %get3A_139 : vector<16xi32> to vector<16xi32>
      %mul3A_141 = arith.constant 2 : i32
      %mul3A_142 = vector.broadcast %mul3A_141 : i32 to vector<16xi32>
      %mul3A_143 = arith.muli %get3A_140, %mul3A_142 : vector<16xi32>
      %add3A_144 = vector.broadcast %arg0 : i32 to vector<16xi32>
      %add3A_145 = arith.addi %mul3A_143, %add3A_144 : vector<16xi32>
      %swap3A_146 = arith.constant 48 : index
      %swap3A_147 = tpu.vector_load %arg7[%swap3A_146] {strides = array<i32>} : memref<128xi32, #tpu.memory_space<vmem>>, vector<16xi32>,
      %swap3A_148 = vector.shape_cast %swap3A_147 : vector<16xi32> to vector<16xi32>
      %swap3A_149 = vector.shape_cast %add3A_145 : vector<16xi32> to vector<16xi32>
      tpu.vector_store %arg7[%swap3A_146], %swap3A_149 {strides = array<i32>} : memref<128xi32, #tpu.memory_space<vmem>>, vector<16xi32>,
      %get3A_150 = arith.constant 64 : index
      %get3A_151 = tpu.vector_load %arg7[%get3A_150] {strides = array<i32>} : memref<128xi32, #tpu.memory_space<vmem>>, vector<16xi32>,
      %get3A_152 = vector.shape_cast %get3A_151 : vector<16xi32> to vector<16xi32>
      %mul3A_153 = arith.constant 2 : i32
      %mul3A_154 = vector.broadcast %mul3A_153 : i32 to vector<16xi32>
      %mul3A_155 = arith.muli %get3A_152, %mul3A_154 : vector<16xi32>
      %add3A_156 = vector.broadcast %arg0 : i32 to vector<16xi32>
      %add3A_157 = arith.addi %mul3A_155, %add3A_156 : vector<16xi32>
      %swap3A_158 = arith.constant 64 : index
      %swap3A_159 = tpu.vector_load %arg7[%swap3A_158] {strides = array<i32>} : memref<128xi32, #tpu.memory_space<vmem>>, vector<16xi32>,
      %swap3A_160 = vector.shape_cast %swap3A_159 : vector<16xi32> to vector<16xi32>
      %swap3A_161 = vector.shape_cast %add3A_157 : vector<16xi32> to vector<16xi32>
      tpu.vector_store %arg7[%swap3A_158], %swap3A_161 {strides = array<i32>} : memref<128xi32, #tpu.memory_space<vmem>>, vector<16xi32>,
      %get3A_162 = arith.constant 80 : index
      %get3A_163 = tpu.vector_load %arg7[%get3A_162] {strides = array<i32>} : memref<128xi32, #tpu.memory_space<vmem>>, vector<16xi32>,
      %get3A_164 = vector.shape_cast %get3A_163 : vector<16xi32> to vector<16xi32>
      %mul3A_165 = arith.constant 2 : i32
      %mul3A_166 = vector.broadcast %mul3A_165 : i32 to vector<16xi32>
      %mul3A_167 = arith.muli %get3A_164, %mul3A_166 : vector<16xi32>
      %add3A_168 = vector.broadcast %arg0 : i32 to vector<16xi32>
      %add3A_169 = arith.addi %mul3A_167, %add3A_168 : vector<16xi32>
      %swap3A_170 = arith.constant 80 : index
      %swap3A_171 = tpu.vector_load %arg7[%swap3A_170] {strides = array<i32>} : memref<128xi32, #tpu.memory_space<vmem>>, vector<16xi32>,
      %swap3A_172 = vector.shape_cast %swap3A_171 : vector<16xi32> to vector<16xi32>
      %swap3A_173 = vector.shape_cast %add3A_169 : vector<16xi32> to vector<16xi32>
      tpu.vector_store %arg7[%swap3A_170], %swap3A_173 {strides = array<i32>} : memref<128xi32, #tpu.memory_space<vmem>>, vector<16xi32>,
      %get3A_174 = arith.constant 96 : index
      %get3A_175 = tpu.vector_load %arg7[%get3A_174] {strides = array<i32>} : memref<128xi32, #tpu.memory_space<vmem>>, vector<16xi32>,
      %get3A_176 = vector.shape_cast %get3A_175 : vector<16xi32> to vector<16xi32>
      %mul3A_177 = arith.constant 2 : i32
      %mul3A_178 = vector.broadcast %mul3A_177 : i32 to vector<16xi32>
      %mul3A_179 = arith.muli %get3A_176, %mul3A_178 : vector<16xi32>
      %add3A_180 = vector.broadcast %arg0 : i32 to vector<16xi32>
      %add3A_181 = arith.addi %mul3A_179, %add3A_180 : vector<16xi32>
      %swap3A_182 = arith.constant 96 : index
      %swap3A_183 = tpu.vector_load %arg7[%swap3A_182] {strides = array<i32>} : memref<128xi32, #tpu.memory_space<vmem>>, vector<16xi32>,
      %swap3A_184 = vector.shape_cast %swap3A_183 : vector<16xi32> to vector<16xi32>
      %swap3A_185 = vector.shape_cast %add3A_181 : vector<16xi32> to vector<16xi32>
      tpu.vector_store %arg7[%swap3A_182], %swap3A_185 {strides = array<i32>} : memref<128xi32, #tpu.memory_space<vmem>>, vector<16xi32>,
      %get3A_186 = arith.constant 112 : index
      %get3A_187 = tpu.vector_load %arg7[%get3A_186] {strides = array<i32>} : memref<128xi32, #tpu.memory_space<vmem>>, vector<16xi32>,
      %get3A_188 = vector.shape_cast %get3A_187 : vector<16xi32> to vector<16xi32>
      %mul3A_189 = arith.constant 2 : i32
      %mul3A_190 = vector.broadcast %mul3A_189 : i32 to vector<16xi32>
      %mul3A_191 = arith.muli %get3A_188, %mul3A_190 : vector<16xi32>
      %add3A_192 = vector.broadcast %arg0 : i32 to vector<16xi32>
      %add3A_193 = arith.addi %mul3A_191, %add3A_192 : vector<16xi32>
      %swap3A_194 = arith.constant 112 : index
      %swap3A_195 = tpu.vector_load %arg7[%swap3A_194] {strides = array<i32>} : memref<128xi32, #tpu.memory_space<vmem>>, vector<16xi32>,
      %swap3A_196 = vector.shape_cast %swap3A_195 : vector<16xi32> to vector<16xi32>
      %swap3A_197 = vector.shape_cast %add3A_193 : vector<16xi32> to vector<16xi32>
      tpu.vector_store %arg7[%swap3A_194], %swap3A_197 {strides = array<i32>} : memref<128xi32, #tpu.memory_space<vmem>>, vector<16xi32>,
      %dma_start3A = arith.constant 0 : i32
      %dma_start3A_198 = arith.constant 0 : i32
      %dma_start3A_199 = tpu.memref_slice %arg2[%dma_start3A, %dma_start3A_198] : memref<20000x128xf32, #tpu.memory_space<hbm>> -> memref<20000x128xf32, #tpu.memory_space<hbm>>
      tpu.enqueue_indirect_dma source(%dma_start3A_199 : memref<20000x128xf32, #tpu.memory_space<hbm>>) target(%arg11 : memref<128x128xf32, #tpu.memory_space<vmem>>) offsets(%arg7 : memref<128xi32, #tpu.memory_space<vmem>>) semaphore(%arg15 : memref<!tpu.dma_semaphore, #tpu.memory_space<semaphore_mem>>)
      %mul3A_200 = arith.constant 128 : i32
      %mul3A_201 = arith.muli %add3A_96, %mul3A_200 : i32
      %add3A_202 = arith.addi %mul3A_64, %mul3A_201 : i32
      %dma_start3A_203 = arith.constant 0 : i32
      %dma_start3A_204 = tpu.memref_slice %arg3[%arg0, %add3A_202, %dma_start3A_203] : memref<2x163840x128xf32, #tpu.memory_space<hbm>> -> memref<1x128x128xf32, #tpu.memory_space<hbm>>
      %dma_start3A_205 = tpu.memref_squeeze %dma_start3A_204 : memref<1x128x128xf32, #tpu.memory_space<hbm>> -> memref<128x128xf32, #tpu.memory_space<hbm>>
      %dma_start3A_206 = arith.constant 0 : i32
      %dma_start3A_207 = tpu.memref_slice %arg3[%arg0, %add3A_202, %dma_start3A_206] : memref<2x163840x128xf32, #tpu.memory_space<hbm>> -> memref<1x128x128xf32, #tpu.memory_space<hbm>>
      %dma_start3A_208 = tpu.memref_squeeze %dma_start3A_207 : memref<1x128x128xf32, #tpu.memory_space<hbm>> -> memref<128x128xf32, #tpu.memory_space<hbm>>
      tpu.enqueue_dma source(%dma_start3A_208 : memref<128x128xf32, #tpu.memory_space<hbm>>) target(%arg12 : memref<128x128xf32, #tpu.memory_space<vmem>>) target_semaphore(%arg16 : memref<!tpu.dma_semaphore, #tpu.memory_space<semaphore_mem>>)
      "tpu.region"() ({
        %run_scoped3A = tpu.sem_alloc : memref<!tpu.dma_semaphore, #tpu.memory_space<semaphore_mem>>
        %dma_start3A_356 = arith.constant 0 : i32
        %dma_start3A_357 = arith.constant 0 : i32
        %dma_start3A_358 = tpu.memref_slice %arg14[%dma_start3A_356, %dma_start3A_357] : memref<10112x128xf32, #tpu.memory_space<vmem_shared>> -> memref<10112x128xf32, #tpu.memory_space<vmem_shared>>
        tpu.enqueue_indirect_dma source(%arg13 : memref<128x128xf32, #tpu.memory_space<vmem>>) target(%dma_start3A_358 : memref<10112x128xf32, #tpu.memory_space<vmem_shared>>) offsets(%arg10 : memref<128xi32, #tpu.memory_space<vmem>>) semaphore(%run_scoped3A : memref<!tpu.dma_semaphore, #tpu.memory_space<semaphore_mem>>) {add = true}
        %dma_wait3A_359 = arith.constant 0 : i32
        %dma_wait3A_360 = arith.constant 0 : i32
        %dma_wait3A_361 = tpu.memref_slice %arg14[%dma_wait3A_359, %dma_wait3A_360] : memref<10112x128xf32, #tpu.memory_space<vmem_shared>> -> memref<10112x128xf32, #tpu.memory_space<vmem_shared>>
        tpu.wait_indirect_dma semaphore(%run_scoped3A : memref<!tpu.dma_semaphore, #tpu.memory_space<semaphore_mem>>) src(%arg13 : memref<128x128xf32, #tpu.memory_space<vmem>>) dst(%dma_wait3A_361 : memref<10112x128xf32, #tpu.memory_space<vmem_shared>>)
        tpu.yield
      }) : () -> ()
      %dma_wait3A = arith.constant 0 : i32
      %dma_wait3A_209 = arith.constant 0 : i32
      %dma_wait3A_210 = tpu.memref_slice %arg2[%dma_wait3A, %dma_wait3A_209] : memref<20000x128xf32, #tpu.memory_space<hbm>> -> memref<20000x128xf32, #tpu.memory_space<hbm>>
      tpu.wait_indirect_dma semaphore(%arg15 : memref<!tpu.dma_semaphore, #tpu.memory_space<semaphore_mem>>) src(%dma_wait3A_210 : memref<20000x128xf32, #tpu.memory_space<hbm>>) dst(%arg11 : memref<128x128xf32, #tpu.memory_space<vmem>>)
      %dma_wait3A_211 = arith.constant 0 : i32
      %dma_wait3A_212 = tpu.memref_slice %arg3[%arg0, %add3A_202, %dma_wait3A_211] : memref<2x163840x128xf32, #tpu.memory_space<hbm>> -> memref<1x128x128xf32, #tpu.memory_space<hbm>>
      %dma_wait3A_213 = tpu.memref_squeeze %dma_wait3A_212 : memref<1x128x128xf32, #tpu.memory_space<hbm>> -> memref<128x128xf32, #tpu.memory_space<hbm>>
      %dma_wait3A_214 = arith.constant 0 : i32
      %dma_wait3A_215 = tpu.memref_slice %arg3[%arg0, %add3A_202, %dma_wait3A_214] : memref<2x163840x128xf32, #tpu.memory_space<hbm>> -> memref<1x128x128xf32, #tpu.memory_space<hbm>>
      %dma_wait3A_216 = tpu.memref_squeeze %dma_wait3A_215 : memref<1x128x128xf32, #tpu.memory_space<hbm>> -> memref<128x128xf32, #tpu.memory_space<hbm>>
      tpu.wait_dma2 semaphore(%arg16 : memref<!tpu.dma_semaphore, #tpu.memory_space<semaphore_mem>>) src(%dma_wait3A_216 : memref<128x128xf32, #tpu.memory_space<hbm>>) dst(%arg12 : memref<128x128xf32, #tpu.memory_space<vmem>>)
      %scan3A_217 = arith.constant 0 : i32
      %scan3A_218 = arith.constant 0 : i32
      %scan3A_219 = arith.constant 128 : i32
      %scan3A_220 = arith.addi %scan3A_218, %scan3A_219 : i32
      %scan3A_221 = arith.constant 1 : i32
      scf.for %scan3A_356 = %scan3A_218 to %scan3A_220 step %scan3A_221  : i32 {
        %get3A_357 = arith.index_cast %scan3A_356 : i32 to index
        %get3A_358 = arith.constant 0 : index
        %get3A_359 = tpu.vector_load %arg11[%get3A_357, %get3A_358] {strides = array<i32>} : memref<128x128xf32, #tpu.memory_space<vmem>>, vector<1x16xf32>,
        %get3A_360 = vector.shape_cast %get3A_359 : vector<1x16xf32> to vector<16xf32>
        %get3A_361 = arith.index_cast %scan3A_356 : i32 to index
        %get3A_362 = arith.constant 0 : index
        %get3A_363 = tpu.vector_load %arg12[%get3A_361, %get3A_362] {strides = array<i32>} : memref<128x128xf32, #tpu.memory_space<vmem>>, vector<1x16xf32>,
        %get3A_364 = vector.shape_cast %get3A_363 : vector<1x16xf32> to vector<16xf32>
        %add3A_365 = arith.addf %get3A_360, %get3A_364 : vector<16xf32>
        %max3A = arith.constant 0.000000e+00 : f32
        %max3A_366 = vector.broadcast %max3A : f32 to vector<16xf32>
        %max3A_367 = arith.maximumf %add3A_365, %max3A_366 : vector<16xf32>
        %swap3A_368 = arith.index_cast %scan3A_356 : i32 to index
        %swap3A_369 = arith.constant 0 : index
        %swap3A_370 = tpu.vector_load %arg12[%swap3A_368, %swap3A_369] {strides = array<i32>} : memref<128x128xf32, #tpu.memory_space<vmem>>, vector<1x16xf32>,
        %swap3A_371 = vector.shape_cast %swap3A_370 : vector<1x16xf32> to vector<16xf32>
        %swap3A_372 = vector.shape_cast %max3A_367 : vector<16xf32> to vector<1x16xf32>
        tpu.vector_store %arg12[%swap3A_368, %swap3A_369], %swap3A_372 {strides = array<i32>} : memref<128x128xf32, #tpu.memory_space<vmem>>, vector<1x16xf32>,
        %get3A_373 = arith.index_cast %scan3A_356 : i32 to index
        %get3A_374 = arith.constant 16 : index
        %get3A_375 = tpu.vector_load %arg11[%get3A_373, %get3A_374] {strides = array<i32>} : memref<128x128xf32, #tpu.memory_space<vmem>>, vector<1x16xf32>,
        %get3A_376 = vector.shape_cast %get3A_375 : vector<1x16xf32> to vector<16xf32>
        %get3A_377 = arith.index_cast %scan3A_356 : i32 to index
        %get3A_378 = arith.constant 16 : index
        %get3A_379 = tpu.vector_load %arg12[%get3A_377, %get3A_378] {strides = array<i32>} : memref<128x128xf32, #tpu.memory_space<vmem>>, vector<1x16xf32>,
        %get3A_380 = vector.shape_cast %get3A_379 : vector<1x16xf32> to vector<16xf32>
        %add3A_381 = arith.addf %get3A_376, %get3A_380 : vector<16xf32>
        %max3A_382 = arith.constant 0.000000e+00 : f32
        %max3A_383 = vector.broadcast %max3A_382 : f32 to vector<16xf32>
        %max3A_384 = arith.maximumf %add3A_381, %max3A_383 : vector<16xf32>
        %swap3A_385 = arith.index_cast %scan3A_356 : i32 to index
        %swap3A_386 = arith.constant 16 : index
        %swap3A_387 = tpu.vector_load %arg12[%swap3A_385, %swap3A_386] {strides = array<i32>} : memref<128x128xf32, #tpu.memory_space<vmem>>, vector<1x16xf32>,
        %swap3A_388 = vector.shape_cast %swap3A_387 : vector<1x16xf32> to vector<16xf32>
        %swap3A_389 = vector.shape_cast %max3A_384 : vector<16xf32> to vector<1x16xf32>
        tpu.vector_store %arg12[%swap3A_385, %swap3A_386], %swap3A_389 {strides = array<i32>} : memref<128x128xf32, #tpu.memory_space<vmem>>, vector<1x16xf32>,
        %get3A_390 = arith.index_cast %scan3A_356 : i32 to index
        %get3A_391 = arith.constant 32 : index
        %get3A_392 = tpu.vector_load %arg11[%get3A_390, %get3A_391] {strides = array<i32>} : memref<128x128xf32, #tpu.memory_space<vmem>>, vector<1x16xf32>,
        %get3A_393 = vector.shape_cast %get3A_392 : vector<1x16xf32> to vector<16xf32>
        %get3A_394 = arith.index_cast %scan3A_356 : i32 to index
        %get3A_395 = arith.constant 32 : index
        %get3A_396 = tpu.vector_load %arg12[%get3A_394, %get3A_395] {strides = array<i32>} : memref<128x128xf32, #tpu.memory_space<vmem>>, vector<1x16xf32>,
        %get3A_397 = vector.shape_cast %get3A_396 : vector<1x16xf32> to vector<16xf32>
        %add3A_398 = arith.addf %get3A_393, %get3A_397 : vector<16xf32>
        %max3A_399 = arith.constant 0.000000e+00 : f32
        %max3A_400 = vector.broadcast %max3A_399 : f32 to vector<16xf32>
        %max3A_401 = arith.maximumf %add3A_398, %max3A_400 : vector<16xf32>
        %swap3A_402 = arith.index_cast %scan3A_356 : i32 to index
        %swap3A_403 = arith.constant 32 : index
        %swap3A_404 = tpu.vector_load %arg12[%swap3A_402, %swap3A_403] {strides = array<i32>} : memref<128x128xf32, #tpu.memory_space<vmem>>, vector<1x16xf32>,
        %swap3A_405 = vector.shape_cast %swap3A_404 : vector<1x16xf32> to vector<16xf32>
        %swap3A_406 = vector.shape_cast %max3A_401 : vector<16xf32> to vector<1x16xf32>
        tpu.vector_store %arg12[%swap3A_402, %swap3A_403], %swap3A_406 {strides = array<i32>} : memref<128x128xf32, #tpu.memory_space<vmem>>, vector<1x16xf32>,
        %get3A_407 = arith.index_cast %scan3A_356 : i32 to index
        %get3A_408 = arith.constant 48 : index
        %get3A_409 = tpu.vector_load %arg11[%get3A_407, %get3A_408] {strides = array<i32>} : memref<128x128xf32, #tpu.memory_space<vmem>>, vector<1x16xf32>,
        %get3A_410 = vector.shape_cast %get3A_409 : vector<1x16xf32> to vector<16xf32>
        %get3A_411 = arith.index_cast %scan3A_356 : i32 to index
        %get3A_412 = arith.constant 48 : index
        %get3A_413 = tpu.vector_load %arg12[%get3A_411, %get3A_412] {strides = array<i32>} : memref<128x128xf32, #tpu.memory_space<vmem>>, vector<1x16xf32>,
        %get3A_414 = vector.shape_cast %get3A_413 : vector<1x16xf32> to vector<16xf32>
        %add3A_415 = arith.addf %get3A_410, %get3A_414 : vector<16xf32>
        %max3A_416 = arith.constant 0.000000e+00 : f32
        %max3A_417 = vector.broadcast %max3A_416 : f32 to vector<16xf32>
        %max3A_418 = arith.maximumf %add3A_415, %max3A_417 : vector<16xf32>
        %swap3A_419 = arith.index_cast %scan3A_356 : i32 to index
        %swap3A_420 = arith.constant 48 : index
        %swap3A_421 = tpu.vector_load %arg12[%swap3A_419, %swap3A_420] {strides = array<i32>} : memref<128x128xf32, #tpu.memory_space<vmem>>, vector<1x16xf32>,
        %swap3A_422 = vector.shape_cast %swap3A_421 : vector<1x16xf32> to vector<16xf32>
        %swap3A_423 = vector.shape_cast %max3A_418 : vector<16xf32> to vector<1x16xf32>
        tpu.vector_store %arg12[%swap3A_419, %swap3A_420], %swap3A_423 {strides = array<i32>} : memref<128x128xf32, #tpu.memory_space<vmem>>, vector<1x16xf32>,
        %get3A_424 = arith.index_cast %scan3A_356 : i32 to index
        %get3A_425 = arith.constant 64 : index
        %get3A_426 = tpu.vector_load %arg11[%get3A_424, %get3A_425] {strides = array<i32>} : memref<128x128xf32, #tpu.memory_space<vmem>>, vector<1x16xf32>,
        %get3A_427 = vector.shape_cast %get3A_426 : vector<1x16xf32> to vector<16xf32>
        %get3A_428 = arith.index_cast %scan3A_356 : i32 to index
        %get3A_429 = arith.constant 64 : index
        %get3A_430 = tpu.vector_load %arg12[%get3A_428, %get3A_429] {strides = array<i32>} : memref<128x128xf32, #tpu.memory_space<vmem>>, vector<1x16xf32>,
        %get3A_431 = vector.shape_cast %get3A_430 : vector<1x16xf32> to vector<16xf32>
        %add3A_432 = arith.addf %get3A_427, %get3A_431 : vector<16xf32>
        %max3A_433 = arith.constant 0.000000e+00 : f32
        %max3A_434 = vector.broadcast %max3A_433 : f32 to vector<16xf32>
        %max3A_435 = arith.maximumf %add3A_432, %max3A_434 : vector<16xf32>
        %swap3A_436 = arith.index_cast %scan3A_356 : i32 to index
        %swap3A_437 = arith.constant 64 : index
        %swap3A_438 = tpu.vector_load %arg12[%swap3A_436, %swap3A_437] {strides = array<i32>} : memref<128x128xf32, #tpu.memory_space<vmem>>, vector<1x16xf32>,
        %swap3A_439 = vector.shape_cast %swap3A_438 : vector<1x16xf32> to vector<16xf32>
        %swap3A_440 = vector.shape_cast %max3A_435 : vector<16xf32> to vector<1x16xf32>
        tpu.vector_store %arg12[%swap3A_436, %swap3A_437], %swap3A_440 {strides = array<i32>} : memref<128x128xf32, #tpu.memory_space<vmem>>, vector<1x16xf32>,
        %get3A_441 = arith.index_cast %scan3A_356 : i32 to index
        %get3A_442 = arith.constant 80 : index
        %get3A_443 = tpu.vector_load %arg11[%get3A_441, %get3A_442] {strides = array<i32>} : memref<128x128xf32, #tpu.memory_space<vmem>>, vector<1x16xf32>,
        %get3A_444 = vector.shape_cast %get3A_443 : vector<1x16xf32> to vector<16xf32>
        %get3A_445 = arith.index_cast %scan3A_356 : i32 to index
        %get3A_446 = arith.constant 80 : index
        %get3A_447 = tpu.vector_load %arg12[%get3A_445, %get3A_446] {strides = array<i32>} : memref<128x128xf32, #tpu.memory_space<vmem>>, vector<1x16xf32>,
        %get3A_448 = vector.shape_cast %get3A_447 : vector<1x16xf32> to vector<16xf32>
        %add3A_449 = arith.addf %get3A_444, %get3A_448 : vector<16xf32>
        %max3A_450 = arith.constant 0.000000e+00 : f32
        %max3A_451 = vector.broadcast %max3A_450 : f32 to vector<16xf32>
        %max3A_452 = arith.maximumf %add3A_449, %max3A_451 : vector<16xf32>
        %swap3A_453 = arith.index_cast %scan3A_356 : i32 to index
        %swap3A_454 = arith.constant 80 : index
        %swap3A_455 = tpu.vector_load %arg12[%swap3A_453, %swap3A_454] {strides = array<i32>} : memref<128x128xf32, #tpu.memory_space<vmem>>, vector<1x16xf32>,
        %swap3A_456 = vector.shape_cast %swap3A_455 : vector<1x16xf32> to vector<16xf32>
        %swap3A_457 = vector.shape_cast %max3A_452 : vector<16xf32> to vector<1x16xf32>
        tpu.vector_store %arg12[%swap3A_453, %swap3A_454], %swap3A_457 {strides = array<i32>} : memref<128x128xf32, #tpu.memory_space<vmem>>, vector<1x16xf32>,
        %get3A_458 = arith.index_cast %scan3A_356 : i32 to index
        %get3A_459 = arith.constant 96 : index
        %get3A_460 = tpu.vector_load %arg11[%get3A_458, %get3A_459] {strides = array<i32>} : memref<128x128xf32, #tpu.memory_space<vmem>>, vector<1x16xf32>,
        %get3A_461 = vector.shape_cast %get3A_460 : vector<1x16xf32> to vector<16xf32>
        %get3A_462 = arith.index_cast %scan3A_356 : i32 to index
        %get3A_463 = arith.constant 96 : index
        %get3A_464 = tpu.vector_load %arg12[%get3A_462, %get3A_463] {strides = array<i32>} : memref<128x128xf32, #tpu.memory_space<vmem>>, vector<1x16xf32>,
        %get3A_465 = vector.shape_cast %get3A_464 : vector<1x16xf32> to vector<16xf32>
        %add3A_466 = arith.addf %get3A_461, %get3A_465 : vector<16xf32>
        %max3A_467 = arith.constant 0.000000e+00 : f32
        %max3A_468 = vector.broadcast %max3A_467 : f32 to vector<16xf32>
        %max3A_469 = arith.maximumf %add3A_466, %max3A_468 : vector<16xf32>
        %swap3A_470 = arith.index_cast %scan3A_356 : i32 to index
        %swap3A_471 = arith.constant 96 : index
        %swap3A_472 = tpu.vector_load %arg12[%swap3A_470, %swap3A_471] {strides = array<i32>} : memref<128x128xf32, #tpu.memory_space<vmem>>, vector<1x16xf32>,
        %swap3A_473 = vector.shape_cast %swap3A_472 : vector<1x16xf32> to vector<16xf32>
        %swap3A_474 = vector.shape_cast %max3A_469 : vector<16xf32> to vector<1x16xf32>
        tpu.vector_store %arg12[%swap3A_470, %swap3A_471], %swap3A_474 {strides = array<i32>} : memref<128x128xf32, #tpu.memory_space<vmem>>, vector<1x16xf32>,
        %get3A_475 = arith.index_cast %scan3A_356 : i32 to index
        %get3A_476 = arith.constant 112 : index
        %get3A_477 = tpu.vector_load %arg11[%get3A_475, %get3A_476] {strides = array<i32>} : memref<128x128xf32, #tpu.memory_space<vmem>>, vector<1x16xf32>,
        %get3A_478 = vector.shape_cast %get3A_477 : vector<1x16xf32> to vector<16xf32>
        %get3A_479 = arith.index_cast %scan3A_356 : i32 to index
        %get3A_480 = arith.constant 112 : index
        %get3A_481 = tpu.vector_load %arg12[%get3A_479, %get3A_480] {strides = array<i32>} : memref<128x128xf32, #tpu.memory_space<vmem>>, vector<1x16xf32>,
        %get3A_482 = vector.shape_cast %get3A_481 : vector<1x16xf32> to vector<16xf32>
        %add3A_483 = arith.addf %get3A_478, %get3A_482 : vector<16xf32>
        %max3A_484 = arith.constant 0.000000e+00 : f32
        %max3A_485 = vector.broadcast %max3A_484 : f32 to vector<16xf32>
        %max3A_486 = arith.maximumf %add3A_483, %max3A_485 : vector<16xf32>
        %swap3A_487 = arith.index_cast %scan3A_356 : i32 to index
        %swap3A_488 = arith.constant 112 : index
        %swap3A_489 = tpu.vector_load %arg12[%swap3A_487, %swap3A_488] {strides = array<i32>} : memref<128x128xf32, #tpu.memory_space<vmem>>, vector<1x16xf32>,
        %swap3A_490 = vector.shape_cast %swap3A_489 : vector<1x16xf32> to vector<16xf32>
        %swap3A_491 = vector.shape_cast %max3A_486 : vector<16xf32> to vector<1x16xf32>
        tpu.vector_store %arg12[%swap3A_487, %swap3A_488], %swap3A_491 {strides = array<i32>} : memref<128x128xf32, #tpu.memory_space<vmem>>, vector<1x16xf32>,
      }
      %scan3A_222 = arith.constant 128 : i32
      %mul3A_223 = arith.constant 2 : i32
      %mul3A_224 = arith.muli %scan3A_92, %mul3A_223 : i32
      %add3A_225 = arith.constant 1 : i32
      %add3A_226 = arith.addi %mul3A_224, %add3A_225 : i32
      %mul3A_227 = arith.constant 128 : i32
      %mul3A_228 = arith.muli %add3A_226, %mul3A_227 : i32
      %add3A_229 = arith.addi %mul3A_64, %mul3A_228 : i32
      "tpu.region"() ({
        %run_scoped3A = tpu.sem_alloc : memref<!tpu.dma_semaphore, #tpu.memory_space<semaphore_mem>>
        %dma_start3A_356 = tpu.memref_slice %arg4[%add3A_229] : memref<163840xi32, #tpu.memory_space<hbm>> -> memref<128xi32, #tpu.memory_space<hbm>>
        %dma_start3A_357 = tpu.memref_slice %arg4[%add3A_229] : memref<163840xi32, #tpu.memory_space<hbm>> -> memref<128xi32, #tpu.memory_space<hbm>>
        tpu.enqueue_dma source(%dma_start3A_357 : memref<128xi32, #tpu.memory_space<hbm>>) target(%arg8 : memref<128xi32, #tpu.memory_space<vmem>>) target_semaphore(%run_scoped3A : memref<!tpu.dma_semaphore, #tpu.memory_space<semaphore_mem>>)
        %dma_wait3A_358 = tpu.memref_slice %arg4[%add3A_229] : memref<163840xi32, #tpu.memory_space<hbm>> -> memref<128xi32, #tpu.memory_space<hbm>>
        %dma_wait3A_359 = tpu.memref_slice %arg4[%add3A_229] : memref<163840xi32, #tpu.memory_space<hbm>> -> memref<128xi32, #tpu.memory_space<hbm>>
        tpu.wait_dma2 semaphore(%run_scoped3A : memref<!tpu.dma_semaphore, #tpu.memory_space<semaphore_mem>>) src(%dma_wait3A_359 : memref<128xi32, #tpu.memory_space<hbm>>) dst(%arg8 : memref<128xi32, #tpu.memory_space<vmem>>)
        tpu.yield
      }) : () -> ()
      %mul3A_230 = arith.constant 128 : i32
      %mul3A_231 = arith.muli %add3A_226, %mul3A_230 : i32
      %add3A_232 = arith.addi %mul3A_64, %mul3A_231 : i32
      "tpu.region"() ({
        %run_scoped3A = tpu.sem_alloc : memref<!tpu.dma_semaphore, #tpu.memory_space<semaphore_mem>>
        %dma_start3A_356 = tpu.memref_slice %arg5[%add3A_232] : memref<163840xi32, #tpu.memory_space<hbm>> -> memref<128xi32, #tpu.memory_space<hbm>>
        %dma_start3A_357 = tpu.memref_slice %arg5[%add3A_232] : memref<163840xi32, #tpu.memory_space<hbm>> -> memref<128xi32, #tpu.memory_space<hbm>>
        tpu.enqueue_dma source(%dma_start3A_357 : memref<128xi32, #tpu.memory_space<hbm>>) target(%arg10 : memref<128xi32, #tpu.memory_space<vmem>>) target_semaphore(%run_scoped3A : memref<!tpu.dma_semaphore, #tpu.memory_space<semaphore_mem>>)
        %dma_wait3A_358 = tpu.memref_slice %arg5[%add3A_232] : memref<163840xi32, #tpu.memory_space<hbm>> -> memref<128xi32, #tpu.memory_space<hbm>>
        %dma_wait3A_359 = tpu.memref_slice %arg5[%add3A_232] : memref<163840xi32, #tpu.memory_space<hbm>> -> memref<128xi32, #tpu.memory_space<hbm>>
        tpu.wait_dma2 semaphore(%run_scoped3A : memref<!tpu.dma_semaphore, #tpu.memory_space<semaphore_mem>>) src(%dma_wait3A_359 : memref<128xi32, #tpu.memory_space<hbm>>) dst(%arg10 : memref<128xi32, #tpu.memory_space<vmem>>)
        tpu.yield
      }) : () -> ()
      %get3A_233 = arith.constant 0 : index
      %get3A_234 = tpu.vector_load %arg8[%get3A_233] {strides = array<i32>} : memref<128xi32, #tpu.memory_space<vmem>>, vector<16xi32>,
      %get3A_235 = vector.shape_cast %get3A_234 : vector<16xi32> to vector<16xi32>
      %mul3A_236 = arith.constant 2 : i32
      %mul3A_237 = vector.broadcast %mul3A_236 : i32 to vector<16xi32>
      %mul3A_238 = arith.muli %get3A_235, %mul3A_237 : vector<16xi32>
      %add3A_239 = vector.broadcast %arg0 : i32 to vector<16xi32>
      %add3A_240 = arith.addi %mul3A_238, %add3A_239 : vector<16xi32>
      %swap3A_241 = arith.constant 0 : index
      %swap3A_242 = tpu.vector_load %arg8[%swap3A_241] {strides = array<i32>} : memref<128xi32, #tpu.memory_space<vmem>>, vector<16xi32>,
      %swap3A_243 = vector.shape_cast %swap3A_242 : vector<16xi32> to vector<16xi32>
      %swap3A_244 = vector.shape_cast %add3A_240 : vector<16xi32> to vector<16xi32>
      tpu.vector_store %arg8[%swap3A_241], %swap3A_244 {strides = array<i32>} : memref<128xi32, #tpu.memory_space<vmem>>, vector<16xi32>,
      %get3A_245 = arith.constant 16 : index
      %get3A_246 = tpu.vector_load %arg8[%get3A_245] {strides = array<i32>} : memref<128xi32, #tpu.memory_space<vmem>>, vector<16xi32>,
      %get3A_247 = vector.shape_cast %get3A_246 : vector<16xi32> to vector<16xi32>
      %mul3A_248 = arith.constant 2 : i32
      %mul3A_249 = vector.broadcast %mul3A_248 : i32 to vector<16xi32>
      %mul3A_250 = arith.muli %get3A_247, %mul3A_249 : vector<16xi32>
      %add3A_251 = vector.broadcast %arg0 : i32 to vector<16xi32>
      %add3A_252 = arith.addi %mul3A_250, %add3A_251 : vector<16xi32>
      %swap3A_253 = arith.constant 16 : index
      %swap3A_254 = tpu.vector_load %arg8[%swap3A_253] {strides = array<i32>} : memref<128xi32, #tpu.memory_space<vmem>>, vector<16xi32>,
      %swap3A_255 = vector.shape_cast %swap3A_254 : vector<16xi32> to vector<16xi32>
      %swap3A_256 = vector.shape_cast %add3A_252 : vector<16xi32> to vector<16xi32>
      tpu.vector_store %arg8[%swap3A_253], %swap3A_256 {strides = array<i32>} : memref<128xi32, #tpu.memory_space<vmem>>, vector<16xi32>,
      %get3A_257 = arith.constant 32 : index
      %get3A_258 = tpu.vector_load %arg8[%get3A_257] {strides = array<i32>} : memref<128xi32, #tpu.memory_space<vmem>>, vector<16xi32>,
      %get3A_259 = vector.shape_cast %get3A_258 : vector<16xi32> to vector<16xi32>
      %mul3A_260 = arith.constant 2 : i32
      %mul3A_261 = vector.broadcast %mul3A_260 : i32 to vector<16xi32>
      %mul3A_262 = arith.muli %get3A_259, %mul3A_261 : vector<16xi32>
      %add3A_263 = vector.broadcast %arg0 : i32 to vector<16xi32>
      %add3A_264 = arith.addi %mul3A_262, %add3A_263 : vector<16xi32>
      %swap3A_265 = arith.constant 32 : index
      %swap3A_266 = tpu.vector_load %arg8[%swap3A_265] {strides = array<i32>} : memref<128xi32, #tpu.memory_space<vmem>>, vector<16xi32>,
      %swap3A_267 = vector.shape_cast %swap3A_266 : vector<16xi32> to vector<16xi32>
      %swap3A_268 = vector.shape_cast %add3A_264 : vector<16xi32> to vector<16xi32>
      tpu.vector_store %arg8[%swap3A_265], %swap3A_268 {strides = array<i32>} : memref<128xi32, #tpu.memory_space<vmem>>, vector<16xi32>,
      %get3A_269 = arith.constant 48 : index
      %get3A_270 = tpu.vector_load %arg8[%get3A_269] {strides = array<i32>} : memref<128xi32, #tpu.memory_space<vmem>>, vector<16xi32>,
      %get3A_271 = vector.shape_cast %get3A_270 : vector<16xi32> to vector<16xi32>
      %mul3A_272 = arith.constant 2 : i32
      %mul3A_273 = vector.broadcast %mul3A_272 : i32 to vector<16xi32>
      %mul3A_274 = arith.muli %get3A_271, %mul3A_273 : vector<16xi32>
      %add3A_275 = vector.broadcast %arg0 : i32 to vector<16xi32>
      %add3A_276 = arith.addi %mul3A_274, %add3A_275 : vector<16xi32>
      %swap3A_277 = arith.constant 48 : index
      %swap3A_278 = tpu.vector_load %arg8[%swap3A_277] {strides = array<i32>} : memref<128xi32, #tpu.memory_space<vmem>>, vector<16xi32>,
      %swap3A_279 = vector.shape_cast %swap3A_278 : vector<16xi32> to vector<16xi32>
      %swap3A_280 = vector.shape_cast %add3A_276 : vector<16xi32> to vector<16xi32>
      tpu.vector_store %arg8[%swap3A_277], %swap3A_280 {strides = array<i32>} : memref<128xi32, #tpu.memory_space<vmem>>, vector<16xi32>,
      %get3A_281 = arith.constant 64 : index
      %get3A_282 = tpu.vector_load %arg8[%get3A_281] {strides = array<i32>} : memref<128xi32, #tpu.memory_space<vmem>>, vector<16xi32>,
      %get3A_283 = vector.shape_cast %get3A_282 : vector<16xi32> to vector<16xi32>
      %mul3A_284 = arith.constant 2 : i32
      %mul3A_285 = vector.broadcast %mul3A_284 : i32 to vector<16xi32>
      %mul3A_286 = arith.muli %get3A_283, %mul3A_285 : vector<16xi32>
      %add3A_287 = vector.broadcast %arg0 : i32 to vector<16xi32>
      %add3A_288 = arith.addi %mul3A_286, %add3A_287 : vector<16xi32>
      %swap3A_289 = arith.constant 64 : index
      %swap3A_290 = tpu.vector_load %arg8[%swap3A_289] {strides = array<i32>} : memref<128xi32, #tpu.memory_space<vmem>>, vector<16xi32>,
      %swap3A_291 = vector.shape_cast %swap3A_290 : vector<16xi32> to vector<16xi32>
      %swap3A_292 = vector.shape_cast %add3A_288 : vector<16xi32> to vector<16xi32>
      tpu.vector_store %arg8[%swap3A_289], %swap3A_292 {strides = array<i32>} : memref<128xi32, #tpu.memory_space<vmem>>, vector<16xi32>,
      %get3A_293 = arith.constant 80 : index
      %get3A_294 = tpu.vector_load %arg8[%get3A_293] {strides = array<i32>} : memref<128xi32, #tpu.memory_space<vmem>>, vector<16xi32>,
      %get3A_295 = vector.shape_cast %get3A_294 : vector<16xi32> to vector<16xi32>
      %mul3A_296 = arith.constant 2 : i32
      %mul3A_297 = vector.broadcast %mul3A_296 : i32 to vector<16xi32>
      %mul3A_298 = arith.muli %get3A_295, %mul3A_297 : vector<16xi32>
      %add3A_299 = vector.broadcast %arg0 : i32 to vector<16xi32>
      %add3A_300 = arith.addi %mul3A_298, %add3A_299 : vector<16xi32>
      %swap3A_301 = arith.constant 80 : index
      %swap3A_302 = tpu.vector_load %arg8[%swap3A_301] {strides = array<i32>} : memref<128xi32, #tpu.memory_space<vmem>>, vector<16xi32>,
      %swap3A_303 = vector.shape_cast %swap3A_302 : vector<16xi32> to vector<16xi32>
      %swap3A_304 = vector.shape_cast %add3A_300 : vector<16xi32> to vector<16xi32>
      tpu.vector_store %arg8[%swap3A_301], %swap3A_304 {strides = array<i32>} : memref<128xi32, #tpu.memory_space<vmem>>, vector<16xi32>,
      %get3A_305 = arith.constant 96 : index
      %get3A_306 = tpu.vector_load %arg8[%get3A_305] {strides = array<i32>} : memref<128xi32, #tpu.memory_space<vmem>>, vector<16xi32>,
      %get3A_307 = vector.shape_cast %get3A_306 : vector<16xi32> to vector<16xi32>
      %mul3A_308 = arith.constant 2 : i32
      %mul3A_309 = vector.broadcast %mul3A_308 : i32 to vector<16xi32>
      %mul3A_310 = arith.muli %get3A_307, %mul3A_309 : vector<16xi32>
      %add3A_311 = vector.broadcast %arg0 : i32 to vector<16xi32>
      %add3A_312 = arith.addi %mul3A_310, %add3A_311 : vector<16xi32>
      %swap3A_313 = arith.constant 96 : index
      %swap3A_314 = tpu.vector_load %arg8[%swap3A_313] {strides = array<i32>} : memref<128xi32, #tpu.memory_space<vmem>>, vector<16xi32>,
      %swap3A_315 = vector.shape_cast %swap3A_314 : vector<16xi32> to vector<16xi32>
      %swap3A_316 = vector.shape_cast %add3A_312 : vector<16xi32> to vector<16xi32>
      tpu.vector_store %arg8[%swap3A_313], %swap3A_316 {strides = array<i32>} : memref<128xi32, #tpu.memory_space<vmem>>, vector<16xi32>,
      %get3A_317 = arith.constant 112 : index
      %get3A_318 = tpu.vector_load %arg8[%get3A_317] {strides = array<i32>} : memref<128xi32, #tpu.memory_space<vmem>>, vector<16xi32>,
      %get3A_319 = vector.shape_cast %get3A_318 : vector<16xi32> to vector<16xi32>
      %mul3A_320 = arith.constant 2 : i32
      %mul3A_321 = vector.broadcast %mul3A_320 : i32 to vector<16xi32>
      %mul3A_322 = arith.muli %get3A_319, %mul3A_321 : vector<16xi32>
      %add3A_323 = vector.broadcast %arg0 : i32 to vector<16xi32>
      %add3A_324 = arith.addi %mul3A_322, %add3A_323 : vector<16xi32>
      %swap3A_325 = arith.constant 112 : index
      %swap3A_326 = tpu.vector_load %arg8[%swap3A_325] {strides = array<i32>} : memref<128xi32, #tpu.memory_space<vmem>>, vector<16xi32>,
      %swap3A_327 = vector.shape_cast %swap3A_326 : vector<16xi32> to vector<16xi32>
      %swap3A_328 = vector.shape_cast %add3A_324 : vector<16xi32> to vector<16xi32>
      tpu.vector_store %arg8[%swap3A_325], %swap3A_328 {strides = array<i32>} : memref<128xi32, #tpu.memory_space<vmem>>, vector<16xi32>,
      %dma_start3A_329 = arith.constant 0 : i32
      %dma_start3A_330 = arith.constant 0 : i32
      %dma_start3A_331 = tpu.memref_slice %arg2[%dma_start3A_329, %dma_start3A_330] : memref<20000x128xf32, #tpu.memory_space<hbm>> -> memref<20000x128xf32, #tpu.memory_space<hbm>>
      tpu.enqueue_indirect_dma source(%dma_start3A_331 : memref<20000x128xf32, #tpu.memory_space<hbm>>) target(%arg11 : memref<128x128xf32, #tpu.memory_space<vmem>>) offsets(%arg8 : memref<128xi32, #tpu.memory_space<vmem>>) semaphore(%arg15 : memref<!tpu.dma_semaphore, #tpu.memory_space<semaphore_mem>>)
      %mul3A_332 = arith.constant 128 : i32
      %mul3A_333 = arith.muli %add3A_226, %mul3A_332 : i32
      %add3A_334 = arith.addi %mul3A_64, %mul3A_333 : i32
      %dma_start3A_335 = arith.constant 0 : i32
      %dma_start3A_336 = tpu.memref_slice %arg3[%arg0, %add3A_334, %dma_start3A_335] : memref<2x163840x128xf32, #tpu.memory_space<hbm>> -> memref<1x128x128xf32, #tpu.memory_space<hbm>>
      %dma_start3A_337 = tpu.memref_squeeze %dma_start3A_336 : memref<1x128x128xf32, #tpu.memory_space<hbm>> -> memref<128x128xf32, #tpu.memory_space<hbm>>
      %dma_start3A_338 = arith.constant 0 : i32
      %dma_start3A_339 = tpu.memref_slice %arg3[%arg0, %add3A_334, %dma_start3A_338] : memref<2x163840x128xf32, #tpu.memory_space<hbm>> -> memref<1x128x128xf32, #tpu.memory_space<hbm>>
      %dma_start3A_340 = tpu.memref_squeeze %dma_start3A_339 : memref<1x128x128xf32, #tpu.memory_space<hbm>> -> memref<128x128xf32, #tpu.memory_space<hbm>>
      tpu.enqueue_dma source(%dma_start3A_340 : memref<128x128xf32, #tpu.memory_space<hbm>>) target(%arg13 : memref<128x128xf32, #tpu.memory_space<vmem>>) target_semaphore(%arg16 : memref<!tpu.dma_semaphore, #tpu.memory_space<semaphore_mem>>)
      "tpu.region"() ({
        %run_scoped3A = tpu.sem_alloc : memref<!tpu.dma_semaphore, #tpu.memory_space<semaphore_mem>>
        %dma_start3A_356 = arith.constant 0 : i32
        %dma_start3A_357 = arith.constant 0 : i32
        %dma_start3A_358 = tpu.memref_slice %arg14[%dma_start3A_356, %dma_start3A_357] : memref<10112x128xf32, #tpu.memory_space<vmem_shared>> -> memref<10112x128xf32, #tpu.memory_space<vmem_shared>>
        tpu.enqueue_indirect_dma source(%arg12 : memref<128x128xf32, #tpu.memory_space<vmem>>) target(%dma_start3A_358 : memref<10112x128xf32, #tpu.memory_space<vmem_shared>>) offsets(%arg9 : memref<128xi32, #tpu.memory_space<vmem>>) semaphore(%run_scoped3A : memref<!tpu.dma_semaphore, #tpu.memory_space<semaphore_mem>>) {add = true}
        %dma_wait3A_359 = arith.constant 0 : i32
        %dma_wait3A_360 = arith.constant 0 : i32
        %dma_wait3A_361 = tpu.memref_slice %arg14[%dma_wait3A_359, %dma_wait3A_360] : memref<10112x128xf32, #tpu.memory_space<vmem_shared>> -> memref<10112x128xf32, #tpu.memory_space<vmem_shared>>
        tpu.wait_indirect_dma semaphore(%run_scoped3A : memref<!tpu.dma_semaphore, #tpu.memory_space<semaphore_mem>>) src(%arg12 : memref<128x128xf32, #tpu.memory_space<vmem>>) dst(%dma_wait3A_361 : memref<10112x128xf32, #tpu.memory_space<vmem_shared>>)
        tpu.yield
      }) : () -> ()
      %dma_wait3A_341 = arith.constant 0 : i32
      %dma_wait3A_342 = arith.constant 0 : i32
      %dma_wait3A_343 = tpu.memref_slice %arg2[%dma_wait3A_341, %dma_wait3A_342] : memref<20000x128xf32, #tpu.memory_space<hbm>> -> memref<20000x128xf32, #tpu.memory_space<hbm>>
      tpu.wait_indirect_dma semaphore(%arg15 : memref<!tpu.dma_semaphore, #tpu.memory_space<semaphore_mem>>) src(%dma_wait3A_343 : memref<20000x128xf32, #tpu.memory_space<hbm>>) dst(%arg11 : memref<128x128xf32, #tpu.memory_space<vmem>>)
      %dma_wait3A_344 = arith.constant 0 : i32
      %dma_wait3A_345 = tpu.memref_slice %arg3[%arg0, %add3A_334, %dma_wait3A_344] : memref<2x163840x128xf32, #tpu.memory_space<hbm>> -> memref<1x128x128xf32, #tpu.memory_space<hbm>>
      %dma_wait3A_346 = tpu.memref_squeeze %dma_wait3A_345 : memref<1x128x128xf32, #tpu.memory_space<hbm>> -> memref<128x128xf32, #tpu.memory_space<hbm>>
      %dma_wait3A_347 = arith.constant 0 : i32
      %dma_wait3A_348 = tpu.memref_slice %arg3[%arg0, %add3A_334, %dma_wait3A_347] : memref<2x163840x128xf32, #tpu.memory_space<hbm>> -> memref<1x128x128xf32, #tpu.memory_space<hbm>>
      %dma_wait3A_349 = tpu.memref_squeeze %dma_wait3A_348 : memref<1x128x128xf32, #tpu.memory_space<hbm>> -> memref<128x128xf32, #tpu.memory_space<hbm>>
      tpu.wait_dma2 semaphore(%arg16 : memref<!tpu.dma_semaphore, #tpu.memory_space<semaphore_mem>>) src(%dma_wait3A_349 : memref<128x128xf32, #tpu.memory_space<hbm>>) dst(%arg13 : memref<128x128xf32, #tpu.memory_space<vmem>>)
      %scan3A_350 = arith.constant 0 : i32
      %scan3A_351 = arith.constant 0 : i32
      %scan3A_352 = arith.constant 128 : i32
      %scan3A_353 = arith.addi %scan3A_351, %scan3A_352 : i32
      %scan3A_354 = arith.constant 1 : i32
      scf.for %scan3A_356 = %scan3A_351 to %scan3A_353 step %scan3A_354  : i32 {
        %get3A_357 = arith.index_cast %scan3A_356 : i32 to index
        %get3A_358 = arith.constant 0 : index
        %get3A_359 = tpu.vector_load %arg11[%get3A_357, %get3A_358] {strides = array<i32>} : memref<128x128xf32, #tpu.memory_space<vmem>>, vector<1x16xf32>,
        %get3A_360 = vector.shape_cast %get3A_359 : vector<1x16xf32> to vector<16xf32>
        %get3A_361 = arith.index_cast %scan3A_356 : i32 to index
        %get3A_362 = arith.constant 0 : index
        %get3A_363 = tpu.vector_load %arg13[%get3A_361, %get3A_362] {strides = array<i32>} : memref<128x128xf32, #tpu.memory_space<vmem>>, vector<1x16xf32>,
        %get3A_364 = vector.shape_cast %get3A_363 : vector<1x16xf32> to vector<16xf32>
        %add3A_365 = arith.addf %get3A_360, %get3A_364 : vector<16xf32>
        %max3A = arith.constant 0.000000e+00 : f32
        %max3A_366 = vector.broadcast %max3A : f32 to vector<16xf32>
        %max3A_367 = arith.maximumf %add3A_365, %max3A_366 : vector<16xf32>
        %swap3A_368 = arith.index_cast %scan3A_356 : i32 to index
        %swap3A_369 = arith.constant 0 : index
        %swap3A_370 = tpu.vector_load %arg13[%swap3A_368, %swap3A_369] {strides = array<i32>} : memref<128x128xf32, #tpu.memory_space<vmem>>, vector<1x16xf32>,
        %swap3A_371 = vector.shape_cast %swap3A_370 : vector<1x16xf32> to vector<16xf32>
        %swap3A_372 = vector.shape_cast %max3A_367 : vector<16xf32> to vector<1x16xf32>
        tpu.vector_store %arg13[%swap3A_368, %swap3A_369], %swap3A_372 {strides = array<i32>} : memref<128x128xf32, #tpu.memory_space<vmem>>, vector<1x16xf32>,
        %get3A_373 = arith.index_cast %scan3A_356 : i32 to index
        %get3A_374 = arith.constant 16 : index
        %get3A_375 = tpu.vector_load %arg11[%get3A_373, %get3A_374] {strides = array<i32>} : memref<128x128xf32, #tpu.memory_space<vmem>>, vector<1x16xf32>,
        %get3A_376 = vector.shape_cast %get3A_375 : vector<1x16xf32> to vector<16xf32>
        %get3A_377 = arith.index_cast %scan3A_356 : i32 to index
        %get3A_378 = arith.constant 16 : index
        %get3A_379 = tpu.vector_load %arg13[%get3A_377, %get3A_378] {strides = array<i32>} : memref<128x128xf32, #tpu.memory_space<vmem>>, vector<1x16xf32>,
        %get3A_380 = vector.shape_cast %get3A_379 : vector<1x16xf32> to vector<16xf32>
        %add3A_381 = arith.addf %get3A_376, %get3A_380 : vector<16xf32>
        %max3A_382 = arith.constant 0.000000e+00 : f32
        %max3A_383 = vector.broadcast %max3A_382 : f32 to vector<16xf32>
        %max3A_384 = arith.maximumf %add3A_381, %max3A_383 : vector<16xf32>
        %swap3A_385 = arith.index_cast %scan3A_356 : i32 to index
        %swap3A_386 = arith.constant 16 : index
        %swap3A_387 = tpu.vector_load %arg13[%swap3A_385, %swap3A_386] {strides = array<i32>} : memref<128x128xf32, #tpu.memory_space<vmem>>, vector<1x16xf32>,
        %swap3A_388 = vector.shape_cast %swap3A_387 : vector<1x16xf32> to vector<16xf32>
        %swap3A_389 = vector.shape_cast %max3A_384 : vector<16xf32> to vector<1x16xf32>
        tpu.vector_store %arg13[%swap3A_385, %swap3A_386], %swap3A_389 {strides = array<i32>} : memref<128x128xf32, #tpu.memory_space<vmem>>, vector<1x16xf32>,
        %get3A_390 = arith.index_cast %scan3A_356 : i32 to index
        %get3A_391 = arith.constant 32 : index
        %get3A_392 = tpu.vector_load %arg11[%get3A_390, %get3A_391] {strides = array<i32>} : memref<128x128xf32, #tpu.memory_space<vmem>>, vector<1x16xf32>,
        %get3A_393 = vector.shape_cast %get3A_392 : vector<1x16xf32> to vector<16xf32>
        %get3A_394 = arith.index_cast %scan3A_356 : i32 to index
        %get3A_395 = arith.constant 32 : index
        %get3A_396 = tpu.vector_load %arg13[%get3A_394, %get3A_395] {strides = array<i32>} : memref<128x128xf32, #tpu.memory_space<vmem>>, vector<1x16xf32>,
        %get3A_397 = vector.shape_cast %get3A_396 : vector<1x16xf32> to vector<16xf32>
        %add3A_398 = arith.addf %get3A_393, %get3A_397 : vector<16xf32>
        %max3A_399 = arith.constant 0.000000e+00 : f32
        %max3A_400 = vector.broadcast %max3A_399 : f32 to vector<16xf32>
        %max3A_401 = arith.maximumf %add3A_398, %max3A_400 : vector<16xf32>
        %swap3A_402 = arith.index_cast %scan3A_356 : i32 to index
        %swap3A_403 = arith.constant 32 : index
        %swap3A_404 = tpu.vector_load %arg13[%swap3A_402, %swap3A_403] {strides = array<i32>} : memref<128x128xf32, #tpu.memory_space<vmem>>, vector<1x16xf32>,
        %swap3A_405 = vector.shape_cast %swap3A_404 : vector<1x16xf32> to vector<16xf32>
        %swap3A_406 = vector.shape_cast %max3A_401 : vector<16xf32> to vector<1x16xf32>
        tpu.vector_store %arg13[%swap3A_402, %swap3A_403], %swap3A_406 {strides = array<i32>} : memref<128x128xf32, #tpu.memory_space<vmem>>, vector<1x16xf32>,
        %get3A_407 = arith.index_cast %scan3A_356 : i32 to index
        %get3A_408 = arith.constant 48 : index
        %get3A_409 = tpu.vector_load %arg11[%get3A_407, %get3A_408] {strides = array<i32>} : memref<128x128xf32, #tpu.memory_space<vmem>>, vector<1x16xf32>,
        %get3A_410 = vector.shape_cast %get3A_409 : vector<1x16xf32> to vector<16xf32>
        %get3A_411 = arith.index_cast %scan3A_356 : i32 to index
        %get3A_412 = arith.constant 48 : index
        %get3A_413 = tpu.vector_load %arg13[%get3A_411, %get3A_412] {strides = array<i32>} : memref<128x128xf32, #tpu.memory_space<vmem>>, vector<1x16xf32>,
        %get3A_414 = vector.shape_cast %get3A_413 : vector<1x16xf32> to vector<16xf32>
        %add3A_415 = arith.addf %get3A_410, %get3A_414 : vector<16xf32>
        %max3A_416 = arith.constant 0.000000e+00 : f32
        %max3A_417 = vector.broadcast %max3A_416 : f32 to vector<16xf32>
        %max3A_418 = arith.maximumf %add3A_415, %max3A_417 : vector<16xf32>
        %swap3A_419 = arith.index_cast %scan3A_356 : i32 to index
        %swap3A_420 = arith.constant 48 : index
        %swap3A_421 = tpu.vector_load %arg13[%swap3A_419, %swap3A_420] {strides = array<i32>} : memref<128x128xf32, #tpu.memory_space<vmem>>, vector<1x16xf32>,
        %swap3A_422 = vector.shape_cast %swap3A_421 : vector<1x16xf32> to vector<16xf32>
        %swap3A_423 = vector.shape_cast %max3A_418 : vector<16xf32> to vector<1x16xf32>
        tpu.vector_store %arg13[%swap3A_419, %swap3A_420], %swap3A_423 {strides = array<i32>} : memref<128x128xf32, #tpu.memory_space<vmem>>, vector<1x16xf32>,
        %get3A_424 = arith.index_cast %scan3A_356 : i32 to index
        %get3A_425 = arith.constant 64 : index
        %get3A_426 = tpu.vector_load %arg11[%get3A_424, %get3A_425] {strides = array<i32>} : memref<128x128xf32, #tpu.memory_space<vmem>>, vector<1x16xf32>,
        %get3A_427 = vector.shape_cast %get3A_426 : vector<1x16xf32> to vector<16xf32>
        %get3A_428 = arith.index_cast %scan3A_356 : i32 to index
        %get3A_429 = arith.constant 64 : index
        %get3A_430 = tpu.vector_load %arg13[%get3A_428, %get3A_429] {strides = array<i32>} : memref<128x128xf32, #tpu.memory_space<vmem>>, vector<1x16xf32>,
        %get3A_431 = vector.shape_cast %get3A_430 : vector<1x16xf32> to vector<16xf32>
        %add3A_432 = arith.addf %get3A_427, %get3A_431 : vector<16xf32>
        %max3A_433 = arith.constant 0.000000e+00 : f32
        %max3A_434 = vector.broadcast %max3A_433 : f32 to vector<16xf32>
        %max3A_435 = arith.maximumf %add3A_432, %max3A_434 : vector<16xf32>
        %swap3A_436 = arith.index_cast %scan3A_356 : i32 to index
        %swap3A_437 = arith.constant 64 : index
        %swap3A_438 = tpu.vector_load %arg13[%swap3A_436, %swap3A_437] {strides = array<i32>} : memref<128x128xf32, #tpu.memory_space<vmem>>, vector<1x16xf32>,
        %swap3A_439 = vector.shape_cast %swap3A_438 : vector<1x16xf32> to vector<16xf32>
        %swap3A_440 = vector.shape_cast %max3A_435 : vector<16xf32> to vector<1x16xf32>
        tpu.vector_store %arg13[%swap3A_436, %swap3A_437], %swap3A_440 {strides = array<i32>} : memref<128x128xf32, #tpu.memory_space<vmem>>, vector<1x16xf32>,
        %get3A_441 = arith.index_cast %scan3A_356 : i32 to index
        %get3A_442 = arith.constant 80 : index
        %get3A_443 = tpu.vector_load %arg11[%get3A_441, %get3A_442] {strides = array<i32>} : memref<128x128xf32, #tpu.memory_space<vmem>>, vector<1x16xf32>,
        %get3A_444 = vector.shape_cast %get3A_443 : vector<1x16xf32> to vector<16xf32>
        %get3A_445 = arith.index_cast %scan3A_356 : i32 to index
        %get3A_446 = arith.constant 80 : index
        %get3A_447 = tpu.vector_load %arg13[%get3A_445, %get3A_446] {strides = array<i32>} : memref<128x128xf32, #tpu.memory_space<vmem>>, vector<1x16xf32>,
        %get3A_448 = vector.shape_cast %get3A_447 : vector<1x16xf32> to vector<16xf32>
        %add3A_449 = arith.addf %get3A_444, %get3A_448 : vector<16xf32>
        %max3A_450 = arith.constant 0.000000e+00 : f32
        %max3A_451 = vector.broadcast %max3A_450 : f32 to vector<16xf32>
        %max3A_452 = arith.maximumf %add3A_449, %max3A_451 : vector<16xf32>
        %swap3A_453 = arith.index_cast %scan3A_356 : i32 to index
        %swap3A_454 = arith.constant 80 : index
        %swap3A_455 = tpu.vector_load %arg13[%swap3A_453, %swap3A_454] {strides = array<i32>} : memref<128x128xf32, #tpu.memory_space<vmem>>, vector<1x16xf32>,
        %swap3A_456 = vector.shape_cast %swap3A_455 : vector<1x16xf32> to vector<16xf32>
        %swap3A_457 = vector.shape_cast %max3A_452 : vector<16xf32> to vector<1x16xf32>
        tpu.vector_store %arg13[%swap3A_453, %swap3A_454], %swap3A_457 {strides = array<i32>} : memref<128x128xf32, #tpu.memory_space<vmem>>, vector<1x16xf32>,
        %get3A_458 = arith.index_cast %scan3A_356 : i32 to index
        %get3A_459 = arith.constant 96 : index
        %get3A_460 = tpu.vector_load %arg11[%get3A_458, %get3A_459] {strides = array<i32>} : memref<128x128xf32, #tpu.memory_space<vmem>>, vector<1x16xf32>,
        %get3A_461 = vector.shape_cast %get3A_460 : vector<1x16xf32> to vector<16xf32>
        %get3A_462 = arith.index_cast %scan3A_356 : i32 to index
        %get3A_463 = arith.constant 96 : index
        %get3A_464 = tpu.vector_load %arg13[%get3A_462, %get3A_463] {strides = array<i32>} : memref<128x128xf32, #tpu.memory_space<vmem>>, vector<1x16xf32>,
        %get3A_465 = vector.shape_cast %get3A_464 : vector<1x16xf32> to vector<16xf32>
        %add3A_466 = arith.addf %get3A_461, %get3A_465 : vector<16xf32>
        %max3A_467 = arith.constant 0.000000e+00 : f32
        %max3A_468 = vector.broadcast %max3A_467 : f32 to vector<16xf32>
        %max3A_469 = arith.maximumf %add3A_466, %max3A_468 : vector<16xf32>
        %swap3A_470 = arith.index_cast %scan3A_356 : i32 to index
        %swap3A_471 = arith.constant 96 : index
        %swap3A_472 = tpu.vector_load %arg13[%swap3A_470, %swap3A_471] {strides = array<i32>} : memref<128x128xf32, #tpu.memory_space<vmem>>, vector<1x16xf32>,
        %swap3A_473 = vector.shape_cast %swap3A_472 : vector<1x16xf32> to vector<16xf32>
        %swap3A_474 = vector.shape_cast %max3A_469 : vector<16xf32> to vector<1x16xf32>
        tpu.vector_store %arg13[%swap3A_470, %swap3A_471], %swap3A_474 {strides = array<i32>} : memref<128x128xf32, #tpu.memory_space<vmem>>, vector<1x16xf32>,
        %get3A_475 = arith.index_cast %scan3A_356 : i32 to index
        %get3A_476 = arith.constant 112 : index
        %get3A_477 = tpu.vector_load %arg11[%get3A_475, %get3A_476] {strides = array<i32>} : memref<128x128xf32, #tpu.memory_space<vmem>>, vector<1x16xf32>,
        %get3A_478 = vector.shape_cast %get3A_477 : vector<1x16xf32> to vector<16xf32>
        %get3A_479 = arith.index_cast %scan3A_356 : i32 to index
        %get3A_480 = arith.constant 112 : index
        %get3A_481 = tpu.vector_load %arg13[%get3A_479, %get3A_480] {strides = array<i32>} : memref<128x128xf32, #tpu.memory_space<vmem>>, vector<1x16xf32>,
        %get3A_482 = vector.shape_cast %get3A_481 : vector<1x16xf32> to vector<16xf32>
        %add3A_483 = arith.addf %get3A_478, %get3A_482 : vector<16xf32>
        %max3A_484 = arith.constant 0.000000e+00 : f32
        %max3A_485 = vector.broadcast %max3A_484 : f32 to vector<16xf32>
        %max3A_486 = arith.maximumf %add3A_483, %max3A_485 : vector<16xf32>
        %swap3A_487 = arith.index_cast %scan3A_356 : i32 to index
        %swap3A_488 = arith.constant 112 : index
        %swap3A_489 = tpu.vector_load %arg13[%swap3A_487, %swap3A_488] {strides = array<i32>} : memref<128x128xf32, #tpu.memory_space<vmem>>, vector<1x16xf32>,
        %swap3A_490 = vector.shape_cast %swap3A_489 : vector<1x16xf32> to vector<16xf32>
        %swap3A_491 = vector.shape_cast %max3A_486 : vector<16xf32> to vector<1x16xf32>
        tpu.vector_store %arg13[%swap3A_487, %swap3A_488], %swap3A_491 {strides = array<i32>} : memref<128x128xf32, #tpu.memory_space<vmem>>, vector<1x16xf32>,
      }
      %scan3A_355 = arith.constant 128 : i32
    }
    %scan3A_70 = arith.constant 40 : i32
    "tpu.region"() ({
      %run_scoped3A = tpu.sem_alloc : memref<!tpu.dma_semaphore, #tpu.memory_space<semaphore_mem>>
      %dma_start3A = arith.constant 0 : i32
      %dma_start3A_92 = arith.constant 0 : i32
      %dma_start3A_93 = tpu.memref_slice %arg14[%dma_start3A, %dma_start3A_92] : memref<10112x128xf32, #tpu.memory_space<vmem_shared>> -> memref<10112x128xf32, #tpu.memory_space<vmem_shared>>
      tpu.enqueue_indirect_dma source(%arg13 : memref<128x128xf32, #tpu.memory_space<vmem>>) target(%dma_start3A_93 : memref<10112x128xf32, #tpu.memory_space<vmem_shared>>) offsets(%arg10 : memref<128xi32, #tpu.memory_space<vmem>>) semaphore(%run_scoped3A : memref<!tpu.dma_semaphore, #tpu.memory_space<semaphore_mem>>) {add = true}
      %dma_wait3A = arith.constant 0 : i32
      %dma_wait3A_94 = arith.constant 0 : i32
      %dma_wait3A_95 = tpu.memref_slice %arg14[%dma_wait3A, %dma_wait3A_94] : memref<10112x128xf32, #tpu.memory_space<vmem_shared>> -> memref<10112x128xf32, #tpu.memory_space<vmem_shared>>
      tpu.wait_indirect_dma semaphore(%run_scoped3A : memref<!tpu.dma_semaphore, #tpu.memory_space<semaphore_mem>>) src(%arg13 : memref<128x128xf32, #tpu.memory_space<vmem>>) dst(%dma_wait3A_95 : memref<10112x128xf32, #tpu.memory_space<vmem_shared>>)
      tpu.yield
    }) : () -> ()
    %barrier3A_71 = arith.constant 0 : index
    tpu.barrier barrier_id(%barrier3A_71)
    %add3A_72 = arith.constant 0 : i32
    %add3A_73 = arith.addi %mul3A_53, %add3A_72 : i32
    %add3A_74 = arith.constant 0 : i32
    %add3A_75 = arith.addi %mul3A_53, %add3A_74 : i32
    "tpu.region"() ({
      %run_scoped3A = tpu.sem_alloc : memref<!tpu.dma_semaphore, #tpu.memory_space<semaphore_mem>>
      %dma_start3A = arith.constant 0 : i32
      %dma_start3A_92 = tpu.memref_slice %arg6[%arg0, %add3A_75, %dma_start3A] : memref<2x10112x128xf32, #tpu.memory_space<hbm>> -> memref<1x128x128xf32, #tpu.memory_space<hbm>>
      %dma_start3A_93 = tpu.memref_squeeze %dma_start3A_92 : memref<1x128x128xf32, #tpu.memory_space<hbm>> -> memref<128x128xf32, #tpu.memory_space<hbm>>
      %dma_start3A_94 = arith.constant 0 : i32
      %dma_start3A_95 = tpu.memref_slice %arg14[%add3A_73, %dma_start3A_94] : memref<10112x128xf32, #tpu.memory_space<vmem_shared>> -> memref<128x128xf32, #tpu.memory_space<vmem_shared>>
      tpu.enqueue_dma source(%dma_start3A_95 : memref<128x128xf32, #tpu.memory_space<vmem_shared>>) target(%dma_start3A_93 : memref<128x128xf32, #tpu.memory_space<hbm>>) target_semaphore(%run_scoped3A : memref<!tpu.dma_semaphore, #tpu.memory_space<semaphore_mem>>)
      %dma_wait3A = arith.constant 0 : i32
      %dma_wait3A_96 = tpu.memref_slice %arg6[%arg0, %add3A_75, %dma_wait3A] : memref<2x10112x128xf32, #tpu.memory_space<hbm>> -> memref<1x128x128xf32, #tpu.memory_space<hbm>>
      %dma_wait3A_97 = tpu.memref_squeeze %dma_wait3A_96 : memref<1x128x128xf32, #tpu.memory_space<hbm>> -> memref<128x128xf32, #tpu.memory_space<hbm>>
      %dma_wait3A_98 = arith.constant 0 : i32
      %dma_wait3A_99 = tpu.memref_slice %arg14[%add3A_73, %dma_wait3A_98] : memref<10112x128xf32, #tpu.memory_space<vmem_shared>> -> memref<128x128xf32, #tpu.memory_space<vmem_shared>>
      tpu.wait_dma2 semaphore(%run_scoped3A : memref<!tpu.dma_semaphore, #tpu.memory_space<semaphore_mem>>) src(%dma_wait3A_99 : memref<128x128xf32, #tpu.memory_space<vmem_shared>>) dst(%dma_wait3A_97 : memref<128x128xf32, #tpu.memory_space<hbm>>)
      tpu.yield
    }) : () -> ()
    %add3A_76 = arith.constant 128 : i32
    %add3A_77 = arith.addi %mul3A_53, %add3A_76 : i32
    %add3A_78 = arith.constant 128 : i32
    %add3A_79 = arith.addi %mul3A_53, %add3A_78 : i32
    "tpu.region"() ({
      %run_scoped3A = tpu.sem_alloc : memref<!tpu.dma_semaphore, #tpu.memory_space<semaphore_mem>>
      %dma_start3A = arith.constant 0 : i32
      %dma_start3A_92 = tpu.memref_slice %arg6[%arg0, %add3A_79, %dma_start3A] : memref<2x10112x128xf32, #tpu.memory_space<hbm>> -> memref<1x128x128xf32, #tpu.memory_space<hbm>>
      %dma_start3A_93 = tpu.memref_squeeze %dma_start3A_92 : memref<1x128x128xf32, #tpu.memory_space<hbm>> -> memref<128x128xf32, #tpu.memory_space<hbm>>
      %dma_start3A_94 = arith.constant 0 : i32
      %dma_start3A_95 = tpu.memref_slice %arg14[%add3A_77, %dma_start3A_94] : memref<10112x128xf32, #tpu.memory_space<vmem_shared>> -> memref<128x128xf32, #tpu.memory_space<vmem_shared>>
      tpu.enqueue_dma source(%dma_start3A_95 : memref<128x128xf32, #tpu.memory_space<vmem_shared>>) target(%dma_start3A_93 : memref<128x128xf32, #tpu.memory_space<hbm>>) target_semaphore(%run_scoped3A : memref<!tpu.dma_semaphore, #tpu.memory_space<semaphore_mem>>)
      %dma_wait3A = arith.constant 0 : i32
      %dma_wait3A_96 = tpu.memref_slice %arg6[%arg0, %add3A_79, %dma_wait3A] : memref<2x10112x128xf32, #tpu.memory_space<hbm>> -> memref<1x128x128xf32, #tpu.memory_space<hbm>>
      %dma_wait3A_97 = tpu.memref_squeeze %dma_wait3A_96 : memref<1x128x128xf32, #tpu.memory_space<hbm>> -> memref<128x128xf32, #tpu.memory_space<hbm>>
      %dma_wait3A_98 = arith.constant 0 : i32
      %dma_wait3A_99 = tpu.memref_slice %arg14[%add3A_77, %dma_wait3A_98] : memref<10112x128xf32, #tpu.memory_space<vmem_shared>> -> memref<128x128xf32, #tpu.memory_space<vmem_shared>>
      tpu.wait_dma2 semaphore(%run_scoped3A : memref<!tpu.dma_semaphore, #tpu.memory_space<semaphore_mem>>) src(%dma_wait3A_99 : memref<128x128xf32, #tpu.memory_space<vmem_shared>>) dst(%dma_wait3A_97 : memref<128x128xf32, #tpu.memory_space<hbm>>)
      tpu.yield
    }) : () -> ()
    %add3A_80 = arith.constant 256 : i32
    %add3A_81 = arith.addi %mul3A_53, %add3A_80 : i32
    %add3A_82 = arith.constant 256 : i32
    %add3A_83 = arith.addi %mul3A_53, %add3A_82 : i32
    "tpu.region"() ({
      %run_scoped3A = tpu.sem_alloc : memref<!tpu.dma_semaphore, #tpu.memory_space<semaphore_mem>>
      %dma_start3A = arith.constant 0 : i32
      %dma_start3A_92 = tpu.memref_slice %arg6[%arg0, %add3A_83, %dma_start3A] : memref<2x10112x128xf32, #tpu.memory_space<hbm>> -> memref<1x128x128xf32, #tpu.memory_space<hbm>>
      %dma_start3A_93 = tpu.memref_squeeze %dma_start3A_92 : memref<1x128x128xf32, #tpu.memory_space<hbm>> -> memref<128x128xf32, #tpu.memory_space<hbm>>
      %dma_start3A_94 = arith.constant 0 : i32
      %dma_start3A_95 = tpu.memref_slice %arg14[%add3A_81, %dma_start3A_94] : memref<10112x128xf32, #tpu.memory_space<vmem_shared>> -> memref<128x128xf32, #tpu.memory_space<vmem_shared>>
      tpu.enqueue_dma source(%dma_start3A_95 : memref<128x128xf32, #tpu.memory_space<vmem_shared>>) target(%dma_start3A_93 : memref<128x128xf32, #tpu.memory_space<hbm>>) target_semaphore(%run_scoped3A : memref<!tpu.dma_semaphore, #tpu.memory_space<semaphore_mem>>)
      %dma_wait3A = arith.constant 0 : i32
      %dma_wait3A_96 = tpu.memref_slice %arg6[%arg0, %add3A_83, %dma_wait3A] : memref<2x10112x128xf32, #tpu.memory_space<hbm>> -> memref<1x128x128xf32, #tpu.memory_space<hbm>>
      %dma_wait3A_97 = tpu.memref_squeeze %dma_wait3A_96 : memref<1x128x128xf32, #tpu.memory_space<hbm>> -> memref<128x128xf32, #tpu.memory_space<hbm>>
      %dma_wait3A_98 = arith.constant 0 : i32
      %dma_wait3A_99 = tpu.memref_slice %arg14[%add3A_81, %dma_wait3A_98] : memref<10112x128xf32, #tpu.memory_space<vmem_shared>> -> memref<128x128xf32, #tpu.memory_space<vmem_shared>>
      tpu.wait_dma2 semaphore(%run_scoped3A : memref<!tpu.dma_semaphore, #tpu.memory_space<semaphore_mem>>) src(%dma_wait3A_99 : memref<128x128xf32, #tpu.memory_space<vmem_shared>>) dst(%dma_wait3A_97 : memref<128x128xf32, #tpu.memory_space<hbm>>)
      tpu.yield
    }) : () -> ()
    %add3A_84 = arith.constant 384 : i32
    %add3A_85 = arith.addi %mul3A_53, %add3A_84 : i32
    %add3A_86 = arith.constant 384 : i32
    %add3A_87 = arith.addi %mul3A_53, %add3A_86 : i32
    "tpu.region"() ({
      %run_scoped3A = tpu.sem_alloc : memref<!tpu.dma_semaphore, #tpu.memory_space<semaphore_mem>>
      %dma_start3A = arith.constant 0 : i32
      %dma_start3A_92 = tpu.memref_slice %arg6[%arg0, %add3A_87, %dma_start3A] : memref<2x10112x128xf32, #tpu.memory_space<hbm>> -> memref<1x128x128xf32, #tpu.memory_space<hbm>>
      %dma_start3A_93 = tpu.memref_squeeze %dma_start3A_92 : memref<1x128x128xf32, #tpu.memory_space<hbm>> -> memref<128x128xf32, #tpu.memory_space<hbm>>
      %dma_start3A_94 = arith.constant 0 : i32
      %dma_start3A_95 = tpu.memref_slice %arg14[%add3A_85, %dma_start3A_94] : memref<10112x128xf32, #tpu.memory_space<vmem_shared>> -> memref<128x128xf32, #tpu.memory_space<vmem_shared>>
      tpu.enqueue_dma source(%dma_start3A_95 : memref<128x128xf32, #tpu.memory_space<vmem_shared>>) target(%dma_start3A_93 : memref<128x128xf32, #tpu.memory_space<hbm>>) target_semaphore(%run_scoped3A : memref<!tpu.dma_semaphore, #tpu.memory_space<semaphore_mem>>)
      %dma_wait3A = arith.constant 0 : i32
      %dma_wait3A_96 = tpu.memref_slice %arg6[%arg0, %add3A_87, %dma_wait3A] : memref<2x10112x128xf32, #tpu.memory_space<hbm>> -> memref<1x128x128xf32, #tpu.memory_space<hbm>>
      %dma_wait3A_97 = tpu.memref_squeeze %dma_wait3A_96 : memref<1x128x128xf32, #tpu.memory_space<hbm>> -> memref<128x128xf32, #tpu.memory_space<hbm>>
      %dma_wait3A_98 = arith.constant 0 : i32
      %dma_wait3A_99 = tpu.memref_slice %arg14[%add3A_85, %dma_wait3A_98] : memref<10112x128xf32, #tpu.memory_space<vmem_shared>> -> memref<128x128xf32, #tpu.memory_space<vmem_shared>>
      tpu.wait_dma2 semaphore(%run_scoped3A : memref<!tpu.dma_semaphore, #tpu.memory_space<semaphore_mem>>) src(%dma_wait3A_99 : memref<128x128xf32, #tpu.memory_space<vmem_shared>>) dst(%dma_wait3A_97 : memref<128x128xf32, #tpu.memory_space<hbm>>)
      tpu.yield
    }) : () -> ()
    %add3A_88 = arith.constant 512 : i32
    %add3A_89 = arith.addi %mul3A_53, %add3A_88 : i32
    %add3A_90 = arith.constant 512 : i32
    %add3A_91 = arith.addi %mul3A_53, %add3A_90 : i32
    "tpu.region"() ({
      %run_scoped3A = tpu.sem_alloc : memref<!tpu.dma_semaphore, #tpu.memory_space<semaphore_mem>>
      %dma_start3A = arith.constant 0 : i32
      %dma_start3A_92 = tpu.memref_slice %arg6[%arg0, %add3A_91, %dma_start3A] : memref<2x10112x128xf32, #tpu.memory_space<hbm>> -> memref<1x120x128xf32, #tpu.memory_space<hbm>>
      %dma_start3A_93 = tpu.memref_squeeze %dma_start3A_92 : memref<1x120x128xf32, #tpu.memory_space<hbm>> -> memref<120x128xf32, #tpu.memory_space<hbm>>
      %dma_start3A_94 = arith.constant 0 : i32
      %dma_start3A_95 = tpu.memref_slice %arg14[%add3A_89, %dma_start3A_94] : memref<10112x128xf32, #tpu.memory_space<vmem_shared>> -> memref<120x128xf32, #tpu.memory_space<vmem_shared>>
      tpu.enqueue_dma source(%dma_start3A_95 : memref<120x128xf32, #tpu.memory_space<vmem_shared>>) target(%dma_start3A_93 : memref<120x128xf32, #tpu.memory_space<hbm>>) target_semaphore(%run_scoped3A : memref<!tpu.dma_semaphore, #tpu.memory_space<semaphore_mem>>)
      %dma_wait3A = arith.constant 0 : i32
      %dma_wait3A_96 = tpu.memref_slice %arg6[%arg0, %add3A_91, %dma_wait3A] : memref<2x10112x128xf32, #tpu.memory_space<hbm>> -> memref<1x120x128xf32, #tpu.memory_space<hbm>>
      %dma_wait3A_97 = tpu.memref_squeeze %dma_wait3A_96 : memref<1x120x128xf32, #tpu.memory_space<hbm>> -> memref<120x128xf32, #tpu.memory_space<hbm>>
      %dma_wait3A_98 = arith.constant 0 : i32
      %dma_wait3A_99 = tpu.memref_slice %arg14[%add3A_89, %dma_wait3A_98] : memref<10112x128xf32, #tpu.memory_space<vmem_shared>> -> memref<120x128xf32, #tpu.memory_space<vmem_shared>>
      tpu.wait_dma2 semaphore(%run_scoped3A : memref<!tpu.dma_semaphore, #tpu.memory_space<semaphore_mem>>) src(%dma_wait3A_99 : memref<120x128xf32, #tpu.memory_space<vmem_shared>>) dst(%dma_wait3A_97 : memref<120x128xf32, #tpu.memory_space<hbm>>)
      tpu.yield
    }) : () -> ()
    return
  }
}

module attributes {stable_mosaic.version = 14 : i64} {
  func.func @_node_update_body(%arg0: i32, %arg1: memref<512x256xf32, #tpu.memory_space<vmem>>, %arg2: memref<2x512x128xf32, #tpu.memory_space<vmem>>, %arg3: memref<256x256xf32, #tpu.memory_space<vmem>>, %arg4: memref<1x256xf32, #tpu.memory_space<vmem>>, %arg5: memref<1x256xf32, #tpu.memory_space<vmem>>, %arg6: memref<1x256xf32, #tpu.memory_space<vmem>>, %arg7: memref<512x256xf32, #tpu.memory_space<vmem>>) attributes {dimension_semantics = [#tpu.dimension_semantics<arbitrary>], iteration_bounds = array<i64: 20>, scalar_prefetch = 0 : i64, scratch_operands = 0 : i64, tpu.core_type = #tpu.core_type<tc>, window_params = [{transform_indices = @transform_0, window_bounds = array<i64: 512, 256>}, {transform_indices = @transform_1, window_bounds = array<i64: 2, 512, 128>}, {pipeline_mode = #tpu.pipeline_mode<synchronous>, transform_indices = @transform_2, window_bounds = array<i64: 256, 256>}, {pipeline_mode = #tpu.pipeline_mode<synchronous>, transform_indices = @transform_3, window_bounds = array<i64: 1, 256>}, {pipeline_mode = #tpu.pipeline_mode<synchronous>, transform_indices = @transform_4, window_bounds = array<i64: 1, 256>}, {pipeline_mode = #tpu.pipeline_mode<synchronous>, transform_indices = @transform_5, window_bounds = array<i64: 1, 256>}, {transform_indices = @transform_6, window_bounds = array<i64: 512, 256>}]} {
    %get3A = arith.constant 0 : index
    %get3A_0 = arith.constant 0 : index
    %get3A_1 = arith.constant 0 : index
    %get3A_2 = vector.load %arg2[%get3A, %get3A_0, %get3A_1] : memref<2x512x128xf32, #tpu.memory_space<vmem>>, vector<1x512x128xf32>
    %get3A_3 = vector.shape_cast %get3A_2 : vector<1x512x128xf32> to vector<512x128xf32>
    %get3A_4 = arith.constant 1 : index
    %get3A_5 = arith.constant 0 : index
    %get3A_6 = arith.constant 0 : index
    %get3A_7 = vector.load %arg2[%get3A_4, %get3A_5, %get3A_6] : memref<2x512x128xf32, #tpu.memory_space<vmem>>, vector<1x512x128xf32>
    %get3A_8 = vector.shape_cast %get3A_7 : vector<1x512x128xf32> to vector<512x128xf32>
    %concatenate3A = tpu.concatenate %get3A_3, %get3A_8 in 1 : vector<512x128xf32>, vector<512x128xf32> -> vector<512x256xf32>
    %get3A_9 = arith.constant 0 : index
    %get3A_10 = arith.constant 0 : index
    %get3A_11 = vector.load %arg1[%get3A_9, %get3A_10] : memref<512x256xf32, #tpu.memory_space<vmem>>, vector<512x256xf32>
    %add3A = arith.addf %get3A_11, %concatenate3A : vector<512x256xf32>
    %get3A_12 = arith.constant 0 : index
    %get3A_13 = arith.constant 0 : index
    %get3A_14 = vector.load %arg3[%get3A_12, %get3A_13] : memref<256x256xf32, #tpu.memory_space<vmem>>, vector<256x256xf32>
    %dot_general3A = arith.constant dense<0.000000e+00> : vector<512x256xf32>
    %dot_general3A_15 = tpu.matmul %add3A, %get3A_14, %dot_general3A {dimension_numbers = #tpu.dot_dimension_numbers<[1], [0], [0], [1], [0, 0, 1, 1], [], []>, transpose_lhs_hint = false} : vector<512x256xf32>, vector<256x256xf32>, vector<512x256xf32> -> vector<512x256xf32>
    %get3A_16 = arith.constant 0 : index
    %get3A_17 = arith.constant 0 : index
    %get3A_18 = vector.load %arg4[%get3A_16, %get3A_17] : memref<1x256xf32, #tpu.memory_space<vmem>>, vector<1x256xf32>
    %add3A_19 = vector.broadcast %get3A_18 : vector<1x256xf32> to vector<512x256xf32>
    %add3A_20 = arith.addf %dot_general3A_15, %add3A_19 : vector<512x256xf32>
    %reduce_sum3A = arith.constant dense<0.000000e+00> : vector<512xf32>
    %reduce_sum3A_21 = vector.multi_reduction <add>, %add3A_20, %reduce_sum3A [1] : vector<512x256xf32> to vector<512xf32>
    %broadcast_in_dim3A = vector.shape_cast %reduce_sum3A_21 : vector<512xf32> to vector<512x1xf32>
    %div3A = arith.constant 2.560000e+02 : f32
    %div3A_22 = vector.broadcast %div3A : f32 to vector<512x1xf32>
    %div3A_23 = arith.divf %broadcast_in_dim3A, %div3A_22 : vector<512x1xf32>
    %sub3A = vector.broadcast %div3A_23 : vector<512x1xf32> to vector<512x256xf32>
    %sub3A_24 = arith.subf %add3A_20, %sub3A : vector<512x256xf32>
    %integer_pow3A = arith.mulf %sub3A_24, %sub3A_24 : vector<512x256xf32>
    %reduce_sum3A_25 = arith.constant dense<0.000000e+00> : vector<512xf32>
    %reduce_sum3A_26 = vector.multi_reduction <add>, %integer_pow3A, %reduce_sum3A_25 [1] : vector<512x256xf32> to vector<512xf32>
    %broadcast_in_dim3A_27 = vector.shape_cast %reduce_sum3A_26 : vector<512xf32> to vector<512x1xf32>
    %div3A_28 = arith.constant 2.560000e+02 : f32
    %div3A_29 = vector.broadcast %div3A_28 : f32 to vector<512x1xf32>
    %div3A_30 = arith.divf %broadcast_in_dim3A_27, %div3A_29 : vector<512x1xf32>
    %sub3A_31 = vector.broadcast %div3A_23 : vector<512x1xf32> to vector<512x256xf32>
    %sub3A_32 = arith.subf %add3A_20, %sub3A_31 : vector<512x256xf32>
    %add3A_33 = arith.constant 9.99999974E-6 : f32
    %add3A_34 = vector.broadcast %add3A_33 : f32 to vector<512x1xf32>
    %add3A_35 = arith.addf %div3A_30, %add3A_34 : vector<512x1xf32>
    %rsqrt3A = math.rsqrt %add3A_35 : vector<512x1xf32>
    %mul3A = vector.broadcast %rsqrt3A : vector<512x1xf32> to vector<512x256xf32>
    %mul3A_36 = arith.mulf %sub3A_32, %mul3A : vector<512x256xf32>
    %get3A_37 = arith.constant 0 : index
    %get3A_38 = arith.constant 0 : index
    %get3A_39 = vector.load %arg5[%get3A_37, %get3A_38] : memref<1x256xf32, #tpu.memory_space<vmem>>, vector<1x256xf32>
    %mul3A_40 = vector.broadcast %get3A_39 : vector<1x256xf32> to vector<512x256xf32>
    %mul3A_41 = arith.mulf %mul3A_36, %mul3A_40 : vector<512x256xf32>
    %get3A_42 = arith.constant 0 : index
    %get3A_43 = arith.constant 0 : index
    %get3A_44 = vector.load %arg6[%get3A_42, %get3A_43] : memref<1x256xf32, #tpu.memory_space<vmem>>, vector<1x256xf32>
    %add3A_45 = vector.broadcast %get3A_44 : vector<1x256xf32> to vector<512x256xf32>
    %add3A_46 = arith.addf %mul3A_41, %add3A_45 : vector<512x256xf32>
    %max3A = arith.constant 0.000000e+00 : f32
    %max3A_47 = vector.broadcast %max3A : f32 to vector<512x256xf32>
    %max3A_48 = arith.maximumf %add3A_46, %max3A_47 : vector<512x256xf32>
    %swap3A = arith.constant 0 : index
    %swap3A_49 = arith.constant 0 : index
    %swap3A_50 = vector.load %arg7[%swap3A, %swap3A_49] : memref<512x256xf32, #tpu.memory_space<vmem>>, vector<512x256xf32>
    tpu.vector_store %arg7[%swap3A, %swap3A_49], %max3A_48 {strides = array<i32>} : memref<512x256xf32, #tpu.memory_space<vmem>>, vector<512x256xf32>,
    return
  }
  func.func @transform_0(%arg0: i32) -> (i32, i32) {
    %c0_i32 = arith.constant 0 : i32
    %c0_i32_0 = arith.constant 0 : i32
    return %arg0, %c0_i32 : i32, i32
  }
  func.func @transform_1(%arg0: i32) -> (i32, i32, i32) {
    %c0_i32 = arith.constant 0 : i32
    %c0_i32_0 = arith.constant 0 : i32
    %c0_i32_1 = arith.constant 0 : i32
    return %c0_i32, %arg0, %c0_i32_0 : i32, i32, i32
  }
  func.func @transform_2(%arg0: i32) -> (i32, i32) {
    %c0_i32 = arith.constant 0 : i32
    %c0_i32_0 = arith.constant 0 : i32
    %c0_i32_1 = arith.constant 0 : i32
    return %c0_i32, %c0_i32_0 : i32, i32
  }
  func.func @transform_3(%arg0: i32) -> (i32, i32) {
    %c0_i32 = arith.constant 0 : i32
    %c0_i32_0 = arith.constant 0 : i32
    %c0_i32_1 = arith.constant 0 : i32
    return %c0_i32, %c0_i32_0 : i32, i32
  }
  func.func @transform_4(%arg0: i32) -> (i32, i32) {
    %c0_i32 = arith.constant 0 : i32
    %c0_i32_0 = arith.constant 0 : i32
    %c0_i32_1 = arith.constant 0 : i32
    return %c0_i32, %c0_i32_0 : i32, i32
  }
  func.func @transform_5(%arg0: i32) -> (i32, i32) {
    %c0_i32 = arith.constant 0 : i32
    %c0_i32_0 = arith.constant 0 : i32
    %c0_i32_1 = arith.constant 0 : i32
    return %c0_i32, %c0_i32_0 : i32, i32
  }
  func.func @transform_6(%arg0: i32) -> (i32, i32) {
    %c0_i32 = arith.constant 0 : i32
    %c0_i32_0 = arith.constant 0 : i32
    return %arg0, %c0_i32 : i32, i32
  }
}

module attributes {stable_mosaic.version = 14 : i64} {
  func.func @_head_body(%arg0: i32, %arg1: memref<512x256xf32, #tpu.memory_space<vmem>>, %arg2: memref<256x256xf32, #tpu.memory_space<vmem>>, %arg3: memref<1x256xf32, #tpu.memory_space<vmem>>, %arg4: memref<256x1xf32, #tpu.memory_space<vmem>>, %arg5: memref<1x1xf32, #tpu.memory_space<vmem>>, %arg6: memref<512x1xf32, #tpu.memory_space<vmem>>) attributes {dimension_semantics = [#tpu.dimension_semantics<arbitrary>], iteration_bounds = array<i64: 20>, scalar_prefetch = 0 : i64, scratch_operands = 0 : i64, tpu.core_type = #tpu.core_type<tc>, window_params = [{transform_indices = @transform_0, window_bounds = array<i64: 512, 256>}, {pipeline_mode = #tpu.pipeline_mode<synchronous>, transform_indices = @transform_1, window_bounds = array<i64: 256, 256>}, {pipeline_mode = #tpu.pipeline_mode<synchronous>, transform_indices = @transform_2, window_bounds = array<i64: 1, 256>}, {pipeline_mode = #tpu.pipeline_mode<synchronous>, transform_indices = @transform_3, window_bounds = array<i64: 256, 1>}, {pipeline_mode = #tpu.pipeline_mode<synchronous>, transform_indices = @transform_4, window_bounds = array<i64: 1, 1>}, {transform_indices = @transform_5, window_bounds = array<i64: 512, 1>}]} {
    %get3A = arith.constant 0 : index
    %get3A_0 = arith.constant 0 : index
    %get3A_1 = vector.load %arg1[%get3A, %get3A_0] : memref<512x256xf32, #tpu.memory_space<vmem>>, vector<512x256xf32>
    %get3A_2 = arith.constant 0 : index
    %get3A_3 = arith.constant 0 : index
    %get3A_4 = vector.load %arg2[%get3A_2, %get3A_3] : memref<256x256xf32, #tpu.memory_space<vmem>>, vector<256x256xf32>
    %dot_general3A = arith.constant dense<0.000000e+00> : vector<512x256xf32>
    %dot_general3A_5 = tpu.matmul %get3A_1, %get3A_4, %dot_general3A {dimension_numbers = #tpu.dot_dimension_numbers<[1], [0], [0], [1], [0, 0, 1, 1], [], []>, transpose_lhs_hint = false} : vector<512x256xf32>, vector<256x256xf32>, vector<512x256xf32> -> vector<512x256xf32>
    %get3A_6 = arith.constant 0 : index
    %get3A_7 = arith.constant 0 : index
    %get3A_8 = vector.load %arg3[%get3A_6, %get3A_7] : memref<1x256xf32, #tpu.memory_space<vmem>>, vector<1x256xf32>
    %add3A = vector.broadcast %get3A_8 : vector<1x256xf32> to vector<512x256xf32>
    %add3A_9 = arith.addf %dot_general3A_5, %add3A : vector<512x256xf32>
    %max3A = arith.constant 0.000000e+00 : f32
    %max3A_10 = vector.broadcast %max3A : f32 to vector<512x256xf32>
    %max3A_11 = arith.maximumf %add3A_9, %max3A_10 : vector<512x256xf32>
    %get3A_12 = arith.constant 0 : index
    %get3A_13 = arith.constant 0 : index
    %get3A_14 = vector.load %arg4[%get3A_12, %get3A_13] : memref<256x1xf32, #tpu.memory_space<vmem>>, vector<256x1xf32>
    %dot_general3A_15 = arith.constant dense<0.000000e+00> : vector<512x1xf32>
    %dot_general3A_16 = tpu.matmul %max3A_11, %get3A_14, %dot_general3A_15 {dimension_numbers = #tpu.dot_dimension_numbers<[1], [0], [0], [1], [0, 0, 1, 1], [], []>, transpose_lhs_hint = false} : vector<512x256xf32>, vector<256x1xf32>, vector<512x1xf32> -> vector<512x1xf32>
    %get3A_17 = arith.constant 0 : index
    %get3A_18 = arith.constant 0 : index
    %get3A_19 = vector.load %arg5[%get3A_17, %get3A_18] : memref<1x1xf32, #tpu.memory_space<vmem>>, vector<1x1xf32>
    %add3A_20 = vector.broadcast %get3A_19 : vector<1x1xf32> to vector<512x1xf32>
    %add3A_21 = arith.addf %dot_general3A_16, %add3A_20 : vector<512x1xf32>
    %swap3A = arith.constant 0 : index
    %swap3A_22 = arith.constant 0 : index
    %swap3A_23 = vector.load %arg6[%swap3A, %swap3A_22] : memref<512x1xf32, #tpu.memory_space<vmem>>, vector<512x1xf32>
    tpu.vector_store %arg6[%swap3A, %swap3A_22], %add3A_21 {strides = array<i32>} : memref<512x1xf32, #tpu.memory_space<vmem>>, vector<512x1xf32>,
    return
  }
  func.func @transform_0(%arg0: i32) -> (i32, i32) {
    %c0_i32 = arith.constant 0 : i32
    %c0_i32_0 = arith.constant 0 : i32
    return %arg0, %c0_i32 : i32, i32
  }
  func.func @transform_1(%arg0: i32) -> (i32, i32) {
    %c0_i32 = arith.constant 0 : i32
    %c0_i32_0 = arith.constant 0 : i32
    %c0_i32_1 = arith.constant 0 : i32
    return %c0_i32, %c0_i32_0 : i32, i32
  }
  func.func @transform_2(%arg0: i32) -> (i32, i32) {
    %c0_i32 = arith.constant 0 : i32
    %c0_i32_0 = arith.constant 0 : i32
    %c0_i32_1 = arith.constant 0 : i32
    return %c0_i32, %c0_i32_0 : i32, i32
  }
  func.func @transform_3(%arg0: i32) -> (i32, i32) {
    %c0_i32 = arith.constant 0 : i32
    %c0_i32_0 = arith.constant 0 : i32
    %c0_i32_1 = arith.constant 0 : i32
    return %c0_i32, %c0_i32_0 : i32, i32
  }
  func.func @transform_4(%arg0: i32) -> (i32, i32) {
    %c0_i32 = arith.constant 0 : i32
    %c0_i32_0 = arith.constant 0 : i32
    %c0_i32_1 = arith.constant 0 : i32
    return %c0_i32, %c0_i32_0 : i32, i32
  }
  func.func @transform_5(%arg0: i32) -> (i32, i32) {
    %c0_i32 = arith.constant 0 : i32
    %c0_i32_0 = arith.constant 0 : i32
    return %arg0, %c0_i32 : i32, i32
  }
}

</mosaic_0001>

<sc_bundles>
// kernel: kernel.10.cloned.1.call-start
scs
__scs_entry_jumppad:
0x0: {  	(pc) =	sbr.rel $0x88, $3  }
0x1: {  	(tag) =	ssettag $0x0;
	lr =	simm.s32 $0x1  }
0x2: {  	[smem:$0x3F88] =	sst lr;
	_ =	strace $0xD0000000  }
0x3: {  	_ = 	snop  }
0x4: {  	_ = 	snop  }
0x5: {  	_ = 	snop  }
0x6: {  	_ = 	snop  }
0x7: {  	_ = 	snop  }
__scs_overlays_trampoline_lowered:
0x8: {  	[smem:$0x3F97] =	sst s0  }
0x9: {  	[smem:$0x3F98] =	sst s1  }
0xa: {  	[smem:$0x3F99] =	sst s2  }
0xb: {  	[smem:$0x3F9A] =	sst s3  }
0xc: {  	[smem:$0x3F9B] =	sst s4  }
0xd: {  	[smem:$0x3F9C] =	sst s5  }
0xe: {  	[smem:$0x3F9D] =	sst s6  }
0xf: {  	[smem:$0x3F9E] =	sst s7  }
0x10: {  	[smem:$0x3F9F] =	sst s8  }
0x11: {  	[smem:$0x3FA0] =	sst s9;
	s0 =	simm.s32 @!p0 $0x0  }
0x12: {  	s1 =	sld [smem:$0x3F86];
	s0 =	simm.s32 @p0 $0x1  }
0x13: {  	[smem:$0x3FA1] =	sst s0;
	s0 =	simm.s32 @!p1 $0x0  }
0x14: {  	s2 =	sld [smem:$0x3F85];
	s0 =	simm.s32 @p1 $0x1  }
0x15: {  	[smem:$0x3FA2] =	sst s0;
	s0 =	simm.s32 @!p2 $0x0  }
0x16: {  	s3 =	sld [smem:$0x3FDB];
	s0 =	simm.s32 @p2 $0x1  }
0x17: {  	s4 =	simm.s32 $0x1BF5;
	[smem:$0x3FA4] =	sst s0  }
0x18: {  	s0 =	sld [smem:$0x3F87];
	_ =	swait.ge [sflag:s4], $0x0  }
0x19: {  	s7 =	sld [smem:$0x3F88]  }
0x1a: {  	s8 =	sadd.s32 $0xFFFFE003, lr  }
0x1b: {  	s9 =	sadd.s32 $0xFFFFFEF7, lr;
	s5 =	simm.s32 $0xFFFFFFFF;
	p2 =	slt.u32 s8, $0xFFFFF086  }
0x1c: {  	p1 =	slt.u32 s9, $0xF7A;
	s5 =	simm.s32 @!p2 $0x0  }
0x1d: {  	s5 =	simm.s32 @p1 $0x1;
	p0 =	seq.s32 s7, s2  }
0x1e: {  	s7 =	smul.u32 @!p0 $0xF7A, s2;
	p2 =	seq.s32 @!p0 s5, $0x0  }
0x1f: {  	s9 =	smul.u32 $0xF7A, s1;
	s8 =	simm.s32 @!p0 $0x1BF5;
	p2 =	por !p2, p0  }
0x20: {  	[sflag:s8] =	ssyncset.s32 @!p0 $0xFFFFF086;
	s6 =	sadd.s32 @!p0 s3, s7;
	s7 =	simm.s32 @!p0 $0x108  }
0x21: {  	s3 =	sadd.s32 s3, s9;
	s6 =	sadd.s32 @!p0 $0x88, s6;
	s7 =	simm.s32 @p2 $0x1082  }
0x22: {  	[simem:s7], [sflag:s8] =	dma.local @!p0 [hbm:s6], $0xF7A  }
0x23: {  	s9 =	sor.u32 $0xD0000000, s2;
	s6 =	simm.s32 $0x108;
	_ =	swait.ge @!p0 [sflag:s8], $0x0  }
0x24: {  	s3 =	sadd.s32 $0x88, s3;
	s6 =	simm.s32 @!p1 $0x1082;
	[sflag:s4] =	ssyncset.s32 $0xFFFFF086  }
0x25: {  	[simem:s6], [sflag:s4] =	dma.local [hbm:s3], $0xF7A  }
0x26: {  	[smem:$0x3F88] =	sst s1;
	(tag) =	ssettag s2;
	_ =	strace s9  }
0x27: {  	s1 =	sld [smem:$0x3F98]  }
0x28: {  	s2 =	sld [smem:$0x3F99]  }
0x29: {  	s4 =	sld [smem:$0x3F9B]  }
0x2a: {  	p0 =	seq.s32 s5, $0x0;
	s5 =	sld [smem:$0x3F9C]  }
0x2b: {  	s6 =	sld [smem:$0x3F9D]  }
0x2c: {  	s7 =	sld [smem:$0x3F9E]  }
0x2d: {  	s3 =	simm.s32 $0x108;
	s8 =	sld [smem:$0x3F9F]  }
0x2e: {  	s3 =	simm.s32 @!p0 $0x1082;
	s9 =	sld [smem:$0x3FA0]  }
0x2f: {  	lr =	sadd.s32 s0, s3;
	s0 =	sld [smem:$0x3F97]  }
0x30: {  	s3 =	sld [smem:$0x3F9A]  }
0x31: {  	[smem:$0x3FA3] =	sst s10  }
0x32: {  	s10 =	sld [smem:$0x3FA1];
	_ =	sdelay $0x3  }
0x33: {  	p0 =	seq.s32 s10, $0x1;
	s10 =	sld [smem:$0x3FA3];
	_ =	sdelay $0x3  }
0x34: {  	[smem:$0x3FA3] =	sst s10  }
0x35: {  	s10 =	sld [smem:$0x3FA2];
	_ =	sdelay $0x3  }
0x36: {  	p1 =	seq.s32 s10, $0x1;
	s10 =	sld [smem:$0x3FA3];
	_ =	sdelay $0x3  }
0x37: {  	[smem:$0x3FA3] =	sst s10  }
0x38: {  	s10 =	sld [smem:$0x3FA4]  }
0x39: {  	_ = 	snop;
	(pc) =	sbr.ind lr, $3  }
0x3a: {  	_ = 	snop  }
0x3b: {  	_ = 	snop  }
0x3c: {  	p2 =	seq.s32 s10, $0x1;
	s10 =	sld [smem:$0x3FA3]  }
0x3d: {  	_ =	shalt  }
0x3e: {  	_ =	shalt  }
0x3f: {  	_ =	shalt  }
0x40: {  	_ =	shalt  }
0x41: {  	_ =	shalt  }
0x42: {  	_ =	shalt  }
0x43: {  	_ =	shalt  }
0x44: {  	_ =	shalt  }
0x45: {  	_ =	shalt  }
0x46: {  	_ =	shalt  }
0x47: {  	_ =	shalt  }
0x48: {  	_ =	shalt  }
0x49: {  	_ =	shalt  }
0x4a: {  	_ =	shalt  }
0x4b: {  	_ =	shalt  }
0x4c: {  	_ =	shalt  }
0x4d: {  	_ =	shalt  }
0x4e: {  	_ =	shalt  }
0x4f: {  	_ =	shalt  }
0x50: {  	_ =	shalt  }
0x51: {  	_ =	shalt  }
0x52: {  	_ =	shalt  }
0x53: {  	_ =	shalt  }
0x54: {  	_ =	shalt  }
0x55: {  	_ =	shalt  }
0x56: {  	_ =	shalt  }
0x57: {  	_ =	shalt  }
0x58: {  	_ =	shalt  }
0x59: {  	_ =	shalt  }
0x5a: {  	_ =	shalt  }
0x5b: {  	_ =	shalt  }
0x5c: {  	_ =	shalt  }
0x5d: {  	_ =	shalt  }
0x5e: {  	_ =	shalt  }
0x5f: {  	_ =	shalt  }
0x60: {  	_ =	shalt  }
0x61: {  	_ =	shalt  }
0x62: {  	_ =	shalt  }
0x63: {  	_ =	shalt  }
0x64: {  	_ =	shalt  }
0x65: {  	_ =	shalt  }
0x66: {  	_ =	shalt  }
0x67: {  	_ =	shalt  }
0x68: {  	_ =	shalt  }
0x69: {  	_ =	shalt  }
0x6a: {  	_ =	shalt  }
0x6b: {  	_ =	shalt  }
0x6c: {  	_ =	shalt  }
0x6d: {  	_ =	shalt  }
0x6e: {  	_ =	shalt  }
0x6f: {  	_ =	shalt  }
0x70: {  	_ =	shalt  }
0x71: {  	_ =	shalt  }
0x72: {  	_ =	shalt  }
0x73: {  	_ =	shalt  }
0x74: {  	_ =	shalt  }
0x75: {  	_ =	shalt  }
0x76: {  	_ =	shalt  }
0x77: {  	_ =	shalt  }
0x78: {  	_ =	shalt  }
0x79: {  	_ =	shalt  }
0x7a: {  	_ =	shalt  }
0x7b: {  	_ =	shalt  }
0x7c: {  	_ =	shalt  }
0x7d: {  	_ =	shalt  }
0x7e: {  	_ =	shalt  }
0x7f: {  	_ =	shalt  }
0x80: {  	_ =	shalt  }
0x81: {  	_ =	shalt  }
0x82: {  	_ =	shalt  }
0x83: {  	_ =	shalt  }
0x84: {  	_ =	shalt  }
0x85: {  	_ =	shalt  }
0x86: {  	_ =	shalt  }
0x87: {  	_ =	shalt  }
.Lfunc_end0:
.L_simem_size_0:
called_computation.1_lowered:
.L_overlay_start_0:
0x88: {  	s2 =	sld [smem:$0x3FD9]  }
0x89: {  	s3 =	sld [smem:$0x3FFE];
	_ =	sdelay $0x1  }
0x8a: {  	s1 =	srdreg.scid  }
0x8b: {  	s0 =	sand.u32 $0x1, s1  }
0x8c: {  	s16 =	sshll.u32 s0, $0xA;
	s2 =	sadd.s32 s3, s2  }
0x8d: {  	s2 =	sadd.s32 s2, s16  }
0x8e: {  	[smem:$0x3FAF] =	sst s2  }
0x8f: {  	_ = 	snop  }
0x90: {  	(tm) =	ssettm $0x1  }
0x91: {  	s17 =	sld [smem:$0x3FFB];
	_ =	sdelay $0x3  }
0x92: {  	_ =	strace s17  }
0x93: {  	s2 =	sld [smem:$0x3FFC];
	_ =	sdelay $0x3  }
0x94: {  	_ =	strace s2  }
0x95: {  	s2 =	sld [smem:$0x3FFD];
	_ =	sdelay $0x3  }
0x96: {  	_ =	strace s2  }
0x97: {  	_ =	strace $0x8FFFFFFF  }
0x98: {  	s18 =	sld [smem:$0x3FDB];
	_ =	sdelay $0x1  }
0x99: {  	s19 =	simm.s32 $_scs_section_size  }
0x9a: {  	s4 =	simm.s32 $_size__tile_overlayer_lowered;
	s5 =	simm.s32 $_tile_overlayer_lowered  }
0x9b: {  	s22 =	simm.s32 $0x1BFF;
	s21 =	sshll.u32 s5, $0x1;
	s2 =	sadd.s32 s19, s18  }
0x9c: {  	s6 =	simm.s32 $0x0;
	s20 =	sshll.u32 s4, $0x1;
	s4 =	sadd.s32 s21, s2  }
0x9d: {  	[timem:s6], [sflag:s22] =	dma.local [hbm:s4], s20  }
0x9e: {  	_ =	swait.ge [sflag:s22], s20  }
0x9f: {  	s3 =	ssub.s32 $0x0, s20;
	[sflag:s22] =	ssyncset.done $0x0  }
0xa0: {  	[sflag:s22] =	ssyncadd.s32 s3;
	_ =	sdelay $0x1  }
0xa1: {  	s23 =	simm.s32 $0x1B8B  }
0xa2: {  	_ =	swait.ge [sflag:s23], $0x1  }
0xa3: {  	[sflag:s23] =	ssyncset.done $0x0  }
0xa4: {  	s25 =	simm.s32 $0x1B8E;
	s24 =	sld [smem:$0x3FFE];
	[sflag:s23] =	ssyncadd.s32 $0xFFFFFFFF  }
0xa5: {  	s26 =	simm.s32 $execute0_lowered;
	[smem:$0x3FD2] =	sst s25  }
0xa6: {  	s4 =	sshll.u32 s26, $0x1;
	_ =	strace $0x80000049;
	[dreg:$0x1] =	wrdreg $0xFFFFFFFF  }
0xa7: {  	s28 =	simm.s32 $_size_execute0_lowered;
	s2 =	sadd.s32 s2, s4;
	[dreg:$0x0] =	wrdreg $0x0  }
0xa8: {  	s4 =	sshll.u32 s28, $0x1;
	[dreg:$0x2] =	wrdreg s2  }
0xa9: {  	[dreg:$0x3] =	wrdreg s4  }
0xaa: {  	[dreg:$0x4] =	wrdreg $0xC0  }
0xab: {  	_ =	task [dreg:s6], $0x5FFFF  }
0xac: {  	[dreg:$0x1] =	wrdreg $0xFFFFFFFF  }
0xad: {  	[dreg:$0x0] =	wrdreg $0x60  }
0xae: {  	[dreg:$0x2] =	wrdreg s24  }
0xaf: {  	[dreg:$0x3] =	wrdreg $0xC2000  }
0xb0: {  	[dreg:$0x4] =	wrdreg $0x9  }
0xb1: {  	_ =	task.clear_ibuf [dreg:s6], $0x5FFFF;
	_ =	strace $0x90000049  }
0xb2: {  	s29 =	simm.s32 $0x9;
	_ =	strace $0x8000004B  }
0xb3: {  	_ =	swait.ge [sflag:s29], $0x1  }
0xb4: {  	[sflag:s29] =	ssyncadd.s32 $0xFFFFFFFF  }
0xb5: {  	_ =	strace $0x9000004B  }
0xb6: {  	_ =	sfence  }
0xb7: {  	s30 =	sld [smem:$0x0];
	_ =	sdelay $0x2  }
0xb8: {  	s31 =	sshll.u32 s1, $0xD;
	s1 =	sshrl.u32 s1, $0x2  }
0xb9: {  	s3 =	sand.u32 $0x4000, s31;
	s1 =	sadd.s32 s1, s30  }
0xba: {  	s0 =	sor.u32 s3, s0;
	s1 =	sshll.u32 s1, $0x11  }
0xbb: {  	s0 =	sor.u32 s1, s0  }
0xbc: {  	s0 =	sadd.s32 $0x8F2B, s0  }
0xbd: {  	[sflag:s0] =	ssyncadd.remote.s32 $0x1  }
0xbe: {  	_ =	sfence.sel $0xFFFF  }
0xbf: {  	[dreg:$0x0] =	wrdreg $0xFFFFFFFF;
	(pc) =	sbr.abs _section_cstart, $3  }
0xc0: {  	[dreg:$0x1] =	wrdreg $0xFFFFFFFF  }
0xc1: {  	_ =	task.clear_ibuf [dreg:s6], $0x2FFFF;
	_ =	strace $0x9FFFFFFF  }
0xc2: {  	(tm) =	ssettm $0x7FFFFFFF  }
0xc3: {  	_ =	shalt  }
tec
execute0_lowered:
.L_overlay_start_1:
0x0: {  	(tag) =	ssettag $0x1  }
0x1: {  	s0 =	rddreg [dreg:$0x0]  }
0x2: {  	s1 =	rddreg [dreg:$0x1];
	s2 =	simm.s32 $0x0  }
0x3: {  	s3 =	srdreg.scid;
	s13 =	stileid.u32;
	s22 =	simm.s32 $0x3  }
0x4: {  	s23 =	simm.s32 $0x100;
	s24 =	simm.s32 $0x80;
	s28 =	simm.s32 $0x8200  }
0x5: {  	s29 =	simm.s32 $0x1;
	s30 =	simm.s32 $0x2;
	s31 =	simm.s32 $0x0  }
0x6: {  	[smem:$0x7FF] =	sst s2;
	s4 =	sadd.s32 $0x5B000, s0;
	s5 =	sadd.s32 $0x5AA000, s0  }
0x7: {  	s3 =	sand.u32 $0x1, s3;
	s8 =	smul.u32 $0x4F000, s13;
	s6 =	sadd.s32 $0x51000, s0  }
0x8: {  	s14 =	smul.u32 $0x13C00, s13;
	s7 =	sadd.s32 $0x56000, s0;
	s0 =	sadd.s32 $0xA9200, s0  }
0x9: {  	s13 =	smul.u32 $0x2800, s13;
	_ =	strace $0x8000004A;
	s9 =	ssub.s32 $0x2, s3  }
0xa: {  	s20 =	smul.u32 $0x13C000, s3;
	s10 =	sshrl.u32 s9, $0x1;
	s8 =	sshrl.u32 s8, $0x2  }
0xb: {  	s16 =	sadd.s32 $0x4000, s14;
	s17 =	sadd.s32 $0x8000, s14;
	s18 =	sadd.s32 $0xC000, s14  }
0xc: {  	s19 =	sadd.s32 $0x10000, s14;
	s15 =	ssub.s32 s9, s10;
	s8 =	sadd.s32 s8, s1  }
0xd: {  	s9 =	sadd.s32 s16, s1;
	s10 =	sadd.s32 s17, s1;
	s11 =	sadd.s32 s18, s1  }
0xe: {  	s12 =	sadd.s32 s19, s1;
	s21 =	sadd.s32 s14, s20;
	s16 =	sadd.s32 s20, s16  }
0xf: {  	s14 =	smul.u32 $0x1400000, s3;
	s25 =	sadd.s32 s20, s17;
	s18 =	sadd.s32 s20, s18  }
0x10: {  	s19 =	sadd.s32 s20, s19;
	s21 =	sshrl.u32 s21, $0x3;
	s16 =	sshrl.u32 s16, $0x3  }
0x11: {  	s26 =	sshrl.u32 s18, $0x3;
	s19 =	sshrl.u32 s19, $0x3;
	s20 =	smax.u32 s15, $0x1  }
0x12: {  	s21 =	sadd.s32 s0, s21;
	s16 =	sadd.s32 s0, s16;
	s18 =	sadd.s32 s0, s26  }
0x13: {  	s19 =	sadd.s32 s0, s19;
	[dreg:$0x4] =	wrdreg s16;
	s16 =	sshrl.u32 s25, $0x3  }
0x14: {  	s26 =	simm.s32 $0x180;
	[dreg:$0x3] =	wrdreg s21;
	s16 =	sadd.s32 s0, s16  }
0x15: {  	v1 =	vimm.f32 $0.0e+00;
	v2 =	vimm.s32 $0x2710;
	v0 =	vmov s3;
	s21 =	simm.s32 $0x200;
	s25 =	simm.s32 $0x4200;
	[dreg:$0x5] =	wrdreg s16  }
.LBB2_1:
0x16: {  	s0 =	simm.s32 $0x0;
	s3 =	simm.s32 $0x200  }
.LBB2_2:
0x17: {  	p0 =	sne.s32 s3, $0xFE00;
	[tilespmem:s0+$0x8270] =	vst v1  }
0x18: {  	[tilespmem:s0+$0x200] =	vst v1  }
0x19: {  	[tilespmem:s0+$0x8200] =	vst v1  }
0x1a: {  	[tilespmem:s0+$0x210] =	vst v1  }
0x1b: {  	[tilespmem:s0+$0x8210] =	vst v1  }
0x1c: {  	[tilespmem:s0+$0x220] =	vst v1  }
0x1d: {  	[tilespmem:s0+$0x8220] =	vst v1  }
0x1e: {  	[tilespmem:s0+$0x230] =	vst v1  }
0x1f: {  	[tilespmem:s0+$0x8230] =	vst v1  }
0x20: {  	[tilespmem:s0+$0x240] =	vst v1  }
0x21: {  	[tilespmem:s0+$0x8240] =	vst v1  }
.Ltmp0:
0x22: {  	[tilespmem:s0+$0x250] =	vst v1;
	(pc) =	sbr.rel @p0 .LBB2_2-.Ltmp0, $4  }
0x23: {  	[tilespmem:s0+$0x8250] =	vst v1  }
0x24: {  	[tilespmem:s0+$0x260] =	vst v1  }
0x25: {  	[tilespmem:s0+$0x8260] =	vst v1  }
0x26: {  	[tilespmem:s0+$0x270] =	vst v1;
	s0 =	sshra.s32 s3, $0x2;
	s3 =	sadd.s32 $0x200, s3  }
0x27: {  	[tilespmem:s0+$0x8270] =	vst v1  }
0x28: {  	[tilespmem:s0+$0x200] =	vst v1  }
0x29: {  	[tilespmem:s0+$0x8200] =	vst v1  }
0x2a: {  	[tilespmem:s0+$0x210] =	vst v1  }
0x2b: {  	[tilespmem:s0+$0x8210] =	vst v1  }
0x2c: {  	[tilespmem:s0+$0x220] =	vst v1  }
0x2d: {  	[tilespmem:s0+$0x8220] =	vst v1  }
0x2e: {  	[tilespmem:s0+$0x230] =	vst v1  }
0x2f: {  	[tilespmem:s0+$0x8230] =	vst v1  }
0x30: {  	[tilespmem:s0+$0x240] =	vst v1  }
0x31: {  	[tilespmem:s0+$0x8240] =	vst v1  }
0x32: {  	[tilespmem:s0+$0x250] =	vst v1  }
0x33: {  	[tilespmem:s0+$0x8250] =	vst v1  }
0x34: {  	[tilespmem:s0+$0x260] =	vst v1  }
0x35: {  	[tilespmem:s0+$0x8260] =	vst v1  }
0x36: {  	[tilespmem:s0+$0x270] =	vst v1  }
0x37: {  	[tilespmem:$0x180] =	vst v2  }
0x38: {  	[tilespmem:$0x190] =	vst v2  }
0x39: {  	[tilespmem:$0x1A0] =	vst v2  }
0x3a: {  	[tilespmem:$0x1B0] =	vst v2  }
0x3b: {  	[tilespmem:$0x1C0] =	vst v2  }
0x3c: {  	[tilespmem:$0x1D0] =	vst v2  }
0x3d: {  	[tilespmem:$0x1E0] =	vst v2  }
0x3e: {  	[tilespmem:$0x1F0] =	vst v2  }
0x3f: {  	[spmem:s8] =	stream.linear.scatter [tilespmem:s21], [sflag:$0x3], $0x4000, $0x38;
	[tilespmem:$0x1FE00] =	vst v63  }
0x40: {  	_ =	swait.ge [sflag:s22], $0x4000  }
0x41: {  	[sflag:s22] =	ssyncset.done $0x0  }
0x42: {  	[sflag:s22] =	ssyncadd.s32 $0xFFFFC000  }
0x43: {  	[spmem:s9] =	stream.linear.scatter [tilespmem:s21], [sflag:$0x3], $0x4000, $0x38;
	[tilespmem:$0x1FE00] =	vst v63  }
0x44: {  	_ =	swait.ge [sflag:s22], $0x4000  }
0x45: {  	[sflag:s22] =	ssyncset.done $0x0  }
0x46: {  	[sflag:s22] =	ssyncadd.s32 $0xFFFFC000  }
0x47: {  	[spmem:s10] =	stream.linear.scatter [tilespmem:s21], [sflag:$0x3], $0x4000, $0x38;
	[tilespmem:$0x1FE00] =	vst v63  }
0x48: {  	_ =	swait.ge [sflag:s22], $0x4000  }
0x49: {  	[sflag:s22] =	ssyncset.done $0x0  }
0x4a: {  	[sflag:s22] =	ssyncadd.s32 $0xFFFFC000  }
0x4b: {  	[spmem:s11] =	stream.linear.scatter [tilespmem:s21], [sflag:$0x3], $0x4000, $0x38;
	[tilespmem:$0x1FE00] =	vst v63  }
0x4c: {  	_ =	swait.ge [sflag:s22], $0x4000  }
0x4d: {  	[sflag:s22] =	ssyncset.done $0x0  }
0x4e: {  	[sflag:s22] =	ssyncadd.s32 $0xFFFFC000  }
0x4f: {  	[spmem:s12] =	stream.linear.scatter [tilespmem:s21], [sflag:$0x3], $0x3C00, $0x38;
	[tilespmem:$0x1FE00] =	vst v63  }
0x50: {  	_ =	swait.ge [sflag:s22], $0x3C00  }
0x51: {  	[sflag:s22] =	ssyncset.done $0x0  }
0x52: {  	[sflag:s22] =	ssyncadd.s32 $0xFFFFC400  }
0x53: {  	s0 =	simm.s32 $0x0;
	[bflag:$0x0] =	sbarrier.arrive $0xFFFF  }
.LBB2_4:
0x54: {  	s3 =	sshll.u32 s0, $0x8  }
0x55: {  	s15 =	sadd.s32 s13, s3  }
0x56: {  	s16 =	sshrl.u32 s15, $0x3  }
0x57: {  	s17 =	sadd.s32 s6, s16  }
0x58: {  	[tilespmem:s31], [sflag:$0x3] =	stream.linear.gather [hbm4b:s17+s31], $0x80, $0x38;
	[tilespmem:$0x1FE00] =	vst v63  }
0x59: {  	_ =	swait.ge [sflag:s22], $0x80  }
0x5a: {  	[sflag:s22] =	ssyncset.done $0x0  }
0x5b: {  	s16 =	sadd.s32 s7, s16;
	[sflag:s22] =	ssyncadd.s32 $0xFFFFFF80  }
0x5c: {  	[tilespmem:s23], [sflag:$0x3] =	stream.linear.gather [hbm4b:s16+s31], $0x80, $0x38;
	[tilespmem:$0x1FE00] =	vst v63  }
0x5d: {  	_ =	swait.ge [sflag:s22], $0x80  }
0x5e: {  	[sflag:s22] =	ssyncset.done $0x0  }
0x5f: {  	[sflag:s22] =	ssyncadd.s32 $0xFFFFFF80  }
0x60: {  	v3 =	vld [tilespmem:$0x0]  }
0x61: {  	v4 =	vld [tilespmem:$0x10]  }
0x62: {  	v5 =	vld [tilespmem:$0x20]  }
0x63: {  	v6 =	vld [tilespmem:$0x30]  }
0x64: {  	v7 =	vld [tilespmem:$0x40]  }
0x65: {  	v8 =	vld [tilespmem:$0x50];
	v3 =	vshll.u32 v3, $0x1  }
0x66: {  	v9 =	vld [tilespmem:$0x60];
	v4 =	vshll.u32 v4, $0x1;
	v3 =	vor.u32 v0, v3  }
0x67: {  	[tilespmem:$0x0] =	vst v3;
	v3 =	vor.u32 v0, v4;
	v4 =	vshll.u32 v5, $0x1;
	v5 =	vld [tilespmem:$0x70]  }
0x68: {  	[tilespmem:$0x10] =	vst v3;
	v3 =	vor.u32 v0, v4;
	v4 =	vshll.u32 v6, $0x1  }
0x69: {  	[tilespmem:$0x20] =	vst v3;
	v3 =	vor.u32 v0, v4;
	v4 =	vshll.u32 v7, $0x1  }
0x6a: {  	[tilespmem:$0x30] =	vst v3;
	v3 =	vor.u32 v0, v4;
	v4 =	vshll.u32 v8, $0x1  }
0x6b: {  	[tilespmem:$0x40] =	vst v3;
	v3 =	vor.u32 v0, v4;
	v4 =	vshll.u32 v9, $0x1  }
0x6c: {  	s15 =	sshll.u32 s15, $0x7;
	[tilespmem:$0x50] =	vst v3;
	v3 =	vor.u32 v0, v4;
	v4 =	vshll.u32 v5, $0x1  }
0x6d: {  	s15 =	sadd.s32 s14, s15;
	[tilespmem:$0x60] =	vst v3;
	v3 =	vor.u32 v0, v4  }
0x6e: {  	s15 =	sshrl.u32 s15, $0x3;
	[tilespmem:$0x70] =	vst v3  }
0x6f: {  	[tilespmem:s21], [sflag:$0x1] =	stream.indirect.gather [hbm4b:s4+s24], $0x80, s31, s24, $0xb8;
	[tilespmem:$0x1FE00] =	vst v63  }
0x70: {  	s15 =	sadd.s32 s5, s15  }
0x71: {  	[tilespmem:s25], [sflag:$0x2] =	stream.linear.gather [hbm4b:s15+s31], $0x4000, $0x38;
	[tilespmem:$0x1FE00] =	vst v63  }
0x72: {  	_ = 	snop  }
0x73: {  	[spmem:s1] =	stream.indirect.scatter.add.f32 [tilespmem:s28], [sflag:$0x3], $0x80, s26, s24, $0xb8;
	[tilespmem:$0x1FE00] =	vst v63  }
0x74: {  	_ =	swait.ge [sflag:s22], $0x4000  }
0x75: {  	[sflag:s22] =	ssyncset.done $0x0  }
0x76: {  	[sflag:s22] =	ssyncadd.s32 $0xFFFFC000  }
0x77: {  	_ =	swait.ge [sflag:s29], $0x4000  }
0x78: {  	[sflag:s29] =	ssyncset.done $0x0  }
0x79: {  	[sflag:s29] =	ssyncadd.s32 $0xFFFFC000  }
0x7a: {  	_ =	swait.ge [sflag:s30], $0x4000  }
0x7b: {  	[sflag:s30] =	ssyncset.done $0x0  }
0x7c: {  	s15 =	simm.s32 $0x0;
	[sflag:s30] =	ssyncadd.s32 $0xFFFFC000  }
0x7d: {  	v9 =	vld [tilespmem:s15+$0x200]  }
0x7e: {  	v14 =	vld [tilespmem:s15+$0x210]  }
0x7f: {  	v8 =	vld [tilespmem:s15+$0x220]  }
0x80: {  	v7 =	vld [tilespmem:s15+$0x230]  }
0x81: {  	v6 =	vld [tilespmem:s15+$0x240]  }
0x82: {  	v5 =	vld [tilespmem:s15+$0x250]  }
0x83: {  	v4 =	vld [tilespmem:s15+$0x260]  }
0x84: {  	v3 =	vld [tilespmem:s15+$0x270]  }
0x85: {  	v15 =	vld [tilespmem:s15+$0x4200]  }
0x86: {  	v16 =	vld [tilespmem:s15+$0x4210]  }
0x87: {  	v13 =	vld [tilespmem:s15+$0x4220]  }
0x88: {  	v12 =	vld [tilespmem:s15+$0x4230]  }
0x89: {  	v11 =	vld [tilespmem:s15+$0x4240]  }
0x8a: {  	v10 =	vld [tilespmem:s15+$0x4250];
	v15 =	vadd.f32 v15, v9  }
0x8b: {  	s16 =	simm.s32 $0x200;
	v14 =	vadd.f32 v16, v14;
	v9 =	vld [tilespmem:s15+$0x4260]  }
.LBB2_5:
0x8c: {  	s17 =	sshra.s32 s16, $0x2;
	p0 =	sne.s32 s16, $0xFE00;
	v15 =	vmax.f32 v15, $0.0e+00;
	v8 =	vadd.f32 v13, v8;
	v13 =	vld [tilespmem:s15+$0x4270]  }
0x8d: {  	v16 =	vld [tilespmem:s17+$0x200];
	[tilespmem:s15+$0x4200] =	vst v15;
	v14 =	vmax.f32 v14, $0.0e+00;
	v7 =	vadd.f32 v12, v7  }
0x8e: {  	v17 =	vld [tilespmem:s17+$0x210];
	[tilespmem:s15+$0x4210] =	vst v14;
	v12 =	vmax.f32 v8, $0.0e+00;
	v6 =	vadd.f32 v11, v6  }
0x8f: {  	v8 =	vld [tilespmem:s17+$0x220];
	[tilespmem:s15+$0x4220] =	vst v12;
	v11 =	vmax.f32 v7, $0.0e+00;
	v5 =	vadd.f32 v10, v5  }
0x90: {  	v7 =	vld [tilespmem:s17+$0x230];
	[tilespmem:s15+$0x4230] =	vst v11;
	v10 =	vmax.f32 v6, $0.0e+00;
	v4 =	vadd.f32 v9, v4  }
0x91: {  	v6 =	vld [tilespmem:s17+$0x240];
	[tilespmem:s15+$0x4240] =	vst v10;
	v9 =	vmax.f32 v5, $0.0e+00;
	v3 =	vadd.f32 v13, v3  }
0x92: {  	v5 =	vld [tilespmem:s17+$0x250];
	[tilespmem:s15+$0x4250] =	vst v9;
	v9 =	vmax.f32 v4, $0.0e+00  }
0x93: {  	v4 =	vld [tilespmem:s17+$0x260];
	[tilespmem:s15+$0x4260] =	vst v9;
	v9 =	vmax.f32 v3, $0.0e+00  }
0x94: {  	v3 =	vld [tilespmem:s17+$0x270];
	[tilespmem:s15+$0x4270] =	vst v9;
	s15 =	smov.u32 s17  }
0x95: {  	v9 =	vld [tilespmem:s15+$0x4200]  }
0x96: {  	v14 =	vld [tilespmem:s15+$0x4210]  }
.Ltmp1:
0x97: {  	v13 =	vld [tilespmem:s15+$0x4220];
	(pc) =	sbr.rel @p0 .LBB2_5-.Ltmp1, $4  }
0x98: {  	v12 =	vld [tilespmem:s15+$0x4230]  }
0x99: {  	v11 =	vld [tilespmem:s15+$0x4240]  }
0x9a: {  	v15 =	vadd.f32 v9, v16;
	v10 =	vld [tilespmem:s15+$0x4250]  }
0x9b: {  	s16 =	sadd.s32 $0x200, s16;
	v14 =	vadd.f32 v14, v17;
	v9 =	vld [tilespmem:s15+$0x4260]  }
0x9c: {  	v15 =	vmax.f32 v15, $0.0e+00;
	v8 =	vadd.f32 v13, v8;
	v13 =	vld [tilespmem:s15+$0x4270]  }
0x9d: {  	[tilespmem:s15+$0x4200] =	vst v15;
	v14 =	vmax.f32 v14, $0.0e+00;
	v7 =	vadd.f32 v12, v7  }
0x9e: {  	[tilespmem:s15+$0x4210] =	vst v14;
	v8 =	vmax.f32 v8, $0.0e+00;
	v6 =	vadd.f32 v11, v6  }
0x9f: {  	[tilespmem:s15+$0x4220] =	vst v8;
	v7 =	vmax.f32 v7, $0.0e+00;
	v5 =	vadd.f32 v10, v5  }
0xa0: {  	[tilespmem:s15+$0x4230] =	vst v7;
	v6 =	vmax.f32 v6, $0.0e+00;
	v4 =	vadd.f32 v9, v4  }
0xa1: {  	s3 =	sadd.s32 s3, s13;
	[tilespmem:s15+$0x4240] =	vst v6;
	v5 =	vmax.f32 v5, $0.0e+00;
	v3 =	vadd.f32 v13, v3  }
0xa2: {  	s3 =	sadd.s32 $0x80, s3;
	[tilespmem:s15+$0x4250] =	vst v5;
	v4 =	vmax.f32 v4, $0.0e+00  }
0xa3: {  	s16 =	sshrl.u32 s3, $0x3;
	[tilespmem:s15+$0x4260] =	vst v4;
	v3 =	vmax.f32 v3, $0.0e+00  }
0xa4: {  	s17 =	simm.s32 $0x0;
	[tilespmem:s15+$0x4270] =	vst v3;
	s15 =	sadd.s32 s6, s16  }
0xa5: {  	[tilespmem:s24], [sflag:$0x3] =	stream.linear.gather [hbm4b:s15+s17], $0x80, $0x38;
	[tilespmem:$0x1FE00] =	vst v63  }
0xa6: {  	_ =	swait.ge [sflag:s22], $0x80  }
0xa7: {  	[sflag:s22] =	ssyncset.done $0x0  }
0xa8: {  	s16 =	sadd.s32 s7, s16;
	[sflag:s22] =	ssyncadd.s32 $0xFFFFFF80  }
0xa9: {  	[tilespmem:s26], [sflag:$0x3] =	stream.linear.gather [hbm4b:s16+s17], $0x80, $0x38;
	[tilespmem:$0x1FE00] =	vst v63  }
0xaa: {  	_ =	swait.ge [sflag:s22], $0x80  }
0xab: {  	[sflag:s22] =	ssyncset.done $0x0  }
0xac: {  	[sflag:s22] =	ssyncadd.s32 $0xFFFFFF80  }
0xad: {  	v3 =	vld [tilespmem:$0x80]  }
0xae: {  	v4 =	vld [tilespmem:$0x90]  }
0xaf: {  	v5 =	vld [tilespmem:$0xA0]  }
0xb0: {  	v6 =	vld [tilespmem:$0xB0]  }
0xb1: {  	v7 =	vld [tilespmem:$0xC0]  }
0xb2: {  	v8 =	vld [tilespmem:$0xD0];
	v3 =	vshll.u32 v3, $0x1  }
0xb3: {  	v9 =	vld [tilespmem:$0xE0];
	v4 =	vshll.u32 v4, $0x1;
	v3 =	vor.u32 v0, v3  }
0xb4: {  	[tilespmem:$0x80] =	vst v3;
	v3 =	vor.u32 v0, v4;
	v4 =	vshll.u32 v5, $0x1;
	v5 =	vld [tilespmem:$0xF0]  }
0xb5: {  	[tilespmem:$0x90] =	vst v3;
	v3 =	vor.u32 v0, v4;
	v4 =	vshll.u32 v6, $0x1  }
0xb6: {  	[tilespmem:$0xA0] =	vst v3;
	v3 =	vor.u32 v0, v4;
	v4 =	vshll.u32 v7, $0x1  }
0xb7: {  	[tilespmem:$0xB0] =	vst v3;
	v3 =	vor.u32 v0, v4;
	v4 =	vshll.u32 v8, $0x1  }
0xb8: {  	[tilespmem:$0xC0] =	vst v3;
	v3 =	vor.u32 v0, v4;
	v4 =	vshll.u32 v9, $0x1  }
0xb9: {  	s3 =	sshll.u32 s3, $0x7;
	[tilespmem:$0xD0] =	vst v3;
	v3 =	vor.u32 v0, v4;
	v4 =	vshll.u32 v5, $0x1  }
0xba: {  	s3 =	sadd.s32 s14, s3;
	[tilespmem:$0xE0] =	vst v3;
	v3 =	vor.u32 v0, v4  }
0xbb: {  	s3 =	sshrl.u32 s3, $0x3;
	[tilespmem:$0xF0] =	vst v3  }
0xbc: {  	[tilespmem:s21], [sflag:$0x1] =	stream.indirect.gather [hbm4b:s4+s24], $0x80, s24, s24, $0xb8;
	[tilespmem:$0x1FE00] =	vst v63  }
0xbd: {  	s3 =	sadd.s32 s5, s3  }
0xbe: {  	[tilespmem:s28], [sflag:$0x2] =	stream.linear.gather [hbm4b:s3+s17], $0x4000, $0x38;
	[tilespmem:$0x1FE00] =	vst v63  }
0xbf: {  	_ = 	snop  }
0xc0: {  	[spmem:s1] =	stream.indirect.scatter.add.f32 [tilespmem:s25], [sflag:$0x3], $0x80, s23, s24, $0xb8;
	[tilespmem:$0x1FE00] =	vst v63  }
0xc1: {  	_ =	swait.ge [sflag:s22], $0x4000  }
0xc2: {  	[sflag:s22] =	ssyncset.done $0x0  }
0xc3: {  	[sflag:s22] =	ssyncadd.s32 $0xFFFFC000  }
0xc4: {  	_ =	swait.ge [sflag:s29], $0x4000  }
0xc5: {  	[sflag:s29] =	ssyncset.done $0x0  }
0xc6: {  	[sflag:s29] =	ssyncadd.s32 $0xFFFFC000  }
0xc7: {  	_ =	swait.ge [sflag:s30], $0x4000  }
0xc8: {  	[sflag:s30] =	ssyncset.done $0x0  }
0xc9: {  	s3 =	simm.s32 $0x0;
	[sflag:s30] =	ssyncadd.s32 $0xFFFFC000  }
0xca: {  	v9 =	vld [tilespmem:s3+$0x200]  }
0xcb: {  	v14 =	vld [tilespmem:s3+$0x210]  }
0xcc: {  	v8 =	vld [tilespmem:s3+$0x220]  }
0xcd: {  	v7 =	vld [tilespmem:s3+$0x230]  }
0xce: {  	v6 =	vld [tilespmem:s3+$0x240]  }
0xcf: {  	v5 =	vld [tilespmem:s3+$0x250]  }
0xd0: {  	v4 =	vld [tilespmem:s3+$0x260]  }
0xd1: {  	v3 =	vld [tilespmem:s3+$0x270]  }
0xd2: {  	v15 =	vld [tilespmem:s3+$0x8200]  }
0xd3: {  	v16 =	vld [tilespmem:s3+$0x8210]  }
0xd4: {  	v13 =	vld [tilespmem:s3+$0x8220]  }
0xd5: {  	v12 =	vld [tilespmem:s3+$0x8230]  }
0xd6: {  	v11 =	vld [tilespmem:s3+$0x8240]  }
0xd7: {  	v10 =	vld [tilespmem:s3+$0x8250];
	v15 =	vadd.f32 v15, v9  }
0xd8: {  	s15 =	simm.s32 $0x200;
	v14 =	vadd.f32 v16, v14;
	v9 =	vld [tilespmem:s3+$0x8260]  }
.LBB2_7:
0xd9: {  	s16 =	sshra.s32 s15, $0x2;
	p0 =	sne.s32 s15, $0xFE00;
	v15 =	vmax.f32 v15, $0.0e+00;
	v8 =	vadd.f32 v13, v8;
	v13 =	vld [tilespmem:s3+$0x8270]  }
0xda: {  	v16 =	vld [tilespmem:s16+$0x200];
	[tilespmem:s3+$0x8200] =	vst v15;
	v14 =	vmax.f32 v14, $0.0e+00;
	v7 =	vadd.f32 v12, v7  }
0xdb: {  	v17 =	vld [tilespmem:s16+$0x210];
	[tilespmem:s3+$0x8210] =	vst v14;
	v12 =	vmax.f32 v8, $0.0e+00;
	v6 =	vadd.f32 v11, v6  }
0xdc: {  	v8 =	vld [tilespmem:s16+$0x220];
	[tilespmem:s3+$0x8220] =	vst v12;
	v11 =	vmax.f32 v7, $0.0e+00;
	v5 =	vadd.f32 v10, v5  }
0xdd: {  	v7 =	vld [tilespmem:s16+$0x230];
	[tilespmem:s3+$0x8230] =	vst v11;
	v10 =	vmax.f32 v6, $0.0e+00;
	v4 =	vadd.f32 v9, v4  }
0xde: {  	v6 =	vld [tilespmem:s16+$0x240];
	[tilespmem:s3+$0x8240] =	vst v10;
	v9 =	vmax.f32 v5, $0.0e+00;
	v3 =	vadd.f32 v13, v3  }
0xdf: {  	v5 =	vld [tilespmem:s16+$0x250];
	[tilespmem:s3+$0x8250] =	vst v9;
	v9 =	vmax.f32 v4, $0.0e+00  }
0xe0: {  	v4 =	vld [tilespmem:s16+$0x260];
	[tilespmem:s3+$0x8260] =	vst v9;
	v9 =	vmax.f32 v3, $0.0e+00  }
0xe1: {  	v3 =	vld [tilespmem:s16+$0x270];
	[tilespmem:s3+$0x8270] =	vst v9;
	s3 =	smov.u32 s16  }
0xe2: {  	v9 =	vld [tilespmem:s3+$0x8200]  }
0xe3: {  	v14 =	vld [tilespmem:s3+$0x8210]  }
.Ltmp2:
0xe4: {  	v13 =	vld [tilespmem:s3+$0x8220];
	(pc) =	sbr.rel @p0 .LBB2_7-.Ltmp2, $4  }
0xe5: {  	v12 =	vld [tilespmem:s3+$0x8230]  }
0xe6: {  	v11 =	vld [tilespmem:s3+$0x8240]  }
0xe7: {  	v15 =	vadd.f32 v9, v16;
	v10 =	vld [tilespmem:s3+$0x8250]  }
0xe8: {  	s15 =	sadd.s32 $0x200, s15;
	v14 =	vadd.f32 v14, v17;
	v9 =	vld [tilespmem:s3+$0x8260]  }
0xe9: {  	v15 =	vmax.f32 v15, $0.0e+00;
	v8 =	vadd.f32 v13, v8;
	v63 =	vld [tilespmem:s3+$0x8270]  }
0xea: {  	[tilespmem:s3+$0x8200] =	vst v15;
	v14 =	vmax.f32 v14, $0.0e+00;
	v7 =	vadd.f32 v12, v7  }
0xeb: {  	s0 =	sadd.s32 $0x1, s0;
	[tilespmem:s3+$0x8210] =	vst v14;
	v8 =	vmax.f32 v8, $0.0e+00;
	v6 =	vadd.f32 v11, v6  }
0xec: {  	p0 =	sne.s32 s0, $0x28;
	[tilespmem:s3+$0x8220] =	vst v8;
	v7 =	vmax.f32 v7, $0.0e+00;
	v5 =	vadd.f32 v10, v5  }
.Ltmp3:
0xed: {  	[tilespmem:s3+$0x8230] =	vst v7;
	v6 =	vmax.f32 v6, $0.0e+00;
	v4 =	vadd.f32 v9, v4;
	(pc) =	sbr.rel @p0 .LBB2_4-.Ltmp3, $4  }
0xee: {  	[tilespmem:s3+$0x8240] =	vst v6;
	v5 =	vmax.f32 v5, $0.0e+00;
	v3 =	vadd.f32 v63, v3  }
0xef: {  	[tilespmem:s3+$0x8250] =	vst v5;
	v4 =	vmax.f32 v4, $0.0e+00  }
0xf0: {  	[tilespmem:s3+$0x8260] =	vst v4;
	v3 =	vmax.f32 v3, $0.0e+00  }
0xf1: {  	[tilespmem:s3+$0x8270] =	vst v3  }
0xf2: {  	[spmem:s1] =	stream.indirect.scatter.add.f32 [tilespmem:s28], [sflag:$0x3], $0x80, s26, s24, $0xb8;
	[tilespmem:$0x1FE00] =	vst v63  }
0xf3: {  	_ =	swait.ge [sflag:s22], $0x4000  }
0xf4: {  	[sflag:s22] =	ssyncset.done $0x0  }
0xf5: {  	s0 =	stileid.u32;
	[sflag:s22] =	ssyncadd.s32 $0xFFFFC000  }
0xf6: {  	s0 =	sshll.u32 s0, $0x6;
	[bflag:$0x0] =	sbarrier.arrive $0xFFFF  }
0xf7: {  	s3 =	sshrl.u32 s8, $0x3;
	s0 =	sor.u32 $0x1C03, s0;
	s15 =	rddreg [dreg:$0x3]  }
0xf8: {  	[hbm:s15], [sflag:s0] =	dma.local [spmem:s3], $0x800  }
0xf9: {  	_ =	swait.ge [sflag:s22], $0x800  }
0xfa: {  	[sflag:s22] =	ssyncset.done $0x0  }
0xfb: {  	s16 =	sshrl.u32 s9, $0x3;
	s17 =	rddreg [dreg:$0x4];
	[sflag:s22] =	ssyncadd.s32 $0xFFFFF800  }
0xfc: {  	[hbm:s17], [sflag:s0] =	dma.local [spmem:s16], $0x800  }
0xfd: {  	_ =	swait.ge [sflag:s22], $0x800  }
0xfe: {  	[sflag:s22] =	ssyncset.done $0x0  }
0xff: {  	s16 =	sshrl.u32 s10, $0x3;
	s17 =	rddreg [dreg:$0x5];
	[sflag:s22] =	ssyncadd.s32 $0xFFFFF800  }
0x100: {  	[hbm:s17], [sflag:s0] =	dma.local [spmem:s16], $0x800  }
0x101: {  	_ =	swait.ge [sflag:s22], $0x800  }
0x102: {  	[sflag:s22] =	ssyncset.done $0x0  }
0x103: {  	s16 =	sshrl.u32 s11, $0x3;
	[sflag:s22] =	ssyncadd.s32 $0xFFFFF800  }
0x104: {  	[hbm:s18], [sflag:s0] =	dma.local [spmem:s16], $0x800  }
0x105: {  	s2 =	sadd.s32 $0x1, s2;
	_ =	swait.ge [sflag:s22], $0x800  }
0x106: {  	p0 =	sne.s32 s2, s20;
	[sflag:s22] =	ssyncset.done $0x0  }
.Ltmp4:
0x107: {  	s17 =	sshrl.u32 s12, $0x3;
	[sflag:s22] =	ssyncadd.s32 $0xFFFFF800;
	(pc) =	sbr.rel @p0 .LBB2_1-.Ltmp4, $4  }
0x108: {  	[hbm:s19], [sflag:s0] =	dma.local [spmem:s17], $0x780  }
0x109: {  	_ =	swait.ge [sflag:s22], $0x780  }
0x10a: {  	[sflag:s22] =	ssyncset.done $0x0  }
0x10b: {  	[sflag:s22] =	ssyncadd.s32 $0xFFFFF880  }
0x10c: {  	_ =	sfence.sel $0x180000  }
0x10d: {  	[bflag:$0x0] =	sbarrier.arrive $0xFFFF  }
0x10e: {  	_ =	strace $0x9000004A  }
0x10f: {  	s0 =	stileid.u32;
	[bflag:$0x2] =	sbarrier.arrive $0xFFFF  }
0x110: {  	p0 =	sne.s32 s0, $0x0;
	s0 =	rddreg [dreg:$0x2]  }
0x111: {  	s0 =	sadd.s32 @!p0 $0x100000, s0  }
0x112: {  	[sflag:s0] =	ssyncadd.tile.s32 @!p0 $0x1;
	_ =	shalt  }
.Lfunc_end2:
_tile_overlayer_lowered:
.L_overlay_start_2:
0x113: {  	(tag) =	ssettag $0x2  }
0x114: {  	s0 =	rddreg [dreg:$0x0];
	s2 =	stileid.u32  }
0x115: {  	s1 =	rddreg [dreg:$0x1];
	p0 =	sne.s32 s2, $0x0  }
0x116: {  	s3 =	rddreg [dreg:$0x2];
	[bflag:$0x3] =	sbarrier.arrive $0xFFFF;
	s2 =	simm.s32 @!p0 $0x1C03  }
0x117: {  	[timem:s3], [sflag:s2] =	dma.local @!p0 [hbm:s0], s1  }
0x118: {  	s0 =	simm.s32 @!p0 $0x3  }
0x119: {  	_ =	swait.ge @!p0 [sflag:s0], s1  }
0x11a: {  	s1 =	ssub.s32 @!p0 $0x0, s1;
	[sflag:s0] =	ssyncset.done @!p0 $0x0  }
0x11b: {  	[sflag:s0] =	ssyncadd.s32 @!p0 s1  }
0x11c: {  	[bflag:$0x3] =	sbarrier.arrive $0xFFFF  }
0x11d: {  	_ =	shalt  }

// kernel: kernel.13.cloned.1.call-start
scs
__scs_entry_jumppad:
0x0: {  	(pc) =	sbr.rel $0x88, $3  }
0x1: {  	(tag) =	ssettag $0x0;
	lr =	simm.s32 $0x1  }
0x2: {  	[smem:$0x3F88] =	sst lr;
	_ =	strace $0xD0000000  }
0x3: {  	_ = 	snop  }
0x4: {  	_ = 	snop  }
0x5: {  	_ = 	snop  }
0x6: {  	_ = 	snop  }
0x7: {  	_ = 	snop  }
__scs_overlays_trampoline_lowered:
0x8: {  	[smem:$0x3F97] =	sst s0  }
0x9: {  	[smem:$0x3F98] =	sst s1  }
0xa: {  	[smem:$0x3F99] =	sst s2  }
0xb: {  	[smem:$0x3F9A] =	sst s3  }
0xc: {  	[smem:$0x3F9B] =	sst s4  }
0xd: {  	[smem:$0x3F9C] =	sst s5  }
0xe: {  	[smem:$0x3F9D] =	sst s6  }
0xf: {  	[smem:$0x3F9E] =	sst s7  }
0x10: {  	[smem:$0x3F9F] =	sst s8  }
0x11: {  	[smem:$0x3FA0] =	sst s9;
	s0 =	simm.s32 @!p0 $0x0  }
0x12: {  	s1 =	sld [smem:$0x3F86];
	s0 =	simm.s32 @p0 $0x1  }
0x13: {  	[smem:$0x3FA1] =	sst s0;
	s0 =	simm.s32 @!p1 $0x0  }
0x14: {  	s2 =	sld [smem:$0x3F85];
	s0 =	simm.s32 @p1 $0x1  }
0x15: {  	[smem:$0x3FA2] =	sst s0;
	s0 =	simm.s32 @!p2 $0x0  }
0x16: {  	s3 =	sld [smem:$0x3FDB];
	s0 =	simm.s32 @p2 $0x1  }
0x17: {  	s4 =	simm.s32 $0x1BF5;
	[smem:$0x3FA4] =	sst s0  }
0x18: {  	s0 =	sld [smem:$0x3F87];
	_ =	swait.ge [sflag:s4], $0x0  }
0x19: {  	s7 =	sld [smem:$0x3F88]  }
0x1a: {  	s8 =	sadd.s32 $0xFFFFE003, lr  }
0x1b: {  	s9 =	sadd.s32 $0xFFFFFEF7, lr;
	s5 =	simm.s32 $0xFFFFFFFF;
	p2 =	slt.u32 s8, $0xFFFFF086  }
0x1c: {  	p1 =	slt.u32 s9, $0xF7A;
	s5 =	simm.s32 @!p2 $0x0  }
0x1d: {  	s5 =	simm.s32 @p1 $0x1;
	p0 =	seq.s32 s7, s2  }
0x1e: {  	s7 =	smul.u32 @!p0 $0xF7A, s2;
	p2 =	seq.s32 @!p0 s5, $0x0  }
0x1f: {  	s9 =	smul.u32 $0xF7A, s1;
	s8 =	simm.s32 @!p0 $0x1BF5;
	p2 =	por !p2, p0  }
0x20: {  	[sflag:s8] =	ssyncset.s32 @!p0 $0xFFFFF086;
	s6 =	sadd.s32 @!p0 s3, s7;
	s7 =	simm.s32 @!p0 $0x108  }
0x21: {  	s3 =	sadd.s32 s3, s9;
	s6 =	sadd.s32 @!p0 $0x88, s6;
	s7 =	simm.s32 @p2 $0x1082  }
0x22: {  	[simem:s7], [sflag:s8] =	dma.local @!p0 [hbm:s6], $0xF7A  }
0x23: {  	s9 =	sor.u32 $0xD0000000, s2;
	s6 =	simm.s32 $0x108;
	_ =	swait.ge @!p0 [sflag:s8], $0x0  }
0x24: {  	s3 =	sadd.s32 $0x88, s3;
	s6 =	simm.s32 @!p1 $0x1082;
	[sflag:s4] =	ssyncset.s32 $0xFFFFF086  }
0x25: {  	[simem:s6], [sflag:s4] =	dma.local [hbm:s3], $0xF7A  }
0x26: {  	[smem:$0x3F88] =	sst s1;
	(tag) =	ssettag s2;
	_ =	strace s9  }
0x27: {  	s1 =	sld [smem:$0x3F98]  }
0x28: {  	s2 =	sld [smem:$0x3F99]  }
0x29: {  	s4 =	sld [smem:$0x3F9B]  }
0x2a: {  	p0 =	seq.s32 s5, $0x0;
	s5 =	sld [smem:$0x3F9C]  }
0x2b: {  	s6 =	sld [smem:$0x3F9D]  }
0x2c: {  	s7 =	sld [smem:$0x3F9E]  }
0x2d: {  	s3 =	simm.s32 $0x108;
	s8 =	sld [smem:$0x3F9F]  }
0x2e: {  	s3 =	simm.s32 @!p0 $0x1082;
	s9 =	sld [smem:$0x3FA0]  }
0x2f: {  	lr =	sadd.s32 s0, s3;
	s0 =	sld [smem:$0x3F97]  }
0x30: {  	s3 =	sld [smem:$0x3F9A]  }
0x31: {  	[smem:$0x3FA3] =	sst s10  }
0x32: {  	s10 =	sld [smem:$0x3FA1];
	_ =	sdelay $0x3  }
0x33: {  	p0 =	seq.s32 s10, $0x1;
	s10 =	sld [smem:$0x3FA3];
	_ =	sdelay $0x3  }
0x34: {  	[smem:$0x3FA3] =	sst s10  }
0x35: {  	s10 =	sld [smem:$0x3FA2];
	_ =	sdelay $0x3  }
0x36: {  	p1 =	seq.s32 s10, $0x1;
	s10 =	sld [smem:$0x3FA3];
	_ =	sdelay $0x3  }
0x37: {  	[smem:$0x3FA3] =	sst s10  }
0x38: {  	s10 =	sld [smem:$0x3FA4]  }
0x39: {  	_ = 	snop;
	(pc) =	sbr.ind lr, $3  }
0x3a: {  	_ = 	snop  }
0x3b: {  	_ = 	snop  }
0x3c: {  	p2 =	seq.s32 s10, $0x1;
	s10 =	sld [smem:$0x3FA3]  }
0x3d: {  	_ =	shalt  }
0x3e: {  	_ =	shalt  }
0x3f: {  	_ =	shalt  }
0x40: {  	_ =	shalt  }
0x41: {  	_ =	shalt  }
0x42: {  	_ =	shalt  }
0x43: {  	_ =	shalt  }
0x44: {  	_ =	shalt  }
0x45: {  	_ =	shalt  }
0x46: {  	_ =	shalt  }
0x47: {  	_ =	shalt  }
0x48: {  	_ =	shalt  }
0x49: {  	_ =	shalt  }
0x4a: {  	_ =	shalt  }
0x4b: {  	_ =	shalt  }
0x4c: {  	_ =	shalt  }
0x4d: {  	_ =	shalt  }
0x4e: {  	_ =	shalt  }
0x4f: {  	_ =	shalt  }
0x50: {  	_ =	shalt  }
0x51: {  	_ =	shalt  }
0x52: {  	_ =	shalt  }
0x53: {  	_ =	shalt  }
0x54: {  	_ =	shalt  }
0x55: {  	_ =	shalt  }
0x56: {  	_ =	shalt  }
0x57: {  	_ =	shalt  }
0x58: {  	_ =	shalt  }
0x59: {  	_ =	shalt  }
0x5a: {  	_ =	shalt  }
0x5b: {  	_ =	shalt  }
0x5c: {  	_ =	shalt  }
0x5d: {  	_ =	shalt  }
0x5e: {  	_ =	shalt  }
0x5f: {  	_ =	shalt  }
0x60: {  	_ =	shalt  }
0x61: {  	_ =	shalt  }
0x62: {  	_ =	shalt  }
0x63: {  	_ =	shalt  }
0x64: {  	_ =	shalt  }
0x65: {  	_ =	shalt  }
0x66: {  	_ =	shalt  }
0x67: {  	_ =	shalt  }
0x68: {  	_ =	shalt  }
0x69: {  	_ =	shalt  }
0x6a: {  	_ =	shalt  }
0x6b: {  	_ =	shalt  }
0x6c: {  	_ =	shalt  }
0x6d: {  	_ =	shalt  }
0x6e: {  	_ =	shalt  }
0x6f: {  	_ =	shalt  }
0x70: {  	_ =	shalt  }
0x71: {  	_ =	shalt  }
0x72: {  	_ =	shalt  }
0x73: {  	_ =	shalt  }
0x74: {  	_ =	shalt  }
0x75: {  	_ =	shalt  }
0x76: {  	_ =	shalt  }
0x77: {  	_ =	shalt  }
0x78: {  	_ =	shalt  }
0x79: {  	_ =	shalt  }
0x7a: {  	_ =	shalt  }
0x7b: {  	_ =	shalt  }
0x7c: {  	_ =	shalt  }
0x7d: {  	_ =	shalt  }
0x7e: {  	_ =	shalt  }
0x7f: {  	_ =	shalt  }
0x80: {  	_ =	shalt  }
0x81: {  	_ =	shalt  }
0x82: {  	_ =	shalt  }
0x83: {  	_ =	shalt  }
0x84: {  	_ =	shalt  }
0x85: {  	_ =	shalt  }
0x86: {  	_ =	shalt  }
0x87: {  	_ =	shalt  }
.Lfunc_end0:
.L_simem_size_0:
called_computation.2_lowered:
.L_overlay_start_0:
0x88: {  	s2 =	sld [smem:$0x3FD9]  }
0x89: {  	s3 =	sld [smem:$0x3FFE];
	_ =	sdelay $0x1  }
0x8a: {  	s1 =	srdreg.scid  }
0x8b: {  	s0 =	sand.u32 $0x1, s1  }
0x8c: {  	s16 =	sshll.u32 s0, $0xA;
	s2 =	sadd.s32 s3, s2  }
0x8d: {  	s2 =	sadd.s32 s2, s16  }
0x8e: {  	[smem:$0x3FAF] =	sst s2  }
0x8f: {  	_ = 	snop  }
0x90: {  	(tm) =	ssettm $0x1  }
0x91: {  	s17 =	sld [smem:$0x3FFB];
	_ =	sdelay $0x3  }
0x92: {  	_ =	strace s17  }
0x93: {  	s2 =	sld [smem:$0x3FFC];
	_ =	sdelay $0x3  }
0x94: {  	_ =	strace s2  }
0x95: {  	s2 =	sld [smem:$0x3FFD];
	_ =	sdelay $0x3  }
0x96: {  	_ =	strace s2  }
0x97: {  	_ =	strace $0x8FFFFFFF  }
0x98: {  	s18 =	sld [smem:$0x3FDB];
	_ =	sdelay $0x1  }
0x99: {  	s19 =	simm.s32 $_scs_section_size  }
0x9a: {  	s4 =	simm.s32 $_size__tile_overlayer_lowered;
	s5 =	simm.s32 $_tile_overlayer_lowered  }
0x9b: {  	s22 =	simm.s32 $0x1BFF;
	s21 =	sshll.u32 s5, $0x1;
	s2 =	sadd.s32 s19, s18  }
0x9c: {  	s6 =	simm.s32 $0x0;
	s20 =	sshll.u32 s4, $0x1;
	s4 =	sadd.s32 s21, s2  }
0x9d: {  	[timem:s6], [sflag:s22] =	dma.local [hbm:s4], s20  }
0x9e: {  	_ =	swait.ge [sflag:s22], s20  }
0x9f: {  	s3 =	ssub.s32 $0x0, s20;
	[sflag:s22] =	ssyncset.done $0x0  }
0xa0: {  	[sflag:s22] =	ssyncadd.s32 s3;
	_ =	sdelay $0x1  }
0xa1: {  	s23 =	simm.s32 $0x1B8B  }
0xa2: {  	_ =	swait.ge [sflag:s23], $0x1  }
0xa3: {  	[sflag:s23] =	ssyncset.done $0x0  }
0xa4: {  	s25 =	simm.s32 $0x1B8E;
	s24 =	sld [smem:$0x3FFE];
	[sflag:s23] =	ssyncadd.s32 $0xFFFFFFFF  }
0xa5: {  	s26 =	simm.s32 $execute0_lowered;
	[smem:$0x3FD2] =	sst s25  }
0xa6: {  	s4 =	sshll.u32 s26, $0x1;
	_ =	strace $0x8000004C;
	[dreg:$0x1] =	wrdreg $0xFFFFFFFF  }
0xa7: {  	s28 =	simm.s32 $_size_execute0_lowered;
	s2 =	sadd.s32 s2, s4;
	[dreg:$0x0] =	wrdreg $0x0  }
0xa8: {  	s4 =	sshll.u32 s28, $0x1;
	[dreg:$0x2] =	wrdreg s2  }
0xa9: {  	[dreg:$0x3] =	wrdreg s4  }
0xaa: {  	[dreg:$0x4] =	wrdreg $0xC0  }
0xab: {  	_ =	task [dreg:s6], $0x5FFFF  }
0xac: {  	[dreg:$0x1] =	wrdreg $0xFFFFFFFF  }
0xad: {  	[dreg:$0x0] =	wrdreg $0x60  }
0xae: {  	[dreg:$0x2] =	wrdreg s24  }
0xaf: {  	[dreg:$0x3] =	wrdreg $0xC2000  }
0xb0: {  	[dreg:$0x4] =	wrdreg $0x9  }
0xb1: {  	_ =	task.clear_ibuf [dreg:s6], $0x5FFFF;
	_ =	strace $0x9000004C  }
0xb2: {  	s29 =	simm.s32 $0x9;
	_ =	strace $0x8000004E  }
0xb3: {  	_ =	swait.ge [sflag:s29], $0x1  }
0xb4: {  	[sflag:s29] =	ssyncadd.s32 $0xFFFFFFFF  }
0xb5: {  	_ =	strace $0x9000004E  }
0xb6: {  	_ =	sfence  }
0xb7: {  	s30 =	sld [smem:$0x0];
	_ =	sdelay $0x2  }
0xb8: {  	s31 =	sshll.u32 s1, $0xD;
	s1 =	sshrl.u32 s1, $0x2  }
0xb9: {  	s3 =	sand.u32 $0x4000, s31;
	s1 =	sadd.s32 s1, s30  }
0xba: {  	s0 =	sor.u32 s3, s0;
	s1 =	sshll.u32 s1, $0x11  }
0xbb: {  	s0 =	sor.u32 s1, s0  }
0xbc: {  	s0 =	sadd.s32 $0x8F2B, s0  }
0xbd: {  	[sflag:s0] =	ssyncadd.remote.s32 $0x1  }
0xbe: {  	_ =	sfence.sel $0xFFFF  }
0xbf: {  	[dreg:$0x0] =	wrdreg $0xFFFFFFFF;
	(pc) =	sbr.abs _section_cstart, $3  }
0xc0: {  	[dreg:$0x1] =	wrdreg $0xFFFFFFFF  }
0xc1: {  	_ =	task.clear_ibuf [dreg:s6], $0x2FFFF;
	_ =	strace $0x9FFFFFFF  }
0xc2: {  	(tm) =	ssettm $0x7FFFFFFF  }
0xc3: {  	_ =	shalt  }
tec
execute0_lowered:
.L_overlay_start_1:
0x0: {  	(tag) =	ssettag $0x1  }
0x1: {  	s0 =	rddreg [dreg:$0x0]  }
0x2: {  	s1 =	rddreg [dreg:$0x1];
	s2 =	simm.s32 $0x0  }
0x3: {  	s3 =	srdreg.scid;
	s13 =	stileid.u32;
	s22 =	simm.s32 $0x3  }
0x4: {  	s23 =	simm.s32 $0x100;
	s24 =	simm.s32 $0x80;
	s28 =	simm.s32 $0x8200  }
0x5: {  	s29 =	simm.s32 $0x1;
	s30 =	simm.s32 $0x2;
	s31 =	simm.s32 $0x0  }
0x6: {  	[smem:$0x7FF] =	sst s2;
	s4 =	sadd.s32 $0x5B000, s0;
	s5 =	sadd.s32 $0xAAA000, s0  }
0x7: {  	s3 =	sand.u32 $0x1, s3;
	s8 =	smul.u32 $0x4F000, s13;
	s6 =	sadd.s32 $0x51000, s0  }
0x8: {  	s14 =	smul.u32 $0x13C00, s13;
	s7 =	sadd.s32 $0x56000, s0;
	s0 =	sadd.s32 $0xA9200, s0  }
0x9: {  	s13 =	smul.u32 $0x2800, s13;
	_ =	strace $0x8000004D;
	s9 =	ssub.s32 $0x2, s3  }
0xa: {  	s20 =	smul.u32 $0x13C000, s3;
	s10 =	sshrl.u32 s9, $0x1;
	s8 =	sshrl.u32 s8, $0x2  }
0xb: {  	s16 =	sadd.s32 $0x4000, s14;
	s17 =	sadd.s32 $0x8000, s14;
	s18 =	sadd.s32 $0xC000, s14  }
0xc: {  	s19 =	sadd.s32 $0x10000, s14;
	s15 =	ssub.s32 s9, s10;
	s8 =	sadd.s32 s8, s1  }
0xd: {  	s9 =	sadd.s32 s16, s1;
	s10 =	sadd.s32 s17, s1;
	s11 =	sadd.s32 s18, s1  }
0xe: {  	s12 =	sadd.s32 s19, s1;
	s21 =	sadd.s32 s14, s20;
	s16 =	sadd.s32 s20, s16  }
0xf: {  	s14 =	smul.u32 $0x1400000, s3;
	s25 =	sadd.s32 s20, s17;
	s18 =	sadd.s32 s20, s18  }
0x10: {  	s19 =	sadd.s32 s20, s19;
	s21 =	sshrl.u32 s21, $0x3;
	s16 =	sshrl.u32 s16, $0x3  }
0x11: {  	s26 =	sshrl.u32 s18, $0x3;
	s19 =	sshrl.u32 s19, $0x3;
	s20 =	smax.u32 s15, $0x1  }
0x12: {  	s21 =	sadd.s32 s0, s21;
	s16 =	sadd.s32 s0, s16;
	s18 =	sadd.s32 s0, s26  }
0x13: {  	s19 =	sadd.s32 s0, s19;
	[dreg:$0x4] =	wrdreg s16;
	s16 =	sshrl.u32 s25, $0x3  }
0x14: {  	s26 =	simm.s32 $0x180;
	[dreg:$0x3] =	wrdreg s21;
	s16 =	sadd.s32 s0, s16  }
0x15: {  	v1 =	vimm.f32 $0.0e+00;
	v2 =	vimm.s32 $0x2710;
	v0 =	vmov s3;
	s21 =	simm.s32 $0x200;
	s25 =	simm.s32 $0x4200;
	[dreg:$0x5] =	wrdreg s16  }
.LBB2_1:
0x16: {  	s0 =	simm.s32 $0x0;
	s3 =	simm.s32 $0x200  }
.LBB2_2:
0x17: {  	p0 =	sne.s32 s3, $0xFE00;
	[tilespmem:s0+$0x8270] =	vst v1  }
0x18: {  	[tilespmem:s0+$0x200] =	vst v1  }
0x19: {  	[tilespmem:s0+$0x8200] =	vst v1  }
0x1a: {  	[tilespmem:s0+$0x210] =	vst v1  }
0x1b: {  	[tilespmem:s0+$0x8210] =	vst v1  }
0x1c: {  	[tilespmem:s0+$0x220] =	vst v1  }
0x1d: {  	[tilespmem:s0+$0x8220] =	vst v1  }
0x1e: {  	[tilespmem:s0+$0x230] =	vst v1  }
0x1f: {  	[tilespmem:s0+$0x8230] =	vst v1  }
0x20: {  	[tilespmem:s0+$0x240] =	vst v1  }
0x21: {  	[tilespmem:s0+$0x8240] =	vst v1  }
.Ltmp0:
0x22: {  	[tilespmem:s0+$0x250] =	vst v1;
	(pc) =	sbr.rel @p0 .LBB2_2-.Ltmp0, $4  }
0x23: {  	[tilespmem:s0+$0x8250] =	vst v1  }
0x24: {  	[tilespmem:s0+$0x260] =	vst v1  }
0x25: {  	[tilespmem:s0+$0x8260] =	vst v1  }
0x26: {  	[tilespmem:s0+$0x270] =	vst v1;
	s0 =	sshra.s32 s3, $0x2;
	s3 =	sadd.s32 $0x200, s3  }
0x27: {  	[tilespmem:s0+$0x8270] =	vst v1  }
0x28: {  	[tilespmem:s0+$0x200] =	vst v1  }
0x29: {  	[tilespmem:s0+$0x8200] =	vst v1  }
0x2a: {  	[tilespmem:s0+$0x210] =	vst v1  }
0x2b: {  	[tilespmem:s0+$0x8210] =	vst v1  }
0x2c: {  	[tilespmem:s0+$0x220] =	vst v1  }
0x2d: {  	[tilespmem:s0+$0x8220] =	vst v1  }
0x2e: {  	[tilespmem:s0+$0x230] =	vst v1  }
0x2f: {  	[tilespmem:s0+$0x8230] =	vst v1  }
0x30: {  	[tilespmem:s0+$0x240] =	vst v1  }
0x31: {  	[tilespmem:s0+$0x8240] =	vst v1  }
0x32: {  	[tilespmem:s0+$0x250] =	vst v1  }
0x33: {  	[tilespmem:s0+$0x8250] =	vst v1  }
0x34: {  	[tilespmem:s0+$0x260] =	vst v1  }
0x35: {  	[tilespmem:s0+$0x8260] =	vst v1  }
0x36: {  	[tilespmem:s0+$0x270] =	vst v1  }
0x37: {  	[tilespmem:$0x180] =	vst v2  }
0x38: {  	[tilespmem:$0x190] =	vst v2  }
0x39: {  	[tilespmem:$0x1A0] =	vst v2  }
0x3a: {  	[tilespmem:$0x1B0] =	vst v2  }
0x3b: {  	[tilespmem:$0x1C0] =	vst v2  }
0x3c: {  	[tilespmem:$0x1D0] =	vst v2  }
0x3d: {  	[tilespmem:$0x1E0] =	vst v2  }
0x3e: {  	[tilespmem:$0x1F0] =	vst v2  }
0x3f: {  	[spmem:s8] =	stream.linear.scatter [tilespmem:s21], [sflag:$0x3], $0x4000, $0x38;
	[tilespmem:$0x1FE00] =	vst v63  }
0x40: {  	_ =	swait.ge [sflag:s22], $0x4000  }
0x41: {  	[sflag:s22] =	ssyncset.done $0x0  }
0x42: {  	[sflag:s22] =	ssyncadd.s32 $0xFFFFC000  }
0x43: {  	[spmem:s9] =	stream.linear.scatter [tilespmem:s21], [sflag:$0x3], $0x4000, $0x38;
	[tilespmem:$0x1FE00] =	vst v63  }
0x44: {  	_ =	swait.ge [sflag:s22], $0x4000  }
0x45: {  	[sflag:s22] =	ssyncset.done $0x0  }
0x46: {  	[sflag:s22] =	ssyncadd.s32 $0xFFFFC000  }
0x47: {  	[spmem:s10] =	stream.linear.scatter [tilespmem:s21], [sflag:$0x3], $0x4000, $0x38;
	[tilespmem:$0x1FE00] =	vst v63  }
0x48: {  	_ =	swait.ge [sflag:s22], $0x4000  }
0x49: {  	[sflag:s22] =	ssyncset.done $0x0  }
0x4a: {  	[sflag:s22] =	ssyncadd.s32 $0xFFFFC000  }
0x4b: {  	[spmem:s11] =	stream.linear.scatter [tilespmem:s21], [sflag:$0x3], $0x4000, $0x38;
	[tilespmem:$0x1FE00] =	vst v63  }
0x4c: {  	_ =	swait.ge [sflag:s22], $0x4000  }
0x4d: {  	[sflag:s22] =	ssyncset.done $0x0  }
0x4e: {  	[sflag:s22] =	ssyncadd.s32 $0xFFFFC000  }
0x4f: {  	[spmem:s12] =	stream.linear.scatter [tilespmem:s21], [sflag:$0x3], $0x3C00, $0x38;
	[tilespmem:$0x1FE00] =	vst v63  }
0x50: {  	_ =	swait.ge [sflag:s22], $0x3C00  }
0x51: {  	[sflag:s22] =	ssyncset.done $0x0  }
0x52: {  	[sflag:s22] =	ssyncadd.s32 $0xFFFFC400  }
0x53: {  	s0 =	simm.s32 $0x0;
	[bflag:$0x0] =	sbarrier.arrive $0xFFFF  }
.LBB2_4:
0x54: {  	s3 =	sshll.u32 s0, $0x8  }
0x55: {  	s15 =	sadd.s32 s13, s3  }
0x56: {  	s16 =	sshrl.u32 s15, $0x3  }
0x57: {  	s17 =	sadd.s32 s6, s16  }
0x58: {  	[tilespmem:s31], [sflag:$0x3] =	stream.linear.gather [hbm4b:s17+s31], $0x80, $0x38;
	[tilespmem:$0x1FE00] =	vst v63  }
0x59: {  	_ =	swait.ge [sflag:s22], $0x80  }
0x5a: {  	[sflag:s22] =	ssyncset.done $0x0  }
0x5b: {  	s16 =	sadd.s32 s7, s16;
	[sflag:s22] =	ssyncadd.s32 $0xFFFFFF80  }
0x5c: {  	[tilespmem:s23], [sflag:$0x3] =	stream.linear.gather [hbm4b:s16+s31], $0x80, $0x38;
	[tilespmem:$0x1FE00] =	vst v63  }
0x5d: {  	_ =	swait.ge [sflag:s22], $0x80  }
0x5e: {  	[sflag:s22] =	ssyncset.done $0x0  }
0x5f: {  	[sflag:s22] =	ssyncadd.s32 $0xFFFFFF80  }
0x60: {  	v3 =	vld [tilespmem:$0x0]  }
0x61: {  	v4 =	vld [tilespmem:$0x10]  }
0x62: {  	v5 =	vld [tilespmem:$0x20]  }
0x63: {  	v6 =	vld [tilespmem:$0x30]  }
0x64: {  	v7 =	vld [tilespmem:$0x40]  }
0x65: {  	v8 =	vld [tilespmem:$0x50];
	v3 =	vshll.u32 v3, $0x1  }
0x66: {  	v9 =	vld [tilespmem:$0x60];
	v4 =	vshll.u32 v4, $0x1;
	v3 =	vor.u32 v0, v3  }
0x67: {  	[tilespmem:$0x0] =	vst v3;
	v3 =	vor.u32 v0, v4;
	v4 =	vshll.u32 v5, $0x1;
	v5 =	vld [tilespmem:$0x70]  }
0x68: {  	[tilespmem:$0x10] =	vst v3;
	v3 =	vor.u32 v0, v4;
	v4 =	vshll.u32 v6, $0x1  }
0x69: {  	[tilespmem:$0x20] =	vst v3;
	v3 =	vor.u32 v0, v4;
	v4 =	vshll.u32 v7, $0x1  }
0x6a: {  	[tilespmem:$0x30] =	vst v3;
	v3 =	vor.u32 v0, v4;
	v4 =	vshll.u32 v8, $0x1  }
0x6b: {  	[tilespmem:$0x40] =	vst v3;
	v3 =	vor.u32 v0, v4;
	v4 =	vshll.u32 v9, $0x1  }
0x6c: {  	s15 =	sshll.u32 s15, $0x7;
	[tilespmem:$0x50] =	vst v3;
	v3 =	vor.u32 v0, v4;
	v4 =	vshll.u32 v5, $0x1  }
0x6d: {  	s15 =	sadd.s32 s14, s15;
	[tilespmem:$0x60] =	vst v3;
	v3 =	vor.u32 v0, v4  }
0x6e: {  	s15 =	sshrl.u32 s15, $0x3;
	[tilespmem:$0x70] =	vst v3  }
0x6f: {  	[tilespmem:s21], [sflag:$0x1] =	stream.indirect.gather [hbm4b:s4+s24], $0x80, s31, s24, $0xb8;
	[tilespmem:$0x1FE00] =	vst v63  }
0x70: {  	s15 =	sadd.s32 s5, s15  }
0x71: {  	[tilespmem:s25], [sflag:$0x2] =	stream.linear.gather [hbm4b:s15+s31], $0x4000, $0x38;
	[tilespmem:$0x1FE00] =	vst v63  }
0x72: {  	_ = 	snop  }
0x73: {  	[spmem:s1] =	stream.indirect.scatter.add.f32 [tilespmem:s28], [sflag:$0x3], $0x80, s26, s24, $0xb8;
	[tilespmem:$0x1FE00] =	vst v63  }
0x74: {  	_ =	swait.ge [sflag:s22], $0x4000  }
0x75: {  	[sflag:s22] =	ssyncset.done $0x0  }
0x76: {  	[sflag:s22] =	ssyncadd.s32 $0xFFFFC000  }
0x77: {  	_ =	swait.ge [sflag:s29], $0x4000  }
0x78: {  	[sflag:s29] =	ssyncset.done $0x0  }
0x79: {  	[sflag:s29] =	ssyncadd.s32 $0xFFFFC000  }
0x7a: {  	_ =	swait.ge [sflag:s30], $0x4000  }
0x7b: {  	[sflag:s30] =	ssyncset.done $0x0  }
0x7c: {  	s15 =	simm.s32 $0x0;
	[sflag:s30] =	ssyncadd.s32 $0xFFFFC000  }
0x7d: {  	v9 =	vld [tilespmem:s15+$0x200]  }
0x7e: {  	v14 =	vld [tilespmem:s15+$0x210]  }
0x7f: {  	v8 =	vld [tilespmem:s15+$0x220]  }
0x80: {  	v7 =	vld [tilespmem:s15+$0x230]  }
0x81: {  	v6 =	vld [tilespmem:s15+$0x240]  }
0x82: {  	v5 =	vld [tilespmem:s15+$0x250]  }
0x83: {  	v4 =	vld [tilespmem:s15+$0x260]  }
0x84: {  	v3 =	vld [tilespmem:s15+$0x270]  }
0x85: {  	v15 =	vld [tilespmem:s15+$0x4200]  }
0x86: {  	v16 =	vld [tilespmem:s15+$0x4210]  }
0x87: {  	v13 =	vld [tilespmem:s15+$0x4220]  }
0x88: {  	v12 =	vld [tilespmem:s15+$0x4230]  }
0x89: {  	v11 =	vld [tilespmem:s15+$0x4240]  }
0x8a: {  	v10 =	vld [tilespmem:s15+$0x4250];
	v15 =	vadd.f32 v15, v9  }
0x8b: {  	s16 =	simm.s32 $0x200;
	v14 =	vadd.f32 v16, v14;
	v9 =	vld [tilespmem:s15+$0x4260]  }
.LBB2_5:
0x8c: {  	s17 =	sshra.s32 s16, $0x2;
	p0 =	sne.s32 s16, $0xFE00;
	v15 =	vmax.f32 v15, $0.0e+00;
	v8 =	vadd.f32 v13, v8;
	v13 =	vld [tilespmem:s15+$0x4270]  }
0x8d: {  	v16 =	vld [tilespmem:s17+$0x200];
	[tilespmem:s15+$0x4200] =	vst v15;
	v14 =	vmax.f32 v14, $0.0e+00;
	v7 =	vadd.f32 v12, v7  }
0x8e: {  	v17 =	vld [tilespmem:s17+$0x210];
	[tilespmem:s15+$0x4210] =	vst v14;
	v12 =	vmax.f32 v8, $0.0e+00;
	v6 =	vadd.f32 v11, v6  }
0x8f: {  	v8 =	vld [tilespmem:s17+$0x220];
	[tilespmem:s15+$0x4220] =	vst v12;
	v11 =	vmax.f32 v7, $0.0e+00;
	v5 =	vadd.f32 v10, v5  }
0x90: {  	v7 =	vld [tilespmem:s17+$0x230];
	[tilespmem:s15+$0x4230] =	vst v11;
	v10 =	vmax.f32 v6, $0.0e+00;
	v4 =	vadd.f32 v9, v4  }
0x91: {  	v6 =	vld [tilespmem:s17+$0x240];
	[tilespmem:s15+$0x4240] =	vst v10;
	v9 =	vmax.f32 v5, $0.0e+00;
	v3 =	vadd.f32 v13, v3  }
0x92: {  	v5 =	vld [tilespmem:s17+$0x250];
	[tilespmem:s15+$0x4250] =	vst v9;
	v9 =	vmax.f32 v4, $0.0e+00  }
0x93: {  	v4 =	vld [tilespmem:s17+$0x260];
	[tilespmem:s15+$0x4260] =	vst v9;
	v9 =	vmax.f32 v3, $0.0e+00  }
0x94: {  	v3 =	vld [tilespmem:s17+$0x270];
	[tilespmem:s15+$0x4270] =	vst v9;
	s15 =	smov.u32 s17  }
0x95: {  	v9 =	vld [tilespmem:s15+$0x4200]  }
0x96: {  	v14 =	vld [tilespmem:s15+$0x4210]  }
.Ltmp1:
0x97: {  	v13 =	vld [tilespmem:s15+$0x4220];
	(pc) =	sbr.rel @p0 .LBB2_5-.Ltmp1, $4  }
0x98: {  	v12 =	vld [tilespmem:s15+$0x4230]  }
0x99: {  	v11 =	vld [tilespmem:s15+$0x4240]  }
0x9a: {  	v15 =	vadd.f32 v9, v16;
	v10 =	vld [tilespmem:s15+$0x4250]  }
0x9b: {  	s16 =	sadd.s32 $0x200, s16;
	v14 =	vadd.f32 v14, v17;
	v9 =	vld [tilespmem:s15+$0x4260]  }
0x9c: {  	v15 =	vmax.f32 v15, $0.0e+00;
	v8 =	vadd.f32 v13, v8;
	v13 =	vld [tilespmem:s15+$0x4270]  }
0x9d: {  	[tilespmem:s15+$0x4200] =	vst v15;
	v14 =	vmax.f32 v14, $0.0e+00;
	v7 =	vadd.f32 v12, v7  }
0x9e: {  	[tilespmem:s15+$0x4210] =	vst v14;
	v8 =	vmax.f32 v8, $0.0e+00;
	v6 =	vadd.f32 v11, v6  }
0x9f: {  	[tilespmem:s15+$0x4220] =	vst v8;
	v7 =	vmax.f32 v7, $0.0e+00;
	v5 =	vadd.f32 v10, v5  }
0xa0: {  	[tilespmem:s15+$0x4230] =	vst v7;
	v6 =	vmax.f32 v6, $0.0e+00;
	v4 =	vadd.f32 v9, v4  }
0xa1: {  	s3 =	sadd.s32 s3, s13;
	[tilespmem:s15+$0x4240] =	vst v6;
	v5 =	vmax.f32 v5, $0.0e+00;
	v3 =	vadd.f32 v13, v3  }
0xa2: {  	s3 =	sadd.s32 $0x80, s3;
	[tilespmem:s15+$0x4250] =	vst v5;
	v4 =	vmax.f32 v4, $0.0e+00  }
0xa3: {  	s16 =	sshrl.u32 s3, $0x3;
	[tilespmem:s15+$0x4260] =	vst v4;
	v3 =	vmax.f32 v3, $0.0e+00  }
0xa4: {  	s17 =	simm.s32 $0x0;
	[tilespmem:s15+$0x4270] =	vst v3;
	s15 =	sadd.s32 s6, s16  }
0xa5: {  	[tilespmem:s24], [sflag:$0x3] =	stream.linear.gather [hbm4b:s15+s17], $0x80, $0x38;
	[tilespmem:$0x1FE00] =	vst v63  }
0xa6: {  	_ =	swait.ge [sflag:s22], $0x80  }
0xa7: {  	[sflag:s22] =	ssyncset.done $0x0  }
0xa8: {  	s16 =	sadd.s32 s7, s16;
	[sflag:s22] =	ssyncadd.s32 $0xFFFFFF80  }
0xa9: {  	[tilespmem:s26], [sflag:$0x3] =	stream.linear.gather [hbm4b:s16+s17], $0x80, $0x38;
	[tilespmem:$0x1FE00] =	vst v63  }
0xaa: {  	_ =	swait.ge [sflag:s22], $0x80  }
0xab: {  	[sflag:s22] =	ssyncset.done $0x0  }
0xac: {  	[sflag:s22] =	ssyncadd.s32 $0xFFFFFF80  }
0xad: {  	v3 =	vld [tilespmem:$0x80]  }
0xae: {  	v4 =	vld [tilespmem:$0x90]  }
0xaf: {  	v5 =	vld [tilespmem:$0xA0]  }
0xb0: {  	v6 =	vld [tilespmem:$0xB0]  }
0xb1: {  	v7 =	vld [tilespmem:$0xC0]  }
0xb2: {  	v8 =	vld [tilespmem:$0xD0];
	v3 =	vshll.u32 v3, $0x1  }
0xb3: {  	v9 =	vld [tilespmem:$0xE0];
	v4 =	vshll.u32 v4, $0x1;
	v3 =	vor.u32 v0, v3  }
0xb4: {  	[tilespmem:$0x80] =	vst v3;
	v3 =	vor.u32 v0, v4;
	v4 =	vshll.u32 v5, $0x1;
	v5 =	vld [tilespmem:$0xF0]  }
0xb5: {  	[tilespmem:$0x90] =	vst v3;
	v3 =	vor.u32 v0, v4;
	v4 =	vshll.u32 v6, $0x1  }
0xb6: {  	[tilespmem:$0xA0] =	vst v3;
	v3 =	vor.u32 v0, v4;
	v4 =	vshll.u32 v7, $0x1  }
0xb7: {  	[tilespmem:$0xB0] =	vst v3;
	v3 =	vor.u32 v0, v4;
	v4 =	vshll.u32 v8, $0x1  }
0xb8: {  	[tilespmem:$0xC0] =	vst v3;
	v3 =	vor.u32 v0, v4;
	v4 =	vshll.u32 v9, $0x1  }
0xb9: {  	s3 =	sshll.u32 s3, $0x7;
	[tilespmem:$0xD0] =	vst v3;
	v3 =	vor.u32 v0, v4;
	v4 =	vshll.u32 v5, $0x1  }
0xba: {  	s3 =	sadd.s32 s14, s3;
	[tilespmem:$0xE0] =	vst v3;
	v3 =	vor.u32 v0, v4  }
0xbb: {  	s3 =	sshrl.u32 s3, $0x3;
	[tilespmem:$0xF0] =	vst v3  }
0xbc: {  	[tilespmem:s21], [sflag:$0x1] =	stream.indirect.gather [hbm4b:s4+s24], $0x80, s24, s24, $0xb8;
	[tilespmem:$0x1FE00] =	vst v63  }
0xbd: {  	s3 =	sadd.s32 s5, s3  }
0xbe: {  	[tilespmem:s28], [sflag:$0x2] =	stream.linear.gather [hbm4b:s3+s17], $0x4000, $0x38;
	[tilespmem:$0x1FE00] =	vst v63  }
0xbf: {  	_ = 	snop  }
0xc0: {  	[spmem:s1] =	stream.indirect.scatter.add.f32 [tilespmem:s25], [sflag:$0x3], $0x80, s23, s24, $0xb8;
	[tilespmem:$0x1FE00] =	vst v63  }
0xc1: {  	_ =	swait.ge [sflag:s22], $0x4000  }
0xc2: {  	[sflag:s22] =	ssyncset.done $0x0  }
0xc3: {  	[sflag:s22] =	ssyncadd.s32 $0xFFFFC000  }
0xc4: {  	_ =	swait.ge [sflag:s29], $0x4000  }
0xc5: {  	[sflag:s29] =	ssyncset.done $0x0  }
0xc6: {  	[sflag:s29] =	ssyncadd.s32 $0xFFFFC000  }
0xc7: {  	_ =	swait.ge [sflag:s30], $0x4000  }
0xc8: {  	[sflag:s30] =	ssyncset.done $0x0  }
0xc9: {  	s3 =	simm.s32 $0x0;
	[sflag:s30] =	ssyncadd.s32 $0xFFFFC000  }
0xca: {  	v9 =	vld [tilespmem:s3+$0x200]  }
0xcb: {  	v14 =	vld [tilespmem:s3+$0x210]  }
0xcc: {  	v8 =	vld [tilespmem:s3+$0x220]  }
0xcd: {  	v7 =	vld [tilespmem:s3+$0x230]  }
0xce: {  	v6 =	vld [tilespmem:s3+$0x240]  }
0xcf: {  	v5 =	vld [tilespmem:s3+$0x250]  }
0xd0: {  	v4 =	vld [tilespmem:s3+$0x260]  }
0xd1: {  	v3 =	vld [tilespmem:s3+$0x270]  }
0xd2: {  	v15 =	vld [tilespmem:s3+$0x8200]  }
0xd3: {  	v16 =	vld [tilespmem:s3+$0x8210]  }
0xd4: {  	v13 =	vld [tilespmem:s3+$0x8220]  }
0xd5: {  	v12 =	vld [tilespmem:s3+$0x8230]  }
0xd6: {  	v11 =	vld [tilespmem:s3+$0x8240]  }
0xd7: {  	v10 =	vld [tilespmem:s3+$0x8250];
	v15 =	vadd.f32 v15, v9  }
0xd8: {  	s15 =	simm.s32 $0x200;
	v14 =	vadd.f32 v16, v14;
	v9 =	vld [tilespmem:s3+$0x8260]  }
.LBB2_7:
0xd9: {  	s16 =	sshra.s32 s15, $0x2;
	p0 =	sne.s32 s15, $0xFE00;
	v15 =	vmax.f32 v15, $0.0e+00;
	v8 =	vadd.f32 v13, v8;
	v13 =	vld [tilespmem:s3+$0x8270]  }
0xda: {  	v16 =	vld [tilespmem:s16+$0x200];
	[tilespmem:s3+$0x8200] =	vst v15;
	v14 =	vmax.f32 v14, $0.0e+00;
	v7 =	vadd.f32 v12, v7  }
0xdb: {  	v17 =	vld [tilespmem:s16+$0x210];
	[tilespmem:s3+$0x8210] =	vst v14;
	v12 =	vmax.f32 v8, $0.0e+00;
	v6 =	vadd.f32 v11, v6  }
0xdc: {  	v8 =	vld [tilespmem:s16+$0x220];
	[tilespmem:s3+$0x8220] =	vst v12;
	v11 =	vmax.f32 v7, $0.0e+00;
	v5 =	vadd.f32 v10, v5  }
0xdd: {  	v7 =	vld [tilespmem:s16+$0x230];
	[tilespmem:s3+$0x8230] =	vst v11;
	v10 =	vmax.f32 v6, $0.0e+00;
	v4 =	vadd.f32 v9, v4  }
0xde: {  	v6 =	vld [tilespmem:s16+$0x240];
	[tilespmem:s3+$0x8240] =	vst v10;
	v9 =	vmax.f32 v5, $0.0e+00;
	v3 =	vadd.f32 v13, v3  }
0xdf: {  	v5 =	vld [tilespmem:s16+$0x250];
	[tilespmem:s3+$0x8250] =	vst v9;
	v9 =	vmax.f32 v4, $0.0e+00  }
0xe0: {  	v4 =	vld [tilespmem:s16+$0x260];
	[tilespmem:s3+$0x8260] =	vst v9;
	v9 =	vmax.f32 v3, $0.0e+00  }
0xe1: {  	v3 =	vld [tilespmem:s16+$0x270];
	[tilespmem:s3+$0x8270] =	vst v9;
	s3 =	smov.u32 s16  }
0xe2: {  	v9 =	vld [tilespmem:s3+$0x8200]  }
0xe3: {  	v14 =	vld [tilespmem:s3+$0x8210]  }
.Ltmp2:
0xe4: {  	v13 =	vld [tilespmem:s3+$0x8220];
	(pc) =	sbr.rel @p0 .LBB2_7-.Ltmp2, $4  }
0xe5: {  	v12 =	vld [tilespmem:s3+$0x8230]  }
0xe6: {  	v11 =	vld [tilespmem:s3+$0x8240]  }
0xe7: {  	v15 =	vadd.f32 v9, v16;
	v10 =	vld [tilespmem:s3+$0x8250]  }
0xe8: {  	s15 =	sadd.s32 $0x200, s15;
	v14 =	vadd.f32 v14, v17;
	v9 =	vld [tilespmem:s3+$0x8260]  }
0xe9: {  	v15 =	vmax.f32 v15, $0.0e+00;
	v8 =	vadd.f32 v13, v8;
	v63 =	vld [tilespmem:s3+$0x8270]  }
0xea: {  	[tilespmem:s3+$0x8200] =	vst v15;
	v14 =	vmax.f32 v14, $0.0e+00;
	v7 =	vadd.f32 v12, v7  }
0xeb: {  	s0 =	sadd.s32 $0x1, s0;
	[tilespmem:s3+$0x8210] =	vst v14;
	v8 =	vmax.f32 v8, $0.0e+00;
	v6 =	vadd.f32 v11, v6  }
0xec: {  	p0 =	sne.s32 s0, $0x28;
	[tilespmem:s3+$0x8220] =	vst v8;
	v7 =	vmax.f32 v7, $0.0e+00;
	v5 =	vadd.f32 v10, v5  }
.Ltmp3:
0xed: {  	[tilespmem:s3+$0x8230] =	vst v7;
	v6 =	vmax.f32 v6, $0.0e+00;
	v4 =	vadd.f32 v9, v4;
	(pc) =	sbr.rel @p0 .LBB2_4-.Ltmp3, $4  }
0xee: {  	[tilespmem:s3+$0x8240] =	vst v6;
	v5 =	vmax.f32 v5, $0.0e+00;
	v3 =	vadd.f32 v63, v3  }
0xef: {  	[tilespmem:s3+$0x8250] =	vst v5;
	v4 =	vmax.f32 v4, $0.0e+00  }
0xf0: {  	[tilespmem:s3+$0x8260] =	vst v4;
	v3 =	vmax.f32 v3, $0.0e+00  }
0xf1: {  	[tilespmem:s3+$0x8270] =	vst v3  }
0xf2: {  	[spmem:s1] =	stream.indirect.scatter.add.f32 [tilespmem:s28], [sflag:$0x3], $0x80, s26, s24, $0xb8;
	[tilespmem:$0x1FE00] =	vst v63  }
0xf3: {  	_ =	swait.ge [sflag:s22], $0x4000  }
0xf4: {  	[sflag:s22] =	ssyncset.done $0x0  }
0xf5: {  	s0 =	stileid.u32;
	[sflag:s22] =	ssyncadd.s32 $0xFFFFC000  }
0xf6: {  	s0 =	sshll.u32 s0, $0x6;
	[bflag:$0x0] =	sbarrier.arrive $0xFFFF  }
0xf7: {  	s3 =	sshrl.u32 s8, $0x3;
	s0 =	sor.u32 $0x1C03, s0;
	s15 =	rddreg [dreg:$0x3]  }
0xf8: {  	[hbm:s15], [sflag:s0] =	dma.local [spmem:s3], $0x800  }
0xf9: {  	_ =	swait.ge [sflag:s22], $0x800  }
0xfa: {  	[sflag:s22] =	ssyncset.done $0x0  }
0xfb: {  	s16 =	sshrl.u32 s9, $0x3;
	s17 =	rddreg [dreg:$0x4];
	[sflag:s22] =	ssyncadd.s32 $0xFFFFF800  }
0xfc: {  	[hbm:s17], [sflag:s0] =	dma.local [spmem:s16], $0x800  }
0xfd: {  	_ =	swait.ge [sflag:s22], $0x800  }
0xfe: {  	[sflag:s22] =	ssyncset.done $0x0  }
0xff: {  	s16 =	sshrl.u32 s10, $0x3;
	s17 =	rddreg [dreg:$0x5];
	[sflag:s22] =	ssyncadd.s32 $0xFFFFF800  }
0x100: {  	[hbm:s17], [sflag:s0] =	dma.local [spmem:s16], $0x800  }
0x101: {  	_ =	swait.ge [sflag:s22], $0x800  }
0x102: {  	[sflag:s22] =	ssyncset.done $0x0  }
0x103: {  	s16 =	sshrl.u32 s11, $0x3;
	[sflag:s22] =	ssyncadd.s32 $0xFFFFF800  }
0x104: {  	[hbm:s18], [sflag:s0] =	dma.local [spmem:s16], $0x800  }
0x105: {  	s2 =	sadd.s32 $0x1, s2;
	_ =	swait.ge [sflag:s22], $0x800  }
0x106: {  	p0 =	sne.s32 s2, s20;
	[sflag:s22] =	ssyncset.done $0x0  }
.Ltmp4:
0x107: {  	s17 =	sshrl.u32 s12, $0x3;
	[sflag:s22] =	ssyncadd.s32 $0xFFFFF800;
	(pc) =	sbr.rel @p0 .LBB2_1-.Ltmp4, $4  }
0x108: {  	[hbm:s19], [sflag:s0] =	dma.local [spmem:s17], $0x780  }
0x109: {  	_ =	swait.ge [sflag:s22], $0x780  }
0x10a: {  	[sflag:s22] =	ssyncset.done $0x0  }
0x10b: {  	[sflag:s22] =	ssyncadd.s32 $0xFFFFF880  }
0x10c: {  	_ =	sfence.sel $0x180000  }
0x10d: {  	[bflag:$0x0] =	sbarrier.arrive $0xFFFF  }
0x10e: {  	_ =	strace $0x9000004D  }
0x10f: {  	s0 =	stileid.u32;
	[bflag:$0x2] =	sbarrier.arrive $0xFFFF  }
0x110: {  	p0 =	sne.s32 s0, $0x0;
	s0 =	rddreg [dreg:$0x2]  }
0x111: {  	s0 =	sadd.s32 @!p0 $0x100000, s0  }
0x112: {  	[sflag:s0] =	ssyncadd.tile.s32 @!p0 $0x1;
	_ =	shalt  }
.Lfunc_end2:
_tile_overlayer_lowered:
.L_overlay_start_2:
0x113: {  	(tag) =	ssettag $0x2  }
0x114: {  	s0 =	rddreg [dreg:$0x0];
	s2 =	stileid.u32  }
0x115: {  	s1 =	rddreg [dreg:$0x1];
	p0 =	sne.s32 s2, $0x0  }
0x116: {  	s3 =	rddreg [dreg:$0x2];
	[bflag:$0x3] =	sbarrier.arrive $0xFFFF;
	s2 =	simm.s32 @!p0 $0x1C03  }
0x117: {  	[timem:s3], [sflag:s2] =	dma.local @!p0 [hbm:s0], s1  }
0x118: {  	s0 =	simm.s32 @!p0 $0x3  }
0x119: {  	_ =	swait.ge @!p0 [sflag:s0], s1  }
0x11a: {  	s1 =	ssub.s32 @!p0 $0x0, s1;
	[sflag:s0] =	ssyncset.done @!p0 $0x0  }
0x11b: {  	[sflag:s0] =	ssyncadd.s32 @!p0 s1  }
0x11c: {  	[bflag:$0x3] =	sbarrier.arrive $0xFFFF  }
0x11d: {  	_ =	shalt  }

// kernel: kernel.7.cloned.1.call-start
scs
__scs_entry_jumppad:
0x0: {  	(pc) =	sbr.rel $0x88, $3  }
0x1: {  	(tag) =	ssettag $0x0;
	lr =	simm.s32 $0x1  }
0x2: {  	[smem:$0x3F88] =	sst lr;
	_ =	strace $0xD0000000  }
0x3: {  	_ = 	snop  }
0x4: {  	_ = 	snop  }
0x5: {  	_ = 	snop  }
0x6: {  	_ = 	snop  }
0x7: {  	_ = 	snop  }
__scs_overlays_trampoline_lowered:
0x8: {  	[smem:$0x3F97] =	sst s0  }
0x9: {  	[smem:$0x3F98] =	sst s1  }
0xa: {  	[smem:$0x3F99] =	sst s2  }
0xb: {  	[smem:$0x3F9A] =	sst s3  }
0xc: {  	[smem:$0x3F9B] =	sst s4  }
0xd: {  	[smem:$0x3F9C] =	sst s5  }
0xe: {  	[smem:$0x3F9D] =	sst s6  }
0xf: {  	[smem:$0x3F9E] =	sst s7  }
0x10: {  	[smem:$0x3F9F] =	sst s8  }
0x11: {  	[smem:$0x3FA0] =	sst s9;
	s0 =	simm.s32 @!p0 $0x0  }
0x12: {  	s1 =	sld [smem:$0x3F86];
	s0 =	simm.s32 @p0 $0x1  }
0x13: {  	[smem:$0x3FA1] =	sst s0;
	s0 =	simm.s32 @!p1 $0x0  }
0x14: {  	s2 =	sld [smem:$0x3F85];
	s0 =	simm.s32 @p1 $0x1  }
0x15: {  	[smem:$0x3FA2] =	sst s0;
	s0 =	simm.s32 @!p2 $0x0  }
0x16: {  	s3 =	sld [smem:$0x3FDB];
	s0 =	simm.s32 @p2 $0x1  }
0x17: {  	s4 =	simm.s32 $0x1BF5;
	[smem:$0x3FA4] =	sst s0  }
0x18: {  	s0 =	sld [smem:$0x3F87];
	_ =	swait.ge [sflag:s4], $0x0  }
0x19: {  	s7 =	sld [smem:$0x3F88]  }
0x1a: {  	s8 =	sadd.s32 $0xFFFFE003, lr  }
0x1b: {  	s9 =	sadd.s32 $0xFFFFFEF7, lr;
	s5 =	simm.s32 $0xFFFFFFFF;
	p2 =	slt.u32 s8, $0xFFFFF086  }
0x1c: {  	p1 =	slt.u32 s9, $0xF7A;
	s5 =	simm.s32 @!p2 $0x0  }
0x1d: {  	s5 =	simm.s32 @p1 $0x1;
	p0 =	seq.s32 s7, s2  }
0x1e: {  	s7 =	smul.u32 @!p0 $0xF7A, s2;
	p2 =	seq.s32 @!p0 s5, $0x0  }
0x1f: {  	s9 =	smul.u32 $0xF7A, s1;
	s8 =	simm.s32 @!p0 $0x1BF5;
	p2 =	por !p2, p0  }
0x20: {  	[sflag:s8] =	ssyncset.s32 @!p0 $0xFFFFF086;
	s6 =	sadd.s32 @!p0 s3, s7;
	s7 =	simm.s32 @!p0 $0x108  }
0x21: {  	s3 =	sadd.s32 s3, s9;
	s6 =	sadd.s32 @!p0 $0x88, s6;
	s7 =	simm.s32 @p2 $0x1082  }
0x22: {  	[simem:s7], [sflag:s8] =	dma.local @!p0 [hbm:s6], $0xF7A  }
0x23: {  	s9 =	sor.u32 $0xD0000000, s2;
	s6 =	simm.s32 $0x108;
	_ =	swait.ge @!p0 [sflag:s8], $0x0  }
0x24: {  	s3 =	sadd.s32 $0x88, s3;
	s6 =	simm.s32 @!p1 $0x1082;
	[sflag:s4] =	ssyncset.s32 $0xFFFFF086  }
0x25: {  	[simem:s6], [sflag:s4] =	dma.local [hbm:s3], $0xF7A  }
0x26: {  	[smem:$0x3F88] =	sst s1;
	(tag) =	ssettag s2;
	_ =	strace s9  }
0x27: {  	s1 =	sld [smem:$0x3F98]  }
0x28: {  	s2 =	sld [smem:$0x3F99]  }
0x29: {  	s4 =	sld [smem:$0x3F9B]  }
0x2a: {  	p0 =	seq.s32 s5, $0x0;
	s5 =	sld [smem:$0x3F9C]  }
0x2b: {  	s6 =	sld [smem:$0x3F9D]  }
0x2c: {  	s7 =	sld [smem:$0x3F9E]  }
0x2d: {  	s3 =	simm.s32 $0x108;
	s8 =	sld [smem:$0x3F9F]  }
0x2e: {  	s3 =	simm.s32 @!p0 $0x1082;
	s9 =	sld [smem:$0x3FA0]  }
0x2f: {  	lr =	sadd.s32 s0, s3;
	s0 =	sld [smem:$0x3F97]  }
0x30: {  	s3 =	sld [smem:$0x3F9A]  }
0x31: {  	[smem:$0x3FA3] =	sst s10  }
0x32: {  	s10 =	sld [smem:$0x3FA1];
	_ =	sdelay $0x3  }
0x33: {  	p0 =	seq.s32 s10, $0x1;
	s10 =	sld [smem:$0x3FA3];
	_ =	sdelay $0x3  }
0x34: {  	[smem:$0x3FA3] =	sst s10  }
0x35: {  	s10 =	sld [smem:$0x3FA2];
	_ =	sdelay $0x3  }
0x36: {  	p1 =	seq.s32 s10, $0x1;
	s10 =	sld [smem:$0x3FA3];
	_ =	sdelay $0x3  }
0x37: {  	[smem:$0x3FA3] =	sst s10  }
0x38: {  	s10 =	sld [smem:$0x3FA4]  }
0x39: {  	_ = 	snop;
	(pc) =	sbr.ind lr, $3  }
0x3a: {  	_ = 	snop  }
0x3b: {  	_ = 	snop  }
0x3c: {  	p2 =	seq.s32 s10, $0x1;
	s10 =	sld [smem:$0x3FA3]  }
0x3d: {  	_ =	shalt  }
0x3e: {  	_ =	shalt  }
0x3f: {  	_ =	shalt  }
0x40: {  	_ =	shalt  }
0x41: {  	_ =	shalt  }
0x42: {  	_ =	shalt  }
0x43: {  	_ =	shalt  }
0x44: {  	_ =	shalt  }
0x45: {  	_ =	shalt  }
0x46: {  	_ =	shalt  }
0x47: {  	_ =	shalt  }
0x48: {  	_ =	shalt  }
0x49: {  	_ =	shalt  }
0x4a: {  	_ =	shalt  }
0x4b: {  	_ =	shalt  }
0x4c: {  	_ =	shalt  }
0x4d: {  	_ =	shalt  }
0x4e: {  	_ =	shalt  }
0x4f: {  	_ =	shalt  }
0x50: {  	_ =	shalt  }
0x51: {  	_ =	shalt  }
0x52: {  	_ =	shalt  }
0x53: {  	_ =	shalt  }
0x54: {  	_ =	shalt  }
0x55: {  	_ =	shalt  }
0x56: {  	_ =	shalt  }
0x57: {  	_ =	shalt  }
0x58: {  	_ =	shalt  }
0x59: {  	_ =	shalt  }
0x5a: {  	_ =	shalt  }
0x5b: {  	_ =	shalt  }
0x5c: {  	_ =	shalt  }
0x5d: {  	_ =	shalt  }
0x5e: {  	_ =	shalt  }
0x5f: {  	_ =	shalt  }
0x60: {  	_ =	shalt  }
0x61: {  	_ =	shalt  }
0x62: {  	_ =	shalt  }
0x63: {  	_ =	shalt  }
0x64: {  	_ =	shalt  }
0x65: {  	_ =	shalt  }
0x66: {  	_ =	shalt  }
0x67: {  	_ =	shalt  }
0x68: {  	_ =	shalt  }
0x69: {  	_ =	shalt  }
0x6a: {  	_ =	shalt  }
0x6b: {  	_ =	shalt  }
0x6c: {  	_ =	shalt  }
0x6d: {  	_ =	shalt  }
0x6e: {  	_ =	shalt  }
0x6f: {  	_ =	shalt  }
0x70: {  	_ =	shalt  }
0x71: {  	_ =	shalt  }
0x72: {  	_ =	shalt  }
0x73: {  	_ =	shalt  }
0x74: {  	_ =	shalt  }
0x75: {  	_ =	shalt  }
0x76: {  	_ =	shalt  }
0x77: {  	_ =	shalt  }
0x78: {  	_ =	shalt  }
0x79: {  	_ =	shalt  }
0x7a: {  	_ =	shalt  }
0x7b: {  	_ =	shalt  }
0x7c: {  	_ =	shalt  }
0x7d: {  	_ =	shalt  }
0x7e: {  	_ =	shalt  }
0x7f: {  	_ =	shalt  }
0x80: {  	_ =	shalt  }
0x81: {  	_ =	shalt  }
0x82: {  	_ =	shalt  }
0x83: {  	_ =	shalt  }
0x84: {  	_ =	shalt  }
0x85: {  	_ =	shalt  }
0x86: {  	_ =	shalt  }
0x87: {  	_ =	shalt  }
.Lfunc_end0:
.L_simem_size_0:
called_computation_lowered:
.L_overlay_start_0:
0x88: {  	s2 =	sld [smem:$0x3FD9]  }
0x89: {  	s3 =	sld [smem:$0x3FFE];
	_ =	sdelay $0x1  }
0x8a: {  	s1 =	srdreg.scid  }
0x8b: {  	s0 =	sand.u32 $0x1, s1  }
0x8c: {  	s16 =	sshll.u32 s0, $0xA;
	s2 =	sadd.s32 s3, s2  }
0x8d: {  	s2 =	sadd.s32 s2, s16  }
0x8e: {  	[smem:$0x3FAF] =	sst s2  }
0x8f: {  	_ = 	snop  }
0x90: {  	(tm) =	ssettm $0x1  }
0x91: {  	s17 =	sld [smem:$0x3FFB];
	_ =	sdelay $0x3  }
0x92: {  	_ =	strace s17  }
0x93: {  	s2 =	sld [smem:$0x3FFC];
	_ =	sdelay $0x3  }
0x94: {  	_ =	strace s2  }
0x95: {  	s2 =	sld [smem:$0x3FFD];
	_ =	sdelay $0x3  }
0x96: {  	_ =	strace s2  }
0x97: {  	_ =	strace $0x8FFFFFFF  }
0x98: {  	s18 =	sld [smem:$0x3FDB];
	_ =	sdelay $0x1  }
0x99: {  	s19 =	simm.s32 $_scs_section_size  }
0x9a: {  	s4 =	simm.s32 $_size__tile_overlayer_lowered;
	s5 =	simm.s32 $_tile_overlayer_lowered  }
0x9b: {  	s22 =	simm.s32 $0x1BFF;
	s21 =	sshll.u32 s5, $0x1;
	s2 =	sadd.s32 s19, s18  }
0x9c: {  	s6 =	simm.s32 $0x0;
	s20 =	sshll.u32 s4, $0x1;
	s4 =	sadd.s32 s21, s2  }
0x9d: {  	[timem:s6], [sflag:s22] =	dma.local [hbm:s4], s20  }
0x9e: {  	_ =	swait.ge [sflag:s22], s20  }
0x9f: {  	s3 =	ssub.s32 $0x0, s20;
	[sflag:s22] =	ssyncset.done $0x0  }
0xa0: {  	[sflag:s22] =	ssyncadd.s32 s3;
	_ =	sdelay $0x1  }
0xa1: {  	s23 =	simm.s32 $0x1B8B  }
0xa2: {  	_ =	swait.ge [sflag:s23], $0x1  }
0xa3: {  	[sflag:s23] =	ssyncset.done $0x0  }
0xa4: {  	s25 =	simm.s32 $0x1B8E;
	s24 =	sld [smem:$0x3FFE];
	[sflag:s23] =	ssyncadd.s32 $0xFFFFFFFF  }
0xa5: {  	s26 =	simm.s32 $execute0_lowered;
	[smem:$0x3FD2] =	sst s25  }
0xa6: {  	s4 =	sshll.u32 s26, $0x1;
	_ =	strace $0x80000046;
	[dreg:$0x1] =	wrdreg $0xFFFFFFFF  }
0xa7: {  	s28 =	simm.s32 $_size_execute0_lowered;
	s2 =	sadd.s32 s2, s4;
	[dreg:$0x0] =	wrdreg $0x0  }
0xa8: {  	s4 =	sshll.u32 s28, $0x1;
	[dreg:$0x2] =	wrdreg s2  }
0xa9: {  	[dreg:$0x3] =	wrdreg s4  }
0xaa: {  	[dreg:$0x4] =	wrdreg $0xC0  }
0xab: {  	_ =	task [dreg:s6], $0x5FFFF  }
0xac: {  	[dreg:$0x1] =	wrdreg $0xFFFFFFFF  }
0xad: {  	[dreg:$0x0] =	wrdreg $0x60  }
0xae: {  	[dreg:$0x2] =	wrdreg s24  }
0xaf: {  	[dreg:$0x3] =	wrdreg $0xC2000  }
0xb0: {  	[dreg:$0x4] =	wrdreg $0x9  }
0xb1: {  	_ =	task.clear_ibuf [dreg:s6], $0x5FFFF;
	_ =	strace $0x90000046  }
0xb2: {  	s29 =	simm.s32 $0x9;
	_ =	strace $0x80000048  }
0xb3: {  	_ =	swait.ge [sflag:s29], $0x1  }
0xb4: {  	[sflag:s29] =	ssyncadd.s32 $0xFFFFFFFF  }
0xb5: {  	_ =	strace $0x90000048  }
0xb6: {  	_ =	sfence  }
0xb7: {  	s30 =	sld [smem:$0x0];
	_ =	sdelay $0x2  }
0xb8: {  	s31 =	sshll.u32 s1, $0xD;
	s1 =	sshrl.u32 s1, $0x2  }
0xb9: {  	s3 =	sand.u32 $0x4000, s31;
	s1 =	sadd.s32 s1, s30  }
0xba: {  	s0 =	sor.u32 s3, s0;
	s1 =	sshll.u32 s1, $0x11  }
0xbb: {  	s0 =	sor.u32 s1, s0  }
0xbc: {  	s0 =	sadd.s32 $0x8F2B, s0  }
0xbd: {  	[sflag:s0] =	ssyncadd.remote.s32 $0x1  }
0xbe: {  	_ =	sfence.sel $0xFFFF  }
0xbf: {  	[dreg:$0x0] =	wrdreg $0xFFFFFFFF;
	(pc) =	sbr.abs _section_cstart, $3  }
0xc0: {  	[dreg:$0x1] =	wrdreg $0xFFFFFFFF  }
0xc1: {  	_ =	task.clear_ibuf [dreg:s6], $0x2FFFF;
	_ =	strace $0x9FFFFFFF  }
0xc2: {  	(tm) =	ssettm $0x7FFFFFFF  }
0xc3: {  	_ =	shalt  }
tec
execute0_lowered:
.L_overlay_start_1:
0x0: {  	(tag) =	ssettag $0x1  }
0x1: {  	s0 =	rddreg [dreg:$0x0]  }
0x2: {  	s1 =	rddreg [dreg:$0x1];
	s2 =	simm.s32 $0x0  }
0x3: {  	s3 =	srdreg.scid;
	s13 =	stileid.u32;
	s22 =	simm.s32 $0x3  }
0x4: {  	s23 =	simm.s32 $0x100;
	s24 =	simm.s32 $0x80;
	s28 =	simm.s32 $0x8200  }
0x5: {  	s29 =	simm.s32 $0x1;
	s30 =	simm.s32 $0x2;
	s31 =	simm.s32 $0x0  }
0x6: {  	[smem:$0x7FF] =	sst s2;
	s4 =	sadd.s32 $0x2E00, s0;
	s5 =	sadd.s32 $0x5B000, s0  }
0x7: {  	s3 =	sand.u32 $0x1, s3;
	s8 =	smul.u32 $0x4F000, s13;
	s6 =	sadd.s32 $0x51000, s0  }
0x8: {  	s14 =	smul.u32 $0x13C00, s13;
	s7 =	sadd.s32 $0x56000, s0;
	s0 =	sadd.s32 $0x55B000, s0  }
0x9: {  	s13 =	smul.u32 $0x2800, s13;
	_ =	strace $0x80000047;
	s9 =	ssub.s32 $0x2, s3  }
0xa: {  	s20 =	smul.u32 $0x13C000, s3;
	s10 =	sshrl.u32 s9, $0x1;
	s8 =	sshrl.u32 s8, $0x2  }
0xb: {  	s16 =	sadd.s32 $0x4000, s14;
	s17 =	sadd.s32 $0x8000, s14;
	s18 =	sadd.s32 $0xC000, s14  }
0xc: {  	s19 =	sadd.s32 $0x10000, s14;
	s15 =	ssub.s32 s9, s10;
	s8 =	sadd.s32 s8, s1  }
0xd: {  	s9 =	sadd.s32 s16, s1;
	s10 =	sadd.s32 s17, s1;
	s11 =	sadd.s32 s18, s1  }
0xe: {  	s12 =	sadd.s32 s19, s1;
	s21 =	sadd.s32 s14, s20;
	s16 =	sadd.s32 s20, s16  }
0xf: {  	s14 =	smul.u32 $0x1400000, s3;
	s25 =	sadd.s32 s20, s17;
	s18 =	sadd.s32 s20, s18  }
0x10: {  	s19 =	sadd.s32 s20, s19;
	s21 =	sshrl.u32 s21, $0x3;
	s16 =	sshrl.u32 s16, $0x3  }
0x11: {  	s26 =	sshrl.u32 s18, $0x3;
	s19 =	sshrl.u32 s19, $0x3;
	s20 =	smax.u32 s15, $0x1  }
0x12: {  	s21 =	sadd.s32 s0, s21;
	s16 =	sadd.s32 s0, s16;
	s18 =	sadd.s32 s0, s26  }
0x13: {  	s19 =	sadd.s32 s0, s19;
	[dreg:$0x4] =	wrdreg s16;
	s16 =	sshrl.u32 s25, $0x3  }
0x14: {  	s26 =	simm.s32 $0x180;
	[dreg:$0x3] =	wrdreg s21;
	s16 =	sadd.s32 s0, s16  }
0x15: {  	v1 =	vimm.f32 $0.0e+00;
	v2 =	vimm.s32 $0x2710;
	v0 =	vmov s3;
	s21 =	simm.s32 $0x200;
	s25 =	simm.s32 $0x4200;
	[dreg:$0x5] =	wrdreg s16  }
.LBB2_1:
0x16: {  	s0 =	simm.s32 $0x0;
	s3 =	simm.s32 $0x200  }
.LBB2_2:
0x17: {  	p0 =	sne.s32 s3, $0xFE00;
	[tilespmem:s0+$0x8270] =	vst v1  }
0x18: {  	[tilespmem:s0+$0x200] =	vst v1  }
0x19: {  	[tilespmem:s0+$0x8200] =	vst v1  }
0x1a: {  	[tilespmem:s0+$0x210] =	vst v1  }
0x1b: {  	[tilespmem:s0+$0x8210] =	vst v1  }
0x1c: {  	[tilespmem:s0+$0x220] =	vst v1  }
0x1d: {  	[tilespmem:s0+$0x8220] =	vst v1  }
0x1e: {  	[tilespmem:s0+$0x230] =	vst v1  }
0x1f: {  	[tilespmem:s0+$0x8230] =	vst v1  }
0x20: {  	[tilespmem:s0+$0x240] =	vst v1  }
0x21: {  	[tilespmem:s0+$0x8240] =	vst v1  }
.Ltmp0:
0x22: {  	[tilespmem:s0+$0x250] =	vst v1;
	(pc) =	sbr.rel @p0 .LBB2_2-.Ltmp0, $4  }
0x23: {  	[tilespmem:s0+$0x8250] =	vst v1  }
0x24: {  	[tilespmem:s0+$0x260] =	vst v1  }
0x25: {  	[tilespmem:s0+$0x8260] =	vst v1  }
0x26: {  	[tilespmem:s0+$0x270] =	vst v1;
	s0 =	sshra.s32 s3, $0x2;
	s3 =	sadd.s32 $0x200, s3  }
0x27: {  	[tilespmem:s0+$0x8270] =	vst v1  }
0x28: {  	[tilespmem:s0+$0x200] =	vst v1  }
0x29: {  	[tilespmem:s0+$0x8200] =	vst v1  }
0x2a: {  	[tilespmem:s0+$0x210] =	vst v1  }
0x2b: {  	[tilespmem:s0+$0x8210] =	vst v1  }
0x2c: {  	[tilespmem:s0+$0x220] =	vst v1  }
0x2d: {  	[tilespmem:s0+$0x8220] =	vst v1  }
0x2e: {  	[tilespmem:s0+$0x230] =	vst v1  }
0x2f: {  	[tilespmem:s0+$0x8230] =	vst v1  }
0x30: {  	[tilespmem:s0+$0x240] =	vst v1  }
0x31: {  	[tilespmem:s0+$0x8240] =	vst v1  }
0x32: {  	[tilespmem:s0+$0x250] =	vst v1  }
0x33: {  	[tilespmem:s0+$0x8250] =	vst v1  }
0x34: {  	[tilespmem:s0+$0x260] =	vst v1  }
0x35: {  	[tilespmem:s0+$0x8260] =	vst v1  }
0x36: {  	[tilespmem:s0+$0x270] =	vst v1  }
0x37: {  	[tilespmem:$0x180] =	vst v2  }
0x38: {  	[tilespmem:$0x190] =	vst v2  }
0x39: {  	[tilespmem:$0x1A0] =	vst v2  }
0x3a: {  	[tilespmem:$0x1B0] =	vst v2  }
0x3b: {  	[tilespmem:$0x1C0] =	vst v2  }
0x3c: {  	[tilespmem:$0x1D0] =	vst v2  }
0x3d: {  	[tilespmem:$0x1E0] =	vst v2  }
0x3e: {  	[tilespmem:$0x1F0] =	vst v2  }
0x3f: {  	[spmem:s8] =	stream.linear.scatter [tilespmem:s21], [sflag:$0x3], $0x4000, $0x38;
	[tilespmem:$0x1FE00] =	vst v63  }
0x40: {  	_ =	swait.ge [sflag:s22], $0x4000  }
0x41: {  	[sflag:s22] =	ssyncset.done $0x0  }
0x42: {  	[sflag:s22] =	ssyncadd.s32 $0xFFFFC000  }
0x43: {  	[spmem:s9] =	stream.linear.scatter [tilespmem:s21], [sflag:$0x3], $0x4000, $0x38;
	[tilespmem:$0x1FE00] =	vst v63  }
0x44: {  	_ =	swait.ge [sflag:s22], $0x4000  }
0x45: {  	[sflag:s22] =	ssyncset.done $0x0  }
0x46: {  	[sflag:s22] =	ssyncadd.s32 $0xFFFFC000  }
0x47: {  	[spmem:s10] =	stream.linear.scatter [tilespmem:s21], [sflag:$0x3], $0x4000, $0x38;
	[tilespmem:$0x1FE00] =	vst v63  }
0x48: {  	_ =	swait.ge [sflag:s22], $0x4000  }
0x49: {  	[sflag:s22] =	ssyncset.done $0x0  }
0x4a: {  	[sflag:s22] =	ssyncadd.s32 $0xFFFFC000  }
0x4b: {  	[spmem:s11] =	stream.linear.scatter [tilespmem:s21], [sflag:$0x3], $0x4000, $0x38;
	[tilespmem:$0x1FE00] =	vst v63  }
0x4c: {  	_ =	swait.ge [sflag:s22], $0x4000  }
0x4d: {  	[sflag:s22] =	ssyncset.done $0x0  }
0x4e: {  	[sflag:s22] =	ssyncadd.s32 $0xFFFFC000  }
0x4f: {  	[spmem:s12] =	stream.linear.scatter [tilespmem:s21], [sflag:$0x3], $0x3C00, $0x38;
	[tilespmem:$0x1FE00] =	vst v63  }
0x50: {  	_ =	swait.ge [sflag:s22], $0x3C00  }
0x51: {  	[sflag:s22] =	ssyncset.done $0x0  }
0x52: {  	[sflag:s22] =	ssyncadd.s32 $0xFFFFC400  }
0x53: {  	s0 =	simm.s32 $0x0;
	[bflag:$0x0] =	sbarrier.arrive $0xFFFF  }
.LBB2_4:
0x54: {  	s3 =	sshll.u32 s0, $0x8  }
0x55: {  	s15 =	sadd.s32 s13, s3  }
0x56: {  	s16 =	sshrl.u32 s15, $0x3  }
0x57: {  	s17 =	sadd.s32 s6, s16  }
0x58: {  	[tilespmem:s31], [sflag:$0x3] =	stream.linear.gather [hbm4b:s17+s31], $0x80, $0x38;
	[tilespmem:$0x1FE00] =	vst v63  }
0x59: {  	_ =	swait.ge [sflag:s22], $0x80  }
0x5a: {  	[sflag:s22] =	ssyncset.done $0x0  }
0x5b: {  	s16 =	sadd.s32 s7, s16;
	[sflag:s22] =	ssyncadd.s32 $0xFFFFFF80  }
0x5c: {  	[tilespmem:s23], [sflag:$0x3] =	stream.linear.gather [hbm4b:s16+s31], $0x80, $0x38;
	[tilespmem:$0x1FE00] =	vst v63  }
0x5d: {  	_ =	swait.ge [sflag:s22], $0x80  }
0x5e: {  	[sflag:s22] =	ssyncset.done $0x0  }
0x5f: {  	[sflag:s22] =	ssyncadd.s32 $0xFFFFFF80  }
0x60: {  	v3 =	vld [tilespmem:$0x0]  }
0x61: {  	v4 =	vld [tilespmem:$0x10]  }
0x62: {  	v5 =	vld [tilespmem:$0x20]  }
0x63: {  	v6 =	vld [tilespmem:$0x30]  }
0x64: {  	v7 =	vld [tilespmem:$0x40]  }
0x65: {  	v8 =	vld [tilespmem:$0x50];
	v3 =	vshll.u32 v3, $0x1  }
0x66: {  	v9 =	vld [tilespmem:$0x60];
	v4 =	vshll.u32 v4, $0x1;
	v3 =	vor.u32 v0, v3  }
0x67: {  	[tilespmem:$0x0] =	vst v3;
	v3 =	vor.u32 v0, v4;
	v4 =	vshll.u32 v5, $0x1;
	v5 =	vld [tilespmem:$0x70]  }
0x68: {  	[tilespmem:$0x10] =	vst v3;
	v3 =	vor.u32 v0, v4;
	v4 =	vshll.u32 v6, $0x1  }
0x69: {  	[tilespmem:$0x20] =	vst v3;
	v3 =	vor.u32 v0, v4;
	v4 =	vshll.u32 v7, $0x1  }
0x6a: {  	[tilespmem:$0x30] =	vst v3;
	v3 =	vor.u32 v0, v4;
	v4 =	vshll.u32 v8, $0x1  }
0x6b: {  	[tilespmem:$0x40] =	vst v3;
	v3 =	vor.u32 v0, v4;
	v4 =	vshll.u32 v9, $0x1  }
0x6c: {  	s15 =	sshll.u32 s15, $0x7;
	[tilespmem:$0x50] =	vst v3;
	v3 =	vor.u32 v0, v4;
	v4 =	vshll.u32 v5, $0x1  }
0x6d: {  	s15 =	sadd.s32 s14, s15;
	[tilespmem:$0x60] =	vst v3;
	v3 =	vor.u32 v0, v4  }
0x6e: {  	s15 =	sshrl.u32 s15, $0x3;
	[tilespmem:$0x70] =	vst v3  }
0x6f: {  	[tilespmem:s21], [sflag:$0x1] =	stream.indirect.gather [hbm4b:s4+s24], $0x80, s31, s24, $0xb8;
	[tilespmem:$0x1FE00] =	vst v63  }
0x70: {  	s15 =	sadd.s32 s5, s15  }
0x71: {  	[tilespmem:s25], [sflag:$0x2] =	stream.linear.gather [hbm4b:s15+s31], $0x4000, $0x38;
	[tilespmem:$0x1FE00] =	vst v63  }
0x72: {  	_ = 	snop  }
0x73: {  	[spmem:s1] =	stream.indirect.scatter.add.f32 [tilespmem:s28], [sflag:$0x3], $0x80, s26, s24, $0xb8;
	[tilespmem:$0x1FE00] =	vst v63  }
0x74: {  	_ =	swait.ge [sflag:s22], $0x4000  }
0x75: {  	[sflag:s22] =	ssyncset.done $0x0  }
0x76: {  	[sflag:s22] =	ssyncadd.s32 $0xFFFFC000  }
0x77: {  	_ =	swait.ge [sflag:s29], $0x4000  }
0x78: {  	[sflag:s29] =	ssyncset.done $0x0  }
0x79: {  	[sflag:s29] =	ssyncadd.s32 $0xFFFFC000  }
0x7a: {  	_ =	swait.ge [sflag:s30], $0x4000  }
0x7b: {  	[sflag:s30] =	ssyncset.done $0x0  }
0x7c: {  	s15 =	simm.s32 $0x0;
	[sflag:s30] =	ssyncadd.s32 $0xFFFFC000  }
0x7d: {  	v9 =	vld [tilespmem:s15+$0x200]  }
0x7e: {  	v14 =	vld [tilespmem:s15+$0x210]  }
0x7f: {  	v8 =	vld [tilespmem:s15+$0x220]  }
0x80: {  	v7 =	vld [tilespmem:s15+$0x230]  }
0x81: {  	v6 =	vld [tilespmem:s15+$0x240]  }
0x82: {  	v5 =	vld [tilespmem:s15+$0x250]  }
0x83: {  	v4 =	vld [tilespmem:s15+$0x260]  }
0x84: {  	v3 =	vld [tilespmem:s15+$0x270]  }
0x85: {  	v15 =	vld [tilespmem:s15+$0x4200]  }
0x86: {  	v16 =	vld [tilespmem:s15+$0x4210]  }
0x87: {  	v13 =	vld [tilespmem:s15+$0x4220]  }
0x88: {  	v12 =	vld [tilespmem:s15+$0x4230]  }
0x89: {  	v11 =	vld [tilespmem:s15+$0x4240]  }
0x8a: {  	v10 =	vld [tilespmem:s15+$0x4250];
	v15 =	vadd.f32 v15, v9  }
0x8b: {  	s16 =	simm.s32 $0x200;
	v14 =	vadd.f32 v16, v14;
	v9 =	vld [tilespmem:s15+$0x4260]  }
.LBB2_5:
0x8c: {  	s17 =	sshra.s32 s16, $0x2;
	p0 =	sne.s32 s16, $0xFE00;
	v15 =	vmax.f32 v15, $0.0e+00;
	v8 =	vadd.f32 v13, v8;
	v13 =	vld [tilespmem:s15+$0x4270]  }
0x8d: {  	v16 =	vld [tilespmem:s17+$0x200];
	[tilespmem:s15+$0x4200] =	vst v15;
	v14 =	vmax.f32 v14, $0.0e+00;
	v7 =	vadd.f32 v12, v7  }
0x8e: {  	v17 =	vld [tilespmem:s17+$0x210];
	[tilespmem:s15+$0x4210] =	vst v14;
	v12 =	vmax.f32 v8, $0.0e+00;
	v6 =	vadd.f32 v11, v6  }
0x8f: {  	v8 =	vld [tilespmem:s17+$0x220];
	[tilespmem:s15+$0x4220] =	vst v12;
	v11 =	vmax.f32 v7, $0.0e+00;
	v5 =	vadd.f32 v10, v5  }
0x90: {  	v7 =	vld [tilespmem:s17+$0x230];
	[tilespmem:s15+$0x4230] =	vst v11;
	v10 =	vmax.f32 v6, $0.0e+00;
	v4 =	vadd.f32 v9, v4  }
0x91: {  	v6 =	vld [tilespmem:s17+$0x240];
	[tilespmem:s15+$0x4240] =	vst v10;
	v9 =	vmax.f32 v5, $0.0e+00;
	v3 =	vadd.f32 v13, v3  }
0x92: {  	v5 =	vld [tilespmem:s17+$0x250];
	[tilespmem:s15+$0x4250] =	vst v9;
	v9 =	vmax.f32 v4, $0.0e+00  }
0x93: {  	v4 =	vld [tilespmem:s17+$0x260];
	[tilespmem:s15+$0x4260] =	vst v9;
	v9 =	vmax.f32 v3, $0.0e+00  }
0x94: {  	v3 =	vld [tilespmem:s17+$0x270];
	[tilespmem:s15+$0x4270] =	vst v9;
	s15 =	smov.u32 s17  }
0x95: {  	v9 =	vld [tilespmem:s15+$0x4200]  }
0x96: {  	v14 =	vld [tilespmem:s15+$0x4210]  }
.Ltmp1:
0x97: {  	v13 =	vld [tilespmem:s15+$0x4220];
	(pc) =	sbr.rel @p0 .LBB2_5-.Ltmp1, $4  }
0x98: {  	v12 =	vld [tilespmem:s15+$0x4230]  }
0x99: {  	v11 =	vld [tilespmem:s15+$0x4240]  }
0x9a: {  	v15 =	vadd.f32 v9, v16;
	v10 =	vld [tilespmem:s15+$0x4250]  }
0x9b: {  	s16 =	sadd.s32 $0x200, s16;
	v14 =	vadd.f32 v14, v17;
	v9 =	vld [tilespmem:s15+$0x4260]  }
0x9c: {  	v15 =	vmax.f32 v15, $0.0e+00;
	v8 =	vadd.f32 v13, v8;
	v13 =	vld [tilespmem:s15+$0x4270]  }
0x9d: {  	[tilespmem:s15+$0x4200] =	vst v15;
	v14 =	vmax.f32 v14, $0.0e+00;
	v7 =	vadd.f32 v12, v7  }
0x9e: {  	[tilespmem:s15+$0x4210] =	vst v14;
	v8 =	vmax.f32 v8, $0.0e+00;
	v6 =	vadd.f32 v11, v6  }
0x9f: {  	[tilespmem:s15+$0x4220] =	vst v8;
	v7 =	vmax.f32 v7, $0.0e+00;
	v5 =	vadd.f32 v10, v5  }
0xa0: {  	[tilespmem:s15+$0x4230] =	vst v7;
	v6 =	vmax.f32 v6, $0.0e+00;
	v4 =	vadd.f32 v9, v4  }
0xa1: {  	s3 =	sadd.s32 s3, s13;
	[tilespmem:s15+$0x4240] =	vst v6;
	v5 =	vmax.f32 v5, $0.0e+00;
	v3 =	vadd.f32 v13, v3  }
0xa2: {  	s3 =	sadd.s32 $0x80, s3;
	[tilespmem:s15+$0x4250] =	vst v5;
	v4 =	vmax.f32 v4, $0.0e+00  }
0xa3: {  	s16 =	sshrl.u32 s3, $0x3;
	[tilespmem:s15+$0x4260] =	vst v4;
	v3 =	vmax.f32 v3, $0.0e+00  }
0xa4: {  	s17 =	simm.s32 $0x0;
	[tilespmem:s15+$0x4270] =	vst v3;
	s15 =	sadd.s32 s6, s16  }
0xa5: {  	[tilespmem:s24], [sflag:$0x3] =	stream.linear.gather [hbm4b:s15+s17], $0x80, $0x38;
	[tilespmem:$0x1FE00] =	vst v63  }
0xa6: {  	_ =	swait.ge [sflag:s22], $0x80  }
0xa7: {  	[sflag:s22] =	ssyncset.done $0x0  }
0xa8: {  	s16 =	sadd.s32 s7, s16;
	[sflag:s22] =	ssyncadd.s32 $0xFFFFFF80  }
0xa9: {  	[tilespmem:s26], [sflag:$0x3] =	stream.linear.gather [hbm4b:s16+s17], $0x80, $0x38;
	[tilespmem:$0x1FE00] =	vst v63  }
0xaa: {  	_ =	swait.ge [sflag:s22], $0x80  }
0xab: {  	[sflag:s22] =	ssyncset.done $0x0  }
0xac: {  	[sflag:s22] =	ssyncadd.s32 $0xFFFFFF80  }
0xad: {  	v3 =	vld [tilespmem:$0x80]  }
0xae: {  	v4 =	vld [tilespmem:$0x90]  }
0xaf: {  	v5 =	vld [tilespmem:$0xA0]  }
0xb0: {  	v6 =	vld [tilespmem:$0xB0]  }
0xb1: {  	v7 =	vld [tilespmem:$0xC0]  }
0xb2: {  	v8 =	vld [tilespmem:$0xD0];
	v3 =	vshll.u32 v3, $0x1  }
0xb3: {  	v9 =	vld [tilespmem:$0xE0];
	v4 =	vshll.u32 v4, $0x1;
	v3 =	vor.u32 v0, v3  }
0xb4: {  	[tilespmem:$0x80] =	vst v3;
	v3 =	vor.u32 v0, v4;
	v4 =	vshll.u32 v5, $0x1;
	v5 =	vld [tilespmem:$0xF0]  }
0xb5: {  	[tilespmem:$0x90] =	vst v3;
	v3 =	vor.u32 v0, v4;
	v4 =	vshll.u32 v6, $0x1  }
0xb6: {  	[tilespmem:$0xA0] =	vst v3;
	v3 =	vor.u32 v0, v4;
	v4 =	vshll.u32 v7, $0x1  }
0xb7: {  	[tilespmem:$0xB0] =	vst v3;
	v3 =	vor.u32 v0, v4;
	v4 =	vshll.u32 v8, $0x1  }
0xb8: {  	[tilespmem:$0xC0] =	vst v3;
	v3 =	vor.u32 v0, v4;
	v4 =	vshll.u32 v9, $0x1  }
0xb9: {  	s3 =	sshll.u32 s3, $0x7;
	[tilespmem:$0xD0] =	vst v3;
	v3 =	vor.u32 v0, v4;
	v4 =	vshll.u32 v5, $0x1  }
0xba: {  	s3 =	sadd.s32 s14, s3;
	[tilespmem:$0xE0] =	vst v3;
	v3 =	vor.u32 v0, v4  }
0xbb: {  	s3 =	sshrl.u32 s3, $0x3;
	[tilespmem:$0xF0] =	vst v3  }
0xbc: {  	[tilespmem:s21], [sflag:$0x1] =	stream.indirect.gather [hbm4b:s4+s24], $0x80, s24, s24, $0xb8;
	[tilespmem:$0x1FE00] =	vst v63  }
0xbd: {  	s3 =	sadd.s32 s5, s3  }
0xbe: {  	[tilespmem:s28], [sflag:$0x2] =	stream.linear.gather [hbm4b:s3+s17], $0x4000, $0x38;
	[tilespmem:$0x1FE00] =	vst v63  }
0xbf: {  	_ = 	snop  }
0xc0: {  	[spmem:s1] =	stream.indirect.scatter.add.f32 [tilespmem:s25], [sflag:$0x3], $0x80, s23, s24, $0xb8;
	[tilespmem:$0x1FE00] =	vst v63  }
0xc1: {  	_ =	swait.ge [sflag:s22], $0x4000  }
0xc2: {  	[sflag:s22] =	ssyncset.done $0x0  }
0xc3: {  	[sflag:s22] =	ssyncadd.s32 $0xFFFFC000  }
0xc4: {  	_ =	swait.ge [sflag:s29], $0x4000  }
0xc5: {  	[sflag:s29] =	ssyncset.done $0x0  }
0xc6: {  	[sflag:s29] =	ssyncadd.s32 $0xFFFFC000  }
0xc7: {  	_ =	swait.ge [sflag:s30], $0x4000  }
0xc8: {  	[sflag:s30] =	ssyncset.done $0x0  }
0xc9: {  	s3 =	simm.s32 $0x0;
	[sflag:s30] =	ssyncadd.s32 $0xFFFFC000  }
0xca: {  	v9 =	vld [tilespmem:s3+$0x200]  }
0xcb: {  	v14 =	vld [tilespmem:s3+$0x210]  }
0xcc: {  	v8 =	vld [tilespmem:s3+$0x220]  }
0xcd: {  	v7 =	vld [tilespmem:s3+$0x230]  }
0xce: {  	v6 =	vld [tilespmem:s3+$0x240]  }
0xcf: {  	v5 =	vld [tilespmem:s3+$0x250]  }
0xd0: {  	v4 =	vld [tilespmem:s3+$0x260]  }
0xd1: {  	v3 =	vld [tilespmem:s3+$0x270]  }
0xd2: {  	v15 =	vld [tilespmem:s3+$0x8200]  }
0xd3: {  	v16 =	vld [tilespmem:s3+$0x8210]  }
0xd4: {  	v13 =	vld [tilespmem:s3+$0x8220]  }
0xd5: {  	v12 =	vld [tilespmem:s3+$0x8230]  }
0xd6: {  	v11 =	vld [tilespmem:s3+$0x8240]  }
0xd7: {  	v10 =	vld [tilespmem:s3+$0x8250];
	v15 =	vadd.f32 v15, v9  }
0xd8: {  	s15 =	simm.s32 $0x200;
	v14 =	vadd.f32 v16, v14;
	v9 =	vld [tilespmem:s3+$0x8260]  }
.LBB2_7:
0xd9: {  	s16 =	sshra.s32 s15, $0x2;
	p0 =	sne.s32 s15, $0xFE00;
	v15 =	vmax.f32 v15, $0.0e+00;
	v8 =	vadd.f32 v13, v8;
	v13 =	vld [tilespmem:s3+$0x8270]  }
0xda: {  	v16 =	vld [tilespmem:s16+$0x200];
	[tilespmem:s3+$0x8200] =	vst v15;
	v14 =	vmax.f32 v14, $0.0e+00;
	v7 =	vadd.f32 v12, v7  }
0xdb: {  	v17 =	vld [tilespmem:s16+$0x210];
	[tilespmem:s3+$0x8210] =	vst v14;
	v12 =	vmax.f32 v8, $0.0e+00;
	v6 =	vadd.f32 v11, v6  }
0xdc: {  	v8 =	vld [tilespmem:s16+$0x220];
	[tilespmem:s3+$0x8220] =	vst v12;
	v11 =	vmax.f32 v7, $0.0e+00;
	v5 =	vadd.f32 v10, v5  }
0xdd: {  	v7 =	vld [tilespmem:s16+$0x230];
	[tilespmem:s3+$0x8230] =	vst v11;
	v10 =	vmax.f32 v6, $0.0e+00;
	v4 =	vadd.f32 v9, v4  }
0xde: {  	v6 =	vld [tilespmem:s16+$0x240];
	[tilespmem:s3+$0x8240] =	vst v10;
	v9 =	vmax.f32 v5, $0.0e+00;
	v3 =	vadd.f32 v13, v3  }
0xdf: {  	v5 =	vld [tilespmem:s16+$0x250];
	[tilespmem:s3+$0x8250] =	vst v9;
	v9 =	vmax.f32 v4, $0.0e+00  }
0xe0: {  	v4 =	vld [tilespmem:s16+$0x260];
	[tilespmem:s3+$0x8260] =	vst v9;
	v9 =	vmax.f32 v3, $0.0e+00  }
0xe1: {  	v3 =	vld [tilespmem:s16+$0x270];
	[tilespmem:s3+$0x8270] =	vst v9;
	s3 =	smov.u32 s16  }
0xe2: {  	v9 =	vld [tilespmem:s3+$0x8200]  }
0xe3: {  	v14 =	vld [tilespmem:s3+$0x8210]  }
.Ltmp2:
0xe4: {  	v13 =	vld [tilespmem:s3+$0x8220];
	(pc) =	sbr.rel @p0 .LBB2_7-.Ltmp2, $4  }
0xe5: {  	v12 =	vld [tilespmem:s3+$0x8230]  }
0xe6: {  	v11 =	vld [tilespmem:s3+$0x8240]  }
0xe7: {  	v15 =	vadd.f32 v9, v16;
	v10 =	vld [tilespmem:s3+$0x8250]  }
0xe8: {  	s15 =	sadd.s32 $0x200, s15;
	v14 =	vadd.f32 v14, v17;
	v9 =	vld [tilespmem:s3+$0x8260]  }
0xe9: {  	v15 =	vmax.f32 v15, $0.0e+00;
	v8 =	vadd.f32 v13, v8;
	v63 =	vld [tilespmem:s3+$0x8270]  }
0xea: {  	[tilespmem:s3+$0x8200] =	vst v15;
	v14 =	vmax.f32 v14, $0.0e+00;
	v7 =	vadd.f32 v12, v7  }
0xeb: {  	s0 =	sadd.s32 $0x1, s0;
	[tilespmem:s3+$0x8210] =	vst v14;
	v8 =	vmax.f32 v8, $0.0e+00;
	v6 =	vadd.f32 v11, v6  }
0xec: {  	p0 =	sne.s32 s0, $0x28;
	[tilespmem:s3+$0x8220] =	vst v8;
	v7 =	vmax.f32 v7, $0.0e+00;
	v5 =	vadd.f32 v10, v5  }
.Ltmp3:
0xed: {  	[tilespmem:s3+$0x8230] =	vst v7;
	v6 =	vmax.f32 v6, $0.0e+00;
	v4 =	vadd.f32 v9, v4;
	(pc) =	sbr.rel @p0 .LBB2_4-.Ltmp3, $4  }
0xee: {  	[tilespmem:s3+$0x8240] =	vst v6;
	v5 =	vmax.f32 v5, $0.0e+00;
	v3 =	vadd.f32 v63, v3  }
0xef: {  	[tilespmem:s3+$0x8250] =	vst v5;
	v4 =	vmax.f32 v4, $0.0e+00  }
0xf0: {  	[tilespmem:s3+$0x8260] =	vst v4;
	v3 =	vmax.f32 v3, $0.0e+00  }
0xf1: {  	[tilespmem:s3+$0x8270] =	vst v3  }
0xf2: {  	[spmem:s1] =	stream.indirect.scatter.add.f32 [tilespmem:s28], [sflag:$0x3], $0x80, s26, s24, $0xb8;
	[tilespmem:$0x1FE00] =	vst v63  }
0xf3: {  	_ =	swait.ge [sflag:s22], $0x4000  }
0xf4: {  	[sflag:s22] =	ssyncset.done $0x0  }
0xf5: {  	s0 =	stileid.u32;
	[sflag:s22] =	ssyncadd.s32 $0xFFFFC000  }
0xf6: {  	s0 =	sshll.u32 s0, $0x6;
	[bflag:$0x0] =	sbarrier.arrive $0xFFFF  }
0xf7: {  	s3 =	sshrl.u32 s8, $0x3;
	s0 =	sor.u32 $0x1C03, s0;
	s15 =	rddreg [dreg:$0x3]  }
0xf8: {  	[hbm:s15], [sflag:s0] =	dma.local [spmem:s3], $0x800  }
0xf9: {  	_ =	swait.ge [sflag:s22], $0x800  }
0xfa: {  	[sflag:s22] =	ssyncset.done $0x0  }
0xfb: {  	s16 =	sshrl.u32 s9, $0x3;
	s17 =	rddreg [dreg:$0x4];
	[sflag:s22] =	ssyncadd.s32 $0xFFFFF800  }
0xfc: {  	[hbm:s17], [sflag:s0] =	dma.local [spmem:s16], $0x800  }
0xfd: {  	_ =	swait.ge [sflag:s22], $0x800  }
0xfe: {  	[sflag:s22] =	ssyncset.done $0x0  }
0xff: {  	s16 =	sshrl.u32 s10, $0x3;
	s17 =	rddreg [dreg:$0x5];
	[sflag:s22] =	ssyncadd.s32 $0xFFFFF800  }
0x100: {  	[hbm:s17], [sflag:s0] =	dma.local [spmem:s16], $0x800  }
0x101: {  	_ =	swait.ge [sflag:s22], $0x800  }
0x102: {  	[sflag:s22] =	ssyncset.done $0x0  }
0x103: {  	s16 =	sshrl.u32 s11, $0x3;
	[sflag:s22] =	ssyncadd.s32 $0xFFFFF800  }
0x104: {  	[hbm:s18], [sflag:s0] =	dma.local [spmem:s16], $0x800  }
0x105: {  	s2 =	sadd.s32 $0x1, s2;
	_ =	swait.ge [sflag:s22], $0x800  }
0x106: {  	p0 =	sne.s32 s2, s20;
	[sflag:s22] =	ssyncset.done $0x0  }
.Ltmp4:
0x107: {  	s17 =	sshrl.u32 s12, $0x3;
	[sflag:s22] =	ssyncadd.s32 $0xFFFFF800;
	(pc) =	sbr.rel @p0 .LBB2_1-.Ltmp4, $4  }
0x108: {  	[hbm:s19], [sflag:s0] =	dma.local [spmem:s17], $0x780  }
0x109: {  	_ =	swait.ge [sflag:s22], $0x780  }
0x10a: {  	[sflag:s22] =	ssyncset.done $0x0  }
0x10b: {  	[sflag:s22] =	ssyncadd.s32 $0xFFFFF880  }
0x10c: {  	_ =	sfence.sel $0x180000  }
0x10d: {  	[bflag:$0x0] =	sbarrier.arrive $0xFFFF  }
0x10e: {  	_ =	strace $0x90000047  }
0x10f: {  	s0 =	stileid.u32;
	[bflag:$0x2] =	sbarrier.arrive $0xFFFF  }
0x110: {  	p0 =	sne.s32 s0, $0x0;
	s0 =	rddreg [dreg:$0x2]  }
0x111: {  	s0 =	sadd.s32 @!p0 $0x100000, s0  }
0x112: {  	[sflag:s0] =	ssyncadd.tile.s32 @!p0 $0x1;
	_ =	shalt  }
.Lfunc_end2:
_tile_overlayer_lowered:
.L_overlay_start_2:
0x113: {  	(tag) =	ssettag $0x2  }
0x114: {  	s0 =	rddreg [dreg:$0x0];
	s2 =	stileid.u32  }
0x115: {  	s1 =	rddreg [dreg:$0x1];
	p0 =	sne.s32 s2, $0x0  }
0x116: {  	s3 =	rddreg [dreg:$0x2];
	[bflag:$0x3] =	sbarrier.arrive $0xFFFF;
	s2 =	simm.s32 @!p0 $0x1C03  }
0x117: {  	[timem:s3], [sflag:s2] =	dma.local @!p0 [hbm:s0], s1  }
0x118: {  	s0 =	simm.s32 @!p0 $0x3  }
0x119: {  	_ =	swait.ge @!p0 [sflag:s0], s1  }
0x11a: {  	s1 =	ssub.s32 @!p0 $0x0, s1;
	[sflag:s0] =	ssyncset.done @!p0 $0x0  }
0x11b: {  	[sflag:s0] =	ssyncadd.s32 @!p0 s1  }
0x11c: {  	[bflag:$0x3] =	sbarrier.arrive $0xFFFF  }
0x11d: {  	_ =	shalt  }

</sc_bundles>
